<compile_context>
chip_gen: v7x
topology: tpu7x:2x2x1
jax: 0.10.2.dev20260603
libtpu: 0.0.44.dev20260713+nightly
codegen_flags: <defaults>
</compile_context>

<pallas_src>
import functools

import jax
import jax.numpy as jnp
from jax import lax
from jax.experimental import pallas as pl
from jax.experimental.pallas import tpu as pltpu
from jax.experimental.pallas import tpu_sc as plsc

_N = 10000
_E = 320000
_PS = 128
_PT = 8
_EB = 80
_NC = 2
_NS = 16
_NW = _NC * _NS
_NB = _E // (_NW * _EB)
_NA = 10112
_RPS = _NA // _NS
_BN = 2000


def _lorentz_tail(y, s_raw):
    sfac = jnp.minimum(jnp.exp(s_raw), 10.0)
    t = sfac / (1.0 + jnp.exp(-y[:, 0:1])) + 1.5
    sq = jnp.sum(y * y, axis=1, keepdims=True) - y[:, 0:1] * y[:, 0:1]
    sq = jnp.maximum(sq, 1e-8)
    fac = jnp.sqrt(jnp.maximum((t * t - 1.0) / sq, 1e-8))
    space = y[:, 1:129] * fac
    col = lax.broadcasted_iota(jnp.int32, (y.shape[0], _PT), 1)
    time8 = jnp.where(col == 0, t, 0.0)
    return space, time8


def _nt_dot(x, w):
    return lax.dot_general(x, w, (((1,), (1,)), ((), ())),
                           preferred_element_type=jnp.float32)


def _expmap_linear_body(x_ref, w_ref, b_ref, s_ref, osp_ref, ot_ref):
    x = x_ref[...]
    nrm = jnp.maximum(jnp.sqrt(jnp.sum(x * x, axis=1, keepdims=True)), 1e-8)
    e = jnp.exp(nrm)
    ei = 1.0 / e
    time = 0.5 * (e + ei)
    coef = (0.5 * (e - ei)) / nrm
    w = w_ref[...]
    y = _nt_dot(coef * x, w[:, 1:]) + time * w[:, 0] + b_ref[...]
    osp_ref[...], ot_ref[...] = _lorentz_tail(y, s_ref[0, 0])


def _agg_linear_body(p0_ref, p1_ref, q0_ref, q1_ref, w_ref, b_ref, s_ref,
                     osp_ref, ot_ref):
    sup = p0_ref[0] + p1_ref[0]
    t0 = (q0_ref[0] + q1_ref[0])[:, 0:1]
    inner = jnp.sum(sup * sup, axis=1, keepdims=True) - t0 * t0
    denom = jnp.sqrt(jnp.maximum(jnp.abs(inner), 1e-8))
    xr = jnp.maximum(sup / denom, 0.0)
    xt = jnp.maximum(t0 / denom, 0.0)
    w = w_ref[...]
    y = _nt_dot(xr, w[:, 1:]) + xt * w[:, 0] + b_ref[...]
    osp_ref[...], ot_ref[...] = _lorentz_tail(y, s_ref[0, 0])


def _agg_decode_body(p0_ref, p1_ref, q0_ref, q1_ref, cls_ref, b_ref, o_ref):
    sup = p0_ref[0] + p1_ref[0]
    t0 = (q0_ref[0] + q1_ref[0])[:, 0:1]
    inner = jnp.sum(sup * sup, axis=1, keepdims=True) - t0 * t0
    denom = jnp.sqrt(jnp.maximum(jnp.abs(inner), 1e-8))
    h = sup / denom
    ht = t0 / denom
    cw = cls_ref[...]
    y = _nt_dot(h, cw[:, 1:]) - ht * cw[:, 0]
    o_ref[...] = 2.0 + 2.0 * y + b_ref[...]


def _tc_expmap_linear(x, w, b, s):
    return pl.pallas_call(
        _expmap_linear_body,
        grid=(_N // _BN,),
        in_specs=[
            pl.BlockSpec((_BN, _PS), lambda i: (i, 0)),
            pl.BlockSpec((129, 129), lambda i: (0, 0)),
            pl.BlockSpec((1, 129), lambda i: (0, 0)),
            pl.BlockSpec((1, 1), lambda i: (0, 0)),
        ],
        out_specs=[pl.BlockSpec((_BN, _PS), lambda i: (i, 0)),
                   pl.BlockSpec((_BN, _PT), lambda i: (i, 0))],
        out_shape=[jax.ShapeDtypeStruct((_N, _PS), jnp.float32),
                   jax.ShapeDtypeStruct((_N, _PT), jnp.float32)],
    )(x, w, b, s)


def _tc_agg_linear(psp, pt, w, b, s):
    return pl.pallas_call(
        _agg_linear_body,
        grid=(_N // _BN,),
        in_specs=[
            pl.BlockSpec((1, _BN, _PS), lambda i: (0, i, 0)),
            pl.BlockSpec((1, _BN, _PS), lambda i: (1, i, 0)),
            pl.BlockSpec((1, _BN, _PT), lambda i: (0, i, 0)),
            pl.BlockSpec((1, _BN, _PT), lambda i: (1, i, 0)),
            pl.BlockSpec((129, 129), lambda i: (0, 0)),
            pl.BlockSpec((1, 129), lambda i: (0, 0)),
            pl.BlockSpec((1, 1), lambda i: (0, 0)),
        ],
        out_specs=[pl.BlockSpec((_BN, _PS), lambda i: (i, 0)),
                   pl.BlockSpec((_BN, _PT), lambda i: (i, 0))],
        out_shape=[jax.ShapeDtypeStruct((_N, _PS), jnp.float32),
                   jax.ShapeDtypeStruct((_N, _PT), jnp.float32)],
    )(psp, psp, pt, pt, w, b, s)


def _tc_agg_decode(psp, pt, clsw, bd):
    return pl.pallas_call(
        _agg_decode_body,
        grid=(_N // _BN,),
        in_specs=[
            pl.BlockSpec((1, _BN, _PS), lambda i: (0, i, 0)),
            pl.BlockSpec((1, _BN, _PS), lambda i: (1, i, 0)),
            pl.BlockSpec((1, _BN, _PT), lambda i: (0, i, 0)),
            pl.BlockSpec((1, _BN, _PT), lambda i: (1, i, 0)),
            pl.BlockSpec((7, 129), lambda i: (0, 0)),
            pl.BlockSpec((1, 7), lambda i: (0, 0)),
        ],
        out_specs=pl.BlockSpec((_BN, 7), lambda i: (i, 0)),
        out_shape=jax.ShapeDtypeStruct((_N, 7), jnp.float32),
    )(psp, psp, pt, pt, clsw, bd)


def _sc_segment_sum(h_sp, h_t, ei3, z_sp, z_t):
    mesh = plsc.VectorSubcoreMesh(core_axis_name="c", subcore_axis_name="s")

    @functools.partial(
        pl.kernel,
        mesh=mesh,
        compiler_params=pltpu.CompilerParams(use_tc_tiling_on_sc=False),
        out_type=[jax.ShapeDtypeStruct((_NC, _NA, _PS), jnp.float32),
                  jax.ShapeDtypeStruct((_NC, _NA, _PT), jnp.float32)],
        scratch_types=[
            pltpu.VMEM((4, _EB), jnp.int32),
            pltpu.VMEM((4, _EB), jnp.int32),
            pltpu.VMEM((4, _EB, _PS), jnp.float32),
            pltpu.VMEM((4, _EB, _PT), jnp.float32),
            pltpu.VMEM_SHARED((_NA, _PS), jnp.float32),
            pltpu.VMEM_SHARED((_NA, _PT), jnp.float32),
            [pltpu.SemaphoreType.DMA] * 4,
            [pltpu.SemaphoreType.DMA] * 4,
            [pltpu.SemaphoreType.DMA] * 4,
            [pltpu.SemaphoreType.DMA] * 4,
        ],
    )
    def k(hsp_hbm, ht_hbm, ei_hbm, zsp_hbm, zt_hbm, osp_hbm, ot_hbm,
          src_v, dst_v, rows_v, trow_v, accs, acct,
          gsem, ssem, isem, dsem):
        c = lax.axis_index("c")
        s = lax.axis_index("s")
        wid = s * _NC + c
        pltpu.sync_copy(zsp_hbm, accs.at[pl.ds(s * _RPS, _RPS)])
        pltpu.sync_copy(zt_hbm, acct.at[pl.ds(s * _RPS, _RPS)])
        plsc.subcore_barrier()

        def sidx_cp(j, b):
            return pltpu.make_async_copy(
                ei_hbm.at[0, pl.ds(wid * _NB + j, 1)],
                src_v.at[pl.ds(b, 1)], isem[b])

        def didx_cp(j, b):
            return pltpu.make_async_copy(
                ei_hbm.at[1, pl.ds(wid * _NB + j, 1)],
                dst_v.at[pl.ds(b, 1)], dsem[b])

        def g_sp(b):
            return pltpu.make_async_copy(hsp_hbm.at[src_v.at[b]],
                                         rows_v.at[b], gsem[b])

        def g_t(b):
            return pltpu.make_async_copy(ht_hbm.at[src_v.at[b]],
                                         trow_v.at[b], gsem[b])

        def s_sp(b):
            return pltpu.make_async_copy(rows_v.at[b], accs.at[dst_v.at[b]],
                                         ssem[b])

        def s_t(b):
            return pltpu.make_async_copy(trow_v.at[b], acct.at[dst_v.at[b]],
                                         ssem[b])

        for b in range(4):
            sidx_cp(b, b).start()
        for b in range(2):
            didx_cp(b, b).start()
        for b in range(2):
            sidx_cp(b, b).wait()
            g_sp(b).start()
            g_t(b).start()

        def body(i, carry):
            for t in range(4):
                j = 4 * i + t

                @pl.when(j < _NB)
                def _():
                    b = t
                    b2 = (t + 2) % 4
                    g_sp(b).wait()
                    g_t(b).wait()

                    @pl.when(j + 4 < _NB)
                    def _():
                        sidx_cp(j + 4, b).start()

                    didx_cp(j, b).wait()
                    s_sp(b).start(add=True)
                    s_t(b).start(add=True)

                    @pl.when(j >= 2)
                    def _():
                        s_sp(b2).wait()
                        s_t(b2).wait()

                    @pl.when(j + 2 < _NB)
                    def _():
                        didx_cp(j + 2, b2).start()
                        sidx_cp(j + 2, b2).wait()
                        g_sp(b2).start()
                        g_t(b2).start()

            return carry

        lax.fori_loop(0, (_NB + 3) // 4, body, 0)
        for j in (_NB - 2, _NB - 1):
            b = j % 4
            s_sp(b).wait()
            s_t(b).wait()
        plsc.subcore_barrier()
        pltpu.sync_copy(accs.at[pl.ds(s * _RPS, _RPS)],
                        osp_hbm.at[c, pl.ds(s * _RPS, _RPS)])
        pltpu.sync_copy(acct.at[pl.ds(s * _RPS, _RPS)],
                        ot_hbm.at[c, pl.ds(s * _RPS, _RPS)])

    return k(h_sp, h_t, ei3, z_sp, z_t)


def kernel(node_feat, edge_index, W1, b1, s1, W2, b2, s2, cls, bias_dec):
    f32 = jnp.float32
    b1r = jnp.reshape(b1, (1, 129))
    b2r = jnp.reshape(b2, (1, 129))
    bdr = jnp.reshape(bias_dec, (1, 7))
    s1a = jnp.reshape(s1, (1, 1)).astype(f32)
    s2a = jnp.reshape(s2, (1, 1)).astype(f32)
    ei3 = jnp.reshape(edge_index, (2, _NW * _NB, _EB))
    z_sp = jnp.zeros((_RPS, _PS), f32)
    z_t = jnp.zeros((_RPS, _PT), f32)

    h1s, h1t = _tc_expmap_linear(node_feat, W1, b1r, s1a)
    a1s, a1t = _sc_segment_sum(h1s, h1t, ei3, z_sp, z_t)
    h2s, h2t = _tc_agg_linear(a1s, a1t, W2, b2r, s2a)
    a2s, a2t = _sc_segment_sum(h2s, h2t, ei3, z_sp, z_t)
    return _tc_agg_decode(a2s, a2t, cls, bdr)

# --- scband reference (transcript-rebuilt; emitter-appended) ---
"""Pipeline reference for scband-hybo-net-17119739642318 (READ-ONLY COPY).

The authoritative reference and input builder live on the scoring server;
editing this copy changes nothing except your own understanding.
"""

import jax, jax.numpy as jnp
import numpy as np
import math

N = 10000
E = 320000
D = 128
DH = D + 1
NCLS = 7
C = 1.0


def setup_inputs(seed: int = 0) -> dict:
    key = jax.random.key(seed)
    ks = jax.random.split(key, 6)
    stdv = 1.0 / math.sqrt(DH)
    inp = {
        "node_feat": jax.random.normal(ks[0], (N, D), dtype=jnp.float32),
        "edge_index": jax.random.randint(ks[1], (2, E), 0, N, dtype=jnp.int32),
        "W1": jax.random.uniform(ks[2], (DH, DH), dtype=jnp.float32, minval=-stdv, maxval=stdv),
        "b1": jnp.zeros((DH,), dtype=jnp.float32),
        "s1": jnp.asarray(math.log(10.0), dtype=jnp.float32),
        "W2": jax.random.uniform(ks[3], (DH, DH), dtype=jnp.float32, minval=-stdv, maxval=stdv),
        "b2": jnp.zeros((DH,), dtype=jnp.float32),
        "s2": jnp.asarray(math.log(10.0), dtype=jnp.float32),
        "cls": jax.random.normal(ks[4], (NCLS, DH), dtype=jnp.float32) * (1.0 / math.sqrt(DH)),
        "bias_dec": jnp.zeros((NCLS,), dtype=jnp.float32),
    }
    return inp


def _expmap0(u, c):
    # Lorentz exponential map at the origin; u has zero time component.
    x = u[..., 1:]
    x_norm = jnp.clip(jnp.linalg.norm(x, axis=-1, keepdims=True), 1e-8, None)
    sqrt_c = jnp.sqrt(c)
    theta = x_norm / sqrt_c
    time = sqrt_c * jnp.cosh(theta)
    space = sqrt_c * jnp.sinh(theta) * x / x_norm
    return jnp.concatenate([time, space], axis=-1)


def _lorentz_linear(x, W, b, s, c, nonlin=None):
    if nonlin is not None:
        x = nonlin(x)
    x = x @ W.T + b
    x_narrow = x[..., 1:]
    time = jax.nn.sigmoid(x[..., 0:1]) * jnp.minimum(jnp.exp(s), 10.0) + (jnp.sqrt(c) + 0.5)
    sq = jnp.clip(jnp.sum(x_narrow * x_narrow, axis=-1, keepdims=True), 1e-8, None)
    scale = (time * time - c) / sq
    return jnp.concatenate([time, x_narrow * jnp.sqrt(jnp.clip(scale, 1e-8, None))], axis=-1)


def _lorentz_agg(h, src, dst, c, n):
    # spmm(adj, x) with unweighted adjacency: scatter-add of neighbor features
    support = jax.ops.segment_sum(h[src], dst, num_segments=n)
    inner = -support[..., 0:1] ** 2 + jnp.sum(support[..., 1:] ** 2, axis=-1, keepdims=True)
    denom = -inner
    denom = jnp.sqrt(jnp.clip(jnp.abs(denom), 1e-8, None)) / jnp.sqrt(c)
    return support / denom


def reference(node_feat, edge_index, W1, b1, s1, W2, b2, s2, cls, bias_dec):
    c = jnp.asarray(C, dtype=jnp.float32)
    n = node_feat.shape[0]
    o = jnp.zeros_like(node_feat[:, 0:1])
    x = jnp.concatenate([o, node_feat], axis=1)
    x = _expmap0(x, c)
    src = edge_index[0]
    dst = edge_index[1]
    # Layer 1: LorentzGraphConvolution (no nonlin on first layer)
    h = _lorentz_linear(x, W1, b1, s1, c, nonlin=None)
    h = _lorentz_agg(h, src, dst, c, n)
    # Layer 2: LorentzGraphConvolution with relu nonlin
    h = _lorentz_linear(h, W2, b2, s2, c, nonlin=jax.nn.relu)
    h = _lorentz_agg(h, src, dst, c, n)
    # LorentzDecoder: 2*c + 2*cinner(x, cls) + bias
    xm = jnp.concatenate([-h[..., 0:1], h[..., 1:]], axis=-1)
    logits = 2.0 * c + 2.0 * (xm @ cls.T) + bias_dec
    return logits


if False:  # reference __main__ guard neutralized (emitter)
    out = reference(**setup_inputs())
    print(out.shape, out.dtype)

if __name__ == "__main__":
    import jax
    _d = setup_inputs()
    print(jax.jit(kernel)(*tuple(_d.values())))

</pallas_src>

<mosaic_0001>
#map = affine_map<(d0, d1) -> (0, 0)>
#map1 = affine_map<(d0, d1) -> (0, 0, 0)>
module attributes {stable_mosaic.version = 14 : i64} {
  func.func @k(%arg0: i32, %arg1: i32, %arg2: memref<10000x128xf32, #tpu.memory_space<hbm>>, %arg3: memref<10000x8xf32, #tpu.memory_space<hbm>>, %arg4: memref<2x4000x80xi32, #tpu.memory_space<hbm>>, %arg5: memref<632x128xf32, #tpu.memory_space<hbm>>, %arg6: memref<632x8xf32, #tpu.memory_space<hbm>>, %arg7: memref<2x10112x128xf32, #tpu.memory_space<hbm>>, %arg8: memref<2x10112x8xf32, #tpu.memory_space<hbm>>, %arg9: memref<4x80xi32, #tpu.memory_space<vmem>>, %arg10: memref<4x80xi32, #tpu.memory_space<vmem>>, %arg11: memref<4x80x128xf32, #tpu.memory_space<vmem>>, %arg12: memref<4x80x8xf32, #tpu.memory_space<vmem>>, %arg13: memref<10112x128xf32, #tpu.memory_space<vmem_shared>>, %arg14: memref<10112x8xf32, #tpu.memory_space<vmem_shared>>, %arg15: memref<!tpu.dma_semaphore, #tpu.memory_space<semaphore_mem>>, %arg16: memref<!tpu.dma_semaphore, #tpu.memory_space<semaphore_mem>>, %arg17: memref<!tpu.dma_semaphore, #tpu.memory_space<semaphore_mem>>, %arg18: memref<!tpu.dma_semaphore, #tpu.memory_space<semaphore_mem>>, %arg19: memref<!tpu.dma_semaphore, #tpu.memory_space<semaphore_mem>>, %arg20: memref<!tpu.dma_semaphore, #tpu.memory_space<semaphore_mem>>, %arg21: memref<!tpu.dma_semaphore, #tpu.memory_space<semaphore_mem>>, %arg22: memref<!tpu.dma_semaphore, #tpu.memory_space<semaphore_mem>>, %arg23: memref<!tpu.dma_semaphore, #tpu.memory_space<semaphore_mem>>, %arg24: memref<!tpu.dma_semaphore, #tpu.memory_space<semaphore_mem>>, %arg25: memref<!tpu.dma_semaphore, #tpu.memory_space<semaphore_mem>>, %arg26: memref<!tpu.dma_semaphore, #tpu.memory_space<semaphore_mem>>, %arg27: memref<!tpu.dma_semaphore, #tpu.memory_space<semaphore_mem>>, %arg28: memref<!tpu.dma_semaphore, #tpu.memory_space<semaphore_mem>>, %arg29: memref<!tpu.dma_semaphore, #tpu.memory_space<semaphore_mem>>, %arg30: memref<!tpu.dma_semaphore, #tpu.memory_space<semaphore_mem>>) attributes {dimension_semantics = [#tpu.dimension_semantics<core_parallel>, #tpu.dimension_semantics<subcore_parallel>], iteration_bounds = array<i64: 2, 16>, scalar_prefetch = 0 : i64, scratch_operands = 22 : i64, tpu.core_type = #tpu.core_type<sc_vector_subcore>, window_params = [{transform_indices = #map}, {transform_indices = #map}, {transform_indices = #map1}, {transform_indices = #map}, {transform_indices = #map}, {transform_indices = #map1}, {transform_indices = #map1}]} {
    %mul3A = arith.constant 2 : i32
    %mul3A_0 = arith.muli %arg1, %mul3A : i32
    %add3A = arith.addi %mul3A_0, %arg0 : i32
    %mul3A_1 = arith.constant 632 : i32
    %mul3A_2 = arith.muli %arg1, %mul3A_1 : i32
    "tpu.region"() ({
      %run_scoped3A = tpu.sem_alloc : memref<!tpu.dma_semaphore, #tpu.memory_space<semaphore_mem>>
      %dma_start3A_249 = arith.constant 0 : i32
      %dma_start3A_250 = tpu.memref_slice %arg13[%mul3A_2, %dma_start3A_249] : memref<10112x128xf32, #tpu.memory_space<vmem_shared>> -> memref<632x128xf32, #tpu.memory_space<vmem_shared>>
      tpu.enqueue_dma source(%arg5 : memref<632x128xf32, #tpu.memory_space<hbm>>) target(%dma_start3A_250 : memref<632x128xf32, #tpu.memory_space<vmem_shared>>) target_semaphore(%run_scoped3A : memref<!tpu.dma_semaphore, #tpu.memory_space<semaphore_mem>>)
      %dma_wait3A_251 = arith.constant 0 : i32
      %dma_wait3A_252 = tpu.memref_slice %arg13[%mul3A_2, %dma_wait3A_251] : memref<10112x128xf32, #tpu.memory_space<vmem_shared>> -> memref<632x128xf32, #tpu.memory_space<vmem_shared>>
      tpu.wait_dma2 semaphore(%run_scoped3A : memref<!tpu.dma_semaphore, #tpu.memory_space<semaphore_mem>>) src(%arg5 : memref<632x128xf32, #tpu.memory_space<hbm>>) dst(%dma_wait3A_252 : memref<632x128xf32, #tpu.memory_space<vmem_shared>>)
      tpu.yield
    }) : () -> ()
    %mul3A_3 = arith.constant 632 : i32
    %mul3A_4 = arith.muli %arg1, %mul3A_3 : i32
    "tpu.region"() ({
      %run_scoped3A = tpu.sem_alloc : memref<!tpu.dma_semaphore, #tpu.memory_space<semaphore_mem>>
      %dma_start3A_249 = arith.constant 0 : i32
      %dma_start3A_250 = tpu.memref_slice %arg14[%mul3A_4, %dma_start3A_249] : memref<10112x8xf32, #tpu.memory_space<vmem_shared>> -> memref<632x8xf32, #tpu.memory_space<vmem_shared>>
      tpu.enqueue_dma source(%arg6 : memref<632x8xf32, #tpu.memory_space<hbm>>) target(%dma_start3A_250 : memref<632x8xf32, #tpu.memory_space<vmem_shared>>) target_semaphore(%run_scoped3A : memref<!tpu.dma_semaphore, #tpu.memory_space<semaphore_mem>>)
      %dma_wait3A_251 = arith.constant 0 : i32
      %dma_wait3A_252 = tpu.memref_slice %arg14[%mul3A_4, %dma_wait3A_251] : memref<10112x8xf32, #tpu.memory_space<vmem_shared>> -> memref<632x8xf32, #tpu.memory_space<vmem_shared>>
      tpu.wait_dma2 semaphore(%run_scoped3A : memref<!tpu.dma_semaphore, #tpu.memory_space<semaphore_mem>>) src(%arg6 : memref<632x8xf32, #tpu.memory_space<hbm>>) dst(%dma_wait3A_252 : memref<632x8xf32, #tpu.memory_space<vmem_shared>>)
      tpu.yield
    }) : () -> ()
    %barrier3A = arith.constant 0 : index
    tpu.barrier barrier_id(%barrier3A)
    %mul3A_5 = arith.constant 125 : i32
    %mul3A_6 = arith.muli %add3A, %mul3A_5 : i32
    %add3A_7 = arith.constant 0 : i32
    %add3A_8 = arith.addi %mul3A_6, %add3A_7 : i32
    %dma_start3A = arith.constant 0 : i32
    %dma_start3A_9 = arith.constant 0 : i32
    %dma_start3A_10 = arith.constant 0 : i32
    %dma_start3A_11 = tpu.memref_slice %arg9[%dma_start3A_9, %dma_start3A_10] : memref<4x80xi32, #tpu.memory_space<vmem>> -> memref<1x80xi32, #tpu.memory_space<vmem>>
    %dma_start3A_12 = arith.constant 0 : i32
    %dma_start3A_13 = tpu.memref_slice %arg4[%dma_start3A, %add3A_8, %dma_start3A_12] : memref<2x4000x80xi32, #tpu.memory_space<hbm>> -> memref<1x1x80xi32, #tpu.memory_space<hbm>>
    %dma_start3A_14 = tpu.memref_squeeze %dma_start3A_13 : memref<1x1x80xi32, #tpu.memory_space<hbm>> -> memref<1x80xi32, #tpu.memory_space<hbm>>
    %dma_start3A_15 = arith.constant 0 : i32
    %dma_start3A_16 = arith.constant 0 : i32
    %dma_start3A_17 = tpu.memref_slice %arg9[%dma_start3A_15, %dma_start3A_16] : memref<4x80xi32, #tpu.memory_space<vmem>> -> memref<1x80xi32, #tpu.memory_space<vmem>>
    %dma_start3A_18 = arith.constant 0 : i32
    %dma_start3A_19 = tpu.memref_slice %arg4[%dma_start3A, %add3A_8, %dma_start3A_18] : memref<2x4000x80xi32, #tpu.memory_space<hbm>> -> memref<1x1x80xi32, #tpu.memory_space<hbm>>
    %dma_start3A_20 = tpu.memref_squeeze %dma_start3A_19 : memref<1x1x80xi32, #tpu.memory_space<hbm>> -> memref<1x80xi32, #tpu.memory_space<hbm>>
    tpu.enqueue_dma source(%dma_start3A_20 : memref<1x80xi32, #tpu.memory_space<hbm>>) target(%dma_start3A_17 : memref<1x80xi32, #tpu.memory_space<vmem>>) target_semaphore(%arg23 : memref<!tpu.dma_semaphore, #tpu.memory_space<semaphore_mem>>)
    %mul3A_21 = arith.constant 125 : i32
    %mul3A_22 = arith.muli %add3A, %mul3A_21 : i32
    %add3A_23 = arith.constant 1 : i32
    %add3A_24 = arith.addi %mul3A_22, %add3A_23 : i32
    %dma_start3A_25 = arith.constant 0 : i32
    %dma_start3A_26 = arith.constant 1 : i32
    %dma_start3A_27 = arith.constant 0 : i32
    %dma_start3A_28 = tpu.memref_slice %arg9[%dma_start3A_26, %dma_start3A_27] : memref<4x80xi32, #tpu.memory_space<vmem>> -> memref<1x80xi32, #tpu.memory_space<vmem>>
    %dma_start3A_29 = arith.constant 0 : i32
    %dma_start3A_30 = tpu.memref_slice %arg4[%dma_start3A_25, %add3A_24, %dma_start3A_29] : memref<2x4000x80xi32, #tpu.memory_space<hbm>> -> memref<1x1x80xi32, #tpu.memory_space<hbm>>
    %dma_start3A_31 = tpu.memref_squeeze %dma_start3A_30 : memref<1x1x80xi32, #tpu.memory_space<hbm>> -> memref<1x80xi32, #tpu.memory_space<hbm>>
    %dma_start3A_32 = arith.constant 1 : i32
    %dma_start3A_33 = arith.constant 0 : i32
    %dma_start3A_34 = tpu.memref_slice %arg9[%dma_start3A_32, %dma_start3A_33] : memref<4x80xi32, #tpu.memory_space<vmem>> -> memref<1x80xi32, #tpu.memory_space<vmem>>
    %dma_start3A_35 = arith.constant 0 : i32
    %dma_start3A_36 = tpu.memref_slice %arg4[%dma_start3A_25, %add3A_24, %dma_start3A_35] : memref<2x4000x80xi32, #tpu.memory_space<hbm>> -> memref<1x1x80xi32, #tpu.memory_space<hbm>>
    %dma_start3A_37 = tpu.memref_squeeze %dma_start3A_36 : memref<1x1x80xi32, #tpu.memory_space<hbm>> -> memref<1x80xi32, #tpu.memory_space<hbm>>
    tpu.enqueue_dma source(%dma_start3A_37 : memref<1x80xi32, #tpu.memory_space<hbm>>) target(%dma_start3A_34 : memref<1x80xi32, #tpu.memory_space<vmem>>) target_semaphore(%arg24 : memref<!tpu.dma_semaphore, #tpu.memory_space<semaphore_mem>>)
    %mul3A_38 = arith.constant 125 : i32
    %mul3A_39 = arith.muli %add3A, %mul3A_38 : i32
    %add3A_40 = arith.constant 2 : i32
    %add3A_41 = arith.addi %mul3A_39, %add3A_40 : i32
    %dma_start3A_42 = arith.constant 0 : i32
    %dma_start3A_43 = arith.constant 2 : i32
    %dma_start3A_44 = arith.constant 0 : i32
    %dma_start3A_45 = tpu.memref_slice %arg9[%dma_start3A_43, %dma_start3A_44] : memref<4x80xi32, #tpu.memory_space<vmem>> -> memref<1x80xi32, #tpu.memory_space<vmem>>
    %dma_start3A_46 = arith.constant 0 : i32
    %dma_start3A_47 = tpu.memref_slice %arg4[%dma_start3A_42, %add3A_41, %dma_start3A_46] : memref<2x4000x80xi32, #tpu.memory_space<hbm>> -> memref<1x1x80xi32, #tpu.memory_space<hbm>>
    %dma_start3A_48 = tpu.memref_squeeze %dma_start3A_47 : memref<1x1x80xi32, #tpu.memory_space<hbm>> -> memref<1x80xi32, #tpu.memory_space<hbm>>
    %dma_start3A_49 = arith.constant 2 : i32
    %dma_start3A_50 = arith.constant 0 : i32
    %dma_start3A_51 = tpu.memref_slice %arg9[%dma_start3A_49, %dma_start3A_50] : memref<4x80xi32, #tpu.memory_space<vmem>> -> memref<1x80xi32, #tpu.memory_space<vmem>>
    %dma_start3A_52 = arith.constant 0 : i32
    %dma_start3A_53 = tpu.memref_slice %arg4[%dma_start3A_42, %add3A_41, %dma_start3A_52] : memref<2x4000x80xi32, #tpu.memory_space<hbm>> -> memref<1x1x80xi32, #tpu.memory_space<hbm>>
    %dma_start3A_54 = tpu.memref_squeeze %dma_start3A_53 : memref<1x1x80xi32, #tpu.memory_space<hbm>> -> memref<1x80xi32, #tpu.memory_space<hbm>>
    tpu.enqueue_dma source(%dma_start3A_54 : memref<1x80xi32, #tpu.memory_space<hbm>>) target(%dma_start3A_51 : memref<1x80xi32, #tpu.memory_space<vmem>>) target_semaphore(%arg25 : memref<!tpu.dma_semaphore, #tpu.memory_space<semaphore_mem>>)
    %mul3A_55 = arith.constant 125 : i32
    %mul3A_56 = arith.muli %add3A, %mul3A_55 : i32
    %add3A_57 = arith.constant 3 : i32
    %add3A_58 = arith.addi %mul3A_56, %add3A_57 : i32
    %dma_start3A_59 = arith.constant 0 : i32
    %dma_start3A_60 = arith.constant 3 : i32
    %dma_start3A_61 = arith.constant 0 : i32
    %dma_start3A_62 = tpu.memref_slice %arg9[%dma_start3A_60, %dma_start3A_61] : memref<4x80xi32, #tpu.memory_space<vmem>> -> memref<1x80xi32, #tpu.memory_space<vmem>>
    %dma_start3A_63 = arith.constant 0 : i32
    %dma_start3A_64 = tpu.memref_slice %arg4[%dma_start3A_59, %add3A_58, %dma_start3A_63] : memref<2x4000x80xi32, #tpu.memory_space<hbm>> -> memref<1x1x80xi32, #tpu.memory_space<hbm>>
    %dma_start3A_65 = tpu.memref_squeeze %dma_start3A_64 : memref<1x1x80xi32, #tpu.memory_space<hbm>> -> memref<1x80xi32, #tpu.memory_space<hbm>>
    %dma_start3A_66 = arith.constant 3 : i32
    %dma_start3A_67 = arith.constant 0 : i32
    %dma_start3A_68 = tpu.memref_slice %arg9[%dma_start3A_66, %dma_start3A_67] : memref<4x80xi32, #tpu.memory_space<vmem>> -> memref<1x80xi32, #tpu.memory_space<vmem>>
    %dma_start3A_69 = arith.constant 0 : i32
    %dma_start3A_70 = tpu.memref_slice %arg4[%dma_start3A_59, %add3A_58, %dma_start3A_69] : memref<2x4000x80xi32, #tpu.memory_space<hbm>> -> memref<1x1x80xi32, #tpu.memory_space<hbm>>
    %dma_start3A_71 = tpu.memref_squeeze %dma_start3A_70 : memref<1x1x80xi32, #tpu.memory_space<hbm>> -> memref<1x80xi32, #tpu.memory_space<hbm>>
    tpu.enqueue_dma source(%dma_start3A_71 : memref<1x80xi32, #tpu.memory_space<hbm>>) target(%dma_start3A_68 : memref<1x80xi32, #tpu.memory_space<vmem>>) target_semaphore(%arg26 : memref<!tpu.dma_semaphore, #tpu.memory_space<semaphore_mem>>)
    %mul3A_72 = arith.constant 125 : i32
    %mul3A_73 = arith.muli %add3A, %mul3A_72 : i32
    %add3A_74 = arith.constant 0 : i32
    %add3A_75 = arith.addi %mul3A_73, %add3A_74 : i32
    %dma_start3A_76 = arith.constant 1 : i32
    %dma_start3A_77 = arith.constant 0 : i32
    %dma_start3A_78 = arith.constant 0 : i32
    %dma_start3A_79 = tpu.memref_slice %arg10[%dma_start3A_77, %dma_start3A_78] : memref<4x80xi32, #tpu.memory_space<vmem>> -> memref<1x80xi32, #tpu.memory_space<vmem>>
    %dma_start3A_80 = arith.constant 0 : i32
    %dma_start3A_81 = tpu.memref_slice %arg4[%dma_start3A_76, %add3A_75, %dma_start3A_80] : memref<2x4000x80xi32, #tpu.memory_space<hbm>> -> memref<1x1x80xi32, #tpu.memory_space<hbm>>
    %dma_start3A_82 = tpu.memref_squeeze %dma_start3A_81 : memref<1x1x80xi32, #tpu.memory_space<hbm>> -> memref<1x80xi32, #tpu.memory_space<hbm>>
    %dma_start3A_83 = arith.constant 0 : i32
    %dma_start3A_84 = arith.constant 0 : i32
    %dma_start3A_85 = tpu.memref_slice %arg10[%dma_start3A_83, %dma_start3A_84] : memref<4x80xi32, #tpu.memory_space<vmem>> -> memref<1x80xi32, #tpu.memory_space<vmem>>
    %dma_start3A_86 = arith.constant 0 : i32
    %dma_start3A_87 = tpu.memref_slice %arg4[%dma_start3A_76, %add3A_75, %dma_start3A_86] : memref<2x4000x80xi32, #tpu.memory_space<hbm>> -> memref<1x1x80xi32, #tpu.memory_space<hbm>>
    %dma_start3A_88 = tpu.memref_squeeze %dma_start3A_87 : memref<1x1x80xi32, #tpu.memory_space<hbm>> -> memref<1x80xi32, #tpu.memory_space<hbm>>
    tpu.enqueue_dma source(%dma_start3A_88 : memref<1x80xi32, #tpu.memory_space<hbm>>) target(%dma_start3A_85 : memref<1x80xi32, #tpu.memory_space<vmem>>) target_semaphore(%arg27 : memref<!tpu.dma_semaphore, #tpu.memory_space<semaphore_mem>>)
    %mul3A_89 = arith.constant 125 : i32
    %mul3A_90 = arith.muli %add3A, %mul3A_89 : i32
    %add3A_91 = arith.constant 1 : i32
    %add3A_92 = arith.addi %mul3A_90, %add3A_91 : i32
    %dma_start3A_93 = arith.constant 1 : i32
    %dma_start3A_94 = arith.constant 1 : i32
    %dma_start3A_95 = arith.constant 0 : i32
    %dma_start3A_96 = tpu.memref_slice %arg10[%dma_start3A_94, %dma_start3A_95] : memref<4x80xi32, #tpu.memory_space<vmem>> -> memref<1x80xi32, #tpu.memory_space<vmem>>
    %dma_start3A_97 = arith.constant 0 : i32
    %dma_start3A_98 = tpu.memref_slice %arg4[%dma_start3A_93, %add3A_92, %dma_start3A_97] : memref<2x4000x80xi32, #tpu.memory_space<hbm>> -> memref<1x1x80xi32, #tpu.memory_space<hbm>>
    %dma_start3A_99 = tpu.memref_squeeze %dma_start3A_98 : memref<1x1x80xi32, #tpu.memory_space<hbm>> -> memref<1x80xi32, #tpu.memory_space<hbm>>
    %dma_start3A_100 = arith.constant 1 : i32
    %dma_start3A_101 = arith.constant 0 : i32
    %dma_start3A_102 = tpu.memref_slice %arg10[%dma_start3A_100, %dma_start3A_101] : memref<4x80xi32, #tpu.memory_space<vmem>> -> memref<1x80xi32, #tpu.memory_space<vmem>>
    %dma_start3A_103 = arith.constant 0 : i32
    %dma_start3A_104 = tpu.memref_slice %arg4[%dma_start3A_93, %add3A_92, %dma_start3A_103] : memref<2x4000x80xi32, #tpu.memory_space<hbm>> -> memref<1x1x80xi32, #tpu.memory_space<hbm>>
    %dma_start3A_105 = tpu.memref_squeeze %dma_start3A_104 : memref<1x1x80xi32, #tpu.memory_space<hbm>> -> memref<1x80xi32, #tpu.memory_space<hbm>>
    tpu.enqueue_dma source(%dma_start3A_105 : memref<1x80xi32, #tpu.memory_space<hbm>>) target(%dma_start3A_102 : memref<1x80xi32, #tpu.memory_space<vmem>>) target_semaphore(%arg28 : memref<!tpu.dma_semaphore, #tpu.memory_space<semaphore_mem>>)
    %mul3A_106 = arith.constant 125 : i32
    %mul3A_107 = arith.muli %add3A, %mul3A_106 : i32
    %add3A_108 = arith.constant 0 : i32
    %add3A_109 = arith.addi %mul3A_107, %add3A_108 : i32
    %dma_wait3A = arith.constant 0 : i32
    %dma_wait3A_110 = arith.constant 0 : i32
    %dma_wait3A_111 = arith.constant 0 : i32
    %dma_wait3A_112 = tpu.memref_slice %arg9[%dma_wait3A_110, %dma_wait3A_111] : memref<4x80xi32, #tpu.memory_space<vmem>> -> memref<1x80xi32, #tpu.memory_space<vmem>>
    %dma_wait3A_113 = arith.constant 0 : i32
    %dma_wait3A_114 = tpu.memref_slice %arg4[%dma_wait3A, %add3A_109, %dma_wait3A_113] : memref<2x4000x80xi32, #tpu.memory_space<hbm>> -> memref<1x1x80xi32, #tpu.memory_space<hbm>>
    %dma_wait3A_115 = tpu.memref_squeeze %dma_wait3A_114 : memref<1x1x80xi32, #tpu.memory_space<hbm>> -> memref<1x80xi32, #tpu.memory_space<hbm>>
    %dma_wait3A_116 = arith.constant 0 : i32
    %dma_wait3A_117 = arith.constant 0 : i32
    %dma_wait3A_118 = tpu.memref_slice %arg9[%dma_wait3A_116, %dma_wait3A_117] : memref<4x80xi32, #tpu.memory_space<vmem>> -> memref<1x80xi32, #tpu.memory_space<vmem>>
    %dma_wait3A_119 = arith.constant 0 : i32
    %dma_wait3A_120 = tpu.memref_slice %arg4[%dma_wait3A, %add3A_109, %dma_wait3A_119] : memref<2x4000x80xi32, #tpu.memory_space<hbm>> -> memref<1x1x80xi32, #tpu.memory_space<hbm>>
    %dma_wait3A_121 = tpu.memref_squeeze %dma_wait3A_120 : memref<1x1x80xi32, #tpu.memory_space<hbm>> -> memref<1x80xi32, #tpu.memory_space<hbm>>
    tpu.wait_dma2 semaphore(%arg23 : memref<!tpu.dma_semaphore, #tpu.memory_space<semaphore_mem>>) src(%dma_wait3A_121 : memref<1x80xi32, #tpu.memory_space<hbm>>) dst(%dma_wait3A_118 : memref<1x80xi32, #tpu.memory_space<vmem>>)
    %dma_start3A_122 = arith.constant 0 : i32
    %dma_start3A_123 = arith.constant 0 : i32
    %dma_start3A_124 = arith.constant 0 : i32
    %dma_start3A_125 = arith.constant 0 : i32
    %dma_start3A_126 = tpu.memref_slice %arg11[%dma_start3A_123, %dma_start3A_124, %dma_start3A_125] : memref<4x80x128xf32, #tpu.memory_space<vmem>> -> memref<1x80x128xf32, #tpu.memory_space<vmem>>
    %dma_start3A_127 = tpu.memref_squeeze %dma_start3A_126 : memref<1x80x128xf32, #tpu.memory_space<vmem>> -> memref<80x128xf32, #tpu.memory_space<vmem>>
    %dma_start3A_128 = arith.constant 0 : i32
    %dma_start3A_129 = tpu.memref_slice %arg9[%dma_start3A_122, %dma_start3A_128] : memref<4x80xi32, #tpu.memory_space<vmem>> -> memref<1x80xi32, #tpu.memory_space<vmem>>
    %dma_start3A_130 = tpu.memref_squeeze %dma_start3A_129 : memref<1x80xi32, #tpu.memory_space<vmem>> -> memref<80xi32, #tpu.memory_space<vmem>>
    %dma_start3A_131 = arith.constant 0 : i32
    %dma_start3A_132 = arith.constant 0 : i32
    %dma_start3A_133 = tpu.memref_slice %arg2[%dma_start3A_131, %dma_start3A_132] : memref<10000x128xf32, #tpu.memory_space<hbm>> -> memref<10000x128xf32, #tpu.memory_space<hbm>>
    tpu.enqueue_indirect_dma source(%dma_start3A_133 : memref<10000x128xf32, #tpu.memory_space<hbm>>) target(%dma_start3A_127 : memref<80x128xf32, #tpu.memory_space<vmem>>) offsets(%dma_start3A_130 : memref<80xi32, #tpu.memory_space<vmem>>) semaphore(%arg15 : memref<!tpu.dma_semaphore, #tpu.memory_space<semaphore_mem>>)
    %dma_start3A_134 = arith.constant 0 : i32
    %dma_start3A_135 = arith.constant 0 : i32
    %dma_start3A_136 = arith.constant 0 : i32
    %dma_start3A_137 = arith.constant 0 : i32
    %dma_start3A_138 = tpu.memref_slice %arg12[%dma_start3A_135, %dma_start3A_136, %dma_start3A_137] : memref<4x80x8xf32, #tpu.memory_space<vmem>> -> memref<1x80x8xf32, #tpu.memory_space<vmem>>
    %dma_start3A_139 = tpu.memref_squeeze %dma_start3A_138 : memref<1x80x8xf32, #tpu.memory_space<vmem>> -> memref<80x8xf32, #tpu.memory_space<vmem>>
    %dma_start3A_140 = arith.constant 0 : i32
    %dma_start3A_141 = tpu.memref_slice %arg9[%dma_start3A_134, %dma_start3A_140] : memref<4x80xi32, #tpu.memory_space<vmem>> -> memref<1x80xi32, #tpu.memory_space<vmem>>
    %dma_start3A_142 = tpu.memref_squeeze %dma_start3A_141 : memref<1x80xi32, #tpu.memory_space<vmem>> -> memref<80xi32, #tpu.memory_space<vmem>>
    %dma_start3A_143 = arith.constant 0 : i32
    %dma_start3A_144 = arith.constant 0 : i32
    %dma_start3A_145 = tpu.memref_slice %arg3[%dma_start3A_143, %dma_start3A_144] : memref<10000x8xf32, #tpu.memory_space<hbm>> -> memref<10000x8xf32, #tpu.memory_space<hbm>>
    tpu.enqueue_indirect_dma source(%dma_start3A_145 : memref<10000x8xf32, #tpu.memory_space<hbm>>) target(%dma_start3A_139 : memref<80x8xf32, #tpu.memory_space<vmem>>) offsets(%dma_start3A_142 : memref<80xi32, #tpu.memory_space<vmem>>) semaphore(%arg15 : memref<!tpu.dma_semaphore, #tpu.memory_space<semaphore_mem>>)
    %mul3A_146 = arith.constant 125 : i32
    %mul3A_147 = arith.muli %add3A, %mul3A_146 : i32
    %add3A_148 = arith.constant 1 : i32
    %add3A_149 = arith.addi %mul3A_147, %add3A_148 : i32
    %dma_wait3A_150 = arith.constant 0 : i32
    %dma_wait3A_151 = arith.constant 1 : i32
    %dma_wait3A_152 = arith.constant 0 : i32
    %dma_wait3A_153 = tpu.memref_slice %arg9[%dma_wait3A_151, %dma_wait3A_152] : memref<4x80xi32, #tpu.memory_space<vmem>> -> memref<1x80xi32, #tpu.memory_space<vmem>>
    %dma_wait3A_154 = arith.constant 0 : i32
    %dma_wait3A_155 = tpu.memref_slice %arg4[%dma_wait3A_150, %add3A_149, %dma_wait3A_154] : memref<2x4000x80xi32, #tpu.memory_space<hbm>> -> memref<1x1x80xi32, #tpu.memory_space<hbm>>
    %dma_wait3A_156 = tpu.memref_squeeze %dma_wait3A_155 : memref<1x1x80xi32, #tpu.memory_space<hbm>> -> memref<1x80xi32, #tpu.memory_space<hbm>>
    %dma_wait3A_157 = arith.constant 1 : i32
    %dma_wait3A_158 = arith.constant 0 : i32
    %dma_wait3A_159 = tpu.memref_slice %arg9[%dma_wait3A_157, %dma_wait3A_158] : memref<4x80xi32, #tpu.memory_space<vmem>> -> memref<1x80xi32, #tpu.memory_space<vmem>>
    %dma_wait3A_160 = arith.constant 0 : i32
    %dma_wait3A_161 = tpu.memref_slice %arg4[%dma_wait3A_150, %add3A_149, %dma_wait3A_160] : memref<2x4000x80xi32, #tpu.memory_space<hbm>> -> memref<1x1x80xi32, #tpu.memory_space<hbm>>
    %dma_wait3A_162 = tpu.memref_squeeze %dma_wait3A_161 : memref<1x1x80xi32, #tpu.memory_space<hbm>> -> memref<1x80xi32, #tpu.memory_space<hbm>>
    tpu.wait_dma2 semaphore(%arg24 : memref<!tpu.dma_semaphore, #tpu.memory_space<semaphore_mem>>) src(%dma_wait3A_162 : memref<1x80xi32, #tpu.memory_space<hbm>>) dst(%dma_wait3A_159 : memref<1x80xi32, #tpu.memory_space<vmem>>)
    %dma_start3A_163 = arith.constant 1 : i32
    %dma_start3A_164 = arith.constant 1 : i32
    %dma_start3A_165 = arith.constant 0 : i32
    %dma_start3A_166 = arith.constant 0 : i32
    %dma_start3A_167 = tpu.memref_slice %arg11[%dma_start3A_164, %dma_start3A_165, %dma_start3A_166] : memref<4x80x128xf32, #tpu.memory_space<vmem>> -> memref<1x80x128xf32, #tpu.memory_space<vmem>>
    %dma_start3A_168 = tpu.memref_squeeze %dma_start3A_167 : memref<1x80x128xf32, #tpu.memory_space<vmem>> -> memref<80x128xf32, #tpu.memory_space<vmem>>
    %dma_start3A_169 = arith.constant 0 : i32
    %dma_start3A_170 = tpu.memref_slice %arg9[%dma_start3A_163, %dma_start3A_169] : memref<4x80xi32, #tpu.memory_space<vmem>> -> memref<1x80xi32, #tpu.memory_space<vmem>>
    %dma_start3A_171 = tpu.memref_squeeze %dma_start3A_170 : memref<1x80xi32, #tpu.memory_space<vmem>> -> memref<80xi32, #tpu.memory_space<vmem>>
    %dma_start3A_172 = arith.constant 0 : i32
    %dma_start3A_173 = arith.constant 0 : i32
    %dma_start3A_174 = tpu.memref_slice %arg2[%dma_start3A_172, %dma_start3A_173] : memref<10000x128xf32, #tpu.memory_space<hbm>> -> memref<10000x128xf32, #tpu.memory_space<hbm>>
    tpu.enqueue_indirect_dma source(%dma_start3A_174 : memref<10000x128xf32, #tpu.memory_space<hbm>>) target(%dma_start3A_168 : memref<80x128xf32, #tpu.memory_space<vmem>>) offsets(%dma_start3A_171 : memref<80xi32, #tpu.memory_space<vmem>>) semaphore(%arg16 : memref<!tpu.dma_semaphore, #tpu.memory_space<semaphore_mem>>)
    %dma_start3A_175 = arith.constant 1 : i32
    %dma_start3A_176 = arith.constant 1 : i32
    %dma_start3A_177 = arith.constant 0 : i32
    %dma_start3A_178 = arith.constant 0 : i32
    %dma_start3A_179 = tpu.memref_slice %arg12[%dma_start3A_176, %dma_start3A_177, %dma_start3A_178] : memref<4x80x8xf32, #tpu.memory_space<vmem>> -> memref<1x80x8xf32, #tpu.memory_space<vmem>>
    %dma_start3A_180 = tpu.memref_squeeze %dma_start3A_179 : memref<1x80x8xf32, #tpu.memory_space<vmem>> -> memref<80x8xf32, #tpu.memory_space<vmem>>
    %dma_start3A_181 = arith.constant 0 : i32
    %dma_start3A_182 = tpu.memref_slice %arg9[%dma_start3A_175, %dma_start3A_181] : memref<4x80xi32, #tpu.memory_space<vmem>> -> memref<1x80xi32, #tpu.memory_space<vmem>>
    %dma_start3A_183 = tpu.memref_squeeze %dma_start3A_182 : memref<1x80xi32, #tpu.memory_space<vmem>> -> memref<80xi32, #tpu.memory_space<vmem>>
    %dma_start3A_184 = arith.constant 0 : i32
    %dma_start3A_185 = arith.constant 0 : i32
    %dma_start3A_186 = tpu.memref_slice %arg3[%dma_start3A_184, %dma_start3A_185] : memref<10000x8xf32, #tpu.memory_space<hbm>> -> memref<10000x8xf32, #tpu.memory_space<hbm>>
    tpu.enqueue_indirect_dma source(%dma_start3A_186 : memref<10000x8xf32, #tpu.memory_space<hbm>>) target(%dma_start3A_180 : memref<80x8xf32, #tpu.memory_space<vmem>>) offsets(%dma_start3A_183 : memref<80xi32, #tpu.memory_space<vmem>>) semaphore(%arg16 : memref<!tpu.dma_semaphore, #tpu.memory_space<semaphore_mem>>)
    %scan3A = arith.constant 0 : i32
    %scan3A_187 = arith.constant 0 : i32
    %scan3A_188 = arith.constant 32 : i32
    %scan3A_189 = arith.addi %scan3A_187, %scan3A_188 : i32
    %scan3A_190 = arith.constant 1 : i32
    scf.for %scan3A_249 = %scan3A_187 to %scan3A_189 step %scan3A_190  : i32 {
      %mul3A_250 = arith.constant 4 : i32
      %mul3A_251 = arith.muli %mul3A_250, %scan3A_249 : i32
      %add3A_252 = arith.constant 0 : i32
      %add3A_253 = arith.addi %mul3A_251, %add3A_252 : i32
      %lt3A = arith.constant 125 : i32
      %lt3A_254 = arith.cmpi slt, %add3A_253, %lt3A : i32
      %convert_element_type3A = arith.extui %lt3A_254 : i1 to i32
      %cond3A = arith.constant 0 : i32
      %cond3A_255 = arith.cmpi ne, %convert_element_type3A, %cond3A : i32
      scf.if %cond3A_255 {
        %dma_wait3A_283 = arith.constant 0 : i32
        %dma_wait3A_284 = arith.constant 0 : i32
        %dma_wait3A_285 = arith.constant 0 : i32
        %dma_wait3A_286 = arith.constant 0 : i32
        %dma_wait3A_287 = tpu.memref_slice %arg11[%dma_wait3A_284, %dma_wait3A_285, %dma_wait3A_286] : memref<4x80x128xf32, #tpu.memory_space<vmem>> -> memref<1x80x128xf32, #tpu.memory_space<vmem>>
        %dma_wait3A_288 = tpu.memref_squeeze %dma_wait3A_287 : memref<1x80x128xf32, #tpu.memory_space<vmem>> -> memref<80x128xf32, #tpu.memory_space<vmem>>
        %dma_wait3A_289 = arith.constant 0 : i32
        %dma_wait3A_290 = tpu.memref_slice %arg9[%dma_wait3A_283, %dma_wait3A_289] : memref<4x80xi32, #tpu.memory_space<vmem>> -> memref<1x80xi32, #tpu.memory_space<vmem>>
        %dma_wait3A_291 = tpu.memref_squeeze %dma_wait3A_290 : memref<1x80xi32, #tpu.memory_space<vmem>> -> memref<80xi32, #tpu.memory_space<vmem>>
        %dma_wait3A_292 = arith.constant 0 : i32
        %dma_wait3A_293 = arith.constant 0 : i32
        %dma_wait3A_294 = tpu.memref_slice %arg2[%dma_wait3A_292, %dma_wait3A_293] : memref<10000x128xf32, #tpu.memory_space<hbm>> -> memref<10000x128xf32, #tpu.memory_space<hbm>>
        tpu.wait_indirect_dma semaphore(%arg15 : memref<!tpu.dma_semaphore, #tpu.memory_space<semaphore_mem>>) src(%dma_wait3A_294 : memref<10000x128xf32, #tpu.memory_space<hbm>>) dst(%dma_wait3A_288 : memref<80x128xf32, #tpu.memory_space<vmem>>)
        %dma_wait3A_295 = arith.constant 0 : i32
        %dma_wait3A_296 = arith.constant 0 : i32
        %dma_wait3A_297 = arith.constant 0 : i32
        %dma_wait3A_298 = arith.constant 0 : i32
        %dma_wait3A_299 = tpu.memref_slice %arg12[%dma_wait3A_296, %dma_wait3A_297, %dma_wait3A_298] : memref<4x80x8xf32, #tpu.memory_space<vmem>> -> memref<1x80x8xf32, #tpu.memory_space<vmem>>
        %dma_wait3A_300 = tpu.memref_squeeze %dma_wait3A_299 : memref<1x80x8xf32, #tpu.memory_space<vmem>> -> memref<80x8xf32, #tpu.memory_space<vmem>>
        %dma_wait3A_301 = arith.constant 0 : i32
        %dma_wait3A_302 = tpu.memref_slice %arg9[%dma_wait3A_295, %dma_wait3A_301] : memref<4x80xi32, #tpu.memory_space<vmem>> -> memref<1x80xi32, #tpu.memory_space<vmem>>
        %dma_wait3A_303 = tpu.memref_squeeze %dma_wait3A_302 : memref<1x80xi32, #tpu.memory_space<vmem>> -> memref<80xi32, #tpu.memory_space<vmem>>
        %dma_wait3A_304 = arith.constant 0 : i32
        %dma_wait3A_305 = arith.constant 0 : i32
        %dma_wait3A_306 = tpu.memref_slice %arg3[%dma_wait3A_304, %dma_wait3A_305] : memref<10000x8xf32, #tpu.memory_space<hbm>> -> memref<10000x8xf32, #tpu.memory_space<hbm>>
        tpu.wait_indirect_dma semaphore(%arg15 : memref<!tpu.dma_semaphore, #tpu.memory_space<semaphore_mem>>) src(%dma_wait3A_306 : memref<10000x8xf32, #tpu.memory_space<hbm>>) dst(%dma_wait3A_300 : memref<80x8xf32, #tpu.memory_space<vmem>>)
        %add3A_307 = arith.constant 4 : i32
        %add3A_308 = arith.addi %add3A_253, %add3A_307 : i32
        %lt3A_309 = arith.constant 125 : i32
        %lt3A_310 = arith.cmpi slt, %add3A_308, %lt3A_309 : i32
        %convert_element_type3A_311 = arith.extui %lt3A_310 : i1 to i32
        %cond3A_312 = arith.constant 0 : i32
        %cond3A_313 = arith.cmpi ne, %convert_element_type3A_311, %cond3A_312 : i32
        scf.if %cond3A_313 {
          %add3A_365 = arith.constant 4 : i32
          %add3A_366 = arith.addi %add3A_253, %add3A_365 : i32
          %mul3A_367 = arith.constant 125 : i32
          %mul3A_368 = arith.muli %add3A, %mul3A_367 : i32
          %add3A_369 = arith.addi %mul3A_368, %add3A_366 : i32
          %dma_start3A_370 = arith.constant 0 : i32
          %dma_start3A_371 = arith.constant 0 : i32
          %dma_start3A_372 = arith.constant 0 : i32
          %dma_start3A_373 = tpu.memref_slice %arg9[%dma_start3A_371, %dma_start3A_372] : memref<4x80xi32, #tpu.memory_space<vmem>> -> memref<1x80xi32, #tpu.memory_space<vmem>>
          %dma_start3A_374 = arith.constant 0 : i32
          %dma_start3A_375 = tpu.memref_slice %arg4[%dma_start3A_370, %add3A_369, %dma_start3A_374] : memref<2x4000x80xi32, #tpu.memory_space<hbm>> -> memref<1x1x80xi32, #tpu.memory_space<hbm>>
          %dma_start3A_376 = tpu.memref_squeeze %dma_start3A_375 : memref<1x1x80xi32, #tpu.memory_space<hbm>> -> memref<1x80xi32, #tpu.memory_space<hbm>>
          %dma_start3A_377 = arith.constant 0 : i32
          %dma_start3A_378 = arith.constant 0 : i32
          %dma_start3A_379 = tpu.memref_slice %arg9[%dma_start3A_377, %dma_start3A_378] : memref<4x80xi32, #tpu.memory_space<vmem>> -> memref<1x80xi32, #tpu.memory_space<vmem>>
          %dma_start3A_380 = arith.constant 0 : i32
          %dma_start3A_381 = tpu.memref_slice %arg4[%dma_start3A_370, %add3A_369, %dma_start3A_380] : memref<2x4000x80xi32, #tpu.memory_space<hbm>> -> memref<1x1x80xi32, #tpu.memory_space<hbm>>
          %dma_start3A_382 = tpu.memref_squeeze %dma_start3A_381 : memref<1x1x80xi32, #tpu.memory_space<hbm>> -> memref<1x80xi32, #tpu.memory_space<hbm>>
          tpu.enqueue_dma source(%dma_start3A_382 : memref<1x80xi32, #tpu.memory_space<hbm>>) target(%dma_start3A_379 : memref<1x80xi32, #tpu.memory_space<vmem>>) target_semaphore(%arg23 : memref<!tpu.dma_semaphore, #tpu.memory_space<semaphore_mem>>)
        } else {
        }
        %mul3A_314 = arith.constant 125 : i32
        %mul3A_315 = arith.muli %add3A, %mul3A_314 : i32
        %add3A_316 = arith.addi %mul3A_315, %add3A_253 : i32
        %dma_wait3A_317 = arith.constant 1 : i32
        %dma_wait3A_318 = arith.constant 0 : i32
        %dma_wait3A_319 = arith.constant 0 : i32
        %dma_wait3A_320 = tpu.memref_slice %arg10[%dma_wait3A_318, %dma_wait3A_319] : memref<4x80xi32, #tpu.memory_space<vmem>> -> memref<1x80xi32, #tpu.memory_space<vmem>>
        %dma_wait3A_321 = arith.constant 0 : i32
        %dma_wait3A_322 = tpu.memref_slice %arg4[%dma_wait3A_317, %add3A_316, %dma_wait3A_321] : memref<2x4000x80xi32, #tpu.memory_space<hbm>> -> memref<1x1x80xi32, #tpu.memory_space<hbm>>
        %dma_wait3A_323 = tpu.memref_squeeze %dma_wait3A_322 : memref<1x1x80xi32, #tpu.memory_space<hbm>> -> memref<1x80xi32, #tpu.memory_space<hbm>>
        %dma_wait3A_324 = arith.constant 0 : i32
        %dma_wait3A_325 = arith.constant 0 : i32
        %dma_wait3A_326 = tpu.memref_slice %arg10[%dma_wait3A_324, %dma_wait3A_325] : memref<4x80xi32, #tpu.memory_space<vmem>> -> memref<1x80xi32, #tpu.memory_space<vmem>>
        %dma_wait3A_327 = arith.constant 0 : i32
        %dma_wait3A_328 = tpu.memref_slice %arg4[%dma_wait3A_317, %add3A_316, %dma_wait3A_327] : memref<2x4000x80xi32, #tpu.memory_space<hbm>> -> memref<1x1x80xi32, #tpu.memory_space<hbm>>
        %dma_wait3A_329 = tpu.memref_squeeze %dma_wait3A_328 : memref<1x1x80xi32, #tpu.memory_space<hbm>> -> memref<1x80xi32, #tpu.memory_space<hbm>>
        tpu.wait_dma2 semaphore(%arg27 : memref<!tpu.dma_semaphore, #tpu.memory_space<semaphore_mem>>) src(%dma_wait3A_329 : memref<1x80xi32, #tpu.memory_space<hbm>>) dst(%dma_wait3A_326 : memref<1x80xi32, #tpu.memory_space<vmem>>)
        %dma_start3A_330 = arith.constant 0 : i32
        %dma_start3A_331 = arith.constant 0 : i32
        %dma_start3A_332 = arith.constant 0 : i32
        %dma_start3A_333 = arith.constant 0 : i32
        %dma_start3A_334 = tpu.memref_slice %arg11[%dma_start3A_330, %dma_start3A_332, %dma_start3A_333] : memref<4x80x128xf32, #tpu.memory_space<vmem>> -> memref<1x80x128xf32, #tpu.memory_space<vmem>>
        %dma_start3A_335 = tpu.memref_squeeze %dma_start3A_334 : memref<1x80x128xf32, #tpu.memory_space<vmem>> -> memref<80x128xf32, #tpu.memory_space<vmem>>
        %dma_start3A_336 = arith.constant 0 : i32
        %dma_start3A_337 = tpu.memref_slice %arg10[%dma_start3A_331, %dma_start3A_336] : memref<4x80xi32, #tpu.memory_space<vmem>> -> memref<1x80xi32, #tpu.memory_space<vmem>>
        %dma_start3A_338 = tpu.memref_squeeze %dma_start3A_337 : memref<1x80xi32, #tpu.memory_space<vmem>> -> memref<80xi32, #tpu.memory_space<vmem>>
        %dma_start3A_339 = arith.constant 0 : i32
        %dma_start3A_340 = arith.constant 0 : i32
        %dma_start3A_341 = tpu.memref_slice %arg13[%dma_start3A_339, %dma_start3A_340] : memref<10112x128xf32, #tpu.memory_space<vmem_shared>> -> memref<10112x128xf32, #tpu.memory_space<vmem_shared>>
        tpu.enqueue_indirect_dma source(%dma_start3A_335 : memref<80x128xf32, #tpu.memory_space<vmem>>) target(%dma_start3A_341 : memref<10112x128xf32, #tpu.memory_space<vmem_shared>>) offsets(%dma_start3A_338 : memref<80xi32, #tpu.memory_space<vmem>>) semaphore(%arg19 : memref<!tpu.dma_semaphore, #tpu.memory_space<semaphore_mem>>) {add = true}
        %dma_start3A_342 = arith.constant 0 : i32
        %dma_start3A_343 = arith.constant 0 : i32
        %dma_start3A_344 = arith.constant 0 : i32
        %dma_start3A_345 = arith.constant 0 : i32
        %dma_start3A_346 = tpu.memref_slice %arg12[%dma_start3A_342, %dma_start3A_344, %dma_start3A_345] : memref<4x80x8xf32, #tpu.memory_space<vmem>> -> memref<1x80x8xf32, #tpu.memory_space<vmem>>
        %dma_start3A_347 = tpu.memref_squeeze %dma_start3A_346 : memref<1x80x8xf32, #tpu.memory_space<vmem>> -> memref<80x8xf32, #tpu.memory_space<vmem>>
        %dma_start3A_348 = arith.constant 0 : i32
        %dma_start3A_349 = tpu.memref_slice %arg10[%dma_start3A_343, %dma_start3A_348] : memref<4x80xi32, #tpu.memory_space<vmem>> -> memref<1x80xi32, #tpu.memory_space<vmem>>
        %dma_start3A_350 = tpu.memref_squeeze %dma_start3A_349 : memref<1x80xi32, #tpu.memory_space<vmem>> -> memref<80xi32, #tpu.memory_space<vmem>>
        %dma_start3A_351 = arith.constant 0 : i32
        %dma_start3A_352 = arith.constant 0 : i32
        %dma_start3A_353 = tpu.memref_slice %arg14[%dma_start3A_351, %dma_start3A_352] : memref<10112x8xf32, #tpu.memory_space<vmem_shared>> -> memref<10112x8xf32, #tpu.memory_space<vmem_shared>>
        tpu.enqueue_indirect_dma source(%dma_start3A_347 : memref<80x8xf32, #tpu.memory_space<vmem>>) target(%dma_start3A_353 : memref<10112x8xf32, #tpu.memory_space<vmem_shared>>) offsets(%dma_start3A_350 : memref<80xi32, #tpu.memory_space<vmem>>) semaphore(%arg19 : memref<!tpu.dma_semaphore, #tpu.memory_space<semaphore_mem>>) {add = true}
        %ge3A = arith.constant 2 : i32
        %ge3A_354 = arith.cmpi sge, %add3A_253, %ge3A : i32
        %convert_element_type3A_355 = arith.extui %ge3A_354 : i1 to i32
        %cond3A_356 = arith.constant 0 : i32
        %cond3A_357 = arith.cmpi ne, %convert_element_type3A_355, %cond3A_356 : i32
        scf.if %cond3A_357 {
          %dma_wait3A_365 = arith.constant 2 : i32
          %dma_wait3A_366 = arith.constant 2 : i32
          %dma_wait3A_367 = arith.constant 0 : i32
          %dma_wait3A_368 = arith.constant 0 : i32
          %dma_wait3A_369 = tpu.memref_slice %arg11[%dma_wait3A_365, %dma_wait3A_367, %dma_wait3A_368] : memref<4x80x128xf32, #tpu.memory_space<vmem>> -> memref<1x80x128xf32, #tpu.memory_space<vmem>>
          %dma_wait3A_370 = tpu.memref_squeeze %dma_wait3A_369 : memref<1x80x128xf32, #tpu.memory_space<vmem>> -> memref<80x128xf32, #tpu.memory_space<vmem>>
          %dma_wait3A_371 = arith.constant 0 : i32
          %dma_wait3A_372 = tpu.memref_slice %arg10[%dma_wait3A_366, %dma_wait3A_371] : memref<4x80xi32, #tpu.memory_space<vmem>> -> memref<1x80xi32, #tpu.memory_space<vmem>>
          %dma_wait3A_373 = tpu.memref_squeeze %dma_wait3A_372 : memref<1x80xi32, #tpu.memory_space<vmem>> -> memref<80xi32, #tpu.memory_space<vmem>>
          %dma_wait3A_374 = arith.constant 0 : i32
          %dma_wait3A_375 = arith.constant 0 : i32
          %dma_wait3A_376 = tpu.memref_slice %arg13[%dma_wait3A_374, %dma_wait3A_375] : memref<10112x128xf32, #tpu.memory_space<vmem_shared>> -> memref<10112x128xf32, #tpu.memory_space<vmem_shared>>
          tpu.wait_indirect_dma semaphore(%arg21 : memref<!tpu.dma_semaphore, #tpu.memory_space<semaphore_mem>>) src(%dma_wait3A_370 : memref<80x128xf32, #tpu.memory_space<vmem>>) dst(%dma_wait3A_376 : memref<10112x128xf32, #tpu.memory_space<vmem_shared>>)
          %dma_wait3A_377 = arith.constant 2 : i32
          %dma_wait3A_378 = arith.constant 2 : i32
          %dma_wait3A_379 = arith.constant 0 : i32
          %dma_wait3A_380 = arith.constant 0 : i32
          %dma_wait3A_381 = tpu.memref_slice %arg12[%dma_wait3A_377, %dma_wait3A_379, %dma_wait3A_380] : memref<4x80x8xf32, #tpu.memory_space<vmem>> -> memref<1x80x8xf32, #tpu.memory_space<vmem>>
          %dma_wait3A_382 = tpu.memref_squeeze %dma_wait3A_381 : memref<1x80x8xf32, #tpu.memory_space<vmem>> -> memref<80x8xf32, #tpu.memory_space<vmem>>
          %dma_wait3A_383 = arith.constant 0 : i32
          %dma_wait3A_384 = tpu.memref_slice %arg10[%dma_wait3A_378, %dma_wait3A_383] : memref<4x80xi32, #tpu.memory_space<vmem>> -> memref<1x80xi32, #tpu.memory_space<vmem>>
          %dma_wait3A_385 = tpu.memref_squeeze %dma_wait3A_384 : memref<1x80xi32, #tpu.memory_space<vmem>> -> memref<80xi32, #tpu.memory_space<vmem>>
          %dma_wait3A_386 = arith.constant 0 : i32
          %dma_wait3A_387 = arith.constant 0 : i32
          %dma_wait3A_388 = tpu.memref_slice %arg14[%dma_wait3A_386, %dma_wait3A_387] : memref<10112x8xf32, #tpu.memory_space<vmem_shared>> -> memref<10112x8xf32, #tpu.memory_space<vmem_shared>>
          tpu.wait_indirect_dma semaphore(%arg21 : memref<!tpu.dma_semaphore, #tpu.memory_space<semaphore_mem>>) src(%dma_wait3A_382 : memref<80x8xf32, #tpu.memory_space<vmem>>) dst(%dma_wait3A_388 : memref<10112x8xf32, #tpu.memory_space<vmem_shared>>)
        } else {
        }
        %add3A_358 = arith.constant 2 : i32
        %add3A_359 = arith.addi %add3A_253, %add3A_358 : i32
        %lt3A_360 = arith.constant 125 : i32
        %lt3A_361 = arith.cmpi slt, %add3A_359, %lt3A_360 : i32
        %convert_element_type3A_362 = arith.extui %lt3A_361 : i1 to i32
        %cond3A_363 = arith.constant 0 : i32
        %cond3A_364 = arith.cmpi ne, %convert_element_type3A_362, %cond3A_363 : i32
        scf.if %cond3A_364 {
          %add3A_365 = arith.constant 2 : i32
          %add3A_366 = arith.addi %add3A_253, %add3A_365 : i32
          %mul3A_367 = arith.constant 125 : i32
          %mul3A_368 = arith.muli %add3A, %mul3A_367 : i32
          %add3A_369 = arith.addi %mul3A_368, %add3A_366 : i32
          %dma_start3A_370 = arith.constant 1 : i32
          %dma_start3A_371 = arith.constant 2 : i32
          %dma_start3A_372 = arith.constant 0 : i32
          %dma_start3A_373 = tpu.memref_slice %arg10[%dma_start3A_371, %dma_start3A_372] : memref<4x80xi32, #tpu.memory_space<vmem>> -> memref<1x80xi32, #tpu.memory_space<vmem>>
          %dma_start3A_374 = arith.constant 0 : i32
          %dma_start3A_375 = tpu.memref_slice %arg4[%dma_start3A_370, %add3A_369, %dma_start3A_374] : memref<2x4000x80xi32, #tpu.memory_space<hbm>> -> memref<1x1x80xi32, #tpu.memory_space<hbm>>
          %dma_start3A_376 = tpu.memref_squeeze %dma_start3A_375 : memref<1x1x80xi32, #tpu.memory_space<hbm>> -> memref<1x80xi32, #tpu.memory_space<hbm>>
          %dma_start3A_377 = arith.constant 2 : i32
          %dma_start3A_378 = arith.constant 0 : i32
          %dma_start3A_379 = tpu.memref_slice %arg10[%dma_start3A_377, %dma_start3A_378] : memref<4x80xi32, #tpu.memory_space<vmem>> -> memref<1x80xi32, #tpu.memory_space<vmem>>
          %dma_start3A_380 = arith.constant 0 : i32
          %dma_start3A_381 = tpu.memref_slice %arg4[%dma_start3A_370, %add3A_369, %dma_start3A_380] : memref<2x4000x80xi32, #tpu.memory_space<hbm>> -> memref<1x1x80xi32, #tpu.memory_space<hbm>>
          %dma_start3A_382 = tpu.memref_squeeze %dma_start3A_381 : memref<1x1x80xi32, #tpu.memory_space<hbm>> -> memref<1x80xi32, #tpu.memory_space<hbm>>
          tpu.enqueue_dma source(%dma_start3A_382 : memref<1x80xi32, #tpu.memory_space<hbm>>) target(%dma_start3A_379 : memref<1x80xi32, #tpu.memory_space<vmem>>) target_semaphore(%arg29 : memref<!tpu.dma_semaphore, #tpu.memory_space<semaphore_mem>>)
          %add3A_383 = arith.constant 2 : i32
          %add3A_384 = arith.addi %add3A_253, %add3A_383 : i32
          %mul3A_385 = arith.constant 125 : i32
          %mul3A_386 = arith.muli %add3A, %mul3A_385 : i32
          %add3A_387 = arith.addi %mul3A_386, %add3A_384 : i32
          %dma_wait3A_388 = arith.constant 0 : i32
          %dma_wait3A_389 = arith.constant 2 : i32
          %dma_wait3A_390 = arith.constant 0 : i32
          %dma_wait3A_391 = tpu.memref_slice %arg9[%dma_wait3A_389, %dma_wait3A_390] : memref<4x80xi32, #tpu.memory_space<vmem>> -> memref<1x80xi32, #tpu.memory_space<vmem>>
          %dma_wait3A_392 = arith.constant 0 : i32
          %dma_wait3A_393 = tpu.memref_slice %arg4[%dma_wait3A_388, %add3A_387, %dma_wait3A_392] : memref<2x4000x80xi32, #tpu.memory_space<hbm>> -> memref<1x1x80xi32, #tpu.memory_space<hbm>>
          %dma_wait3A_394 = tpu.memref_squeeze %dma_wait3A_393 : memref<1x1x80xi32, #tpu.memory_space<hbm>> -> memref<1x80xi32, #tpu.memory_space<hbm>>
          %dma_wait3A_395 = arith.constant 2 : i32
          %dma_wait3A_396 = arith.constant 0 : i32
          %dma_wait3A_397 = tpu.memref_slice %arg9[%dma_wait3A_395, %dma_wait3A_396] : memref<4x80xi32, #tpu.memory_space<vmem>> -> memref<1x80xi32, #tpu.memory_space<vmem>>
          %dma_wait3A_398 = arith.constant 0 : i32
          %dma_wait3A_399 = tpu.memref_slice %arg4[%dma_wait3A_388, %add3A_387, %dma_wait3A_398] : memref<2x4000x80xi32, #tpu.memory_space<hbm>> -> memref<1x1x80xi32, #tpu.memory_space<hbm>>
          %dma_wait3A_400 = tpu.memref_squeeze %dma_wait3A_399 : memref<1x1x80xi32, #tpu.memory_space<hbm>> -> memref<1x80xi32, #tpu.memory_space<hbm>>
          tpu.wait_dma2 semaphore(%arg25 : memref<!tpu.dma_semaphore, #tpu.memory_space<semaphore_mem>>) src(%dma_wait3A_400 : memref<1x80xi32, #tpu.memory_space<hbm>>) dst(%dma_wait3A_397 : memref<1x80xi32, #tpu.memory_space<vmem>>)
          %dma_start3A_401 = arith.constant 2 : i32
          %dma_start3A_402 = arith.constant 2 : i32
          %dma_start3A_403 = arith.constant 0 : i32
          %dma_start3A_404 = arith.constant 0 : i32
          %dma_start3A_405 = tpu.memref_slice %arg11[%dma_start3A_402, %dma_start3A_403, %dma_start3A_404] : memref<4x80x128xf32, #tpu.memory_space<vmem>> -> memref<1x80x128xf32, #tpu.memory_space<vmem>>
          %dma_start3A_406 = tpu.memref_squeeze %dma_start3A_405 : memref<1x80x128xf32, #tpu.memory_space<vmem>> -> memref<80x128xf32, #tpu.memory_space<vmem>>
          %dma_start3A_407 = arith.constant 0 : i32
          %dma_start3A_408 = tpu.memref_slice %arg9[%dma_start3A_401, %dma_start3A_407] : memref<4x80xi32, #tpu.memory_space<vmem>> -> memref<1x80xi32, #tpu.memory_space<vmem>>
          %dma_start3A_409 = tpu.memref_squeeze %dma_start3A_408 : memref<1x80xi32, #tpu.memory_space<vmem>> -> memref<80xi32, #tpu.memory_space<vmem>>
          %dma_start3A_410 = arith.constant 0 : i32
          %dma_start3A_411 = arith.constant 0 : i32
          %dma_start3A_412 = tpu.memref_slice %arg2[%dma_start3A_410, %dma_start3A_411] : memref<10000x128xf32, #tpu.memory_space<hbm>> -> memref<10000x128xf32, #tpu.memory_space<hbm>>
          tpu.enqueue_indirect_dma source(%dma_start3A_412 : memref<10000x128xf32, #tpu.memory_space<hbm>>) target(%dma_start3A_406 : memref<80x128xf32, #tpu.memory_space<vmem>>) offsets(%dma_start3A_409 : memref<80xi32, #tpu.memory_space<vmem>>) semaphore(%arg17 : memref<!tpu.dma_semaphore, #tpu.memory_space<semaphore_mem>>)
          %dma_start3A_413 = arith.constant 2 : i32
          %dma_start3A_414 = arith.constant 2 : i32
          %dma_start3A_415 = arith.constant 0 : i32
          %dma_start3A_416 = arith.constant 0 : i32
          %dma_start3A_417 = tpu.memref_slice %arg12[%dma_start3A_414, %dma_start3A_415, %dma_start3A_416] : memref<4x80x8xf32, #tpu.memory_space<vmem>> -> memref<1x80x8xf32, #tpu.memory_space<vmem>>
          %dma_start3A_418 = tpu.memref_squeeze %dma_start3A_417 : memref<1x80x8xf32, #tpu.memory_space<vmem>> -> memref<80x8xf32, #tpu.memory_space<vmem>>
          %dma_start3A_419 = arith.constant 0 : i32
          %dma_start3A_420 = tpu.memref_slice %arg9[%dma_start3A_413, %dma_start3A_419] : memref<4x80xi32, #tpu.memory_space<vmem>> -> memref<1x80xi32, #tpu.memory_space<vmem>>
          %dma_start3A_421 = tpu.memref_squeeze %dma_start3A_420 : memref<1x80xi32, #tpu.memory_space<vmem>> -> memref<80xi32, #tpu.memory_space<vmem>>
          %dma_start3A_422 = arith.constant 0 : i32
          %dma_start3A_423 = arith.constant 0 : i32
          %dma_start3A_424 = tpu.memref_slice %arg3[%dma_start3A_422, %dma_start3A_423] : memref<10000x8xf32, #tpu.memory_space<hbm>> -> memref<10000x8xf32, #tpu.memory_space<hbm>>
          tpu.enqueue_indirect_dma source(%dma_start3A_424 : memref<10000x8xf32, #tpu.memory_space<hbm>>) target(%dma_start3A_418 : memref<80x8xf32, #tpu.memory_space<vmem>>) offsets(%dma_start3A_421 : memref<80xi32, #tpu.memory_space<vmem>>) semaphore(%arg17 : memref<!tpu.dma_semaphore, #tpu.memory_space<semaphore_mem>>)
        } else {
        }
      } else {
      }
      %mul3A_256 = arith.constant 4 : i32
      %mul3A_257 = arith.muli %mul3A_256, %scan3A_249 : i32
      %add3A_258 = arith.constant 1 : i32
      %add3A_259 = arith.addi %mul3A_257, %add3A_258 : i32
      %lt3A_260 = arith.constant 125 : i32
      %lt3A_261 = arith.cmpi slt, %add3A_259, %lt3A_260 : i32
      %convert_element_type3A_262 = arith.extui %lt3A_261 : i1 to i32
      %cond3A_263 = arith.constant 0 : i32
      %cond3A_264 = arith.cmpi ne, %convert_element_type3A_262, %cond3A_263 : i32
      scf.if %cond3A_264 {
        %dma_wait3A_283 = arith.constant 1 : i32
        %dma_wait3A_284 = arith.constant 1 : i32
        %dma_wait3A_285 = arith.constant 0 : i32
        %dma_wait3A_286 = arith.constant 0 : i32
        %dma_wait3A_287 = tpu.memref_slice %arg11[%dma_wait3A_284, %dma_wait3A_285, %dma_wait3A_286] : memref<4x80x128xf32, #tpu.memory_space<vmem>> -> memref<1x80x128xf32, #tpu.memory_space<vmem>>
        %dma_wait3A_288 = tpu.memref_squeeze %dma_wait3A_287 : memref<1x80x128xf32, #tpu.memory_space<vmem>> -> memref<80x128xf32, #tpu.memory_space<vmem>>
        %dma_wait3A_289 = arith.constant 0 : i32
        %dma_wait3A_290 = tpu.memref_slice %arg9[%dma_wait3A_283, %dma_wait3A_289] : memref<4x80xi32, #tpu.memory_space<vmem>> -> memref<1x80xi32, #tpu.memory_space<vmem>>
        %dma_wait3A_291 = tpu.memref_squeeze %dma_wait3A_290 : memref<1x80xi32, #tpu.memory_space<vmem>> -> memref<80xi32, #tpu.memory_space<vmem>>
        %dma_wait3A_292 = arith.constant 0 : i32
        %dma_wait3A_293 = arith.constant 0 : i32
        %dma_wait3A_294 = tpu.memref_slice %arg2[%dma_wait3A_292, %dma_wait3A_293] : memref<10000x128xf32, #tpu.memory_space<hbm>> -> memref<10000x128xf32, #tpu.memory_space<hbm>>
        tpu.wait_indirect_dma semaphore(%arg16 : memref<!tpu.dma_semaphore, #tpu.memory_space<semaphore_mem>>) src(%dma_wait3A_294 : memref<10000x128xf32, #tpu.memory_space<hbm>>) dst(%dma_wait3A_288 : memref<80x128xf32, #tpu.memory_space<vmem>>)
        %dma_wait3A_295 = arith.constant 1 : i32
        %dma_wait3A_296 = arith.constant 1 : i32
        %dma_wait3A_297 = arith.constant 0 : i32
        %dma_wait3A_298 = arith.constant 0 : i32
        %dma_wait3A_299 = tpu.memref_slice %arg12[%dma_wait3A_296, %dma_wait3A_297, %dma_wait3A_298] : memref<4x80x8xf32, #tpu.memory_space<vmem>> -> memref<1x80x8xf32, #tpu.memory_space<vmem>>
        %dma_wait3A_300 = tpu.memref_squeeze %dma_wait3A_299 : memref<1x80x8xf32, #tpu.memory_space<vmem>> -> memref<80x8xf32, #tpu.memory_space<vmem>>
        %dma_wait3A_301 = arith.constant 0 : i32
        %dma_wait3A_302 = tpu.memref_slice %arg9[%dma_wait3A_295, %dma_wait3A_301] : memref<4x80xi32, #tpu.memory_space<vmem>> -> memref<1x80xi32, #tpu.memory_space<vmem>>
        %dma_wait3A_303 = tpu.memref_squeeze %dma_wait3A_302 : memref<1x80xi32, #tpu.memory_space<vmem>> -> memref<80xi32, #tpu.memory_space<vmem>>
        %dma_wait3A_304 = arith.constant 0 : i32
        %dma_wait3A_305 = arith.constant 0 : i32
        %dma_wait3A_306 = tpu.memref_slice %arg3[%dma_wait3A_304, %dma_wait3A_305] : memref<10000x8xf32, #tpu.memory_space<hbm>> -> memref<10000x8xf32, #tpu.memory_space<hbm>>
        tpu.wait_indirect_dma semaphore(%arg16 : memref<!tpu.dma_semaphore, #tpu.memory_space<semaphore_mem>>) src(%dma_wait3A_306 : memref<10000x8xf32, #tpu.memory_space<hbm>>) dst(%dma_wait3A_300 : memref<80x8xf32, #tpu.memory_space<vmem>>)
        %add3A_307 = arith.constant 4 : i32
        %add3A_308 = arith.addi %add3A_259, %add3A_307 : i32
        %lt3A_309 = arith.constant 125 : i32
        %lt3A_310 = arith.cmpi slt, %add3A_308, %lt3A_309 : i32
        %convert_element_type3A_311 = arith.extui %lt3A_310 : i1 to i32
        %cond3A_312 = arith.constant 0 : i32
        %cond3A_313 = arith.cmpi ne, %convert_element_type3A_311, %cond3A_312 : i32
        scf.if %cond3A_313 {
          %add3A_365 = arith.constant 4 : i32
          %add3A_366 = arith.addi %add3A_259, %add3A_365 : i32
          %mul3A_367 = arith.constant 125 : i32
          %mul3A_368 = arith.muli %add3A, %mul3A_367 : i32
          %add3A_369 = arith.addi %mul3A_368, %add3A_366 : i32
          %dma_start3A_370 = arith.constant 0 : i32
          %dma_start3A_371 = arith.constant 1 : i32
          %dma_start3A_372 = arith.constant 0 : i32
          %dma_start3A_373 = tpu.memref_slice %arg9[%dma_start3A_371, %dma_start3A_372] : memref<4x80xi32, #tpu.memory_space<vmem>> -> memref<1x80xi32, #tpu.memory_space<vmem>>
          %dma_start3A_374 = arith.constant 0 : i32
          %dma_start3A_375 = tpu.memref_slice %arg4[%dma_start3A_370, %add3A_369, %dma_start3A_374] : memref<2x4000x80xi32, #tpu.memory_space<hbm>> -> memref<1x1x80xi32, #tpu.memory_space<hbm>>
          %dma_start3A_376 = tpu.memref_squeeze %dma_start3A_375 : memref<1x1x80xi32, #tpu.memory_space<hbm>> -> memref<1x80xi32, #tpu.memory_space<hbm>>
          %dma_start3A_377 = arith.constant 1 : i32
          %dma_start3A_378 = arith.constant 0 : i32
          %dma_start3A_379 = tpu.memref_slice %arg9[%dma_start3A_377, %dma_start3A_378] : memref<4x80xi32, #tpu.memory_space<vmem>> -> memref<1x80xi32, #tpu.memory_space<vmem>>
          %dma_start3A_380 = arith.constant 0 : i32
          %dma_start3A_381 = tpu.memref_slice %arg4[%dma_start3A_370, %add3A_369, %dma_start3A_380] : memref<2x4000x80xi32, #tpu.memory_space<hbm>> -> memref<1x1x80xi32, #tpu.memory_space<hbm>>
          %dma_start3A_382 = tpu.memref_squeeze %dma_start3A_381 : memref<1x1x80xi32, #tpu.memory_space<hbm>> -> memref<1x80xi32, #tpu.memory_space<hbm>>
          tpu.enqueue_dma source(%dma_start3A_382 : memref<1x80xi32, #tpu.memory_space<hbm>>) target(%dma_start3A_379 : memref<1x80xi32, #tpu.memory_space<vmem>>) target_semaphore(%arg24 : memref<!tpu.dma_semaphore, #tpu.memory_space<semaphore_mem>>)
        } else {
        }
        %mul3A_314 = arith.constant 125 : i32
        %mul3A_315 = arith.muli %add3A, %mul3A_314 : i32
        %add3A_316 = arith.addi %mul3A_315, %add3A_259 : i32
        %dma_wait3A_317 = arith.constant 1 : i32
        %dma_wait3A_318 = arith.constant 1 : i32
        %dma_wait3A_319 = arith.constant 0 : i32
        %dma_wait3A_320 = tpu.memref_slice %arg10[%dma_wait3A_318, %dma_wait3A_319] : memref<4x80xi32, #tpu.memory_space<vmem>> -> memref<1x80xi32, #tpu.memory_space<vmem>>
        %dma_wait3A_321 = arith.constant 0 : i32
        %dma_wait3A_322 = tpu.memref_slice %arg4[%dma_wait3A_317, %add3A_316, %dma_wait3A_321] : memref<2x4000x80xi32, #tpu.memory_space<hbm>> -> memref<1x1x80xi32, #tpu.memory_space<hbm>>
        %dma_wait3A_323 = tpu.memref_squeeze %dma_wait3A_322 : memref<1x1x80xi32, #tpu.memory_space<hbm>> -> memref<1x80xi32, #tpu.memory_space<hbm>>
        %dma_wait3A_324 = arith.constant 1 : i32
        %dma_wait3A_325 = arith.constant 0 : i32
        %dma_wait3A_326 = tpu.memref_slice %arg10[%dma_wait3A_324, %dma_wait3A_325] : memref<4x80xi32, #tpu.memory_space<vmem>> -> memref<1x80xi32, #tpu.memory_space<vmem>>
        %dma_wait3A_327 = arith.constant 0 : i32
        %dma_wait3A_328 = tpu.memref_slice %arg4[%dma_wait3A_317, %add3A_316, %dma_wait3A_327] : memref<2x4000x80xi32, #tpu.memory_space<hbm>> -> memref<1x1x80xi32, #tpu.memory_space<hbm>>
        %dma_wait3A_329 = tpu.memref_squeeze %dma_wait3A_328 : memref<1x1x80xi32, #tpu.memory_space<hbm>> -> memref<1x80xi32, #tpu.memory_space<hbm>>
        tpu.wait_dma2 semaphore(%arg28 : memref<!tpu.dma_semaphore, #tpu.memory_space<semaphore_mem>>) src(%dma_wait3A_329 : memref<1x80xi32, #tpu.memory_space<hbm>>) dst(%dma_wait3A_326 : memref<1x80xi32, #tpu.memory_space<vmem>>)
        %dma_start3A_330 = arith.constant 1 : i32
        %dma_start3A_331 = arith.constant 1 : i32
        %dma_start3A_332 = arith.constant 0 : i32
        %dma_start3A_333 = arith.constant 0 : i32
        %dma_start3A_334 = tpu.memref_slice %arg11[%dma_start3A_330, %dma_start3A_332, %dma_start3A_333] : memref<4x80x128xf32, #tpu.memory_space<vmem>> -> memref<1x80x128xf32, #tpu.memory_space<vmem>>
        %dma_start3A_335 = tpu.memref_squeeze %dma_start3A_334 : memref<1x80x128xf32, #tpu.memory_space<vmem>> -> memref<80x128xf32, #tpu.memory_space<vmem>>
        %dma_start3A_336 = arith.constant 0 : i32
        %dma_start3A_337 = tpu.memref_slice %arg10[%dma_start3A_331, %dma_start3A_336] : memref<4x80xi32, #tpu.memory_space<vmem>> -> memref<1x80xi32, #tpu.memory_space<vmem>>
        %dma_start3A_338 = tpu.memref_squeeze %dma_start3A_337 : memref<1x80xi32, #tpu.memory_space<vmem>> -> memref<80xi32, #tpu.memory_space<vmem>>
        %dma_start3A_339 = arith.constant 0 : i32
        %dma_start3A_340 = arith.constant 0 : i32
        %dma_start3A_341 = tpu.memref_slice %arg13[%dma_start3A_339, %dma_start3A_340] : memref<10112x128xf32, #tpu.memory_space<vmem_shared>> -> memref<10112x128xf32, #tpu.memory_space<vmem_shared>>
        tpu.enqueue_indirect_dma source(%dma_start3A_335 : memref<80x128xf32, #tpu.memory_space<vmem>>) target(%dma_start3A_341 : memref<10112x128xf32, #tpu.memory_space<vmem_shared>>) offsets(%dma_start3A_338 : memref<80xi32, #tpu.memory_space<vmem>>) semaphore(%arg20 : memref<!tpu.dma_semaphore, #tpu.memory_space<semaphore_mem>>) {add = true}
        %dma_start3A_342 = arith.constant 1 : i32
        %dma_start3A_343 = arith.constant 1 : i32
        %dma_start3A_344 = arith.constant 0 : i32
        %dma_start3A_345 = arith.constant 0 : i32
        %dma_start3A_346 = tpu.memref_slice %arg12[%dma_start3A_342, %dma_start3A_344, %dma_start3A_345] : memref<4x80x8xf32, #tpu.memory_space<vmem>> -> memref<1x80x8xf32, #tpu.memory_space<vmem>>
        %dma_start3A_347 = tpu.memref_squeeze %dma_start3A_346 : memref<1x80x8xf32, #tpu.memory_space<vmem>> -> memref<80x8xf32, #tpu.memory_space<vmem>>
        %dma_start3A_348 = arith.constant 0 : i32
        %dma_start3A_349 = tpu.memref_slice %arg10[%dma_start3A_343, %dma_start3A_348] : memref<4x80xi32, #tpu.memory_space<vmem>> -> memref<1x80xi32, #tpu.memory_space<vmem>>
        %dma_start3A_350 = tpu.memref_squeeze %dma_start3A_349 : memref<1x80xi32, #tpu.memory_space<vmem>> -> memref<80xi32, #tpu.memory_space<vmem>>
        %dma_start3A_351 = arith.constant 0 : i32
        %dma_start3A_352 = arith.constant 0 : i32
        %dma_start3A_353 = tpu.memref_slice %arg14[%dma_start3A_351, %dma_start3A_352] : memref<10112x8xf32, #tpu.memory_space<vmem_shared>> -> memref<10112x8xf32, #tpu.memory_space<vmem_shared>>
        tpu.enqueue_indirect_dma source(%dma_start3A_347 : memref<80x8xf32, #tpu.memory_space<vmem>>) target(%dma_start3A_353 : memref<10112x8xf32, #tpu.memory_space<vmem_shared>>) offsets(%dma_start3A_350 : memref<80xi32, #tpu.memory_space<vmem>>) semaphore(%arg20 : memref<!tpu.dma_semaphore, #tpu.memory_space<semaphore_mem>>) {add = true}
        %ge3A = arith.constant 2 : i32
        %ge3A_354 = arith.cmpi sge, %add3A_259, %ge3A : i32
        %convert_element_type3A_355 = arith.extui %ge3A_354 : i1 to i32
        %cond3A_356 = arith.constant 0 : i32
        %cond3A_357 = arith.cmpi ne, %convert_element_type3A_355, %cond3A_356 : i32
        scf.if %cond3A_357 {
          %dma_wait3A_365 = arith.constant 3 : i32
          %dma_wait3A_366 = arith.constant 3 : i32
          %dma_wait3A_367 = arith.constant 0 : i32
          %dma_wait3A_368 = arith.constant 0 : i32
          %dma_wait3A_369 = tpu.memref_slice %arg11[%dma_wait3A_365, %dma_wait3A_367, %dma_wait3A_368] : memref<4x80x128xf32, #tpu.memory_space<vmem>> -> memref<1x80x128xf32, #tpu.memory_space<vmem>>
          %dma_wait3A_370 = tpu.memref_squeeze %dma_wait3A_369 : memref<1x80x128xf32, #tpu.memory_space<vmem>> -> memref<80x128xf32, #tpu.memory_space<vmem>>
          %dma_wait3A_371 = arith.constant 0 : i32
          %dma_wait3A_372 = tpu.memref_slice %arg10[%dma_wait3A_366, %dma_wait3A_371] : memref<4x80xi32, #tpu.memory_space<vmem>> -> memref<1x80xi32, #tpu.memory_space<vmem>>
          %dma_wait3A_373 = tpu.memref_squeeze %dma_wait3A_372 : memref<1x80xi32, #tpu.memory_space<vmem>> -> memref<80xi32, #tpu.memory_space<vmem>>
          %dma_wait3A_374 = arith.constant 0 : i32
          %dma_wait3A_375 = arith.constant 0 : i32
          %dma_wait3A_376 = tpu.memref_slice %arg13[%dma_wait3A_374, %dma_wait3A_375] : memref<10112x128xf32, #tpu.memory_space<vmem_shared>> -> memref<10112x128xf32, #tpu.memory_space<vmem_shared>>
          tpu.wait_indirect_dma semaphore(%arg22 : memref<!tpu.dma_semaphore, #tpu.memory_space<semaphore_mem>>) src(%dma_wait3A_370 : memref<80x128xf32, #tpu.memory_space<vmem>>) dst(%dma_wait3A_376 : memref<10112x128xf32, #tpu.memory_space<vmem_shared>>)
          %dma_wait3A_377 = arith.constant 3 : i32
          %dma_wait3A_378 = arith.constant 3 : i32
          %dma_wait3A_379 = arith.constant 0 : i32
          %dma_wait3A_380 = arith.constant 0 : i32
          %dma_wait3A_381 = tpu.memref_slice %arg12[%dma_wait3A_377, %dma_wait3A_379, %dma_wait3A_380] : memref<4x80x8xf32, #tpu.memory_space<vmem>> -> memref<1x80x8xf32, #tpu.memory_space<vmem>>
          %dma_wait3A_382 = tpu.memref_squeeze %dma_wait3A_381 : memref<1x80x8xf32, #tpu.memory_space<vmem>> -> memref<80x8xf32, #tpu.memory_space<vmem>>
          %dma_wait3A_383 = arith.constant 0 : i32
          %dma_wait3A_384 = tpu.memref_slice %arg10[%dma_wait3A_378, %dma_wait3A_383] : memref<4x80xi32, #tpu.memory_space<vmem>> -> memref<1x80xi32, #tpu.memory_space<vmem>>
          %dma_wait3A_385 = tpu.memref_squeeze %dma_wait3A_384 : memref<1x80xi32, #tpu.memory_space<vmem>> -> memref<80xi32, #tpu.memory_space<vmem>>
          %dma_wait3A_386 = arith.constant 0 : i32
          %dma_wait3A_387 = arith.constant 0 : i32
          %dma_wait3A_388 = tpu.memref_slice %arg14[%dma_wait3A_386, %dma_wait3A_387] : memref<10112x8xf32, #tpu.memory_space<vmem_shared>> -> memref<10112x8xf32, #tpu.memory_space<vmem_shared>>
          tpu.wait_indirect_dma semaphore(%arg22 : memref<!tpu.dma_semaphore, #tpu.memory_space<semaphore_mem>>) src(%dma_wait3A_382 : memref<80x8xf32, #tpu.memory_space<vmem>>) dst(%dma_wait3A_388 : memref<10112x8xf32, #tpu.memory_space<vmem_shared>>)
        } else {
        }
        %add3A_358 = arith.constant 2 : i32
        %add3A_359 = arith.addi %add3A_259, %add3A_358 : i32
        %lt3A_360 = arith.constant 125 : i32
        %lt3A_361 = arith.cmpi slt, %add3A_359, %lt3A_360 : i32
        %convert_element_type3A_362 = arith.extui %lt3A_361 : i1 to i32
        %cond3A_363 = arith.constant 0 : i32
        %cond3A_364 = arith.cmpi ne, %convert_element_type3A_362, %cond3A_363 : i32
        scf.if %cond3A_364 {
          %add3A_365 = arith.constant 2 : i32
          %add3A_366 = arith.addi %add3A_259, %add3A_365 : i32
          %mul3A_367 = arith.constant 125 : i32
          %mul3A_368 = arith.muli %add3A, %mul3A_367 : i32
          %add3A_369 = arith.addi %mul3A_368, %add3A_366 : i32
          %dma_start3A_370 = arith.constant 1 : i32
          %dma_start3A_371 = arith.constant 3 : i32
          %dma_start3A_372 = arith.constant 0 : i32
          %dma_start3A_373 = tpu.memref_slice %arg10[%dma_start3A_371, %dma_start3A_372] : memref<4x80xi32, #tpu.memory_space<vmem>> -> memref<1x80xi32, #tpu.memory_space<vmem>>
          %dma_start3A_374 = arith.constant 0 : i32
          %dma_start3A_375 = tpu.memref_slice %arg4[%dma_start3A_370, %add3A_369, %dma_start3A_374] : memref<2x4000x80xi32, #tpu.memory_space<hbm>> -> memref<1x1x80xi32, #tpu.memory_space<hbm>>
          %dma_start3A_376 = tpu.memref_squeeze %dma_start3A_375 : memref<1x1x80xi32, #tpu.memory_space<hbm>> -> memref<1x80xi32, #tpu.memory_space<hbm>>
          %dma_start3A_377 = arith.constant 3 : i32
          %dma_start3A_378 = arith.constant 0 : i32
          %dma_start3A_379 = tpu.memref_slice %arg10[%dma_start3A_377, %dma_start3A_378] : memref<4x80xi32, #tpu.memory_space<vmem>> -> memref<1x80xi32, #tpu.memory_space<vmem>>
          %dma_start3A_380 = arith.constant 0 : i32
          %dma_start3A_381 = tpu.memref_slice %arg4[%dma_start3A_370, %add3A_369, %dma_start3A_380] : memref<2x4000x80xi32, #tpu.memory_space<hbm>> -> memref<1x1x80xi32, #tpu.memory_space<hbm>>
          %dma_start3A_382 = tpu.memref_squeeze %dma_start3A_381 : memref<1x1x80xi32, #tpu.memory_space<hbm>> -> memref<1x80xi32, #tpu.memory_space<hbm>>
          tpu.enqueue_dma source(%dma_start3A_382 : memref<1x80xi32, #tpu.memory_space<hbm>>) target(%dma_start3A_379 : memref<1x80xi32, #tpu.memory_space<vmem>>) target_semaphore(%arg30 : memref<!tpu.dma_semaphore, #tpu.memory_space<semaphore_mem>>)
          %add3A_383 = arith.constant 2 : i32
          %add3A_384 = arith.addi %add3A_259, %add3A_383 : i32
          %mul3A_385 = arith.constant 125 : i32
          %mul3A_386 = arith.muli %add3A, %mul3A_385 : i32
          %add3A_387 = arith.addi %mul3A_386, %add3A_384 : i32
          %dma_wait3A_388 = arith.constant 0 : i32
          %dma_wait3A_389 = arith.constant 3 : i32
          %dma_wait3A_390 = arith.constant 0 : i32
          %dma_wait3A_391 = tpu.memref_slice %arg9[%dma_wait3A_389, %dma_wait3A_390] : memref<4x80xi32, #tpu.memory_space<vmem>> -> memref<1x80xi32, #tpu.memory_space<vmem>>
          %dma_wait3A_392 = arith.constant 0 : i32
          %dma_wait3A_393 = tpu.memref_slice %arg4[%dma_wait3A_388, %add3A_387, %dma_wait3A_392] : memref<2x4000x80xi32, #tpu.memory_space<hbm>> -> memref<1x1x80xi32, #tpu.memory_space<hbm>>
          %dma_wait3A_394 = tpu.memref_squeeze %dma_wait3A_393 : memref<1x1x80xi32, #tpu.memory_space<hbm>> -> memref<1x80xi32, #tpu.memory_space<hbm>>
          %dma_wait3A_395 = arith.constant 3 : i32
          %dma_wait3A_396 = arith.constant 0 : i32
          %dma_wait3A_397 = tpu.memref_slice %arg9[%dma_wait3A_395, %dma_wait3A_396] : memref<4x80xi32, #tpu.memory_space<vmem>> -> memref<1x80xi32, #tpu.memory_space<vmem>>
          %dma_wait3A_398 = arith.constant 0 : i32
          %dma_wait3A_399 = tpu.memref_slice %arg4[%dma_wait3A_388, %add3A_387, %dma_wait3A_398] : memref<2x4000x80xi32, #tpu.memory_space<hbm>> -> memref<1x1x80xi32, #tpu.memory_space<hbm>>
          %dma_wait3A_400 = tpu.memref_squeeze %dma_wait3A_399 : memref<1x1x80xi32, #tpu.memory_space<hbm>> -> memref<1x80xi32, #tpu.memory_space<hbm>>
          tpu.wait_dma2 semaphore(%arg26 : memref<!tpu.dma_semaphore, #tpu.memory_space<semaphore_mem>>) src(%dma_wait3A_400 : memref<1x80xi32, #tpu.memory_space<hbm>>) dst(%dma_wait3A_397 : memref<1x80xi32, #tpu.memory_space<vmem>>)
          %dma_start3A_401 = arith.constant 3 : i32
          %dma_start3A_402 = arith.constant 3 : i32
          %dma_start3A_403 = arith.constant 0 : i32
          %dma_start3A_404 = arith.constant 0 : i32
          %dma_start3A_405 = tpu.memref_slice %arg11[%dma_start3A_402, %dma_start3A_403, %dma_start3A_404] : memref<4x80x128xf32, #tpu.memory_space<vmem>> -> memref<1x80x128xf32, #tpu.memory_space<vmem>>
          %dma_start3A_406 = tpu.memref_squeeze %dma_start3A_405 : memref<1x80x128xf32, #tpu.memory_space<vmem>> -> memref<80x128xf32, #tpu.memory_space<vmem>>
          %dma_start3A_407 = arith.constant 0 : i32
          %dma_start3A_408 = tpu.memref_slice %arg9[%dma_start3A_401, %dma_start3A_407] : memref<4x80xi32, #tpu.memory_space<vmem>> -> memref<1x80xi32, #tpu.memory_space<vmem>>
          %dma_start3A_409 = tpu.memref_squeeze %dma_start3A_408 : memref<1x80xi32, #tpu.memory_space<vmem>> -> memref<80xi32, #tpu.memory_space<vmem>>
          %dma_start3A_410 = arith.constant 0 : i32
          %dma_start3A_411 = arith.constant 0 : i32
          %dma_start3A_412 = tpu.memref_slice %arg2[%dma_start3A_410, %dma_start3A_411] : memref<10000x128xf32, #tpu.memory_space<hbm>> -> memref<10000x128xf32, #tpu.memory_space<hbm>>
          tpu.enqueue_indirect_dma source(%dma_start3A_412 : memref<10000x128xf32, #tpu.memory_space<hbm>>) target(%dma_start3A_406 : memref<80x128xf32, #tpu.memory_space<vmem>>) offsets(%dma_start3A_409 : memref<80xi32, #tpu.memory_space<vmem>>) semaphore(%arg18 : memref<!tpu.dma_semaphore, #tpu.memory_space<semaphore_mem>>)
          %dma_start3A_413 = arith.constant 3 : i32
          %dma_start3A_414 = arith.constant 3 : i32
          %dma_start3A_415 = arith.constant 0 : i32
          %dma_start3A_416 = arith.constant 0 : i32
          %dma_start3A_417 = tpu.memref_slice %arg12[%dma_start3A_414, %dma_start3A_415, %dma_start3A_416] : memref<4x80x8xf32, #tpu.memory_space<vmem>> -> memref<1x80x8xf32, #tpu.memory_space<vmem>>
          %dma_start3A_418 = tpu.memref_squeeze %dma_start3A_417 : memref<1x80x8xf32, #tpu.memory_space<vmem>> -> memref<80x8xf32, #tpu.memory_space<vmem>>
          %dma_start3A_419 = arith.constant 0 : i32
          %dma_start3A_420 = tpu.memref_slice %arg9[%dma_start3A_413, %dma_start3A_419] : memref<4x80xi32, #tpu.memory_space<vmem>> -> memref<1x80xi32, #tpu.memory_space<vmem>>
          %dma_start3A_421 = tpu.memref_squeeze %dma_start3A_420 : memref<1x80xi32, #tpu.memory_space<vmem>> -> memref<80xi32, #tpu.memory_space<vmem>>
          %dma_start3A_422 = arith.constant 0 : i32
          %dma_start3A_423 = arith.constant 0 : i32
          %dma_start3A_424 = tpu.memref_slice %arg3[%dma_start3A_422, %dma_start3A_423] : memref<10000x8xf32, #tpu.memory_space<hbm>> -> memref<10000x8xf32, #tpu.memory_space<hbm>>
          tpu.enqueue_indirect_dma source(%dma_start3A_424 : memref<10000x8xf32, #tpu.memory_space<hbm>>) target(%dma_start3A_418 : memref<80x8xf32, #tpu.memory_space<vmem>>) offsets(%dma_start3A_421 : memref<80xi32, #tpu.memory_space<vmem>>) semaphore(%arg18 : memref<!tpu.dma_semaphore, #tpu.memory_space<semaphore_mem>>)
        } else {
        }
      } else {
      }
      %mul3A_265 = arith.constant 4 : i32
      %mul3A_266 = arith.muli %mul3A_265, %scan3A_249 : i32
      %add3A_267 = arith.constant 2 : i32
      %add3A_268 = arith.addi %mul3A_266, %add3A_267 : i32
      %lt3A_269 = arith.constant 125 : i32
      %lt3A_270 = arith.cmpi slt, %add3A_268, %lt3A_269 : i32
      %convert_element_type3A_271 = arith.extui %lt3A_270 : i1 to i32
      %cond3A_272 = arith.constant 0 : i32
      %cond3A_273 = arith.cmpi ne, %convert_element_type3A_271, %cond3A_272 : i32
      scf.if %cond3A_273 {
        %dma_wait3A_283 = arith.constant 2 : i32
        %dma_wait3A_284 = arith.constant 2 : i32
        %dma_wait3A_285 = arith.constant 0 : i32
        %dma_wait3A_286 = arith.constant 0 : i32
        %dma_wait3A_287 = tpu.memref_slice %arg11[%dma_wait3A_284, %dma_wait3A_285, %dma_wait3A_286] : memref<4x80x128xf32, #tpu.memory_space<vmem>> -> memref<1x80x128xf32, #tpu.memory_space<vmem>>
        %dma_wait3A_288 = tpu.memref_squeeze %dma_wait3A_287 : memref<1x80x128xf32, #tpu.memory_space<vmem>> -> memref<80x128xf32, #tpu.memory_space<vmem>>
        %dma_wait3A_289 = arith.constant 0 : i32
        %dma_wait3A_290 = tpu.memref_slice %arg9[%dma_wait3A_283, %dma_wait3A_289] : memref<4x80xi32, #tpu.memory_space<vmem>> -> memref<1x80xi32, #tpu.memory_space<vmem>>
        %dma_wait3A_291 = tpu.memref_squeeze %dma_wait3A_290 : memref<1x80xi32, #tpu.memory_space<vmem>> -> memref<80xi32, #tpu.memory_space<vmem>>
        %dma_wait3A_292 = arith.constant 0 : i32
        %dma_wait3A_293 = arith.constant 0 : i32
        %dma_wait3A_294 = tpu.memref_slice %arg2[%dma_wait3A_292, %dma_wait3A_293] : memref<10000x128xf32, #tpu.memory_space<hbm>> -> memref<10000x128xf32, #tpu.memory_space<hbm>>
        tpu.wait_indirect_dma semaphore(%arg17 : memref<!tpu.dma_semaphore, #tpu.memory_space<semaphore_mem>>) src(%dma_wait3A_294 : memref<10000x128xf32, #tpu.memory_space<hbm>>) dst(%dma_wait3A_288 : memref<80x128xf32, #tpu.memory_space<vmem>>)
        %dma_wait3A_295 = arith.constant 2 : i32
        %dma_wait3A_296 = arith.constant 2 : i32
        %dma_wait3A_297 = arith.constant 0 : i32
        %dma_wait3A_298 = arith.constant 0 : i32
        %dma_wait3A_299 = tpu.memref_slice %arg12[%dma_wait3A_296, %dma_wait3A_297, %dma_wait3A_298] : memref<4x80x8xf32, #tpu.memory_space<vmem>> -> memref<1x80x8xf32, #tpu.memory_space<vmem>>
        %dma_wait3A_300 = tpu.memref_squeeze %dma_wait3A_299 : memref<1x80x8xf32, #tpu.memory_space<vmem>> -> memref<80x8xf32, #tpu.memory_space<vmem>>
        %dma_wait3A_301 = arith.constant 0 : i32
        %dma_wait3A_302 = tpu.memref_slice %arg9[%dma_wait3A_295, %dma_wait3A_301] : memref<4x80xi32, #tpu.memory_space<vmem>> -> memref<1x80xi32, #tpu.memory_space<vmem>>
        %dma_wait3A_303 = tpu.memref_squeeze %dma_wait3A_302 : memref<1x80xi32, #tpu.memory_space<vmem>> -> memref<80xi32, #tpu.memory_space<vmem>>
        %dma_wait3A_304 = arith.constant 0 : i32
        %dma_wait3A_305 = arith.constant 0 : i32
        %dma_wait3A_306 = tpu.memref_slice %arg3[%dma_wait3A_304, %dma_wait3A_305] : memref<10000x8xf32, #tpu.memory_space<hbm>> -> memref<10000x8xf32, #tpu.memory_space<hbm>>
        tpu.wait_indirect_dma semaphore(%arg17 : memref<!tpu.dma_semaphore, #tpu.memory_space<semaphore_mem>>) src(%dma_wait3A_306 : memref<10000x8xf32, #tpu.memory_space<hbm>>) dst(%dma_wait3A_300 : memref<80x8xf32, #tpu.memory_space<vmem>>)
        %add3A_307 = arith.constant 4 : i32
        %add3A_308 = arith.addi %add3A_268, %add3A_307 : i32
        %lt3A_309 = arith.constant 125 : i32
        %lt3A_310 = arith.cmpi slt, %add3A_308, %lt3A_309 : i32
        %convert_element_type3A_311 = arith.extui %lt3A_310 : i1 to i32
        %cond3A_312 = arith.constant 0 : i32
        %cond3A_313 = arith.cmpi ne, %convert_element_type3A_311, %cond3A_312 : i32
        scf.if %cond3A_313 {
          %add3A_365 = arith.constant 4 : i32
          %add3A_366 = arith.addi %add3A_268, %add3A_365 : i32
          %mul3A_367 = arith.constant 125 : i32
          %mul3A_368 = arith.muli %add3A, %mul3A_367 : i32
          %add3A_369 = arith.addi %mul3A_368, %add3A_366 : i32
          %dma_start3A_370 = arith.constant 0 : i32
          %dma_start3A_371 = arith.constant 2 : i32
          %dma_start3A_372 = arith.constant 0 : i32
          %dma_start3A_373 = tpu.memref_slice %arg9[%dma_start3A_371, %dma_start3A_372] : memref<4x80xi32, #tpu.memory_space<vmem>> -> memref<1x80xi32, #tpu.memory_space<vmem>>
          %dma_start3A_374 = arith.constant 0 : i32
          %dma_start3A_375 = tpu.memref_slice %arg4[%dma_start3A_370, %add3A_369, %dma_start3A_374] : memref<2x4000x80xi32, #tpu.memory_space<hbm>> -> memref<1x1x80xi32, #tpu.memory_space<hbm>>
          %dma_start3A_376 = tpu.memref_squeeze %dma_start3A_375 : memref<1x1x80xi32, #tpu.memory_space<hbm>> -> memref<1x80xi32, #tpu.memory_space<hbm>>
          %dma_start3A_377 = arith.constant 2 : i32
          %dma_start3A_378 = arith.constant 0 : i32
          %dma_start3A_379 = tpu.memref_slice %arg9[%dma_start3A_377, %dma_start3A_378] : memref<4x80xi32, #tpu.memory_space<vmem>> -> memref<1x80xi32, #tpu.memory_space<vmem>>
          %dma_start3A_380 = arith.constant 0 : i32
          %dma_start3A_381 = tpu.memref_slice %arg4[%dma_start3A_370, %add3A_369, %dma_start3A_380] : memref<2x4000x80xi32, #tpu.memory_space<hbm>> -> memref<1x1x80xi32, #tpu.memory_space<hbm>>
          %dma_start3A_382 = tpu.memref_squeeze %dma_start3A_381 : memref<1x1x80xi32, #tpu.memory_space<hbm>> -> memref<1x80xi32, #tpu.memory_space<hbm>>
          tpu.enqueue_dma source(%dma_start3A_382 : memref<1x80xi32, #tpu.memory_space<hbm>>) target(%dma_start3A_379 : memref<1x80xi32, #tpu.memory_space<vmem>>) target_semaphore(%arg25 : memref<!tpu.dma_semaphore, #tpu.memory_space<semaphore_mem>>)
        } else {
        }
        %mul3A_314 = arith.constant 125 : i32
        %mul3A_315 = arith.muli %add3A, %mul3A_314 : i32
        %add3A_316 = arith.addi %mul3A_315, %add3A_268 : i32
        %dma_wait3A_317 = arith.constant 1 : i32
        %dma_wait3A_318 = arith.constant 2 : i32
        %dma_wait3A_319 = arith.constant 0 : i32
        %dma_wait3A_320 = tpu.memref_slice %arg10[%dma_wait3A_318, %dma_wait3A_319] : memref<4x80xi32, #tpu.memory_space<vmem>> -> memref<1x80xi32, #tpu.memory_space<vmem>>
        %dma_wait3A_321 = arith.constant 0 : i32
        %dma_wait3A_322 = tpu.memref_slice %arg4[%dma_wait3A_317, %add3A_316, %dma_wait3A_321] : memref<2x4000x80xi32, #tpu.memory_space<hbm>> -> memref<1x1x80xi32, #tpu.memory_space<hbm>>
        %dma_wait3A_323 = tpu.memref_squeeze %dma_wait3A_322 : memref<1x1x80xi32, #tpu.memory_space<hbm>> -> memref<1x80xi32, #tpu.memory_space<hbm>>
        %dma_wait3A_324 = arith.constant 2 : i32
        %dma_wait3A_325 = arith.constant 0 : i32
        %dma_wait3A_326 = tpu.memref_slice %arg10[%dma_wait3A_324, %dma_wait3A_325] : memref<4x80xi32, #tpu.memory_space<vmem>> -> memref<1x80xi32, #tpu.memory_space<vmem>>
        %dma_wait3A_327 = arith.constant 0 : i32
        %dma_wait3A_328 = tpu.memref_slice %arg4[%dma_wait3A_317, %add3A_316, %dma_wait3A_327] : memref<2x4000x80xi32, #tpu.memory_space<hbm>> -> memref<1x1x80xi32, #tpu.memory_space<hbm>>
        %dma_wait3A_329 = tpu.memref_squeeze %dma_wait3A_328 : memref<1x1x80xi32, #tpu.memory_space<hbm>> -> memref<1x80xi32, #tpu.memory_space<hbm>>
        tpu.wait_dma2 semaphore(%arg29 : memref<!tpu.dma_semaphore, #tpu.memory_space<semaphore_mem>>) src(%dma_wait3A_329 : memref<1x80xi32, #tpu.memory_space<hbm>>) dst(%dma_wait3A_326 : memref<1x80xi32, #tpu.memory_space<vmem>>)
        %dma_start3A_330 = arith.constant 2 : i32
        %dma_start3A_331 = arith.constant 2 : i32
        %dma_start3A_332 = arith.constant 0 : i32
        %dma_start3A_333 = arith.constant 0 : i32
        %dma_start3A_334 = tpu.memref_slice %arg11[%dma_start3A_330, %dma_start3A_332, %dma_start3A_333] : memref<4x80x128xf32, #tpu.memory_space<vmem>> -> memref<1x80x128xf32, #tpu.memory_space<vmem>>
        %dma_start3A_335 = tpu.memref_squeeze %dma_start3A_334 : memref<1x80x128xf32, #tpu.memory_space<vmem>> -> memref<80x128xf32, #tpu.memory_space<vmem>>
        %dma_start3A_336 = arith.constant 0 : i32
        %dma_start3A_337 = tpu.memref_slice %arg10[%dma_start3A_331, %dma_start3A_336] : memref<4x80xi32, #tpu.memory_space<vmem>> -> memref<1x80xi32, #tpu.memory_space<vmem>>
        %dma_start3A_338 = tpu.memref_squeeze %dma_start3A_337 : memref<1x80xi32, #tpu.memory_space<vmem>> -> memref<80xi32, #tpu.memory_space<vmem>>
        %dma_start3A_339 = arith.constant 0 : i32
        %dma_start3A_340 = arith.constant 0 : i32
        %dma_start3A_341 = tpu.memref_slice %arg13[%dma_start3A_339, %dma_start3A_340] : memref<10112x128xf32, #tpu.memory_space<vmem_shared>> -> memref<10112x128xf32, #tpu.memory_space<vmem_shared>>
        tpu.enqueue_indirect_dma source(%dma_start3A_335 : memref<80x128xf32, #tpu.memory_space<vmem>>) target(%dma_start3A_341 : memref<10112x128xf32, #tpu.memory_space<vmem_shared>>) offsets(%dma_start3A_338 : memref<80xi32, #tpu.memory_space<vmem>>) semaphore(%arg21 : memref<!tpu.dma_semaphore, #tpu.memory_space<semaphore_mem>>) {add = true}
        %dma_start3A_342 = arith.constant 2 : i32
        %dma_start3A_343 = arith.constant 2 : i32
        %dma_start3A_344 = arith.constant 0 : i32
        %dma_start3A_345 = arith.constant 0 : i32
        %dma_start3A_346 = tpu.memref_slice %arg12[%dma_start3A_342, %dma_start3A_344, %dma_start3A_345] : memref<4x80x8xf32, #tpu.memory_space<vmem>> -> memref<1x80x8xf32, #tpu.memory_space<vmem>>
        %dma_start3A_347 = tpu.memref_squeeze %dma_start3A_346 : memref<1x80x8xf32, #tpu.memory_space<vmem>> -> memref<80x8xf32, #tpu.memory_space<vmem>>
        %dma_start3A_348 = arith.constant 0 : i32
        %dma_start3A_349 = tpu.memref_slice %arg10[%dma_start3A_343, %dma_start3A_348] : memref<4x80xi32, #tpu.memory_space<vmem>> -> memref<1x80xi32, #tpu.memory_space<vmem>>
        %dma_start3A_350 = tpu.memref_squeeze %dma_start3A_349 : memref<1x80xi32, #tpu.memory_space<vmem>> -> memref<80xi32, #tpu.memory_space<vmem>>
        %dma_start3A_351 = arith.constant 0 : i32
        %dma_start3A_352 = arith.constant 0 : i32
        %dma_start3A_353 = tpu.memref_slice %arg14[%dma_start3A_351, %dma_start3A_352] : memref<10112x8xf32, #tpu.memory_space<vmem_shared>> -> memref<10112x8xf32, #tpu.memory_space<vmem_shared>>
        tpu.enqueue_indirect_dma source(%dma_start3A_347 : memref<80x8xf32, #tpu.memory_space<vmem>>) target(%dma_start3A_353 : memref<10112x8xf32, #tpu.memory_space<vmem_shared>>) offsets(%dma_start3A_350 : memref<80xi32, #tpu.memory_space<vmem>>) semaphore(%arg21 : memref<!tpu.dma_semaphore, #tpu.memory_space<semaphore_mem>>) {add = true}
        %ge3A = arith.constant 2 : i32
        %ge3A_354 = arith.cmpi sge, %add3A_268, %ge3A : i32
        %convert_element_type3A_355 = arith.extui %ge3A_354 : i1 to i32
        %cond3A_356 = arith.constant 0 : i32
        %cond3A_357 = arith.cmpi ne, %convert_element_type3A_355, %cond3A_356 : i32
        scf.if %cond3A_357 {
          %dma_wait3A_365 = arith.constant 0 : i32
          %dma_wait3A_366 = arith.constant 0 : i32
          %dma_wait3A_367 = arith.constant 0 : i32
          %dma_wait3A_368 = arith.constant 0 : i32
          %dma_wait3A_369 = tpu.memref_slice %arg11[%dma_wait3A_365, %dma_wait3A_367, %dma_wait3A_368] : memref<4x80x128xf32, #tpu.memory_space<vmem>> -> memref<1x80x128xf32, #tpu.memory_space<vmem>>
          %dma_wait3A_370 = tpu.memref_squeeze %dma_wait3A_369 : memref<1x80x128xf32, #tpu.memory_space<vmem>> -> memref<80x128xf32, #tpu.memory_space<vmem>>
          %dma_wait3A_371 = arith.constant 0 : i32
          %dma_wait3A_372 = tpu.memref_slice %arg10[%dma_wait3A_366, %dma_wait3A_371] : memref<4x80xi32, #tpu.memory_space<vmem>> -> memref<1x80xi32, #tpu.memory_space<vmem>>
          %dma_wait3A_373 = tpu.memref_squeeze %dma_wait3A_372 : memref<1x80xi32, #tpu.memory_space<vmem>> -> memref<80xi32, #tpu.memory_space<vmem>>
          %dma_wait3A_374 = arith.constant 0 : i32
          %dma_wait3A_375 = arith.constant 0 : i32
          %dma_wait3A_376 = tpu.memref_slice %arg13[%dma_wait3A_374, %dma_wait3A_375] : memref<10112x128xf32, #tpu.memory_space<vmem_shared>> -> memref<10112x128xf32, #tpu.memory_space<vmem_shared>>
          tpu.wait_indirect_dma semaphore(%arg19 : memref<!tpu.dma_semaphore, #tpu.memory_space<semaphore_mem>>) src(%dma_wait3A_370 : memref<80x128xf32, #tpu.memory_space<vmem>>) dst(%dma_wait3A_376 : memref<10112x128xf32, #tpu.memory_space<vmem_shared>>)
          %dma_wait3A_377 = arith.constant 0 : i32
          %dma_wait3A_378 = arith.constant 0 : i32
          %dma_wait3A_379 = arith.constant 0 : i32
          %dma_wait3A_380 = arith.constant 0 : i32
          %dma_wait3A_381 = tpu.memref_slice %arg12[%dma_wait3A_377, %dma_wait3A_379, %dma_wait3A_380] : memref<4x80x8xf32, #tpu.memory_space<vmem>> -> memref<1x80x8xf32, #tpu.memory_space<vmem>>
          %dma_wait3A_382 = tpu.memref_squeeze %dma_wait3A_381 : memref<1x80x8xf32, #tpu.memory_space<vmem>> -> memref<80x8xf32, #tpu.memory_space<vmem>>
          %dma_wait3A_383 = arith.constant 0 : i32
          %dma_wait3A_384 = tpu.memref_slice %arg10[%dma_wait3A_378, %dma_wait3A_383] : memref<4x80xi32, #tpu.memory_space<vmem>> -> memref<1x80xi32, #tpu.memory_space<vmem>>
          %dma_wait3A_385 = tpu.memref_squeeze %dma_wait3A_384 : memref<1x80xi32, #tpu.memory_space<vmem>> -> memref<80xi32, #tpu.memory_space<vmem>>
          %dma_wait3A_386 = arith.constant 0 : i32
          %dma_wait3A_387 = arith.constant 0 : i32
          %dma_wait3A_388 = tpu.memref_slice %arg14[%dma_wait3A_386, %dma_wait3A_387] : memref<10112x8xf32, #tpu.memory_space<vmem_shared>> -> memref<10112x8xf32, #tpu.memory_space<vmem_shared>>
          tpu.wait_indirect_dma semaphore(%arg19 : memref<!tpu.dma_semaphore, #tpu.memory_space<semaphore_mem>>) src(%dma_wait3A_382 : memref<80x8xf32, #tpu.memory_space<vmem>>) dst(%dma_wait3A_388 : memref<10112x8xf32, #tpu.memory_space<vmem_shared>>)
        } else {
        }
        %add3A_358 = arith.constant 2 : i32
        %add3A_359 = arith.addi %add3A_268, %add3A_358 : i32
        %lt3A_360 = arith.constant 125 : i32
        %lt3A_361 = arith.cmpi slt, %add3A_359, %lt3A_360 : i32
        %convert_element_type3A_362 = arith.extui %lt3A_361 : i1 to i32
        %cond3A_363 = arith.constant 0 : i32
        %cond3A_364 = arith.cmpi ne, %convert_element_type3A_362, %cond3A_363 : i32
        scf.if %cond3A_364 {
          %add3A_365 = arith.constant 2 : i32
          %add3A_366 = arith.addi %add3A_268, %add3A_365 : i32
          %mul3A_367 = arith.constant 125 : i32
          %mul3A_368 = arith.muli %add3A, %mul3A_367 : i32
          %add3A_369 = arith.addi %mul3A_368, %add3A_366 : i32
          %dma_start3A_370 = arith.constant 1 : i32
          %dma_start3A_371 = arith.constant 0 : i32
          %dma_start3A_372 = arith.constant 0 : i32
          %dma_start3A_373 = tpu.memref_slice %arg10[%dma_start3A_371, %dma_start3A_372] : memref<4x80xi32, #tpu.memory_space<vmem>> -> memref<1x80xi32, #tpu.memory_space<vmem>>
          %dma_start3A_374 = arith.constant 0 : i32
          %dma_start3A_375 = tpu.memref_slice %arg4[%dma_start3A_370, %add3A_369, %dma_start3A_374] : memref<2x4000x80xi32, #tpu.memory_space<hbm>> -> memref<1x1x80xi32, #tpu.memory_space<hbm>>
          %dma_start3A_376 = tpu.memref_squeeze %dma_start3A_375 : memref<1x1x80xi32, #tpu.memory_space<hbm>> -> memref<1x80xi32, #tpu.memory_space<hbm>>
          %dma_start3A_377 = arith.constant 0 : i32
          %dma_start3A_378 = arith.constant 0 : i32
          %dma_start3A_379 = tpu.memref_slice %arg10[%dma_start3A_377, %dma_start3A_378] : memref<4x80xi32, #tpu.memory_space<vmem>> -> memref<1x80xi32, #tpu.memory_space<vmem>>
          %dma_start3A_380 = arith.constant 0 : i32
          %dma_start3A_381 = tpu.memref_slice %arg4[%dma_start3A_370, %add3A_369, %dma_start3A_380] : memref<2x4000x80xi32, #tpu.memory_space<hbm>> -> memref<1x1x80xi32, #tpu.memory_space<hbm>>
          %dma_start3A_382 = tpu.memref_squeeze %dma_start3A_381 : memref<1x1x80xi32, #tpu.memory_space<hbm>> -> memref<1x80xi32, #tpu.memory_space<hbm>>
          tpu.enqueue_dma source(%dma_start3A_382 : memref<1x80xi32, #tpu.memory_space<hbm>>) target(%dma_start3A_379 : memref<1x80xi32, #tpu.memory_space<vmem>>) target_semaphore(%arg27 : memref<!tpu.dma_semaphore, #tpu.memory_space<semaphore_mem>>)
          %add3A_383 = arith.constant 2 : i32
          %add3A_384 = arith.addi %add3A_268, %add3A_383 : i32
          %mul3A_385 = arith.constant 125 : i32
          %mul3A_386 = arith.muli %add3A, %mul3A_385 : i32
          %add3A_387 = arith.addi %mul3A_386, %add3A_384 : i32
          %dma_wait3A_388 = arith.constant 0 : i32
          %dma_wait3A_389 = arith.constant 0 : i32
          %dma_wait3A_390 = arith.constant 0 : i32
          %dma_wait3A_391 = tpu.memref_slice %arg9[%dma_wait3A_389, %dma_wait3A_390] : memref<4x80xi32, #tpu.memory_space<vmem>> -> memref<1x80xi32, #tpu.memory_space<vmem>>
          %dma_wait3A_392 = arith.constant 0 : i32
          %dma_wait3A_393 = tpu.memref_slice %arg4[%dma_wait3A_388, %add3A_387, %dma_wait3A_392] : memref<2x4000x80xi32, #tpu.memory_space<hbm>> -> memref<1x1x80xi32, #tpu.memory_space<hbm>>
          %dma_wait3A_394 = tpu.memref_squeeze %dma_wait3A_393 : memref<1x1x80xi32, #tpu.memory_space<hbm>> -> memref<1x80xi32, #tpu.memory_space<hbm>>
          %dma_wait3A_395 = arith.constant 0 : i32
          %dma_wait3A_396 = arith.constant 0 : i32
          %dma_wait3A_397 = tpu.memref_slice %arg9[%dma_wait3A_395, %dma_wait3A_396] : memref<4x80xi32, #tpu.memory_space<vmem>> -> memref<1x80xi32, #tpu.memory_space<vmem>>
          %dma_wait3A_398 = arith.constant 0 : i32
          %dma_wait3A_399 = tpu.memref_slice %arg4[%dma_wait3A_388, %add3A_387, %dma_wait3A_398] : memref<2x4000x80xi32, #tpu.memory_space<hbm>> -> memref<1x1x80xi32, #tpu.memory_space<hbm>>
          %dma_wait3A_400 = tpu.memref_squeeze %dma_wait3A_399 : memref<1x1x80xi32, #tpu.memory_space<hbm>> -> memref<1x80xi32, #tpu.memory_space<hbm>>
          tpu.wait_dma2 semaphore(%arg23 : memref<!tpu.dma_semaphore, #tpu.memory_space<semaphore_mem>>) src(%dma_wait3A_400 : memref<1x80xi32, #tpu.memory_space<hbm>>) dst(%dma_wait3A_397 : memref<1x80xi32, #tpu.memory_space<vmem>>)
          %dma_start3A_401 = arith.constant 0 : i32
          %dma_start3A_402 = arith.constant 0 : i32
          %dma_start3A_403 = arith.constant 0 : i32
          %dma_start3A_404 = arith.constant 0 : i32
          %dma_start3A_405 = tpu.memref_slice %arg11[%dma_start3A_402, %dma_start3A_403, %dma_start3A_404] : memref<4x80x128xf32, #tpu.memory_space<vmem>> -> memref<1x80x128xf32, #tpu.memory_space<vmem>>
          %dma_start3A_406 = tpu.memref_squeeze %dma_start3A_405 : memref<1x80x128xf32, #tpu.memory_space<vmem>> -> memref<80x128xf32, #tpu.memory_space<vmem>>
          %dma_start3A_407 = arith.constant 0 : i32
          %dma_start3A_408 = tpu.memref_slice %arg9[%dma_start3A_401, %dma_start3A_407] : memref<4x80xi32, #tpu.memory_space<vmem>> -> memref<1x80xi32, #tpu.memory_space<vmem>>
          %dma_start3A_409 = tpu.memref_squeeze %dma_start3A_408 : memref<1x80xi32, #tpu.memory_space<vmem>> -> memref<80xi32, #tpu.memory_space<vmem>>
          %dma_start3A_410 = arith.constant 0 : i32
          %dma_start3A_411 = arith.constant 0 : i32
          %dma_start3A_412 = tpu.memref_slice %arg2[%dma_start3A_410, %dma_start3A_411] : memref<10000x128xf32, #tpu.memory_space<hbm>> -> memref<10000x128xf32, #tpu.memory_space<hbm>>
          tpu.enqueue_indirect_dma source(%dma_start3A_412 : memref<10000x128xf32, #tpu.memory_space<hbm>>) target(%dma_start3A_406 : memref<80x128xf32, #tpu.memory_space<vmem>>) offsets(%dma_start3A_409 : memref<80xi32, #tpu.memory_space<vmem>>) semaphore(%arg15 : memref<!tpu.dma_semaphore, #tpu.memory_space<semaphore_mem>>)
          %dma_start3A_413 = arith.constant 0 : i32
          %dma_start3A_414 = arith.constant 0 : i32
          %dma_start3A_415 = arith.constant 0 : i32
          %dma_start3A_416 = arith.constant 0 : i32
          %dma_start3A_417 = tpu.memref_slice %arg12[%dma_start3A_414, %dma_start3A_415, %dma_start3A_416] : memref<4x80x8xf32, #tpu.memory_space<vmem>> -> memref<1x80x8xf32, #tpu.memory_space<vmem>>
          %dma_start3A_418 = tpu.memref_squeeze %dma_start3A_417 : memref<1x80x8xf32, #tpu.memory_space<vmem>> -> memref<80x8xf32, #tpu.memory_space<vmem>>
          %dma_start3A_419 = arith.constant 0 : i32
          %dma_start3A_420 = tpu.memref_slice %arg9[%dma_start3A_413, %dma_start3A_419] : memref<4x80xi32, #tpu.memory_space<vmem>> -> memref<1x80xi32, #tpu.memory_space<vmem>>
          %dma_start3A_421 = tpu.memref_squeeze %dma_start3A_420 : memref<1x80xi32, #tpu.memory_space<vmem>> -> memref<80xi32, #tpu.memory_space<vmem>>
          %dma_start3A_422 = arith.constant 0 : i32
          %dma_start3A_423 = arith.constant 0 : i32
          %dma_start3A_424 = tpu.memref_slice %arg3[%dma_start3A_422, %dma_start3A_423] : memref<10000x8xf32, #tpu.memory_space<hbm>> -> memref<10000x8xf32, #tpu.memory_space<hbm>>
          tpu.enqueue_indirect_dma source(%dma_start3A_424 : memref<10000x8xf32, #tpu.memory_space<hbm>>) target(%dma_start3A_418 : memref<80x8xf32, #tpu.memory_space<vmem>>) offsets(%dma_start3A_421 : memref<80xi32, #tpu.memory_space<vmem>>) semaphore(%arg15 : memref<!tpu.dma_semaphore, #tpu.memory_space<semaphore_mem>>)
        } else {
        }
      } else {
      }
      %mul3A_274 = arith.constant 4 : i32
      %mul3A_275 = arith.muli %mul3A_274, %scan3A_249 : i32
      %add3A_276 = arith.constant 3 : i32
      %add3A_277 = arith.addi %mul3A_275, %add3A_276 : i32
      %lt3A_278 = arith.constant 125 : i32
      %lt3A_279 = arith.cmpi slt, %add3A_277, %lt3A_278 : i32
      %convert_element_type3A_280 = arith.extui %lt3A_279 : i1 to i32
      %cond3A_281 = arith.constant 0 : i32
      %cond3A_282 = arith.cmpi ne, %convert_element_type3A_280, %cond3A_281 : i32
      scf.if %cond3A_282 {
        %dma_wait3A_283 = arith.constant 3 : i32
        %dma_wait3A_284 = arith.constant 3 : i32
        %dma_wait3A_285 = arith.constant 0 : i32
        %dma_wait3A_286 = arith.constant 0 : i32
        %dma_wait3A_287 = tpu.memref_slice %arg11[%dma_wait3A_284, %dma_wait3A_285, %dma_wait3A_286] : memref<4x80x128xf32, #tpu.memory_space<vmem>> -> memref<1x80x128xf32, #tpu.memory_space<vmem>>
        %dma_wait3A_288 = tpu.memref_squeeze %dma_wait3A_287 : memref<1x80x128xf32, #tpu.memory_space<vmem>> -> memref<80x128xf32, #tpu.memory_space<vmem>>
        %dma_wait3A_289 = arith.constant 0 : i32
        %dma_wait3A_290 = tpu.memref_slice %arg9[%dma_wait3A_283, %dma_wait3A_289] : memref<4x80xi32, #tpu.memory_space<vmem>> -> memref<1x80xi32, #tpu.memory_space<vmem>>
        %dma_wait3A_291 = tpu.memref_squeeze %dma_wait3A_290 : memref<1x80xi32, #tpu.memory_space<vmem>> -> memref<80xi32, #tpu.memory_space<vmem>>
        %dma_wait3A_292 = arith.constant 0 : i32
        %dma_wait3A_293 = arith.constant 0 : i32
        %dma_wait3A_294 = tpu.memref_slice %arg2[%dma_wait3A_292, %dma_wait3A_293] : memref<10000x128xf32, #tpu.memory_space<hbm>> -> memref<10000x128xf32, #tpu.memory_space<hbm>>
        tpu.wait_indirect_dma semaphore(%arg18 : memref<!tpu.dma_semaphore, #tpu.memory_space<semaphore_mem>>) src(%dma_wait3A_294 : memref<10000x128xf32, #tpu.memory_space<hbm>>) dst(%dma_wait3A_288 : memref<80x128xf32, #tpu.memory_space<vmem>>)
        %dma_wait3A_295 = arith.constant 3 : i32
        %dma_wait3A_296 = arith.constant 3 : i32
        %dma_wait3A_297 = arith.constant 0 : i32
        %dma_wait3A_298 = arith.constant 0 : i32
        %dma_wait3A_299 = tpu.memref_slice %arg12[%dma_wait3A_296, %dma_wait3A_297, %dma_wait3A_298] : memref<4x80x8xf32, #tpu.memory_space<vmem>> -> memref<1x80x8xf32, #tpu.memory_space<vmem>>
        %dma_wait3A_300 = tpu.memref_squeeze %dma_wait3A_299 : memref<1x80x8xf32, #tpu.memory_space<vmem>> -> memref<80x8xf32, #tpu.memory_space<vmem>>
        %dma_wait3A_301 = arith.constant 0 : i32
        %dma_wait3A_302 = tpu.memref_slice %arg9[%dma_wait3A_295, %dma_wait3A_301] : memref<4x80xi32, #tpu.memory_space<vmem>> -> memref<1x80xi32, #tpu.memory_space<vmem>>
        %dma_wait3A_303 = tpu.memref_squeeze %dma_wait3A_302 : memref<1x80xi32, #tpu.memory_space<vmem>> -> memref<80xi32, #tpu.memory_space<vmem>>
        %dma_wait3A_304 = arith.constant 0 : i32
        %dma_wait3A_305 = arith.constant 0 : i32
        %dma_wait3A_306 = tpu.memref_slice %arg3[%dma_wait3A_304, %dma_wait3A_305] : memref<10000x8xf32, #tpu.memory_space<hbm>> -> memref<10000x8xf32, #tpu.memory_space<hbm>>
        tpu.wait_indirect_dma semaphore(%arg18 : memref<!tpu.dma_semaphore, #tpu.memory_space<semaphore_mem>>) src(%dma_wait3A_306 : memref<10000x8xf32, #tpu.memory_space<hbm>>) dst(%dma_wait3A_300 : memref<80x8xf32, #tpu.memory_space<vmem>>)
        %add3A_307 = arith.constant 4 : i32
        %add3A_308 = arith.addi %add3A_277, %add3A_307 : i32
        %lt3A_309 = arith.constant 125 : i32
        %lt3A_310 = arith.cmpi slt, %add3A_308, %lt3A_309 : i32
        %convert_element_type3A_311 = arith.extui %lt3A_310 : i1 to i32
        %cond3A_312 = arith.constant 0 : i32
        %cond3A_313 = arith.cmpi ne, %convert_element_type3A_311, %cond3A_312 : i32
        scf.if %cond3A_313 {
          %add3A_365 = arith.constant 4 : i32
          %add3A_366 = arith.addi %add3A_277, %add3A_365 : i32
          %mul3A_367 = arith.constant 125 : i32
          %mul3A_368 = arith.muli %add3A, %mul3A_367 : i32
          %add3A_369 = arith.addi %mul3A_368, %add3A_366 : i32
          %dma_start3A_370 = arith.constant 0 : i32
          %dma_start3A_371 = arith.constant 3 : i32
          %dma_start3A_372 = arith.constant 0 : i32
          %dma_start3A_373 = tpu.memref_slice %arg9[%dma_start3A_371, %dma_start3A_372] : memref<4x80xi32, #tpu.memory_space<vmem>> -> memref<1x80xi32, #tpu.memory_space<vmem>>
          %dma_start3A_374 = arith.constant 0 : i32
          %dma_start3A_375 = tpu.memref_slice %arg4[%dma_start3A_370, %add3A_369, %dma_start3A_374] : memref<2x4000x80xi32, #tpu.memory_space<hbm>> -> memref<1x1x80xi32, #tpu.memory_space<hbm>>
          %dma_start3A_376 = tpu.memref_squeeze %dma_start3A_375 : memref<1x1x80xi32, #tpu.memory_space<hbm>> -> memref<1x80xi32, #tpu.memory_space<hbm>>
          %dma_start3A_377 = arith.constant 3 : i32
          %dma_start3A_378 = arith.constant 0 : i32
          %dma_start3A_379 = tpu.memref_slice %arg9[%dma_start3A_377, %dma_start3A_378] : memref<4x80xi32, #tpu.memory_space<vmem>> -> memref<1x80xi32, #tpu.memory_space<vmem>>
          %dma_start3A_380 = arith.constant 0 : i32
          %dma_start3A_381 = tpu.memref_slice %arg4[%dma_start3A_370, %add3A_369, %dma_start3A_380] : memref<2x4000x80xi32, #tpu.memory_space<hbm>> -> memref<1x1x80xi32, #tpu.memory_space<hbm>>
          %dma_start3A_382 = tpu.memref_squeeze %dma_start3A_381 : memref<1x1x80xi32, #tpu.memory_space<hbm>> -> memref<1x80xi32, #tpu.memory_space<hbm>>
          tpu.enqueue_dma source(%dma_start3A_382 : memref<1x80xi32, #tpu.memory_space<hbm>>) target(%dma_start3A_379 : memref<1x80xi32, #tpu.memory_space<vmem>>) target_semaphore(%arg26 : memref<!tpu.dma_semaphore, #tpu.memory_space<semaphore_mem>>)
        } else {
        }
        %mul3A_314 = arith.constant 125 : i32
        %mul3A_315 = arith.muli %add3A, %mul3A_314 : i32
        %add3A_316 = arith.addi %mul3A_315, %add3A_277 : i32
        %dma_wait3A_317 = arith.constant 1 : i32
        %dma_wait3A_318 = arith.constant 3 : i32
        %dma_wait3A_319 = arith.constant 0 : i32
        %dma_wait3A_320 = tpu.memref_slice %arg10[%dma_wait3A_318, %dma_wait3A_319] : memref<4x80xi32, #tpu.memory_space<vmem>> -> memref<1x80xi32, #tpu.memory_space<vmem>>
        %dma_wait3A_321 = arith.constant 0 : i32
        %dma_wait3A_322 = tpu.memref_slice %arg4[%dma_wait3A_317, %add3A_316, %dma_wait3A_321] : memref<2x4000x80xi32, #tpu.memory_space<hbm>> -> memref<1x1x80xi32, #tpu.memory_space<hbm>>
        %dma_wait3A_323 = tpu.memref_squeeze %dma_wait3A_322 : memref<1x1x80xi32, #tpu.memory_space<hbm>> -> memref<1x80xi32, #tpu.memory_space<hbm>>
        %dma_wait3A_324 = arith.constant 3 : i32
        %dma_wait3A_325 = arith.constant 0 : i32
        %dma_wait3A_326 = tpu.memref_slice %arg10[%dma_wait3A_324, %dma_wait3A_325] : memref<4x80xi32, #tpu.memory_space<vmem>> -> memref<1x80xi32, #tpu.memory_space<vmem>>
        %dma_wait3A_327 = arith.constant 0 : i32
        %dma_wait3A_328 = tpu.memref_slice %arg4[%dma_wait3A_317, %add3A_316, %dma_wait3A_327] : memref<2x4000x80xi32, #tpu.memory_space<hbm>> -> memref<1x1x80xi32, #tpu.memory_space<hbm>>
        %dma_wait3A_329 = tpu.memref_squeeze %dma_wait3A_328 : memref<1x1x80xi32, #tpu.memory_space<hbm>> -> memref<1x80xi32, #tpu.memory_space<hbm>>
        tpu.wait_dma2 semaphore(%arg30 : memref<!tpu.dma_semaphore, #tpu.memory_space<semaphore_mem>>) src(%dma_wait3A_329 : memref<1x80xi32, #tpu.memory_space<hbm>>) dst(%dma_wait3A_326 : memref<1x80xi32, #tpu.memory_space<vmem>>)
        %dma_start3A_330 = arith.constant 3 : i32
        %dma_start3A_331 = arith.constant 3 : i32
        %dma_start3A_332 = arith.constant 0 : i32
        %dma_start3A_333 = arith.constant 0 : i32
        %dma_start3A_334 = tpu.memref_slice %arg11[%dma_start3A_330, %dma_start3A_332, %dma_start3A_333] : memref<4x80x128xf32, #tpu.memory_space<vmem>> -> memref<1x80x128xf32, #tpu.memory_space<vmem>>
        %dma_start3A_335 = tpu.memref_squeeze %dma_start3A_334 : memref<1x80x128xf32, #tpu.memory_space<vmem>> -> memref<80x128xf32, #tpu.memory_space<vmem>>
        %dma_start3A_336 = arith.constant 0 : i32
        %dma_start3A_337 = tpu.memref_slice %arg10[%dma_start3A_331, %dma_start3A_336] : memref<4x80xi32, #tpu.memory_space<vmem>> -> memref<1x80xi32, #tpu.memory_space<vmem>>
        %dma_start3A_338 = tpu.memref_squeeze %dma_start3A_337 : memref<1x80xi32, #tpu.memory_space<vmem>> -> memref<80xi32, #tpu.memory_space<vmem>>
        %dma_start3A_339 = arith.constant 0 : i32
        %dma_start3A_340 = arith.constant 0 : i32
        %dma_start3A_341 = tpu.memref_slice %arg13[%dma_start3A_339, %dma_start3A_340] : memref<10112x128xf32, #tpu.memory_space<vmem_shared>> -> memref<10112x128xf32, #tpu.memory_space<vmem_shared>>
        tpu.enqueue_indirect_dma source(%dma_start3A_335 : memref<80x128xf32, #tpu.memory_space<vmem>>) target(%dma_start3A_341 : memref<10112x128xf32, #tpu.memory_space<vmem_shared>>) offsets(%dma_start3A_338 : memref<80xi32, #tpu.memory_space<vmem>>) semaphore(%arg22 : memref<!tpu.dma_semaphore, #tpu.memory_space<semaphore_mem>>) {add = true}
        %dma_start3A_342 = arith.constant 3 : i32
        %dma_start3A_343 = arith.constant 3 : i32
        %dma_start3A_344 = arith.constant 0 : i32
        %dma_start3A_345 = arith.constant 0 : i32
        %dma_start3A_346 = tpu.memref_slice %arg12[%dma_start3A_342, %dma_start3A_344, %dma_start3A_345] : memref<4x80x8xf32, #tpu.memory_space<vmem>> -> memref<1x80x8xf32, #tpu.memory_space<vmem>>
        %dma_start3A_347 = tpu.memref_squeeze %dma_start3A_346 : memref<1x80x8xf32, #tpu.memory_space<vmem>> -> memref<80x8xf32, #tpu.memory_space<vmem>>
        %dma_start3A_348 = arith.constant 0 : i32
        %dma_start3A_349 = tpu.memref_slice %arg10[%dma_start3A_343, %dma_start3A_348] : memref<4x80xi32, #tpu.memory_space<vmem>> -> memref<1x80xi32, #tpu.memory_space<vmem>>
        %dma_start3A_350 = tpu.memref_squeeze %dma_start3A_349 : memref<1x80xi32, #tpu.memory_space<vmem>> -> memref<80xi32, #tpu.memory_space<vmem>>
        %dma_start3A_351 = arith.constant 0 : i32
        %dma_start3A_352 = arith.constant 0 : i32
        %dma_start3A_353 = tpu.memref_slice %arg14[%dma_start3A_351, %dma_start3A_352] : memref<10112x8xf32, #tpu.memory_space<vmem_shared>> -> memref<10112x8xf32, #tpu.memory_space<vmem_shared>>
        tpu.enqueue_indirect_dma source(%dma_start3A_347 : memref<80x8xf32, #tpu.memory_space<vmem>>) target(%dma_start3A_353 : memref<10112x8xf32, #tpu.memory_space<vmem_shared>>) offsets(%dma_start3A_350 : memref<80xi32, #tpu.memory_space<vmem>>) semaphore(%arg22 : memref<!tpu.dma_semaphore, #tpu.memory_space<semaphore_mem>>) {add = true}
        %ge3A = arith.constant 2 : i32
        %ge3A_354 = arith.cmpi sge, %add3A_277, %ge3A : i32
        %convert_element_type3A_355 = arith.extui %ge3A_354 : i1 to i32
        %cond3A_356 = arith.constant 0 : i32
        %cond3A_357 = arith.cmpi ne, %convert_element_type3A_355, %cond3A_356 : i32
        scf.if %cond3A_357 {
          %dma_wait3A_365 = arith.constant 1 : i32
          %dma_wait3A_366 = arith.constant 1 : i32
          %dma_wait3A_367 = arith.constant 0 : i32
          %dma_wait3A_368 = arith.constant 0 : i32
          %dma_wait3A_369 = tpu.memref_slice %arg11[%dma_wait3A_365, %dma_wait3A_367, %dma_wait3A_368] : memref<4x80x128xf32, #tpu.memory_space<vmem>> -> memref<1x80x128xf32, #tpu.memory_space<vmem>>
          %dma_wait3A_370 = tpu.memref_squeeze %dma_wait3A_369 : memref<1x80x128xf32, #tpu.memory_space<vmem>> -> memref<80x128xf32, #tpu.memory_space<vmem>>
          %dma_wait3A_371 = arith.constant 0 : i32
          %dma_wait3A_372 = tpu.memref_slice %arg10[%dma_wait3A_366, %dma_wait3A_371] : memref<4x80xi32, #tpu.memory_space<vmem>> -> memref<1x80xi32, #tpu.memory_space<vmem>>
          %dma_wait3A_373 = tpu.memref_squeeze %dma_wait3A_372 : memref<1x80xi32, #tpu.memory_space<vmem>> -> memref<80xi32, #tpu.memory_space<vmem>>
          %dma_wait3A_374 = arith.constant 0 : i32
          %dma_wait3A_375 = arith.constant 0 : i32
          %dma_wait3A_376 = tpu.memref_slice %arg13[%dma_wait3A_374, %dma_wait3A_375] : memref<10112x128xf32, #tpu.memory_space<vmem_shared>> -> memref<10112x128xf32, #tpu.memory_space<vmem_shared>>
          tpu.wait_indirect_dma semaphore(%arg20 : memref<!tpu.dma_semaphore, #tpu.memory_space<semaphore_mem>>) src(%dma_wait3A_370 : memref<80x128xf32, #tpu.memory_space<vmem>>) dst(%dma_wait3A_376 : memref<10112x128xf32, #tpu.memory_space<vmem_shared>>)
          %dma_wait3A_377 = arith.constant 1 : i32
          %dma_wait3A_378 = arith.constant 1 : i32
          %dma_wait3A_379 = arith.constant 0 : i32
          %dma_wait3A_380 = arith.constant 0 : i32
          %dma_wait3A_381 = tpu.memref_slice %arg12[%dma_wait3A_377, %dma_wait3A_379, %dma_wait3A_380] : memref<4x80x8xf32, #tpu.memory_space<vmem>> -> memref<1x80x8xf32, #tpu.memory_space<vmem>>
          %dma_wait3A_382 = tpu.memref_squeeze %dma_wait3A_381 : memref<1x80x8xf32, #tpu.memory_space<vmem>> -> memref<80x8xf32, #tpu.memory_space<vmem>>
          %dma_wait3A_383 = arith.constant 0 : i32
          %dma_wait3A_384 = tpu.memref_slice %arg10[%dma_wait3A_378, %dma_wait3A_383] : memref<4x80xi32, #tpu.memory_space<vmem>> -> memref<1x80xi32, #tpu.memory_space<vmem>>
          %dma_wait3A_385 = tpu.memref_squeeze %dma_wait3A_384 : memref<1x80xi32, #tpu.memory_space<vmem>> -> memref<80xi32, #tpu.memory_space<vmem>>
          %dma_wait3A_386 = arith.constant 0 : i32
          %dma_wait3A_387 = arith.constant 0 : i32
          %dma_wait3A_388 = tpu.memref_slice %arg14[%dma_wait3A_386, %dma_wait3A_387] : memref<10112x8xf32, #tpu.memory_space<vmem_shared>> -> memref<10112x8xf32, #tpu.memory_space<vmem_shared>>
          tpu.wait_indirect_dma semaphore(%arg20 : memref<!tpu.dma_semaphore, #tpu.memory_space<semaphore_mem>>) src(%dma_wait3A_382 : memref<80x8xf32, #tpu.memory_space<vmem>>) dst(%dma_wait3A_388 : memref<10112x8xf32, #tpu.memory_space<vmem_shared>>)
        } else {
        }
        %add3A_358 = arith.constant 2 : i32
        %add3A_359 = arith.addi %add3A_277, %add3A_358 : i32
        %lt3A_360 = arith.constant 125 : i32
        %lt3A_361 = arith.cmpi slt, %add3A_359, %lt3A_360 : i32
        %convert_element_type3A_362 = arith.extui %lt3A_361 : i1 to i32
        %cond3A_363 = arith.constant 0 : i32
        %cond3A_364 = arith.cmpi ne, %convert_element_type3A_362, %cond3A_363 : i32
        scf.if %cond3A_364 {
          %add3A_365 = arith.constant 2 : i32
          %add3A_366 = arith.addi %add3A_277, %add3A_365 : i32
          %mul3A_367 = arith.constant 125 : i32
          %mul3A_368 = arith.muli %add3A, %mul3A_367 : i32
          %add3A_369 = arith.addi %mul3A_368, %add3A_366 : i32
          %dma_start3A_370 = arith.constant 1 : i32
          %dma_start3A_371 = arith.constant 1 : i32
          %dma_start3A_372 = arith.constant 0 : i32
          %dma_start3A_373 = tpu.memref_slice %arg10[%dma_start3A_371, %dma_start3A_372] : memref<4x80xi32, #tpu.memory_space<vmem>> -> memref<1x80xi32, #tpu.memory_space<vmem>>
          %dma_start3A_374 = arith.constant 0 : i32
          %dma_start3A_375 = tpu.memref_slice %arg4[%dma_start3A_370, %add3A_369, %dma_start3A_374] : memref<2x4000x80xi32, #tpu.memory_space<hbm>> -> memref<1x1x80xi32, #tpu.memory_space<hbm>>
          %dma_start3A_376 = tpu.memref_squeeze %dma_start3A_375 : memref<1x1x80xi32, #tpu.memory_space<hbm>> -> memref<1x80xi32, #tpu.memory_space<hbm>>
          %dma_start3A_377 = arith.constant 1 : i32
          %dma_start3A_378 = arith.constant 0 : i32
          %dma_start3A_379 = tpu.memref_slice %arg10[%dma_start3A_377, %dma_start3A_378] : memref<4x80xi32, #tpu.memory_space<vmem>> -> memref<1x80xi32, #tpu.memory_space<vmem>>
          %dma_start3A_380 = arith.constant 0 : i32
          %dma_start3A_381 = tpu.memref_slice %arg4[%dma_start3A_370, %add3A_369, %dma_start3A_380] : memref<2x4000x80xi32, #tpu.memory_space<hbm>> -> memref<1x1x80xi32, #tpu.memory_space<hbm>>
          %dma_start3A_382 = tpu.memref_squeeze %dma_start3A_381 : memref<1x1x80xi32, #tpu.memory_space<hbm>> -> memref<1x80xi32, #tpu.memory_space<hbm>>
          tpu.enqueue_dma source(%dma_start3A_382 : memref<1x80xi32, #tpu.memory_space<hbm>>) target(%dma_start3A_379 : memref<1x80xi32, #tpu.memory_space<vmem>>) target_semaphore(%arg28 : memref<!tpu.dma_semaphore, #tpu.memory_space<semaphore_mem>>)
          %add3A_383 = arith.constant 2 : i32
          %add3A_384 = arith.addi %add3A_277, %add3A_383 : i32
          %mul3A_385 = arith.constant 125 : i32
          %mul3A_386 = arith.muli %add3A, %mul3A_385 : i32
          %add3A_387 = arith.addi %mul3A_386, %add3A_384 : i32
          %dma_wait3A_388 = arith.constant 0 : i32
          %dma_wait3A_389 = arith.constant 1 : i32
          %dma_wait3A_390 = arith.constant 0 : i32
          %dma_wait3A_391 = tpu.memref_slice %arg9[%dma_wait3A_389, %dma_wait3A_390] : memref<4x80xi32, #tpu.memory_space<vmem>> -> memref<1x80xi32, #tpu.memory_space<vmem>>
          %dma_wait3A_392 = arith.constant 0 : i32
          %dma_wait3A_393 = tpu.memref_slice %arg4[%dma_wait3A_388, %add3A_387, %dma_wait3A_392] : memref<2x4000x80xi32, #tpu.memory_space<hbm>> -> memref<1x1x80xi32, #tpu.memory_space<hbm>>
          %dma_wait3A_394 = tpu.memref_squeeze %dma_wait3A_393 : memref<1x1x80xi32, #tpu.memory_space<hbm>> -> memref<1x80xi32, #tpu.memory_space<hbm>>
          %dma_wait3A_395 = arith.constant 1 : i32
          %dma_wait3A_396 = arith.constant 0 : i32
          %dma_wait3A_397 = tpu.memref_slice %arg9[%dma_wait3A_395, %dma_wait3A_396] : memref<4x80xi32, #tpu.memory_space<vmem>> -> memref<1x80xi32, #tpu.memory_space<vmem>>
          %dma_wait3A_398 = arith.constant 0 : i32
          %dma_wait3A_399 = tpu.memref_slice %arg4[%dma_wait3A_388, %add3A_387, %dma_wait3A_398] : memref<2x4000x80xi32, #tpu.memory_space<hbm>> -> memref<1x1x80xi32, #tpu.memory_space<hbm>>
          %dma_wait3A_400 = tpu.memref_squeeze %dma_wait3A_399 : memref<1x1x80xi32, #tpu.memory_space<hbm>> -> memref<1x80xi32, #tpu.memory_space<hbm>>
          tpu.wait_dma2 semaphore(%arg24 : memref<!tpu.dma_semaphore, #tpu.memory_space<semaphore_mem>>) src(%dma_wait3A_400 : memref<1x80xi32, #tpu.memory_space<hbm>>) dst(%dma_wait3A_397 : memref<1x80xi32, #tpu.memory_space<vmem>>)
          %dma_start3A_401 = arith.constant 1 : i32
          %dma_start3A_402 = arith.constant 1 : i32
          %dma_start3A_403 = arith.constant 0 : i32
          %dma_start3A_404 = arith.constant 0 : i32
          %dma_start3A_405 = tpu.memref_slice %arg11[%dma_start3A_402, %dma_start3A_403, %dma_start3A_404] : memref<4x80x128xf32, #tpu.memory_space<vmem>> -> memref<1x80x128xf32, #tpu.memory_space<vmem>>
          %dma_start3A_406 = tpu.memref_squeeze %dma_start3A_405 : memref<1x80x128xf32, #tpu.memory_space<vmem>> -> memref<80x128xf32, #tpu.memory_space<vmem>>
          %dma_start3A_407 = arith.constant 0 : i32
          %dma_start3A_408 = tpu.memref_slice %arg9[%dma_start3A_401, %dma_start3A_407] : memref<4x80xi32, #tpu.memory_space<vmem>> -> memref<1x80xi32, #tpu.memory_space<vmem>>
          %dma_start3A_409 = tpu.memref_squeeze %dma_start3A_408 : memref<1x80xi32, #tpu.memory_space<vmem>> -> memref<80xi32, #tpu.memory_space<vmem>>
          %dma_start3A_410 = arith.constant 0 : i32
          %dma_start3A_411 = arith.constant 0 : i32
          %dma_start3A_412 = tpu.memref_slice %arg2[%dma_start3A_410, %dma_start3A_411] : memref<10000x128xf32, #tpu.memory_space<hbm>> -> memref<10000x128xf32, #tpu.memory_space<hbm>>
          tpu.enqueue_indirect_dma source(%dma_start3A_412 : memref<10000x128xf32, #tpu.memory_space<hbm>>) target(%dma_start3A_406 : memref<80x128xf32, #tpu.memory_space<vmem>>) offsets(%dma_start3A_409 : memref<80xi32, #tpu.memory_space<vmem>>) semaphore(%arg16 : memref<!tpu.dma_semaphore, #tpu.memory_space<semaphore_mem>>)
          %dma_start3A_413 = arith.constant 1 : i32
          %dma_start3A_414 = arith.constant 1 : i32
          %dma_start3A_415 = arith.constant 0 : i32
          %dma_start3A_416 = arith.constant 0 : i32
          %dma_start3A_417 = tpu.memref_slice %arg12[%dma_start3A_414, %dma_start3A_415, %dma_start3A_416] : memref<4x80x8xf32, #tpu.memory_space<vmem>> -> memref<1x80x8xf32, #tpu.memory_space<vmem>>
          %dma_start3A_418 = tpu.memref_squeeze %dma_start3A_417 : memref<1x80x8xf32, #tpu.memory_space<vmem>> -> memref<80x8xf32, #tpu.memory_space<vmem>>
          %dma_start3A_419 = arith.constant 0 : i32
          %dma_start3A_420 = tpu.memref_slice %arg9[%dma_start3A_413, %dma_start3A_419] : memref<4x80xi32, #tpu.memory_space<vmem>> -> memref<1x80xi32, #tpu.memory_space<vmem>>
          %dma_start3A_421 = tpu.memref_squeeze %dma_start3A_420 : memref<1x80xi32, #tpu.memory_space<vmem>> -> memref<80xi32, #tpu.memory_space<vmem>>
          %dma_start3A_422 = arith.constant 0 : i32
          %dma_start3A_423 = arith.constant 0 : i32
          %dma_start3A_424 = tpu.memref_slice %arg3[%dma_start3A_422, %dma_start3A_423] : memref<10000x8xf32, #tpu.memory_space<hbm>> -> memref<10000x8xf32, #tpu.memory_space<hbm>>
          tpu.enqueue_indirect_dma source(%dma_start3A_424 : memref<10000x8xf32, #tpu.memory_space<hbm>>) target(%dma_start3A_418 : memref<80x8xf32, #tpu.memory_space<vmem>>) offsets(%dma_start3A_421 : memref<80xi32, #tpu.memory_space<vmem>>) semaphore(%arg16 : memref<!tpu.dma_semaphore, #tpu.memory_space<semaphore_mem>>)
        } else {
        }
      } else {
      }
    }
    %scan3A_191 = arith.constant 32 : i32
    %dma_wait3A_192 = arith.constant 3 : i32
    %dma_wait3A_193 = arith.constant 3 : i32
    %dma_wait3A_194 = arith.constant 0 : i32
    %dma_wait3A_195 = arith.constant 0 : i32
    %dma_wait3A_196 = tpu.memref_slice %arg11[%dma_wait3A_192, %dma_wait3A_194, %dma_wait3A_195] : memref<4x80x128xf32, #tpu.memory_space<vmem>> -> memref<1x80x128xf32, #tpu.memory_space<vmem>>
    %dma_wait3A_197 = tpu.memref_squeeze %dma_wait3A_196 : memref<1x80x128xf32, #tpu.memory_space<vmem>> -> memref<80x128xf32, #tpu.memory_space<vmem>>
    %dma_wait3A_198 = arith.constant 0 : i32
    %dma_wait3A_199 = tpu.memref_slice %arg10[%dma_wait3A_193, %dma_wait3A_198] : memref<4x80xi32, #tpu.memory_space<vmem>> -> memref<1x80xi32, #tpu.memory_space<vmem>>
    %dma_wait3A_200 = tpu.memref_squeeze %dma_wait3A_199 : memref<1x80xi32, #tpu.memory_space<vmem>> -> memref<80xi32, #tpu.memory_space<vmem>>
    %dma_wait3A_201 = arith.constant 0 : i32
    %dma_wait3A_202 = arith.constant 0 : i32
    %dma_wait3A_203 = tpu.memref_slice %arg13[%dma_wait3A_201, %dma_wait3A_202] : memref<10112x128xf32, #tpu.memory_space<vmem_shared>> -> memref<10112x128xf32, #tpu.memory_space<vmem_shared>>
    tpu.wait_indirect_dma semaphore(%arg22 : memref<!tpu.dma_semaphore, #tpu.memory_space<semaphore_mem>>) src(%dma_wait3A_197 : memref<80x128xf32, #tpu.memory_space<vmem>>) dst(%dma_wait3A_203 : memref<10112x128xf32, #tpu.memory_space<vmem_shared>>)
    %dma_wait3A_204 = arith.constant 3 : i32
    %dma_wait3A_205 = arith.constant 3 : i32
    %dma_wait3A_206 = arith.constant 0 : i32
    %dma_wait3A_207 = arith.constant 0 : i32
    %dma_wait3A_208 = tpu.memref_slice %arg12[%dma_wait3A_204, %dma_wait3A_206, %dma_wait3A_207] : memref<4x80x8xf32, #tpu.memory_space<vmem>> -> memref<1x80x8xf32, #tpu.memory_space<vmem>>
    %dma_wait3A_209 = tpu.memref_squeeze %dma_wait3A_208 : memref<1x80x8xf32, #tpu.memory_space<vmem>> -> memref<80x8xf32, #tpu.memory_space<vmem>>
    %dma_wait3A_210 = arith.constant 0 : i32
    %dma_wait3A_211 = tpu.memref_slice %arg10[%dma_wait3A_205, %dma_wait3A_210] : memref<4x80xi32, #tpu.memory_space<vmem>> -> memref<1x80xi32, #tpu.memory_space<vmem>>
    %dma_wait3A_212 = tpu.memref_squeeze %dma_wait3A_211 : memref<1x80xi32, #tpu.memory_space<vmem>> -> memref<80xi32, #tpu.memory_space<vmem>>
    %dma_wait3A_213 = arith.constant 0 : i32
    %dma_wait3A_214 = arith.constant 0 : i32
    %dma_wait3A_215 = tpu.memref_slice %arg14[%dma_wait3A_213, %dma_wait3A_214] : memref<10112x8xf32, #tpu.memory_space<vmem_shared>> -> memref<10112x8xf32, #tpu.memory_space<vmem_shared>>
    tpu.wait_indirect_dma semaphore(%arg22 : memref<!tpu.dma_semaphore, #tpu.memory_space<semaphore_mem>>) src(%dma_wait3A_209 : memref<80x8xf32, #tpu.memory_space<vmem>>) dst(%dma_wait3A_215 : memref<10112x8xf32, #tpu.memory_space<vmem_shared>>)
    %dma_wait3A_216 = arith.constant 0 : i32
    %dma_wait3A_217 = arith.constant 0 : i32
    %dma_wait3A_218 = arith.constant 0 : i32
    %dma_wait3A_219 = arith.constant 0 : i32
    %dma_wait3A_220 = tpu.memref_slice %arg11[%dma_wait3A_216, %dma_wait3A_218, %dma_wait3A_219] : memref<4x80x128xf32, #tpu.memory_space<vmem>> -> memref<1x80x128xf32, #tpu.memory_space<vmem>>
    %dma_wait3A_221 = tpu.memref_squeeze %dma_wait3A_220 : memref<1x80x128xf32, #tpu.memory_space<vmem>> -> memref<80x128xf32, #tpu.memory_space<vmem>>
    %dma_wait3A_222 = arith.constant 0 : i32
    %dma_wait3A_223 = tpu.memref_slice %arg10[%dma_wait3A_217, %dma_wait3A_222] : memref<4x80xi32, #tpu.memory_space<vmem>> -> memref<1x80xi32, #tpu.memory_space<vmem>>
    %dma_wait3A_224 = tpu.memref_squeeze %dma_wait3A_223 : memref<1x80xi32, #tpu.memory_space<vmem>> -> memref<80xi32, #tpu.memory_space<vmem>>
    %dma_wait3A_225 = arith.constant 0 : i32
    %dma_wait3A_226 = arith.constant 0 : i32
    %dma_wait3A_227 = tpu.memref_slice %arg13[%dma_wait3A_225, %dma_wait3A_226] : memref<10112x128xf32, #tpu.memory_space<vmem_shared>> -> memref<10112x128xf32, #tpu.memory_space<vmem_shared>>
    tpu.wait_indirect_dma semaphore(%arg19 : memref<!tpu.dma_semaphore, #tpu.memory_space<semaphore_mem>>) src(%dma_wait3A_221 : memref<80x128xf32, #tpu.memory_space<vmem>>) dst(%dma_wait3A_227 : memref<10112x128xf32, #tpu.memory_space<vmem_shared>>)
    %dma_wait3A_228 = arith.constant 0 : i32
    %dma_wait3A_229 = arith.constant 0 : i32
    %dma_wait3A_230 = arith.constant 0 : i32
    %dma_wait3A_231 = arith.constant 0 : i32
    %dma_wait3A_232 = tpu.memref_slice %arg12[%dma_wait3A_228, %dma_wait3A_230, %dma_wait3A_231] : memref<4x80x8xf32, #tpu.memory_space<vmem>> -> memref<1x80x8xf32, #tpu.memory_space<vmem>>
    %dma_wait3A_233 = tpu.memref_squeeze %dma_wait3A_232 : memref<1x80x8xf32, #tpu.memory_space<vmem>> -> memref<80x8xf32, #tpu.memory_space<vmem>>
    %dma_wait3A_234 = arith.constant 0 : i32
    %dma_wait3A_235 = tpu.memref_slice %arg10[%dma_wait3A_229, %dma_wait3A_234] : memref<4x80xi32, #tpu.memory_space<vmem>> -> memref<1x80xi32, #tpu.memory_space<vmem>>
    %dma_wait3A_236 = tpu.memref_squeeze %dma_wait3A_235 : memref<1x80xi32, #tpu.memory_space<vmem>> -> memref<80xi32, #tpu.memory_space<vmem>>
    %dma_wait3A_237 = arith.constant 0 : i32
    %dma_wait3A_238 = arith.constant 0 : i32
    %dma_wait3A_239 = tpu.memref_slice %arg14[%dma_wait3A_237, %dma_wait3A_238] : memref<10112x8xf32, #tpu.memory_space<vmem_shared>> -> memref<10112x8xf32, #tpu.memory_space<vmem_shared>>
    tpu.wait_indirect_dma semaphore(%arg19 : memref<!tpu.dma_semaphore, #tpu.memory_space<semaphore_mem>>) src(%dma_wait3A_233 : memref<80x8xf32, #tpu.memory_space<vmem>>) dst(%dma_wait3A_239 : memref<10112x8xf32, #tpu.memory_space<vmem_shared>>)
    %barrier3A_240 = arith.constant 0 : index
    tpu.barrier barrier_id(%barrier3A_240)
    %mul3A_241 = arith.constant 632 : i32
    %mul3A_242 = arith.muli %arg1, %mul3A_241 : i32
    %mul3A_243 = arith.constant 632 : i32
    %mul3A_244 = arith.muli %arg1, %mul3A_243 : i32
    "tpu.region"() ({
      %run_scoped3A = tpu.sem_alloc : memref<!tpu.dma_semaphore, #tpu.memory_space<semaphore_mem>>
      %dma_start3A_249 = arith.constant 0 : i32
      %dma_start3A_250 = tpu.memref_slice %arg7[%arg0, %mul3A_244, %dma_start3A_249] : memref<2x10112x128xf32, #tpu.memory_space<hbm>> -> memref<1x632x128xf32, #tpu.memory_space<hbm>>
      %dma_start3A_251 = tpu.memref_squeeze %dma_start3A_250 : memref<1x632x128xf32, #tpu.memory_space<hbm>> -> memref<632x128xf32, #tpu.memory_space<hbm>>
      %dma_start3A_252 = arith.constant 0 : i32
      %dma_start3A_253 = tpu.memref_slice %arg13[%mul3A_242, %dma_start3A_252] : memref<10112x128xf32, #tpu.memory_space<vmem_shared>> -> memref<632x128xf32, #tpu.memory_space<vmem_shared>>
      tpu.enqueue_dma source(%dma_start3A_253 : memref<632x128xf32, #tpu.memory_space<vmem_shared>>) target(%dma_start3A_251 : memref<632x128xf32, #tpu.memory_space<hbm>>) target_semaphore(%run_scoped3A : memref<!tpu.dma_semaphore, #tpu.memory_space<semaphore_mem>>)
      %dma_wait3A_254 = arith.constant 0 : i32
      %dma_wait3A_255 = tpu.memref_slice %arg7[%arg0, %mul3A_244, %dma_wait3A_254] : memref<2x10112x128xf32, #tpu.memory_space<hbm>> -> memref<1x632x128xf32, #tpu.memory_space<hbm>>
      %dma_wait3A_256 = tpu.memref_squeeze %dma_wait3A_255 : memref<1x632x128xf32, #tpu.memory_space<hbm>> -> memref<632x128xf32, #tpu.memory_space<hbm>>
      %dma_wait3A_257 = arith.constant 0 : i32
      %dma_wait3A_258 = tpu.memref_slice %arg13[%mul3A_242, %dma_wait3A_257] : memref<10112x128xf32, #tpu.memory_space<vmem_shared>> -> memref<632x128xf32, #tpu.memory_space<vmem_shared>>
      tpu.wait_dma2 semaphore(%run_scoped3A : memref<!tpu.dma_semaphore, #tpu.memory_space<semaphore_mem>>) src(%dma_wait3A_258 : memref<632x128xf32, #tpu.memory_space<vmem_shared>>) dst(%dma_wait3A_256 : memref<632x128xf32, #tpu.memory_space<hbm>>)
      tpu.yield
    }) : () -> ()
    %mul3A_245 = arith.constant 632 : i32
    %mul3A_246 = arith.muli %arg1, %mul3A_245 : i32
    %mul3A_247 = arith.constant 632 : i32
    %mul3A_248 = arith.muli %arg1, %mul3A_247 : i32
    "tpu.region"() ({
      %run_scoped3A = tpu.sem_alloc : memref<!tpu.dma_semaphore, #tpu.memory_space<semaphore_mem>>
      %dma_start3A_249 = arith.constant 0 : i32
      %dma_start3A_250 = tpu.memref_slice %arg8[%arg0, %mul3A_248, %dma_start3A_249] : memref<2x10112x8xf32, #tpu.memory_space<hbm>> -> memref<1x632x8xf32, #tpu.memory_space<hbm>>
      %dma_start3A_251 = tpu.memref_squeeze %dma_start3A_250 : memref<1x632x8xf32, #tpu.memory_space<hbm>> -> memref<632x8xf32, #tpu.memory_space<hbm>>
      %dma_start3A_252 = arith.constant 0 : i32
      %dma_start3A_253 = tpu.memref_slice %arg14[%mul3A_246, %dma_start3A_252] : memref<10112x8xf32, #tpu.memory_space<vmem_shared>> -> memref<632x8xf32, #tpu.memory_space<vmem_shared>>
      tpu.enqueue_dma source(%dma_start3A_253 : memref<632x8xf32, #tpu.memory_space<vmem_shared>>) target(%dma_start3A_251 : memref<632x8xf32, #tpu.memory_space<hbm>>) target_semaphore(%run_scoped3A : memref<!tpu.dma_semaphore, #tpu.memory_space<semaphore_mem>>)
      %dma_wait3A_254 = arith.constant 0 : i32
      %dma_wait3A_255 = tpu.memref_slice %arg8[%arg0, %mul3A_248, %dma_wait3A_254] : memref<2x10112x8xf32, #tpu.memory_space<hbm>> -> memref<1x632x8xf32, #tpu.memory_space<hbm>>
      %dma_wait3A_256 = tpu.memref_squeeze %dma_wait3A_255 : memref<1x632x8xf32, #tpu.memory_space<hbm>> -> memref<632x8xf32, #tpu.memory_space<hbm>>
      %dma_wait3A_257 = arith.constant 0 : i32
      %dma_wait3A_258 = tpu.memref_slice %arg14[%mul3A_246, %dma_wait3A_257] : memref<10112x8xf32, #tpu.memory_space<vmem_shared>> -> memref<632x8xf32, #tpu.memory_space<vmem_shared>>
      tpu.wait_dma2 semaphore(%run_scoped3A : memref<!tpu.dma_semaphore, #tpu.memory_space<semaphore_mem>>) src(%dma_wait3A_258 : memref<632x8xf32, #tpu.memory_space<vmem_shared>>) dst(%dma_wait3A_256 : memref<632x8xf32, #tpu.memory_space<hbm>>)
      tpu.yield
    }) : () -> ()
    return
  }
}

#map = affine_map<(d0, d1) -> (0, 0)>
#map1 = affine_map<(d0, d1) -> (0, 0, 0)>
module attributes {stable_mosaic.version = 14 : i64} {
  func.func @k(%arg0: i32, %arg1: i32, %arg2: memref<10000x128xf32, #tpu.memory_space<hbm>>, %arg3: memref<10000x8xf32, #tpu.memory_space<hbm>>, %arg4: memref<2x4000x80xi32, #tpu.memory_space<hbm>>, %arg5: memref<632x128xf32, #tpu.memory_space<hbm>>, %arg6: memref<632x8xf32, #tpu.memory_space<hbm>>, %arg7: memref<2x10112x128xf32, #tpu.memory_space<hbm>>, %arg8: memref<2x10112x8xf32, #tpu.memory_space<hbm>>, %arg9: memref<4x80xi32, #tpu.memory_space<vmem>>, %arg10: memref<4x80xi32, #tpu.memory_space<vmem>>, %arg11: memref<4x80x128xf32, #tpu.memory_space<vmem>>, %arg12: memref<4x80x8xf32, #tpu.memory_space<vmem>>, %arg13: memref<10112x128xf32, #tpu.memory_space<vmem_shared>>, %arg14: memref<10112x8xf32, #tpu.memory_space<vmem_shared>>, %arg15: memref<!tpu.dma_semaphore, #tpu.memory_space<semaphore_mem>>, %arg16: memref<!tpu.dma_semaphore, #tpu.memory_space<semaphore_mem>>, %arg17: memref<!tpu.dma_semaphore, #tpu.memory_space<semaphore_mem>>, %arg18: memref<!tpu.dma_semaphore, #tpu.memory_space<semaphore_mem>>, %arg19: memref<!tpu.dma_semaphore, #tpu.memory_space<semaphore_mem>>, %arg20: memref<!tpu.dma_semaphore, #tpu.memory_space<semaphore_mem>>, %arg21: memref<!tpu.dma_semaphore, #tpu.memory_space<semaphore_mem>>, %arg22: memref<!tpu.dma_semaphore, #tpu.memory_space<semaphore_mem>>, %arg23: memref<!tpu.dma_semaphore, #tpu.memory_space<semaphore_mem>>, %arg24: memref<!tpu.dma_semaphore, #tpu.memory_space<semaphore_mem>>, %arg25: memref<!tpu.dma_semaphore, #tpu.memory_space<semaphore_mem>>, %arg26: memref<!tpu.dma_semaphore, #tpu.memory_space<semaphore_mem>>, %arg27: memref<!tpu.dma_semaphore, #tpu.memory_space<semaphore_mem>>, %arg28: memref<!tpu.dma_semaphore, #tpu.memory_space<semaphore_mem>>, %arg29: memref<!tpu.dma_semaphore, #tpu.memory_space<semaphore_mem>>, %arg30: memref<!tpu.dma_semaphore, #tpu.memory_space<semaphore_mem>>) attributes {dimension_semantics = [#tpu.dimension_semantics<core_parallel>, #tpu.dimension_semantics<subcore_parallel>], iteration_bounds = array<i64: 2, 16>, scalar_prefetch = 0 : i64, scratch_operands = 22 : i64, tpu.core_type = #tpu.core_type<sc_vector_subcore>, window_params = [{transform_indices = #map}, {transform_indices = #map}, {transform_indices = #map1}, {transform_indices = #map}, {transform_indices = #map}, {transform_indices = #map1}, {transform_indices = #map1}]} {
    %mul3A = arith.constant 2 : i32
    %mul3A_0 = arith.muli %arg1, %mul3A : i32
    %add3A = arith.addi %mul3A_0, %arg0 : i32
    %mul3A_1 = arith.constant 632 : i32
    %mul3A_2 = arith.muli %arg1, %mul3A_1 : i32
    "tpu.region"() ({
      %run_scoped3A = tpu.sem_alloc : memref<!tpu.dma_semaphore, #tpu.memory_space<semaphore_mem>>
      %dma_start3A_249 = arith.constant 0 : i32
      %dma_start3A_250 = tpu.memref_slice %arg13[%mul3A_2, %dma_start3A_249] : memref<10112x128xf32, #tpu.memory_space<vmem_shared>> -> memref<632x128xf32, #tpu.memory_space<vmem_shared>>
      tpu.enqueue_dma source(%arg5 : memref<632x128xf32, #tpu.memory_space<hbm>>) target(%dma_start3A_250 : memref<632x128xf32, #tpu.memory_space<vmem_shared>>) target_semaphore(%run_scoped3A : memref<!tpu.dma_semaphore, #tpu.memory_space<semaphore_mem>>)
      %dma_wait3A_251 = arith.constant 0 : i32
      %dma_wait3A_252 = tpu.memref_slice %arg13[%mul3A_2, %dma_wait3A_251] : memref<10112x128xf32, #tpu.memory_space<vmem_shared>> -> memref<632x128xf32, #tpu.memory_space<vmem_shared>>
      tpu.wait_dma2 semaphore(%run_scoped3A : memref<!tpu.dma_semaphore, #tpu.memory_space<semaphore_mem>>) src(%arg5 : memref<632x128xf32, #tpu.memory_space<hbm>>) dst(%dma_wait3A_252 : memref<632x128xf32, #tpu.memory_space<vmem_shared>>)
      tpu.yield
    }) : () -> ()
    %mul3A_3 = arith.constant 632 : i32
    %mul3A_4 = arith.muli %arg1, %mul3A_3 : i32
    "tpu.region"() ({
      %run_scoped3A = tpu.sem_alloc : memref<!tpu.dma_semaphore, #tpu.memory_space<semaphore_mem>>
      %dma_start3A_249 = arith.constant 0 : i32
      %dma_start3A_250 = tpu.memref_slice %arg14[%mul3A_4, %dma_start3A_249] : memref<10112x8xf32, #tpu.memory_space<vmem_shared>> -> memref<632x8xf32, #tpu.memory_space<vmem_shared>>
      tpu.enqueue_dma source(%arg6 : memref<632x8xf32, #tpu.memory_space<hbm>>) target(%dma_start3A_250 : memref<632x8xf32, #tpu.memory_space<vmem_shared>>) target_semaphore(%run_scoped3A : memref<!tpu.dma_semaphore, #tpu.memory_space<semaphore_mem>>)
      %dma_wait3A_251 = arith.constant 0 : i32
      %dma_wait3A_252 = tpu.memref_slice %arg14[%mul3A_4, %dma_wait3A_251] : memref<10112x8xf32, #tpu.memory_space<vmem_shared>> -> memref<632x8xf32, #tpu.memory_space<vmem_shared>>
      tpu.wait_dma2 semaphore(%run_scoped3A : memref<!tpu.dma_semaphore, #tpu.memory_space<semaphore_mem>>) src(%arg6 : memref<632x8xf32, #tpu.memory_space<hbm>>) dst(%dma_wait3A_252 : memref<632x8xf32, #tpu.memory_space<vmem_shared>>)
      tpu.yield
    }) : () -> ()
    %barrier3A = arith.constant 0 : index
    tpu.barrier barrier_id(%barrier3A)
    %mul3A_5 = arith.constant 125 : i32
    %mul3A_6 = arith.muli %add3A, %mul3A_5 : i32
    %add3A_7 = arith.constant 0 : i32
    %add3A_8 = arith.addi %mul3A_6, %add3A_7 : i32
    %dma_start3A = arith.constant 0 : i32
    %dma_start3A_9 = arith.constant 0 : i32
    %dma_start3A_10 = arith.constant 0 : i32
    %dma_start3A_11 = tpu.memref_slice %arg9[%dma_start3A_9, %dma_start3A_10] : memref<4x80xi32, #tpu.memory_space<vmem>> -> memref<1x80xi32, #tpu.memory_space<vmem>>
    %dma_start3A_12 = arith.constant 0 : i32
    %dma_start3A_13 = tpu.memref_slice %arg4[%dma_start3A, %add3A_8, %dma_start3A_12] : memref<2x4000x80xi32, #tpu.memory_space<hbm>> -> memref<1x1x80xi32, #tpu.memory_space<hbm>>
    %dma_start3A_14 = tpu.memref_squeeze %dma_start3A_13 : memref<1x1x80xi32, #tpu.memory_space<hbm>> -> memref<1x80xi32, #tpu.memory_space<hbm>>
    %dma_start3A_15 = arith.constant 0 : i32
    %dma_start3A_16 = arith.constant 0 : i32
    %dma_start3A_17 = tpu.memref_slice %arg9[%dma_start3A_15, %dma_start3A_16] : memref<4x80xi32, #tpu.memory_space<vmem>> -> memref<1x80xi32, #tpu.memory_space<vmem>>
    %dma_start3A_18 = arith.constant 0 : i32
    %dma_start3A_19 = tpu.memref_slice %arg4[%dma_start3A, %add3A_8, %dma_start3A_18] : memref<2x4000x80xi32, #tpu.memory_space<hbm>> -> memref<1x1x80xi32, #tpu.memory_space<hbm>>
    %dma_start3A_20 = tpu.memref_squeeze %dma_start3A_19 : memref<1x1x80xi32, #tpu.memory_space<hbm>> -> memref<1x80xi32, #tpu.memory_space<hbm>>
    tpu.enqueue_dma source(%dma_start3A_20 : memref<1x80xi32, #tpu.memory_space<hbm>>) target(%dma_start3A_17 : memref<1x80xi32, #tpu.memory_space<vmem>>) target_semaphore(%arg23 : memref<!tpu.dma_semaphore, #tpu.memory_space<semaphore_mem>>)
    %mul3A_21 = arith.constant 125 : i32
    %mul3A_22 = arith.muli %add3A, %mul3A_21 : i32
    %add3A_23 = arith.constant 1 : i32
    %add3A_24 = arith.addi %mul3A_22, %add3A_23 : i32
    %dma_start3A_25 = arith.constant 0 : i32
    %dma_start3A_26 = arith.constant 1 : i32
    %dma_start3A_27 = arith.constant 0 : i32
    %dma_start3A_28 = tpu.memref_slice %arg9[%dma_start3A_26, %dma_start3A_27] : memref<4x80xi32, #tpu.memory_space<vmem>> -> memref<1x80xi32, #tpu.memory_space<vmem>>
    %dma_start3A_29 = arith.constant 0 : i32
    %dma_start3A_30 = tpu.memref_slice %arg4[%dma_start3A_25, %add3A_24, %dma_start3A_29] : memref<2x4000x80xi32, #tpu.memory_space<hbm>> -> memref<1x1x80xi32, #tpu.memory_space<hbm>>
    %dma_start3A_31 = tpu.memref_squeeze %dma_start3A_30 : memref<1x1x80xi32, #tpu.memory_space<hbm>> -> memref<1x80xi32, #tpu.memory_space<hbm>>
    %dma_start3A_32 = arith.constant 1 : i32
    %dma_start3A_33 = arith.constant 0 : i32
    %dma_start3A_34 = tpu.memref_slice %arg9[%dma_start3A_32, %dma_start3A_33] : memref<4x80xi32, #tpu.memory_space<vmem>> -> memref<1x80xi32, #tpu.memory_space<vmem>>
    %dma_start3A_35 = arith.constant 0 : i32
    %dma_start3A_36 = tpu.memref_slice %arg4[%dma_start3A_25, %add3A_24, %dma_start3A_35] : memref<2x4000x80xi32, #tpu.memory_space<hbm>> -> memref<1x1x80xi32, #tpu.memory_space<hbm>>
    %dma_start3A_37 = tpu.memref_squeeze %dma_start3A_36 : memref<1x1x80xi32, #tpu.memory_space<hbm>> -> memref<1x80xi32, #tpu.memory_space<hbm>>
    tpu.enqueue_dma source(%dma_start3A_37 : memref<1x80xi32, #tpu.memory_space<hbm>>) target(%dma_start3A_34 : memref<1x80xi32, #tpu.memory_space<vmem>>) target_semaphore(%arg24 : memref<!tpu.dma_semaphore, #tpu.memory_space<semaphore_mem>>)
    %mul3A_38 = arith.constant 125 : i32
    %mul3A_39 = arith.muli %add3A, %mul3A_38 : i32
    %add3A_40 = arith.constant 2 : i32
    %add3A_41 = arith.addi %mul3A_39, %add3A_40 : i32
    %dma_start3A_42 = arith.constant 0 : i32
    %dma_start3A_43 = arith.constant 2 : i32
    %dma_start3A_44 = arith.constant 0 : i32
    %dma_start3A_45 = tpu.memref_slice %arg9[%dma_start3A_43, %dma_start3A_44] : memref<4x80xi32, #tpu.memory_space<vmem>> -> memref<1x80xi32, #tpu.memory_space<vmem>>
    %dma_start3A_46 = arith.constant 0 : i32
    %dma_start3A_47 = tpu.memref_slice %arg4[%dma_start3A_42, %add3A_41, %dma_start3A_46] : memref<2x4000x80xi32, #tpu.memory_space<hbm>> -> memref<1x1x80xi32, #tpu.memory_space<hbm>>
    %dma_start3A_48 = tpu.memref_squeeze %dma_start3A_47 : memref<1x1x80xi32, #tpu.memory_space<hbm>> -> memref<1x80xi32, #tpu.memory_space<hbm>>
    %dma_start3A_49 = arith.constant 2 : i32
    %dma_start3A_50 = arith.constant 0 : i32
    %dma_start3A_51 = tpu.memref_slice %arg9[%dma_start3A_49, %dma_start3A_50] : memref<4x80xi32, #tpu.memory_space<vmem>> -> memref<1x80xi32, #tpu.memory_space<vmem>>
    %dma_start3A_52 = arith.constant 0 : i32
    %dma_start3A_53 = tpu.memref_slice %arg4[%dma_start3A_42, %add3A_41, %dma_start3A_52] : memref<2x4000x80xi32, #tpu.memory_space<hbm>> -> memref<1x1x80xi32, #tpu.memory_space<hbm>>
    %dma_start3A_54 = tpu.memref_squeeze %dma_start3A_53 : memref<1x1x80xi32, #tpu.memory_space<hbm>> -> memref<1x80xi32, #tpu.memory_space<hbm>>
    tpu.enqueue_dma source(%dma_start3A_54 : memref<1x80xi32, #tpu.memory_space<hbm>>) target(%dma_start3A_51 : memref<1x80xi32, #tpu.memory_space<vmem>>) target_semaphore(%arg25 : memref<!tpu.dma_semaphore, #tpu.memory_space<semaphore_mem>>)
    %mul3A_55 = arith.constant 125 : i32
    %mul3A_56 = arith.muli %add3A, %mul3A_55 : i32
    %add3A_57 = arith.constant 3 : i32
    %add3A_58 = arith.addi %mul3A_56, %add3A_57 : i32
    %dma_start3A_59 = arith.constant 0 : i32
    %dma_start3A_60 = arith.constant 3 : i32
    %dma_start3A_61 = arith.constant 0 : i32
    %dma_start3A_62 = tpu.memref_slice %arg9[%dma_start3A_60, %dma_start3A_61] : memref<4x80xi32, #tpu.memory_space<vmem>> -> memref<1x80xi32, #tpu.memory_space<vmem>>
    %dma_start3A_63 = arith.constant 0 : i32
    %dma_start3A_64 = tpu.memref_slice %arg4[%dma_start3A_59, %add3A_58, %dma_start3A_63] : memref<2x4000x80xi32, #tpu.memory_space<hbm>> -> memref<1x1x80xi32, #tpu.memory_space<hbm>>
    %dma_start3A_65 = tpu.memref_squeeze %dma_start3A_64 : memref<1x1x80xi32, #tpu.memory_space<hbm>> -> memref<1x80xi32, #tpu.memory_space<hbm>>
    %dma_start3A_66 = arith.constant 3 : i32
    %dma_start3A_67 = arith.constant 0 : i32
    %dma_start3A_68 = tpu.memref_slice %arg9[%dma_start3A_66, %dma_start3A_67] : memref<4x80xi32, #tpu.memory_space<vmem>> -> memref<1x80xi32, #tpu.memory_space<vmem>>
    %dma_start3A_69 = arith.constant 0 : i32
    %dma_start3A_70 = tpu.memref_slice %arg4[%dma_start3A_59, %add3A_58, %dma_start3A_69] : memref<2x4000x80xi32, #tpu.memory_space<hbm>> -> memref<1x1x80xi32, #tpu.memory_space<hbm>>
    %dma_start3A_71 = tpu.memref_squeeze %dma_start3A_70 : memref<1x1x80xi32, #tpu.memory_space<hbm>> -> memref<1x80xi32, #tpu.memory_space<hbm>>
    tpu.enqueue_dma source(%dma_start3A_71 : memref<1x80xi32, #tpu.memory_space<hbm>>) target(%dma_start3A_68 : memref<1x80xi32, #tpu.memory_space<vmem>>) target_semaphore(%arg26 : memref<!tpu.dma_semaphore, #tpu.memory_space<semaphore_mem>>)
    %mul3A_72 = arith.constant 125 : i32
    %mul3A_73 = arith.muli %add3A, %mul3A_72 : i32
    %add3A_74 = arith.constant 0 : i32
    %add3A_75 = arith.addi %mul3A_73, %add3A_74 : i32
    %dma_start3A_76 = arith.constant 1 : i32
    %dma_start3A_77 = arith.constant 0 : i32
    %dma_start3A_78 = arith.constant 0 : i32
    %dma_start3A_79 = tpu.memref_slice %arg10[%dma_start3A_77, %dma_start3A_78] : memref<4x80xi32, #tpu.memory_space<vmem>> -> memref<1x80xi32, #tpu.memory_space<vmem>>
    %dma_start3A_80 = arith.constant 0 : i32
    %dma_start3A_81 = tpu.memref_slice %arg4[%dma_start3A_76, %add3A_75, %dma_start3A_80] : memref<2x4000x80xi32, #tpu.memory_space<hbm>> -> memref<1x1x80xi32, #tpu.memory_space<hbm>>
    %dma_start3A_82 = tpu.memref_squeeze %dma_start3A_81 : memref<1x1x80xi32, #tpu.memory_space<hbm>> -> memref<1x80xi32, #tpu.memory_space<hbm>>
    %dma_start3A_83 = arith.constant 0 : i32
    %dma_start3A_84 = arith.constant 0 : i32
    %dma_start3A_85 = tpu.memref_slice %arg10[%dma_start3A_83, %dma_start3A_84] : memref<4x80xi32, #tpu.memory_space<vmem>> -> memref<1x80xi32, #tpu.memory_space<vmem>>
    %dma_start3A_86 = arith.constant 0 : i32
    %dma_start3A_87 = tpu.memref_slice %arg4[%dma_start3A_76, %add3A_75, %dma_start3A_86] : memref<2x4000x80xi32, #tpu.memory_space<hbm>> -> memref<1x1x80xi32, #tpu.memory_space<hbm>>
    %dma_start3A_88 = tpu.memref_squeeze %dma_start3A_87 : memref<1x1x80xi32, #tpu.memory_space<hbm>> -> memref<1x80xi32, #tpu.memory_space<hbm>>
    tpu.enqueue_dma source(%dma_start3A_88 : memref<1x80xi32, #tpu.memory_space<hbm>>) target(%dma_start3A_85 : memref<1x80xi32, #tpu.memory_space<vmem>>) target_semaphore(%arg27 : memref<!tpu.dma_semaphore, #tpu.memory_space<semaphore_mem>>)
    %mul3A_89 = arith.constant 125 : i32
    %mul3A_90 = arith.muli %add3A, %mul3A_89 : i32
    %add3A_91 = arith.constant 1 : i32
    %add3A_92 = arith.addi %mul3A_90, %add3A_91 : i32
    %dma_start3A_93 = arith.constant 1 : i32
    %dma_start3A_94 = arith.constant 1 : i32
    %dma_start3A_95 = arith.constant 0 : i32
    %dma_start3A_96 = tpu.memref_slice %arg10[%dma_start3A_94, %dma_start3A_95] : memref<4x80xi32, #tpu.memory_space<vmem>> -> memref<1x80xi32, #tpu.memory_space<vmem>>
    %dma_start3A_97 = arith.constant 0 : i32
    %dma_start3A_98 = tpu.memref_slice %arg4[%dma_start3A_93, %add3A_92, %dma_start3A_97] : memref<2x4000x80xi32, #tpu.memory_space<hbm>> -> memref<1x1x80xi32, #tpu.memory_space<hbm>>
    %dma_start3A_99 = tpu.memref_squeeze %dma_start3A_98 : memref<1x1x80xi32, #tpu.memory_space<hbm>> -> memref<1x80xi32, #tpu.memory_space<hbm>>
    %dma_start3A_100 = arith.constant 1 : i32
    %dma_start3A_101 = arith.constant 0 : i32
    %dma_start3A_102 = tpu.memref_slice %arg10[%dma_start3A_100, %dma_start3A_101] : memref<4x80xi32, #tpu.memory_space<vmem>> -> memref<1x80xi32, #tpu.memory_space<vmem>>
    %dma_start3A_103 = arith.constant 0 : i32
    %dma_start3A_104 = tpu.memref_slice %arg4[%dma_start3A_93, %add3A_92, %dma_start3A_103] : memref<2x4000x80xi32, #tpu.memory_space<hbm>> -> memref<1x1x80xi32, #tpu.memory_space<hbm>>
    %dma_start3A_105 = tpu.memref_squeeze %dma_start3A_104 : memref<1x1x80xi32, #tpu.memory_space<hbm>> -> memref<1x80xi32, #tpu.memory_space<hbm>>
    tpu.enqueue_dma source(%dma_start3A_105 : memref<1x80xi32, #tpu.memory_space<hbm>>) target(%dma_start3A_102 : memref<1x80xi32, #tpu.memory_space<vmem>>) target_semaphore(%arg28 : memref<!tpu.dma_semaphore, #tpu.memory_space<semaphore_mem>>)
    %mul3A_106 = arith.constant 125 : i32
    %mul3A_107 = arith.muli %add3A, %mul3A_106 : i32
    %add3A_108 = arith.constant 0 : i32
    %add3A_109 = arith.addi %mul3A_107, %add3A_108 : i32
    %dma_wait3A = arith.constant 0 : i32
    %dma_wait3A_110 = arith.constant 0 : i32
    %dma_wait3A_111 = arith.constant 0 : i32
    %dma_wait3A_112 = tpu.memref_slice %arg9[%dma_wait3A_110, %dma_wait3A_111] : memref<4x80xi32, #tpu.memory_space<vmem>> -> memref<1x80xi32, #tpu.memory_space<vmem>>
    %dma_wait3A_113 = arith.constant 0 : i32
    %dma_wait3A_114 = tpu.memref_slice %arg4[%dma_wait3A, %add3A_109, %dma_wait3A_113] : memref<2x4000x80xi32, #tpu.memory_space<hbm>> -> memref<1x1x80xi32, #tpu.memory_space<hbm>>
    %dma_wait3A_115 = tpu.memref_squeeze %dma_wait3A_114 : memref<1x1x80xi32, #tpu.memory_space<hbm>> -> memref<1x80xi32, #tpu.memory_space<hbm>>
    %dma_wait3A_116 = arith.constant 0 : i32
    %dma_wait3A_117 = arith.constant 0 : i32
    %dma_wait3A_118 = tpu.memref_slice %arg9[%dma_wait3A_116, %dma_wait3A_117] : memref<4x80xi32, #tpu.memory_space<vmem>> -> memref<1x80xi32, #tpu.memory_space<vmem>>
    %dma_wait3A_119 = arith.constant 0 : i32
    %dma_wait3A_120 = tpu.memref_slice %arg4[%dma_wait3A, %add3A_109, %dma_wait3A_119] : memref<2x4000x80xi32, #tpu.memory_space<hbm>> -> memref<1x1x80xi32, #tpu.memory_space<hbm>>
    %dma_wait3A_121 = tpu.memref_squeeze %dma_wait3A_120 : memref<1x1x80xi32, #tpu.memory_space<hbm>> -> memref<1x80xi32, #tpu.memory_space<hbm>>
    tpu.wait_dma2 semaphore(%arg23 : memref<!tpu.dma_semaphore, #tpu.memory_space<semaphore_mem>>) src(%dma_wait3A_121 : memref<1x80xi32, #tpu.memory_space<hbm>>) dst(%dma_wait3A_118 : memref<1x80xi32, #tpu.memory_space<vmem>>)
    %dma_start3A_122 = arith.constant 0 : i32
    %dma_start3A_123 = arith.constant 0 : i32
    %dma_start3A_124 = arith.constant 0 : i32
    %dma_start3A_125 = arith.constant 0 : i32
    %dma_start3A_126 = tpu.memref_slice %arg11[%dma_start3A_123, %dma_start3A_124, %dma_start3A_125] : memref<4x80x128xf32, #tpu.memory_space<vmem>> -> memref<1x80x128xf32, #tpu.memory_space<vmem>>
    %dma_start3A_127 = tpu.memref_squeeze %dma_start3A_126 : memref<1x80x128xf32, #tpu.memory_space<vmem>> -> memref<80x128xf32, #tpu.memory_space<vmem>>
    %dma_start3A_128 = arith.constant 0 : i32
    %dma_start3A_129 = tpu.memref_slice %arg9[%dma_start3A_122, %dma_start3A_128] : memref<4x80xi32, #tpu.memory_space<vmem>> -> memref<1x80xi32, #tpu.memory_space<vmem>>
    %dma_start3A_130 = tpu.memref_squeeze %dma_start3A_129 : memref<1x80xi32, #tpu.memory_space<vmem>> -> memref<80xi32, #tpu.memory_space<vmem>>
    %dma_start3A_131 = arith.constant 0 : i32
    %dma_start3A_132 = arith.constant 0 : i32
    %dma_start3A_133 = tpu.memref_slice %arg2[%dma_start3A_131, %dma_start3A_132] : memref<10000x128xf32, #tpu.memory_space<hbm>> -> memref<10000x128xf32, #tpu.memory_space<hbm>>
    tpu.enqueue_indirect_dma source(%dma_start3A_133 : memref<10000x128xf32, #tpu.memory_space<hbm>>) target(%dma_start3A_127 : memref<80x128xf32, #tpu.memory_space<vmem>>) offsets(%dma_start3A_130 : memref<80xi32, #tpu.memory_space<vmem>>) semaphore(%arg15 : memref<!tpu.dma_semaphore, #tpu.memory_space<semaphore_mem>>)
    %dma_start3A_134 = arith.constant 0 : i32
    %dma_start3A_135 = arith.constant 0 : i32
    %dma_start3A_136 = arith.constant 0 : i32
    %dma_start3A_137 = arith.constant 0 : i32
    %dma_start3A_138 = tpu.memref_slice %arg12[%dma_start3A_135, %dma_start3A_136, %dma_start3A_137] : memref<4x80x8xf32, #tpu.memory_space<vmem>> -> memref<1x80x8xf32, #tpu.memory_space<vmem>>
    %dma_start3A_139 = tpu.memref_squeeze %dma_start3A_138 : memref<1x80x8xf32, #tpu.memory_space<vmem>> -> memref<80x8xf32, #tpu.memory_space<vmem>>
    %dma_start3A_140 = arith.constant 0 : i32
    %dma_start3A_141 = tpu.memref_slice %arg9[%dma_start3A_134, %dma_start3A_140] : memref<4x80xi32, #tpu.memory_space<vmem>> -> memref<1x80xi32, #tpu.memory_space<vmem>>
    %dma_start3A_142 = tpu.memref_squeeze %dma_start3A_141 : memref<1x80xi32, #tpu.memory_space<vmem>> -> memref<80xi32, #tpu.memory_space<vmem>>
    %dma_start3A_143 = arith.constant 0 : i32
    %dma_start3A_144 = arith.constant 0 : i32
    %dma_start3A_145 = tpu.memref_slice %arg3[%dma_start3A_143, %dma_start3A_144] : memref<10000x8xf32, #tpu.memory_space<hbm>> -> memref<10000x8xf32, #tpu.memory_space<hbm>>
    tpu.enqueue_indirect_dma source(%dma_start3A_145 : memref<10000x8xf32, #tpu.memory_space<hbm>>) target(%dma_start3A_139 : memref<80x8xf32, #tpu.memory_space<vmem>>) offsets(%dma_start3A_142 : memref<80xi32, #tpu.memory_space<vmem>>) semaphore(%arg15 : memref<!tpu.dma_semaphore, #tpu.memory_space<semaphore_mem>>)
    %mul3A_146 = arith.constant 125 : i32
    %mul3A_147 = arith.muli %add3A, %mul3A_146 : i32
    %add3A_148 = arith.constant 1 : i32
    %add3A_149 = arith.addi %mul3A_147, %add3A_148 : i32
    %dma_wait3A_150 = arith.constant 0 : i32
    %dma_wait3A_151 = arith.constant 1 : i32
    %dma_wait3A_152 = arith.constant 0 : i32
    %dma_wait3A_153 = tpu.memref_slice %arg9[%dma_wait3A_151, %dma_wait3A_152] : memref<4x80xi32, #tpu.memory_space<vmem>> -> memref<1x80xi32, #tpu.memory_space<vmem>>
    %dma_wait3A_154 = arith.constant 0 : i32
    %dma_wait3A_155 = tpu.memref_slice %arg4[%dma_wait3A_150, %add3A_149, %dma_wait3A_154] : memref<2x4000x80xi32, #tpu.memory_space<hbm>> -> memref<1x1x80xi32, #tpu.memory_space<hbm>>
    %dma_wait3A_156 = tpu.memref_squeeze %dma_wait3A_155 : memref<1x1x80xi32, #tpu.memory_space<hbm>> -> memref<1x80xi32, #tpu.memory_space<hbm>>
    %dma_wait3A_157 = arith.constant 1 : i32
    %dma_wait3A_158 = arith.constant 0 : i32
    %dma_wait3A_159 = tpu.memref_slice %arg9[%dma_wait3A_157, %dma_wait3A_158] : memref<4x80xi32, #tpu.memory_space<vmem>> -> memref<1x80xi32, #tpu.memory_space<vmem>>
    %dma_wait3A_160 = arith.constant 0 : i32
    %dma_wait3A_161 = tpu.memref_slice %arg4[%dma_wait3A_150, %add3A_149, %dma_wait3A_160] : memref<2x4000x80xi32, #tpu.memory_space<hbm>> -> memref<1x1x80xi32, #tpu.memory_space<hbm>>
    %dma_wait3A_162 = tpu.memref_squeeze %dma_wait3A_161 : memref<1x1x80xi32, #tpu.memory_space<hbm>> -> memref<1x80xi32, #tpu.memory_space<hbm>>
    tpu.wait_dma2 semaphore(%arg24 : memref<!tpu.dma_semaphore, #tpu.memory_space<semaphore_mem>>) src(%dma_wait3A_162 : memref<1x80xi32, #tpu.memory_space<hbm>>) dst(%dma_wait3A_159 : memref<1x80xi32, #tpu.memory_space<vmem>>)
    %dma_start3A_163 = arith.constant 1 : i32
    %dma_start3A_164 = arith.constant 1 : i32
    %dma_start3A_165 = arith.constant 0 : i32
    %dma_start3A_166 = arith.constant 0 : i32
    %dma_start3A_167 = tpu.memref_slice %arg11[%dma_start3A_164, %dma_start3A_165, %dma_start3A_166] : memref<4x80x128xf32, #tpu.memory_space<vmem>> -> memref<1x80x128xf32, #tpu.memory_space<vmem>>
    %dma_start3A_168 = tpu.memref_squeeze %dma_start3A_167 : memref<1x80x128xf32, #tpu.memory_space<vmem>> -> memref<80x128xf32, #tpu.memory_space<vmem>>
    %dma_start3A_169 = arith.constant 0 : i32
    %dma_start3A_170 = tpu.memref_slice %arg9[%dma_start3A_163, %dma_start3A_169] : memref<4x80xi32, #tpu.memory_space<vmem>> -> memref<1x80xi32, #tpu.memory_space<vmem>>
    %dma_start3A_171 = tpu.memref_squeeze %dma_start3A_170 : memref<1x80xi32, #tpu.memory_space<vmem>> -> memref<80xi32, #tpu.memory_space<vmem>>
    %dma_start3A_172 = arith.constant 0 : i32
    %dma_start3A_173 = arith.constant 0 : i32
    %dma_start3A_174 = tpu.memref_slice %arg2[%dma_start3A_172, %dma_start3A_173] : memref<10000x128xf32, #tpu.memory_space<hbm>> -> memref<10000x128xf32, #tpu.memory_space<hbm>>
    tpu.enqueue_indirect_dma source(%dma_start3A_174 : memref<10000x128xf32, #tpu.memory_space<hbm>>) target(%dma_start3A_168 : memref<80x128xf32, #tpu.memory_space<vmem>>) offsets(%dma_start3A_171 : memref<80xi32, #tpu.memory_space<vmem>>) semaphore(%arg16 : memref<!tpu.dma_semaphore, #tpu.memory_space<semaphore_mem>>)
    %dma_start3A_175 = arith.constant 1 : i32
    %dma_start3A_176 = arith.constant 1 : i32
    %dma_start3A_177 = arith.constant 0 : i32
    %dma_start3A_178 = arith.constant 0 : i32
    %dma_start3A_179 = tpu.memref_slice %arg12[%dma_start3A_176, %dma_start3A_177, %dma_start3A_178] : memref<4x80x8xf32, #tpu.memory_space<vmem>> -> memref<1x80x8xf32, #tpu.memory_space<vmem>>
    %dma_start3A_180 = tpu.memref_squeeze %dma_start3A_179 : memref<1x80x8xf32, #tpu.memory_space<vmem>> -> memref<80x8xf32, #tpu.memory_space<vmem>>
    %dma_start3A_181 = arith.constant 0 : i32
    %dma_start3A_182 = tpu.memref_slice %arg9[%dma_start3A_175, %dma_start3A_181] : memref<4x80xi32, #tpu.memory_space<vmem>> -> memref<1x80xi32, #tpu.memory_space<vmem>>
    %dma_start3A_183 = tpu.memref_squeeze %dma_start3A_182 : memref<1x80xi32, #tpu.memory_space<vmem>> -> memref<80xi32, #tpu.memory_space<vmem>>
    %dma_start3A_184 = arith.constant 0 : i32
    %dma_start3A_185 = arith.constant 0 : i32
    %dma_start3A_186 = tpu.memref_slice %arg3[%dma_start3A_184, %dma_start3A_185] : memref<10000x8xf32, #tpu.memory_space<hbm>> -> memref<10000x8xf32, #tpu.memory_space<hbm>>
    tpu.enqueue_indirect_dma source(%dma_start3A_186 : memref<10000x8xf32, #tpu.memory_space<hbm>>) target(%dma_start3A_180 : memref<80x8xf32, #tpu.memory_space<vmem>>) offsets(%dma_start3A_183 : memref<80xi32, #tpu.memory_space<vmem>>) semaphore(%arg16 : memref<!tpu.dma_semaphore, #tpu.memory_space<semaphore_mem>>)
    %scan3A = arith.constant 0 : i32
    %scan3A_187 = arith.constant 0 : i32
    %scan3A_188 = arith.constant 32 : i32
    %scan3A_189 = arith.addi %scan3A_187, %scan3A_188 : i32
    %scan3A_190 = arith.constant 1 : i32
    scf.for %scan3A_249 = %scan3A_187 to %scan3A_189 step %scan3A_190  : i32 {
      %mul3A_250 = arith.constant 4 : i32
      %mul3A_251 = arith.muli %mul3A_250, %scan3A_249 : i32
      %add3A_252 = arith.constant 0 : i32
      %add3A_253 = arith.addi %mul3A_251, %add3A_252 : i32
      %lt3A = arith.constant 125 : i32
      %lt3A_254 = arith.cmpi slt, %add3A_253, %lt3A : i32
      %convert_element_type3A = arith.extui %lt3A_254 : i1 to i32
      %cond3A = arith.constant 0 : i32
      %cond3A_255 = arith.cmpi ne, %convert_element_type3A, %cond3A : i32
      scf.if %cond3A_255 {
        %dma_wait3A_283 = arith.constant 0 : i32
        %dma_wait3A_284 = arith.constant 0 : i32
        %dma_wait3A_285 = arith.constant 0 : i32
        %dma_wait3A_286 = arith.constant 0 : i32
        %dma_wait3A_287 = tpu.memref_slice %arg11[%dma_wait3A_284, %dma_wait3A_285, %dma_wait3A_286] : memref<4x80x128xf32, #tpu.memory_space<vmem>> -> memref<1x80x128xf32, #tpu.memory_space<vmem>>
        %dma_wait3A_288 = tpu.memref_squeeze %dma_wait3A_287 : memref<1x80x128xf32, #tpu.memory_space<vmem>> -> memref<80x128xf32, #tpu.memory_space<vmem>>
        %dma_wait3A_289 = arith.constant 0 : i32
        %dma_wait3A_290 = tpu.memref_slice %arg9[%dma_wait3A_283, %dma_wait3A_289] : memref<4x80xi32, #tpu.memory_space<vmem>> -> memref<1x80xi32, #tpu.memory_space<vmem>>
        %dma_wait3A_291 = tpu.memref_squeeze %dma_wait3A_290 : memref<1x80xi32, #tpu.memory_space<vmem>> -> memref<80xi32, #tpu.memory_space<vmem>>
        %dma_wait3A_292 = arith.constant 0 : i32
        %dma_wait3A_293 = arith.constant 0 : i32
        %dma_wait3A_294 = tpu.memref_slice %arg2[%dma_wait3A_292, %dma_wait3A_293] : memref<10000x128xf32, #tpu.memory_space<hbm>> -> memref<10000x128xf32, #tpu.memory_space<hbm>>
        tpu.wait_indirect_dma semaphore(%arg15 : memref<!tpu.dma_semaphore, #tpu.memory_space<semaphore_mem>>) src(%dma_wait3A_294 : memref<10000x128xf32, #tpu.memory_space<hbm>>) dst(%dma_wait3A_288 : memref<80x128xf32, #tpu.memory_space<vmem>>)
        %dma_wait3A_295 = arith.constant 0 : i32
        %dma_wait3A_296 = arith.constant 0 : i32
        %dma_wait3A_297 = arith.constant 0 : i32
        %dma_wait3A_298 = arith.constant 0 : i32
        %dma_wait3A_299 = tpu.memref_slice %arg12[%dma_wait3A_296, %dma_wait3A_297, %dma_wait3A_298] : memref<4x80x8xf32, #tpu.memory_space<vmem>> -> memref<1x80x8xf32, #tpu.memory_space<vmem>>
        %dma_wait3A_300 = tpu.memref_squeeze %dma_wait3A_299 : memref<1x80x8xf32, #tpu.memory_space<vmem>> -> memref<80x8xf32, #tpu.memory_space<vmem>>
        %dma_wait3A_301 = arith.constant 0 : i32
        %dma_wait3A_302 = tpu.memref_slice %arg9[%dma_wait3A_295, %dma_wait3A_301] : memref<4x80xi32, #tpu.memory_space<vmem>> -> memref<1x80xi32, #tpu.memory_space<vmem>>
        %dma_wait3A_303 = tpu.memref_squeeze %dma_wait3A_302 : memref<1x80xi32, #tpu.memory_space<vmem>> -> memref<80xi32, #tpu.memory_space<vmem>>
        %dma_wait3A_304 = arith.constant 0 : i32
        %dma_wait3A_305 = arith.constant 0 : i32
        %dma_wait3A_306 = tpu.memref_slice %arg3[%dma_wait3A_304, %dma_wait3A_305] : memref<10000x8xf32, #tpu.memory_space<hbm>> -> memref<10000x8xf32, #tpu.memory_space<hbm>>
        tpu.wait_indirect_dma semaphore(%arg15 : memref<!tpu.dma_semaphore, #tpu.memory_space<semaphore_mem>>) src(%dma_wait3A_306 : memref<10000x8xf32, #tpu.memory_space<hbm>>) dst(%dma_wait3A_300 : memref<80x8xf32, #tpu.memory_space<vmem>>)
        %add3A_307 = arith.constant 4 : i32
        %add3A_308 = arith.addi %add3A_253, %add3A_307 : i32
        %lt3A_309 = arith.constant 125 : i32
        %lt3A_310 = arith.cmpi slt, %add3A_308, %lt3A_309 : i32
        %convert_element_type3A_311 = arith.extui %lt3A_310 : i1 to i32
        %cond3A_312 = arith.constant 0 : i32
        %cond3A_313 = arith.cmpi ne, %convert_element_type3A_311, %cond3A_312 : i32
        scf.if %cond3A_313 {
          %add3A_365 = arith.constant 4 : i32
          %add3A_366 = arith.addi %add3A_253, %add3A_365 : i32
          %mul3A_367 = arith.constant 125 : i32
          %mul3A_368 = arith.muli %add3A, %mul3A_367 : i32
          %add3A_369 = arith.addi %mul3A_368, %add3A_366 : i32
          %dma_start3A_370 = arith.constant 0 : i32
          %dma_start3A_371 = arith.constant 0 : i32
          %dma_start3A_372 = arith.constant 0 : i32
          %dma_start3A_373 = tpu.memref_slice %arg9[%dma_start3A_371, %dma_start3A_372] : memref<4x80xi32, #tpu.memory_space<vmem>> -> memref<1x80xi32, #tpu.memory_space<vmem>>
          %dma_start3A_374 = arith.constant 0 : i32
          %dma_start3A_375 = tpu.memref_slice %arg4[%dma_start3A_370, %add3A_369, %dma_start3A_374] : memref<2x4000x80xi32, #tpu.memory_space<hbm>> -> memref<1x1x80xi32, #tpu.memory_space<hbm>>
          %dma_start3A_376 = tpu.memref_squeeze %dma_start3A_375 : memref<1x1x80xi32, #tpu.memory_space<hbm>> -> memref<1x80xi32, #tpu.memory_space<hbm>>
          %dma_start3A_377 = arith.constant 0 : i32
          %dma_start3A_378 = arith.constant 0 : i32
          %dma_start3A_379 = tpu.memref_slice %arg9[%dma_start3A_377, %dma_start3A_378] : memref<4x80xi32, #tpu.memory_space<vmem>> -> memref<1x80xi32, #tpu.memory_space<vmem>>
          %dma_start3A_380 = arith.constant 0 : i32
          %dma_start3A_381 = tpu.memref_slice %arg4[%dma_start3A_370, %add3A_369, %dma_start3A_380] : memref<2x4000x80xi32, #tpu.memory_space<hbm>> -> memref<1x1x80xi32, #tpu.memory_space<hbm>>
          %dma_start3A_382 = tpu.memref_squeeze %dma_start3A_381 : memref<1x1x80xi32, #tpu.memory_space<hbm>> -> memref<1x80xi32, #tpu.memory_space<hbm>>
          tpu.enqueue_dma source(%dma_start3A_382 : memref<1x80xi32, #tpu.memory_space<hbm>>) target(%dma_start3A_379 : memref<1x80xi32, #tpu.memory_space<vmem>>) target_semaphore(%arg23 : memref<!tpu.dma_semaphore, #tpu.memory_space<semaphore_mem>>)
        } else {
        }
        %mul3A_314 = arith.constant 125 : i32
        %mul3A_315 = arith.muli %add3A, %mul3A_314 : i32
        %add3A_316 = arith.addi %mul3A_315, %add3A_253 : i32
        %dma_wait3A_317 = arith.constant 1 : i32
        %dma_wait3A_318 = arith.constant 0 : i32
        %dma_wait3A_319 = arith.constant 0 : i32
        %dma_wait3A_320 = tpu.memref_slice %arg10[%dma_wait3A_318, %dma_wait3A_319] : memref<4x80xi32, #tpu.memory_space<vmem>> -> memref<1x80xi32, #tpu.memory_space<vmem>>
        %dma_wait3A_321 = arith.constant 0 : i32
        %dma_wait3A_322 = tpu.memref_slice %arg4[%dma_wait3A_317, %add3A_316, %dma_wait3A_321] : memref<2x4000x80xi32, #tpu.memory_space<hbm>> -> memref<1x1x80xi32, #tpu.memory_space<hbm>>
        %dma_wait3A_323 = tpu.memref_squeeze %dma_wait3A_322 : memref<1x1x80xi32, #tpu.memory_space<hbm>> -> memref<1x80xi32, #tpu.memory_space<hbm>>
        %dma_wait3A_324 = arith.constant 0 : i32
        %dma_wait3A_325 = arith.constant 0 : i32
        %dma_wait3A_326 = tpu.memref_slice %arg10[%dma_wait3A_324, %dma_wait3A_325] : memref<4x80xi32, #tpu.memory_space<vmem>> -> memref<1x80xi32, #tpu.memory_space<vmem>>
        %dma_wait3A_327 = arith.constant 0 : i32
        %dma_wait3A_328 = tpu.memref_slice %arg4[%dma_wait3A_317, %add3A_316, %dma_wait3A_327] : memref<2x4000x80xi32, #tpu.memory_space<hbm>> -> memref<1x1x80xi32, #tpu.memory_space<hbm>>
        %dma_wait3A_329 = tpu.memref_squeeze %dma_wait3A_328 : memref<1x1x80xi32, #tpu.memory_space<hbm>> -> memref<1x80xi32, #tpu.memory_space<hbm>>
        tpu.wait_dma2 semaphore(%arg27 : memref<!tpu.dma_semaphore, #tpu.memory_space<semaphore_mem>>) src(%dma_wait3A_329 : memref<1x80xi32, #tpu.memory_space<hbm>>) dst(%dma_wait3A_326 : memref<1x80xi32, #tpu.memory_space<vmem>>)
        %dma_start3A_330 = arith.constant 0 : i32
        %dma_start3A_331 = arith.constant 0 : i32
        %dma_start3A_332 = arith.constant 0 : i32
        %dma_start3A_333 = arith.constant 0 : i32
        %dma_start3A_334 = tpu.memref_slice %arg11[%dma_start3A_330, %dma_start3A_332, %dma_start3A_333] : memref<4x80x128xf32, #tpu.memory_space<vmem>> -> memref<1x80x128xf32, #tpu.memory_space<vmem>>
        %dma_start3A_335 = tpu.memref_squeeze %dma_start3A_334 : memref<1x80x128xf32, #tpu.memory_space<vmem>> -> memref<80x128xf32, #tpu.memory_space<vmem>>
        %dma_start3A_336 = arith.constant 0 : i32
        %dma_start3A_337 = tpu.memref_slice %arg10[%dma_start3A_331, %dma_start3A_336] : memref<4x80xi32, #tpu.memory_space<vmem>> -> memref<1x80xi32, #tpu.memory_space<vmem>>
        %dma_start3A_338 = tpu.memref_squeeze %dma_start3A_337 : memref<1x80xi32, #tpu.memory_space<vmem>> -> memref<80xi32, #tpu.memory_space<vmem>>
        %dma_start3A_339 = arith.constant 0 : i32
        %dma_start3A_340 = arith.constant 0 : i32
        %dma_start3A_341 = tpu.memref_slice %arg13[%dma_start3A_339, %dma_start3A_340] : memref<10112x128xf32, #tpu.memory_space<vmem_shared>> -> memref<10112x128xf32, #tpu.memory_space<vmem_shared>>
        tpu.enqueue_indirect_dma source(%dma_start3A_335 : memref<80x128xf32, #tpu.memory_space<vmem>>) target(%dma_start3A_341 : memref<10112x128xf32, #tpu.memory_space<vmem_shared>>) offsets(%dma_start3A_338 : memref<80xi32, #tpu.memory_space<vmem>>) semaphore(%arg19 : memref<!tpu.dma_semaphore, #tpu.memory_space<semaphore_mem>>) {add = true}
        %dma_start3A_342 = arith.constant 0 : i32
        %dma_start3A_343 = arith.constant 0 : i32
        %dma_start3A_344 = arith.constant 0 : i32
        %dma_start3A_345 = arith.constant 0 : i32
        %dma_start3A_346 = tpu.memref_slice %arg12[%dma_start3A_342, %dma_start3A_344, %dma_start3A_345] : memref<4x80x8xf32, #tpu.memory_space<vmem>> -> memref<1x80x8xf32, #tpu.memory_space<vmem>>
        %dma_start3A_347 = tpu.memref_squeeze %dma_start3A_346 : memref<1x80x8xf32, #tpu.memory_space<vmem>> -> memref<80x8xf32, #tpu.memory_space<vmem>>
        %dma_start3A_348 = arith.constant 0 : i32
        %dma_start3A_349 = tpu.memref_slice %arg10[%dma_start3A_343, %dma_start3A_348] : memref<4x80xi32, #tpu.memory_space<vmem>> -> memref<1x80xi32, #tpu.memory_space<vmem>>
        %dma_start3A_350 = tpu.memref_squeeze %dma_start3A_349 : memref<1x80xi32, #tpu.memory_space<vmem>> -> memref<80xi32, #tpu.memory_space<vmem>>
        %dma_start3A_351 = arith.constant 0 : i32
        %dma_start3A_352 = arith.constant 0 : i32
        %dma_start3A_353 = tpu.memref_slice %arg14[%dma_start3A_351, %dma_start3A_352] : memref<10112x8xf32, #tpu.memory_space<vmem_shared>> -> memref<10112x8xf32, #tpu.memory_space<vmem_shared>>
        tpu.enqueue_indirect_dma source(%dma_start3A_347 : memref<80x8xf32, #tpu.memory_space<vmem>>) target(%dma_start3A_353 : memref<10112x8xf32, #tpu.memory_space<vmem_shared>>) offsets(%dma_start3A_350 : memref<80xi32, #tpu.memory_space<vmem>>) semaphore(%arg19 : memref<!tpu.dma_semaphore, #tpu.memory_space<semaphore_mem>>) {add = true}
        %ge3A = arith.constant 2 : i32
        %ge3A_354 = arith.cmpi sge, %add3A_253, %ge3A : i32
        %convert_element_type3A_355 = arith.extui %ge3A_354 : i1 to i32
        %cond3A_356 = arith.constant 0 : i32
        %cond3A_357 = arith.cmpi ne, %convert_element_type3A_355, %cond3A_356 : i32
        scf.if %cond3A_357 {
          %dma_wait3A_365 = arith.constant 2 : i32
          %dma_wait3A_366 = arith.constant 2 : i32
          %dma_wait3A_367 = arith.constant 0 : i32
          %dma_wait3A_368 = arith.constant 0 : i32
          %dma_wait3A_369 = tpu.memref_slice %arg11[%dma_wait3A_365, %dma_wait3A_367, %dma_wait3A_368] : memref<4x80x128xf32, #tpu.memory_space<vmem>> -> memref<1x80x128xf32, #tpu.memory_space<vmem>>
          %dma_wait3A_370 = tpu.memref_squeeze %dma_wait3A_369 : memref<1x80x128xf32, #tpu.memory_space<vmem>> -> memref<80x128xf32, #tpu.memory_space<vmem>>
          %dma_wait3A_371 = arith.constant 0 : i32
          %dma_wait3A_372 = tpu.memref_slice %arg10[%dma_wait3A_366, %dma_wait3A_371] : memref<4x80xi32, #tpu.memory_space<vmem>> -> memref<1x80xi32, #tpu.memory_space<vmem>>
          %dma_wait3A_373 = tpu.memref_squeeze %dma_wait3A_372 : memref<1x80xi32, #tpu.memory_space<vmem>> -> memref<80xi32, #tpu.memory_space<vmem>>
          %dma_wait3A_374 = arith.constant 0 : i32
          %dma_wait3A_375 = arith.constant 0 : i32
          %dma_wait3A_376 = tpu.memref_slice %arg13[%dma_wait3A_374, %dma_wait3A_375] : memref<10112x128xf32, #tpu.memory_space<vmem_shared>> -> memref<10112x128xf32, #tpu.memory_space<vmem_shared>>
          tpu.wait_indirect_dma semaphore(%arg21 : memref<!tpu.dma_semaphore, #tpu.memory_space<semaphore_mem>>) src(%dma_wait3A_370 : memref<80x128xf32, #tpu.memory_space<vmem>>) dst(%dma_wait3A_376 : memref<10112x128xf32, #tpu.memory_space<vmem_shared>>)
          %dma_wait3A_377 = arith.constant 2 : i32
          %dma_wait3A_378 = arith.constant 2 : i32
          %dma_wait3A_379 = arith.constant 0 : i32
          %dma_wait3A_380 = arith.constant 0 : i32
          %dma_wait3A_381 = tpu.memref_slice %arg12[%dma_wait3A_377, %dma_wait3A_379, %dma_wait3A_380] : memref<4x80x8xf32, #tpu.memory_space<vmem>> -> memref<1x80x8xf32, #tpu.memory_space<vmem>>
          %dma_wait3A_382 = tpu.memref_squeeze %dma_wait3A_381 : memref<1x80x8xf32, #tpu.memory_space<vmem>> -> memref<80x8xf32, #tpu.memory_space<vmem>>
          %dma_wait3A_383 = arith.constant 0 : i32
          %dma_wait3A_384 = tpu.memref_slice %arg10[%dma_wait3A_378, %dma_wait3A_383] : memref<4x80xi32, #tpu.memory_space<vmem>> -> memref<1x80xi32, #tpu.memory_space<vmem>>
          %dma_wait3A_385 = tpu.memref_squeeze %dma_wait3A_384 : memref<1x80xi32, #tpu.memory_space<vmem>> -> memref<80xi32, #tpu.memory_space<vmem>>
          %dma_wait3A_386 = arith.constant 0 : i32
          %dma_wait3A_387 = arith.constant 0 : i32
          %dma_wait3A_388 = tpu.memref_slice %arg14[%dma_wait3A_386, %dma_wait3A_387] : memref<10112x8xf32, #tpu.memory_space<vmem_shared>> -> memref<10112x8xf32, #tpu.memory_space<vmem_shared>>
          tpu.wait_indirect_dma semaphore(%arg21 : memref<!tpu.dma_semaphore, #tpu.memory_space<semaphore_mem>>) src(%dma_wait3A_382 : memref<80x8xf32, #tpu.memory_space<vmem>>) dst(%dma_wait3A_388 : memref<10112x8xf32, #tpu.memory_space<vmem_shared>>)
        } else {
        }
        %add3A_358 = arith.constant 2 : i32
        %add3A_359 = arith.addi %add3A_253, %add3A_358 : i32
        %lt3A_360 = arith.constant 125 : i32
        %lt3A_361 = arith.cmpi slt, %add3A_359, %lt3A_360 : i32
        %convert_element_type3A_362 = arith.extui %lt3A_361 : i1 to i32
        %cond3A_363 = arith.constant 0 : i32
        %cond3A_364 = arith.cmpi ne, %convert_element_type3A_362, %cond3A_363 : i32
        scf.if %cond3A_364 {
          %add3A_365 = arith.constant 2 : i32
          %add3A_366 = arith.addi %add3A_253, %add3A_365 : i32
          %mul3A_367 = arith.constant 125 : i32
          %mul3A_368 = arith.muli %add3A, %mul3A_367 : i32
          %add3A_369 = arith.addi %mul3A_368, %add3A_366 : i32
          %dma_start3A_370 = arith.constant 1 : i32
          %dma_start3A_371 = arith.constant 2 : i32
          %dma_start3A_372 = arith.constant 0 : i32
          %dma_start3A_373 = tpu.memref_slice %arg10[%dma_start3A_371, %dma_start3A_372] : memref<4x80xi32, #tpu.memory_space<vmem>> -> memref<1x80xi32, #tpu.memory_space<vmem>>
          %dma_start3A_374 = arith.constant 0 : i32
          %dma_start3A_375 = tpu.memref_slice %arg4[%dma_start3A_370, %add3A_369, %dma_start3A_374] : memref<2x4000x80xi32, #tpu.memory_space<hbm>> -> memref<1x1x80xi32, #tpu.memory_space<hbm>>
          %dma_start3A_376 = tpu.memref_squeeze %dma_start3A_375 : memref<1x1x80xi32, #tpu.memory_space<hbm>> -> memref<1x80xi32, #tpu.memory_space<hbm>>
          %dma_start3A_377 = arith.constant 2 : i32
          %dma_start3A_378 = arith.constant 0 : i32
          %dma_start3A_379 = tpu.memref_slice %arg10[%dma_start3A_377, %dma_start3A_378] : memref<4x80xi32, #tpu.memory_space<vmem>> -> memref<1x80xi32, #tpu.memory_space<vmem>>
          %dma_start3A_380 = arith.constant 0 : i32
          %dma_start3A_381 = tpu.memref_slice %arg4[%dma_start3A_370, %add3A_369, %dma_start3A_380] : memref<2x4000x80xi32, #tpu.memory_space<hbm>> -> memref<1x1x80xi32, #tpu.memory_space<hbm>>
          %dma_start3A_382 = tpu.memref_squeeze %dma_start3A_381 : memref<1x1x80xi32, #tpu.memory_space<hbm>> -> memref<1x80xi32, #tpu.memory_space<hbm>>
          tpu.enqueue_dma source(%dma_start3A_382 : memref<1x80xi32, #tpu.memory_space<hbm>>) target(%dma_start3A_379 : memref<1x80xi32, #tpu.memory_space<vmem>>) target_semaphore(%arg29 : memref<!tpu.dma_semaphore, #tpu.memory_space<semaphore_mem>>)
          %add3A_383 = arith.constant 2 : i32
          %add3A_384 = arith.addi %add3A_253, %add3A_383 : i32
          %mul3A_385 = arith.constant 125 : i32
          %mul3A_386 = arith.muli %add3A, %mul3A_385 : i32
          %add3A_387 = arith.addi %mul3A_386, %add3A_384 : i32
          %dma_wait3A_388 = arith.constant 0 : i32
          %dma_wait3A_389 = arith.constant 2 : i32
          %dma_wait3A_390 = arith.constant 0 : i32
          %dma_wait3A_391 = tpu.memref_slice %arg9[%dma_wait3A_389, %dma_wait3A_390] : memref<4x80xi32, #tpu.memory_space<vmem>> -> memref<1x80xi32, #tpu.memory_space<vmem>>
          %dma_wait3A_392 = arith.constant 0 : i32
          %dma_wait3A_393 = tpu.memref_slice %arg4[%dma_wait3A_388, %add3A_387, %dma_wait3A_392] : memref<2x4000x80xi32, #tpu.memory_space<hbm>> -> memref<1x1x80xi32, #tpu.memory_space<hbm>>
          %dma_wait3A_394 = tpu.memref_squeeze %dma_wait3A_393 : memref<1x1x80xi32, #tpu.memory_space<hbm>> -> memref<1x80xi32, #tpu.memory_space<hbm>>
          %dma_wait3A_395 = arith.constant 2 : i32
          %dma_wait3A_396 = arith.constant 0 : i32
          %dma_wait3A_397 = tpu.memref_slice %arg9[%dma_wait3A_395, %dma_wait3A_396] : memref<4x80xi32, #tpu.memory_space<vmem>> -> memref<1x80xi32, #tpu.memory_space<vmem>>
          %dma_wait3A_398 = arith.constant 0 : i32
          %dma_wait3A_399 = tpu.memref_slice %arg4[%dma_wait3A_388, %add3A_387, %dma_wait3A_398] : memref<2x4000x80xi32, #tpu.memory_space<hbm>> -> memref<1x1x80xi32, #tpu.memory_space<hbm>>
          %dma_wait3A_400 = tpu.memref_squeeze %dma_wait3A_399 : memref<1x1x80xi32, #tpu.memory_space<hbm>> -> memref<1x80xi32, #tpu.memory_space<hbm>>
          tpu.wait_dma2 semaphore(%arg25 : memref<!tpu.dma_semaphore, #tpu.memory_space<semaphore_mem>>) src(%dma_wait3A_400 : memref<1x80xi32, #tpu.memory_space<hbm>>) dst(%dma_wait3A_397 : memref<1x80xi32, #tpu.memory_space<vmem>>)
          %dma_start3A_401 = arith.constant 2 : i32
          %dma_start3A_402 = arith.constant 2 : i32
          %dma_start3A_403 = arith.constant 0 : i32
          %dma_start3A_404 = arith.constant 0 : i32
          %dma_start3A_405 = tpu.memref_slice %arg11[%dma_start3A_402, %dma_start3A_403, %dma_start3A_404] : memref<4x80x128xf32, #tpu.memory_space<vmem>> -> memref<1x80x128xf32, #tpu.memory_space<vmem>>
          %dma_start3A_406 = tpu.memref_squeeze %dma_start3A_405 : memref<1x80x128xf32, #tpu.memory_space<vmem>> -> memref<80x128xf32, #tpu.memory_space<vmem>>
          %dma_start3A_407 = arith.constant 0 : i32
          %dma_start3A_408 = tpu.memref_slice %arg9[%dma_start3A_401, %dma_start3A_407] : memref<4x80xi32, #tpu.memory_space<vmem>> -> memref<1x80xi32, #tpu.memory_space<vmem>>
          %dma_start3A_409 = tpu.memref_squeeze %dma_start3A_408 : memref<1x80xi32, #tpu.memory_space<vmem>> -> memref<80xi32, #tpu.memory_space<vmem>>
          %dma_start3A_410 = arith.constant 0 : i32
          %dma_start3A_411 = arith.constant 0 : i32
          %dma_start3A_412 = tpu.memref_slice %arg2[%dma_start3A_410, %dma_start3A_411] : memref<10000x128xf32, #tpu.memory_space<hbm>> -> memref<10000x128xf32, #tpu.memory_space<hbm>>
          tpu.enqueue_indirect_dma source(%dma_start3A_412 : memref<10000x128xf32, #tpu.memory_space<hbm>>) target(%dma_start3A_406 : memref<80x128xf32, #tpu.memory_space<vmem>>) offsets(%dma_start3A_409 : memref<80xi32, #tpu.memory_space<vmem>>) semaphore(%arg17 : memref<!tpu.dma_semaphore, #tpu.memory_space<semaphore_mem>>)
          %dma_start3A_413 = arith.constant 2 : i32
          %dma_start3A_414 = arith.constant 2 : i32
          %dma_start3A_415 = arith.constant 0 : i32
          %dma_start3A_416 = arith.constant 0 : i32
          %dma_start3A_417 = tpu.memref_slice %arg12[%dma_start3A_414, %dma_start3A_415, %dma_start3A_416] : memref<4x80x8xf32, #tpu.memory_space<vmem>> -> memref<1x80x8xf32, #tpu.memory_space<vmem>>
          %dma_start3A_418 = tpu.memref_squeeze %dma_start3A_417 : memref<1x80x8xf32, #tpu.memory_space<vmem>> -> memref<80x8xf32, #tpu.memory_space<vmem>>
          %dma_start3A_419 = arith.constant 0 : i32
          %dma_start3A_420 = tpu.memref_slice %arg9[%dma_start3A_413, %dma_start3A_419] : memref<4x80xi32, #tpu.memory_space<vmem>> -> memref<1x80xi32, #tpu.memory_space<vmem>>
          %dma_start3A_421 = tpu.memref_squeeze %dma_start3A_420 : memref<1x80xi32, #tpu.memory_space<vmem>> -> memref<80xi32, #tpu.memory_space<vmem>>
          %dma_start3A_422 = arith.constant 0 : i32
          %dma_start3A_423 = arith.constant 0 : i32
          %dma_start3A_424 = tpu.memref_slice %arg3[%dma_start3A_422, %dma_start3A_423] : memref<10000x8xf32, #tpu.memory_space<hbm>> -> memref<10000x8xf32, #tpu.memory_space<hbm>>
          tpu.enqueue_indirect_dma source(%dma_start3A_424 : memref<10000x8xf32, #tpu.memory_space<hbm>>) target(%dma_start3A_418 : memref<80x8xf32, #tpu.memory_space<vmem>>) offsets(%dma_start3A_421 : memref<80xi32, #tpu.memory_space<vmem>>) semaphore(%arg17 : memref<!tpu.dma_semaphore, #tpu.memory_space<semaphore_mem>>)
        } else {
        }
      } else {
      }
      %mul3A_256 = arith.constant 4 : i32
      %mul3A_257 = arith.muli %mul3A_256, %scan3A_249 : i32
      %add3A_258 = arith.constant 1 : i32
      %add3A_259 = arith.addi %mul3A_257, %add3A_258 : i32
      %lt3A_260 = arith.constant 125 : i32
      %lt3A_261 = arith.cmpi slt, %add3A_259, %lt3A_260 : i32
      %convert_element_type3A_262 = arith.extui %lt3A_261 : i1 to i32
      %cond3A_263 = arith.constant 0 : i32
      %cond3A_264 = arith.cmpi ne, %convert_element_type3A_262, %cond3A_263 : i32
      scf.if %cond3A_264 {
        %dma_wait3A_283 = arith.constant 1 : i32
        %dma_wait3A_284 = arith.constant 1 : i32
        %dma_wait3A_285 = arith.constant 0 : i32
        %dma_wait3A_286 = arith.constant 0 : i32
        %dma_wait3A_287 = tpu.memref_slice %arg11[%dma_wait3A_284, %dma_wait3A_285, %dma_wait3A_286] : memref<4x80x128xf32, #tpu.memory_space<vmem>> -> memref<1x80x128xf32, #tpu.memory_space<vmem>>
        %dma_wait3A_288 = tpu.memref_squeeze %dma_wait3A_287 : memref<1x80x128xf32, #tpu.memory_space<vmem>> -> memref<80x128xf32, #tpu.memory_space<vmem>>
        %dma_wait3A_289 = arith.constant 0 : i32
        %dma_wait3A_290 = tpu.memref_slice %arg9[%dma_wait3A_283, %dma_wait3A_289] : memref<4x80xi32, #tpu.memory_space<vmem>> -> memref<1x80xi32, #tpu.memory_space<vmem>>
        %dma_wait3A_291 = tpu.memref_squeeze %dma_wait3A_290 : memref<1x80xi32, #tpu.memory_space<vmem>> -> memref<80xi32, #tpu.memory_space<vmem>>
        %dma_wait3A_292 = arith.constant 0 : i32
        %dma_wait3A_293 = arith.constant 0 : i32
        %dma_wait3A_294 = tpu.memref_slice %arg2[%dma_wait3A_292, %dma_wait3A_293] : memref<10000x128xf32, #tpu.memory_space<hbm>> -> memref<10000x128xf32, #tpu.memory_space<hbm>>
        tpu.wait_indirect_dma semaphore(%arg16 : memref<!tpu.dma_semaphore, #tpu.memory_space<semaphore_mem>>) src(%dma_wait3A_294 : memref<10000x128xf32, #tpu.memory_space<hbm>>) dst(%dma_wait3A_288 : memref<80x128xf32, #tpu.memory_space<vmem>>)
        %dma_wait3A_295 = arith.constant 1 : i32
        %dma_wait3A_296 = arith.constant 1 : i32
        %dma_wait3A_297 = arith.constant 0 : i32
        %dma_wait3A_298 = arith.constant 0 : i32
        %dma_wait3A_299 = tpu.memref_slice %arg12[%dma_wait3A_296, %dma_wait3A_297, %dma_wait3A_298] : memref<4x80x8xf32, #tpu.memory_space<vmem>> -> memref<1x80x8xf32, #tpu.memory_space<vmem>>
        %dma_wait3A_300 = tpu.memref_squeeze %dma_wait3A_299 : memref<1x80x8xf32, #tpu.memory_space<vmem>> -> memref<80x8xf32, #tpu.memory_space<vmem>>
        %dma_wait3A_301 = arith.constant 0 : i32
        %dma_wait3A_302 = tpu.memref_slice %arg9[%dma_wait3A_295, %dma_wait3A_301] : memref<4x80xi32, #tpu.memory_space<vmem>> -> memref<1x80xi32, #tpu.memory_space<vmem>>
        %dma_wait3A_303 = tpu.memref_squeeze %dma_wait3A_302 : memref<1x80xi32, #tpu.memory_space<vmem>> -> memref<80xi32, #tpu.memory_space<vmem>>
        %dma_wait3A_304 = arith.constant 0 : i32
        %dma_wait3A_305 = arith.constant 0 : i32
        %dma_wait3A_306 = tpu.memref_slice %arg3[%dma_wait3A_304, %dma_wait3A_305] : memref<10000x8xf32, #tpu.memory_space<hbm>> -> memref<10000x8xf32, #tpu.memory_space<hbm>>
        tpu.wait_indirect_dma semaphore(%arg16 : memref<!tpu.dma_semaphore, #tpu.memory_space<semaphore_mem>>) src(%dma_wait3A_306 : memref<10000x8xf32, #tpu.memory_space<hbm>>) dst(%dma_wait3A_300 : memref<80x8xf32, #tpu.memory_space<vmem>>)
        %add3A_307 = arith.constant 4 : i32
        %add3A_308 = arith.addi %add3A_259, %add3A_307 : i32
        %lt3A_309 = arith.constant 125 : i32
        %lt3A_310 = arith.cmpi slt, %add3A_308, %lt3A_309 : i32
        %convert_element_type3A_311 = arith.extui %lt3A_310 : i1 to i32
        %cond3A_312 = arith.constant 0 : i32
        %cond3A_313 = arith.cmpi ne, %convert_element_type3A_311, %cond3A_312 : i32
        scf.if %cond3A_313 {
          %add3A_365 = arith.constant 4 : i32
          %add3A_366 = arith.addi %add3A_259, %add3A_365 : i32
          %mul3A_367 = arith.constant 125 : i32
          %mul3A_368 = arith.muli %add3A, %mul3A_367 : i32
          %add3A_369 = arith.addi %mul3A_368, %add3A_366 : i32
          %dma_start3A_370 = arith.constant 0 : i32
          %dma_start3A_371 = arith.constant 1 : i32
          %dma_start3A_372 = arith.constant 0 : i32
          %dma_start3A_373 = tpu.memref_slice %arg9[%dma_start3A_371, %dma_start3A_372] : memref<4x80xi32, #tpu.memory_space<vmem>> -> memref<1x80xi32, #tpu.memory_space<vmem>>
          %dma_start3A_374 = arith.constant 0 : i32
          %dma_start3A_375 = tpu.memref_slice %arg4[%dma_start3A_370, %add3A_369, %dma_start3A_374] : memref<2x4000x80xi32, #tpu.memory_space<hbm>> -> memref<1x1x80xi32, #tpu.memory_space<hbm>>
          %dma_start3A_376 = tpu.memref_squeeze %dma_start3A_375 : memref<1x1x80xi32, #tpu.memory_space<hbm>> -> memref<1x80xi32, #tpu.memory_space<hbm>>
          %dma_start3A_377 = arith.constant 1 : i32
          %dma_start3A_378 = arith.constant 0 : i32
          %dma_start3A_379 = tpu.memref_slice %arg9[%dma_start3A_377, %dma_start3A_378] : memref<4x80xi32, #tpu.memory_space<vmem>> -> memref<1x80xi32, #tpu.memory_space<vmem>>
          %dma_start3A_380 = arith.constant 0 : i32
          %dma_start3A_381 = tpu.memref_slice %arg4[%dma_start3A_370, %add3A_369, %dma_start3A_380] : memref<2x4000x80xi32, #tpu.memory_space<hbm>> -> memref<1x1x80xi32, #tpu.memory_space<hbm>>
          %dma_start3A_382 = tpu.memref_squeeze %dma_start3A_381 : memref<1x1x80xi32, #tpu.memory_space<hbm>> -> memref<1x80xi32, #tpu.memory_space<hbm>>
          tpu.enqueue_dma source(%dma_start3A_382 : memref<1x80xi32, #tpu.memory_space<hbm>>) target(%dma_start3A_379 : memref<1x80xi32, #tpu.memory_space<vmem>>) target_semaphore(%arg24 : memref<!tpu.dma_semaphore, #tpu.memory_space<semaphore_mem>>)
        } else {
        }
        %mul3A_314 = arith.constant 125 : i32
        %mul3A_315 = arith.muli %add3A, %mul3A_314 : i32
        %add3A_316 = arith.addi %mul3A_315, %add3A_259 : i32
        %dma_wait3A_317 = arith.constant 1 : i32
        %dma_wait3A_318 = arith.constant 1 : i32
        %dma_wait3A_319 = arith.constant 0 : i32
        %dma_wait3A_320 = tpu.memref_slice %arg10[%dma_wait3A_318, %dma_wait3A_319] : memref<4x80xi32, #tpu.memory_space<vmem>> -> memref<1x80xi32, #tpu.memory_space<vmem>>
        %dma_wait3A_321 = arith.constant 0 : i32
        %dma_wait3A_322 = tpu.memref_slice %arg4[%dma_wait3A_317, %add3A_316, %dma_wait3A_321] : memref<2x4000x80xi32, #tpu.memory_space<hbm>> -> memref<1x1x80xi32, #tpu.memory_space<hbm>>
        %dma_wait3A_323 = tpu.memref_squeeze %dma_wait3A_322 : memref<1x1x80xi32, #tpu.memory_space<hbm>> -> memref<1x80xi32, #tpu.memory_space<hbm>>
        %dma_wait3A_324 = arith.constant 1 : i32
        %dma_wait3A_325 = arith.constant 0 : i32
        %dma_wait3A_326 = tpu.memref_slice %arg10[%dma_wait3A_324, %dma_wait3A_325] : memref<4x80xi32, #tpu.memory_space<vmem>> -> memref<1x80xi32, #tpu.memory_space<vmem>>
        %dma_wait3A_327 = arith.constant 0 : i32
        %dma_wait3A_328 = tpu.memref_slice %arg4[%dma_wait3A_317, %add3A_316, %dma_wait3A_327] : memref<2x4000x80xi32, #tpu.memory_space<hbm>> -> memref<1x1x80xi32, #tpu.memory_space<hbm>>
        %dma_wait3A_329 = tpu.memref_squeeze %dma_wait3A_328 : memref<1x1x80xi32, #tpu.memory_space<hbm>> -> memref<1x80xi32, #tpu.memory_space<hbm>>
        tpu.wait_dma2 semaphore(%arg28 : memref<!tpu.dma_semaphore, #tpu.memory_space<semaphore_mem>>) src(%dma_wait3A_329 : memref<1x80xi32, #tpu.memory_space<hbm>>) dst(%dma_wait3A_326 : memref<1x80xi32, #tpu.memory_space<vmem>>)
        %dma_start3A_330 = arith.constant 1 : i32
        %dma_start3A_331 = arith.constant 1 : i32
        %dma_start3A_332 = arith.constant 0 : i32
        %dma_start3A_333 = arith.constant 0 : i32
        %dma_start3A_334 = tpu.memref_slice %arg11[%dma_start3A_330, %dma_start3A_332, %dma_start3A_333] : memref<4x80x128xf32, #tpu.memory_space<vmem>> -> memref<1x80x128xf32, #tpu.memory_space<vmem>>
        %dma_start3A_335 = tpu.memref_squeeze %dma_start3A_334 : memref<1x80x128xf32, #tpu.memory_space<vmem>> -> memref<80x128xf32, #tpu.memory_space<vmem>>
        %dma_start3A_336 = arith.constant 0 : i32
        %dma_start3A_337 = tpu.memref_slice %arg10[%dma_start3A_331, %dma_start3A_336] : memref<4x80xi32, #tpu.memory_space<vmem>> -> memref<1x80xi32, #tpu.memory_space<vmem>>
        %dma_start3A_338 = tpu.memref_squeeze %dma_start3A_337 : memref<1x80xi32, #tpu.memory_space<vmem>> -> memref<80xi32, #tpu.memory_space<vmem>>
        %dma_start3A_339 = arith.constant 0 : i32
        %dma_start3A_340 = arith.constant 0 : i32
        %dma_start3A_341 = tpu.memref_slice %arg13[%dma_start3A_339, %dma_start3A_340] : memref<10112x128xf32, #tpu.memory_space<vmem_shared>> -> memref<10112x128xf32, #tpu.memory_space<vmem_shared>>
        tpu.enqueue_indirect_dma source(%dma_start3A_335 : memref<80x128xf32, #tpu.memory_space<vmem>>) target(%dma_start3A_341 : memref<10112x128xf32, #tpu.memory_space<vmem_shared>>) offsets(%dma_start3A_338 : memref<80xi32, #tpu.memory_space<vmem>>) semaphore(%arg20 : memref<!tpu.dma_semaphore, #tpu.memory_space<semaphore_mem>>) {add = true}
        %dma_start3A_342 = arith.constant 1 : i32
        %dma_start3A_343 = arith.constant 1 : i32
        %dma_start3A_344 = arith.constant 0 : i32
        %dma_start3A_345 = arith.constant 0 : i32
        %dma_start3A_346 = tpu.memref_slice %arg12[%dma_start3A_342, %dma_start3A_344, %dma_start3A_345] : memref<4x80x8xf32, #tpu.memory_space<vmem>> -> memref<1x80x8xf32, #tpu.memory_space<vmem>>
        %dma_start3A_347 = tpu.memref_squeeze %dma_start3A_346 : memref<1x80x8xf32, #tpu.memory_space<vmem>> -> memref<80x8xf32, #tpu.memory_space<vmem>>
        %dma_start3A_348 = arith.constant 0 : i32
        %dma_start3A_349 = tpu.memref_slice %arg10[%dma_start3A_343, %dma_start3A_348] : memref<4x80xi32, #tpu.memory_space<vmem>> -> memref<1x80xi32, #tpu.memory_space<vmem>>
        %dma_start3A_350 = tpu.memref_squeeze %dma_start3A_349 : memref<1x80xi32, #tpu.memory_space<vmem>> -> memref<80xi32, #tpu.memory_space<vmem>>
        %dma_start3A_351 = arith.constant 0 : i32
        %dma_start3A_352 = arith.constant 0 : i32
        %dma_start3A_353 = tpu.memref_slice %arg14[%dma_start3A_351, %dma_start3A_352] : memref<10112x8xf32, #tpu.memory_space<vmem_shared>> -> memref<10112x8xf32, #tpu.memory_space<vmem_shared>>
        tpu.enqueue_indirect_dma source(%dma_start3A_347 : memref<80x8xf32, #tpu.memory_space<vmem>>) target(%dma_start3A_353 : memref<10112x8xf32, #tpu.memory_space<vmem_shared>>) offsets(%dma_start3A_350 : memref<80xi32, #tpu.memory_space<vmem>>) semaphore(%arg20 : memref<!tpu.dma_semaphore, #tpu.memory_space<semaphore_mem>>) {add = true}
        %ge3A = arith.constant 2 : i32
        %ge3A_354 = arith.cmpi sge, %add3A_259, %ge3A : i32
        %convert_element_type3A_355 = arith.extui %ge3A_354 : i1 to i32
        %cond3A_356 = arith.constant 0 : i32
        %cond3A_357 = arith.cmpi ne, %convert_element_type3A_355, %cond3A_356 : i32
        scf.if %cond3A_357 {
          %dma_wait3A_365 = arith.constant 3 : i32
          %dma_wait3A_366 = arith.constant 3 : i32
          %dma_wait3A_367 = arith.constant 0 : i32
          %dma_wait3A_368 = arith.constant 0 : i32
          %dma_wait3A_369 = tpu.memref_slice %arg11[%dma_wait3A_365, %dma_wait3A_367, %dma_wait3A_368] : memref<4x80x128xf32, #tpu.memory_space<vmem>> -> memref<1x80x128xf32, #tpu.memory_space<vmem>>
          %dma_wait3A_370 = tpu.memref_squeeze %dma_wait3A_369 : memref<1x80x128xf32, #tpu.memory_space<vmem>> -> memref<80x128xf32, #tpu.memory_space<vmem>>
          %dma_wait3A_371 = arith.constant 0 : i32
          %dma_wait3A_372 = tpu.memref_slice %arg10[%dma_wait3A_366, %dma_wait3A_371] : memref<4x80xi32, #tpu.memory_space<vmem>> -> memref<1x80xi32, #tpu.memory_space<vmem>>
          %dma_wait3A_373 = tpu.memref_squeeze %dma_wait3A_372 : memref<1x80xi32, #tpu.memory_space<vmem>> -> memref<80xi32, #tpu.memory_space<vmem>>
          %dma_wait3A_374 = arith.constant 0 : i32
          %dma_wait3A_375 = arith.constant 0 : i32
          %dma_wait3A_376 = tpu.memref_slice %arg13[%dma_wait3A_374, %dma_wait3A_375] : memref<10112x128xf32, #tpu.memory_space<vmem_shared>> -> memref<10112x128xf32, #tpu.memory_space<vmem_shared>>
          tpu.wait_indirect_dma semaphore(%arg22 : memref<!tpu.dma_semaphore, #tpu.memory_space<semaphore_mem>>) src(%dma_wait3A_370 : memref<80x128xf32, #tpu.memory_space<vmem>>) dst(%dma_wait3A_376 : memref<10112x128xf32, #tpu.memory_space<vmem_shared>>)
          %dma_wait3A_377 = arith.constant 3 : i32
          %dma_wait3A_378 = arith.constant 3 : i32
          %dma_wait3A_379 = arith.constant 0 : i32
          %dma_wait3A_380 = arith.constant 0 : i32
          %dma_wait3A_381 = tpu.memref_slice %arg12[%dma_wait3A_377, %dma_wait3A_379, %dma_wait3A_380] : memref<4x80x8xf32, #tpu.memory_space<vmem>> -> memref<1x80x8xf32, #tpu.memory_space<vmem>>
          %dma_wait3A_382 = tpu.memref_squeeze %dma_wait3A_381 : memref<1x80x8xf32, #tpu.memory_space<vmem>> -> memref<80x8xf32, #tpu.memory_space<vmem>>
          %dma_wait3A_383 = arith.constant 0 : i32
          %dma_wait3A_384 = tpu.memref_slice %arg10[%dma_wait3A_378, %dma_wait3A_383] : memref<4x80xi32, #tpu.memory_space<vmem>> -> memref<1x80xi32, #tpu.memory_space<vmem>>
          %dma_wait3A_385 = tpu.memref_squeeze %dma_wait3A_384 : memref<1x80xi32, #tpu.memory_space<vmem>> -> memref<80xi32, #tpu.memory_space<vmem>>
          %dma_wait3A_386 = arith.constant 0 : i32
          %dma_wait3A_387 = arith.constant 0 : i32
          %dma_wait3A_388 = tpu.memref_slice %arg14[%dma_wait3A_386, %dma_wait3A_387] : memref<10112x8xf32, #tpu.memory_space<vmem_shared>> -> memref<10112x8xf32, #tpu.memory_space<vmem_shared>>
          tpu.wait_indirect_dma semaphore(%arg22 : memref<!tpu.dma_semaphore, #tpu.memory_space<semaphore_mem>>) src(%dma_wait3A_382 : memref<80x8xf32, #tpu.memory_space<vmem>>) dst(%dma_wait3A_388 : memref<10112x8xf32, #tpu.memory_space<vmem_shared>>)
        } else {
        }
        %add3A_358 = arith.constant 2 : i32
        %add3A_359 = arith.addi %add3A_259, %add3A_358 : i32
        %lt3A_360 = arith.constant 125 : i32
        %lt3A_361 = arith.cmpi slt, %add3A_359, %lt3A_360 : i32
        %convert_element_type3A_362 = arith.extui %lt3A_361 : i1 to i32
        %cond3A_363 = arith.constant 0 : i32
        %cond3A_364 = arith.cmpi ne, %convert_element_type3A_362, %cond3A_363 : i32
        scf.if %cond3A_364 {
          %add3A_365 = arith.constant 2 : i32
          %add3A_366 = arith.addi %add3A_259, %add3A_365 : i32
          %mul3A_367 = arith.constant 125 : i32
          %mul3A_368 = arith.muli %add3A, %mul3A_367 : i32
          %add3A_369 = arith.addi %mul3A_368, %add3A_366 : i32
          %dma_start3A_370 = arith.constant 1 : i32
          %dma_start3A_371 = arith.constant 3 : i32
          %dma_start3A_372 = arith.constant 0 : i32
          %dma_start3A_373 = tpu.memref_slice %arg10[%dma_start3A_371, %dma_start3A_372] : memref<4x80xi32, #tpu.memory_space<vmem>> -> memref<1x80xi32, #tpu.memory_space<vmem>>
          %dma_start3A_374 = arith.constant 0 : i32
          %dma_start3A_375 = tpu.memref_slice %arg4[%dma_start3A_370, %add3A_369, %dma_start3A_374] : memref<2x4000x80xi32, #tpu.memory_space<hbm>> -> memref<1x1x80xi32, #tpu.memory_space<hbm>>
          %dma_start3A_376 = tpu.memref_squeeze %dma_start3A_375 : memref<1x1x80xi32, #tpu.memory_space<hbm>> -> memref<1x80xi32, #tpu.memory_space<hbm>>
          %dma_start3A_377 = arith.constant 3 : i32
          %dma_start3A_378 = arith.constant 0 : i32
          %dma_start3A_379 = tpu.memref_slice %arg10[%dma_start3A_377, %dma_start3A_378] : memref<4x80xi32, #tpu.memory_space<vmem>> -> memref<1x80xi32, #tpu.memory_space<vmem>>
          %dma_start3A_380 = arith.constant 0 : i32
          %dma_start3A_381 = tpu.memref_slice %arg4[%dma_start3A_370, %add3A_369, %dma_start3A_380] : memref<2x4000x80xi32, #tpu.memory_space<hbm>> -> memref<1x1x80xi32, #tpu.memory_space<hbm>>
          %dma_start3A_382 = tpu.memref_squeeze %dma_start3A_381 : memref<1x1x80xi32, #tpu.memory_space<hbm>> -> memref<1x80xi32, #tpu.memory_space<hbm>>
          tpu.enqueue_dma source(%dma_start3A_382 : memref<1x80xi32, #tpu.memory_space<hbm>>) target(%dma_start3A_379 : memref<1x80xi32, #tpu.memory_space<vmem>>) target_semaphore(%arg30 : memref<!tpu.dma_semaphore, #tpu.memory_space<semaphore_mem>>)
          %add3A_383 = arith.constant 2 : i32
          %add3A_384 = arith.addi %add3A_259, %add3A_383 : i32
          %mul3A_385 = arith.constant 125 : i32
          %mul3A_386 = arith.muli %add3A, %mul3A_385 : i32
          %add3A_387 = arith.addi %mul3A_386, %add3A_384 : i32
          %dma_wait3A_388 = arith.constant 0 : i32
          %dma_wait3A_389 = arith.constant 3 : i32
          %dma_wait3A_390 = arith.constant 0 : i32
          %dma_wait3A_391 = tpu.memref_slice %arg9[%dma_wait3A_389, %dma_wait3A_390] : memref<4x80xi32, #tpu.memory_space<vmem>> -> memref<1x80xi32, #tpu.memory_space<vmem>>
          %dma_wait3A_392 = arith.constant 0 : i32
          %dma_wait3A_393 = tpu.memref_slice %arg4[%dma_wait3A_388, %add3A_387, %dma_wait3A_392] : memref<2x4000x80xi32, #tpu.memory_space<hbm>> -> memref<1x1x80xi32, #tpu.memory_space<hbm>>
          %dma_wait3A_394 = tpu.memref_squeeze %dma_wait3A_393 : memref<1x1x80xi32, #tpu.memory_space<hbm>> -> memref<1x80xi32, #tpu.memory_space<hbm>>
          %dma_wait3A_395 = arith.constant 3 : i32
          %dma_wait3A_396 = arith.constant 0 : i32
          %dma_wait3A_397 = tpu.memref_slice %arg9[%dma_wait3A_395, %dma_wait3A_396] : memref<4x80xi32, #tpu.memory_space<vmem>> -> memref<1x80xi32, #tpu.memory_space<vmem>>
          %dma_wait3A_398 = arith.constant 0 : i32
          %dma_wait3A_399 = tpu.memref_slice %arg4[%dma_wait3A_388, %add3A_387, %dma_wait3A_398] : memref<2x4000x80xi32, #tpu.memory_space<hbm>> -> memref<1x1x80xi32, #tpu.memory_space<hbm>>
          %dma_wait3A_400 = tpu.memref_squeeze %dma_wait3A_399 : memref<1x1x80xi32, #tpu.memory_space<hbm>> -> memref<1x80xi32, #tpu.memory_space<hbm>>
          tpu.wait_dma2 semaphore(%arg26 : memref<!tpu.dma_semaphore, #tpu.memory_space<semaphore_mem>>) src(%dma_wait3A_400 : memref<1x80xi32, #tpu.memory_space<hbm>>) dst(%dma_wait3A_397 : memref<1x80xi32, #tpu.memory_space<vmem>>)
          %dma_start3A_401 = arith.constant 3 : i32
          %dma_start3A_402 = arith.constant 3 : i32
          %dma_start3A_403 = arith.constant 0 : i32
          %dma_start3A_404 = arith.constant 0 : i32
          %dma_start3A_405 = tpu.memref_slice %arg11[%dma_start3A_402, %dma_start3A_403, %dma_start3A_404] : memref<4x80x128xf32, #tpu.memory_space<vmem>> -> memref<1x80x128xf32, #tpu.memory_space<vmem>>
          %dma_start3A_406 = tpu.memref_squeeze %dma_start3A_405 : memref<1x80x128xf32, #tpu.memory_space<vmem>> -> memref<80x128xf32, #tpu.memory_space<vmem>>
          %dma_start3A_407 = arith.constant 0 : i32
          %dma_start3A_408 = tpu.memref_slice %arg9[%dma_start3A_401, %dma_start3A_407] : memref<4x80xi32, #tpu.memory_space<vmem>> -> memref<1x80xi32, #tpu.memory_space<vmem>>
          %dma_start3A_409 = tpu.memref_squeeze %dma_start3A_408 : memref<1x80xi32, #tpu.memory_space<vmem>> -> memref<80xi32, #tpu.memory_space<vmem>>
          %dma_start3A_410 = arith.constant 0 : i32
          %dma_start3A_411 = arith.constant 0 : i32
          %dma_start3A_412 = tpu.memref_slice %arg2[%dma_start3A_410, %dma_start3A_411] : memref<10000x128xf32, #tpu.memory_space<hbm>> -> memref<10000x128xf32, #tpu.memory_space<hbm>>
          tpu.enqueue_indirect_dma source(%dma_start3A_412 : memref<10000x128xf32, #tpu.memory_space<hbm>>) target(%dma_start3A_406 : memref<80x128xf32, #tpu.memory_space<vmem>>) offsets(%dma_start3A_409 : memref<80xi32, #tpu.memory_space<vmem>>) semaphore(%arg18 : memref<!tpu.dma_semaphore, #tpu.memory_space<semaphore_mem>>)
          %dma_start3A_413 = arith.constant 3 : i32
          %dma_start3A_414 = arith.constant 3 : i32
          %dma_start3A_415 = arith.constant 0 : i32
          %dma_start3A_416 = arith.constant 0 : i32
          %dma_start3A_417 = tpu.memref_slice %arg12[%dma_start3A_414, %dma_start3A_415, %dma_start3A_416] : memref<4x80x8xf32, #tpu.memory_space<vmem>> -> memref<1x80x8xf32, #tpu.memory_space<vmem>>
          %dma_start3A_418 = tpu.memref_squeeze %dma_start3A_417 : memref<1x80x8xf32, #tpu.memory_space<vmem>> -> memref<80x8xf32, #tpu.memory_space<vmem>>
          %dma_start3A_419 = arith.constant 0 : i32
          %dma_start3A_420 = tpu.memref_slice %arg9[%dma_start3A_413, %dma_start3A_419] : memref<4x80xi32, #tpu.memory_space<vmem>> -> memref<1x80xi32, #tpu.memory_space<vmem>>
          %dma_start3A_421 = tpu.memref_squeeze %dma_start3A_420 : memref<1x80xi32, #tpu.memory_space<vmem>> -> memref<80xi32, #tpu.memory_space<vmem>>
          %dma_start3A_422 = arith.constant 0 : i32
          %dma_start3A_423 = arith.constant 0 : i32
          %dma_start3A_424 = tpu.memref_slice %arg3[%dma_start3A_422, %dma_start3A_423] : memref<10000x8xf32, #tpu.memory_space<hbm>> -> memref<10000x8xf32, #tpu.memory_space<hbm>>
          tpu.enqueue_indirect_dma source(%dma_start3A_424 : memref<10000x8xf32, #tpu.memory_space<hbm>>) target(%dma_start3A_418 : memref<80x8xf32, #tpu.memory_space<vmem>>) offsets(%dma_start3A_421 : memref<80xi32, #tpu.memory_space<vmem>>) semaphore(%arg18 : memref<!tpu.dma_semaphore, #tpu.memory_space<semaphore_mem>>)
        } else {
        }
      } else {
      }
      %mul3A_265 = arith.constant 4 : i32
      %mul3A_266 = arith.muli %mul3A_265, %scan3A_249 : i32
      %add3A_267 = arith.constant 2 : i32
      %add3A_268 = arith.addi %mul3A_266, %add3A_267 : i32
      %lt3A_269 = arith.constant 125 : i32
      %lt3A_270 = arith.cmpi slt, %add3A_268, %lt3A_269 : i32
      %convert_element_type3A_271 = arith.extui %lt3A_270 : i1 to i32
      %cond3A_272 = arith.constant 0 : i32
      %cond3A_273 = arith.cmpi ne, %convert_element_type3A_271, %cond3A_272 : i32
      scf.if %cond3A_273 {
        %dma_wait3A_283 = arith.constant 2 : i32
        %dma_wait3A_284 = arith.constant 2 : i32
        %dma_wait3A_285 = arith.constant 0 : i32
        %dma_wait3A_286 = arith.constant 0 : i32
        %dma_wait3A_287 = tpu.memref_slice %arg11[%dma_wait3A_284, %dma_wait3A_285, %dma_wait3A_286] : memref<4x80x128xf32, #tpu.memory_space<vmem>> -> memref<1x80x128xf32, #tpu.memory_space<vmem>>
        %dma_wait3A_288 = tpu.memref_squeeze %dma_wait3A_287 : memref<1x80x128xf32, #tpu.memory_space<vmem>> -> memref<80x128xf32, #tpu.memory_space<vmem>>
        %dma_wait3A_289 = arith.constant 0 : i32
        %dma_wait3A_290 = tpu.memref_slice %arg9[%dma_wait3A_283, %dma_wait3A_289] : memref<4x80xi32, #tpu.memory_space<vmem>> -> memref<1x80xi32, #tpu.memory_space<vmem>>
        %dma_wait3A_291 = tpu.memref_squeeze %dma_wait3A_290 : memref<1x80xi32, #tpu.memory_space<vmem>> -> memref<80xi32, #tpu.memory_space<vmem>>
        %dma_wait3A_292 = arith.constant 0 : i32
        %dma_wait3A_293 = arith.constant 0 : i32
        %dma_wait3A_294 = tpu.memref_slice %arg2[%dma_wait3A_292, %dma_wait3A_293] : memref<10000x128xf32, #tpu.memory_space<hbm>> -> memref<10000x128xf32, #tpu.memory_space<hbm>>
        tpu.wait_indirect_dma semaphore(%arg17 : memref<!tpu.dma_semaphore, #tpu.memory_space<semaphore_mem>>) src(%dma_wait3A_294 : memref<10000x128xf32, #tpu.memory_space<hbm>>) dst(%dma_wait3A_288 : memref<80x128xf32, #tpu.memory_space<vmem>>)
        %dma_wait3A_295 = arith.constant 2 : i32
        %dma_wait3A_296 = arith.constant 2 : i32
        %dma_wait3A_297 = arith.constant 0 : i32
        %dma_wait3A_298 = arith.constant 0 : i32
        %dma_wait3A_299 = tpu.memref_slice %arg12[%dma_wait3A_296, %dma_wait3A_297, %dma_wait3A_298] : memref<4x80x8xf32, #tpu.memory_space<vmem>> -> memref<1x80x8xf32, #tpu.memory_space<vmem>>
        %dma_wait3A_300 = tpu.memref_squeeze %dma_wait3A_299 : memref<1x80x8xf32, #tpu.memory_space<vmem>> -> memref<80x8xf32, #tpu.memory_space<vmem>>
        %dma_wait3A_301 = arith.constant 0 : i32
        %dma_wait3A_302 = tpu.memref_slice %arg9[%dma_wait3A_295, %dma_wait3A_301] : memref<4x80xi32, #tpu.memory_space<vmem>> -> memref<1x80xi32, #tpu.memory_space<vmem>>
        %dma_wait3A_303 = tpu.memref_squeeze %dma_wait3A_302 : memref<1x80xi32, #tpu.memory_space<vmem>> -> memref<80xi32, #tpu.memory_space<vmem>>
        %dma_wait3A_304 = arith.constant 0 : i32
        %dma_wait3A_305 = arith.constant 0 : i32
        %dma_wait3A_306 = tpu.memref_slice %arg3[%dma_wait3A_304, %dma_wait3A_305] : memref<10000x8xf32, #tpu.memory_space<hbm>> -> memref<10000x8xf32, #tpu.memory_space<hbm>>
        tpu.wait_indirect_dma semaphore(%arg17 : memref<!tpu.dma_semaphore, #tpu.memory_space<semaphore_mem>>) src(%dma_wait3A_306 : memref<10000x8xf32, #tpu.memory_space<hbm>>) dst(%dma_wait3A_300 : memref<80x8xf32, #tpu.memory_space<vmem>>)
        %add3A_307 = arith.constant 4 : i32
        %add3A_308 = arith.addi %add3A_268, %add3A_307 : i32
        %lt3A_309 = arith.constant 125 : i32
        %lt3A_310 = arith.cmpi slt, %add3A_308, %lt3A_309 : i32
        %convert_element_type3A_311 = arith.extui %lt3A_310 : i1 to i32
        %cond3A_312 = arith.constant 0 : i32
        %cond3A_313 = arith.cmpi ne, %convert_element_type3A_311, %cond3A_312 : i32
        scf.if %cond3A_313 {
          %add3A_365 = arith.constant 4 : i32
          %add3A_366 = arith.addi %add3A_268, %add3A_365 : i32
          %mul3A_367 = arith.constant 125 : i32
          %mul3A_368 = arith.muli %add3A, %mul3A_367 : i32
          %add3A_369 = arith.addi %mul3A_368, %add3A_366 : i32
          %dma_start3A_370 = arith.constant 0 : i32
          %dma_start3A_371 = arith.constant 2 : i32
          %dma_start3A_372 = arith.constant 0 : i32
          %dma_start3A_373 = tpu.memref_slice %arg9[%dma_start3A_371, %dma_start3A_372] : memref<4x80xi32, #tpu.memory_space<vmem>> -> memref<1x80xi32, #tpu.memory_space<vmem>>
          %dma_start3A_374 = arith.constant 0 : i32
          %dma_start3A_375 = tpu.memref_slice %arg4[%dma_start3A_370, %add3A_369, %dma_start3A_374] : memref<2x4000x80xi32, #tpu.memory_space<hbm>> -> memref<1x1x80xi32, #tpu.memory_space<hbm>>
          %dma_start3A_376 = tpu.memref_squeeze %dma_start3A_375 : memref<1x1x80xi32, #tpu.memory_space<hbm>> -> memref<1x80xi32, #tpu.memory_space<hbm>>
          %dma_start3A_377 = arith.constant 2 : i32
          %dma_start3A_378 = arith.constant 0 : i32
          %dma_start3A_379 = tpu.memref_slice %arg9[%dma_start3A_377, %dma_start3A_378] : memref<4x80xi32, #tpu.memory_space<vmem>> -> memref<1x80xi32, #tpu.memory_space<vmem>>
          %dma_start3A_380 = arith.constant 0 : i32
          %dma_start3A_381 = tpu.memref_slice %arg4[%dma_start3A_370, %add3A_369, %dma_start3A_380] : memref<2x4000x80xi32, #tpu.memory_space<hbm>> -> memref<1x1x80xi32, #tpu.memory_space<hbm>>
          %dma_start3A_382 = tpu.memref_squeeze %dma_start3A_381 : memref<1x1x80xi32, #tpu.memory_space<hbm>> -> memref<1x80xi32, #tpu.memory_space<hbm>>
          tpu.enqueue_dma source(%dma_start3A_382 : memref<1x80xi32, #tpu.memory_space<hbm>>) target(%dma_start3A_379 : memref<1x80xi32, #tpu.memory_space<vmem>>) target_semaphore(%arg25 : memref<!tpu.dma_semaphore, #tpu.memory_space<semaphore_mem>>)
        } else {
        }
        %mul3A_314 = arith.constant 125 : i32
        %mul3A_315 = arith.muli %add3A, %mul3A_314 : i32
        %add3A_316 = arith.addi %mul3A_315, %add3A_268 : i32
        %dma_wait3A_317 = arith.constant 1 : i32
        %dma_wait3A_318 = arith.constant 2 : i32
        %dma_wait3A_319 = arith.constant 0 : i32
        %dma_wait3A_320 = tpu.memref_slice %arg10[%dma_wait3A_318, %dma_wait3A_319] : memref<4x80xi32, #tpu.memory_space<vmem>> -> memref<1x80xi32, #tpu.memory_space<vmem>>
        %dma_wait3A_321 = arith.constant 0 : i32
        %dma_wait3A_322 = tpu.memref_slice %arg4[%dma_wait3A_317, %add3A_316, %dma_wait3A_321] : memref<2x4000x80xi32, #tpu.memory_space<hbm>> -> memref<1x1x80xi32, #tpu.memory_space<hbm>>
        %dma_wait3A_323 = tpu.memref_squeeze %dma_wait3A_322 : memref<1x1x80xi32, #tpu.memory_space<hbm>> -> memref<1x80xi32, #tpu.memory_space<hbm>>
        %dma_wait3A_324 = arith.constant 2 : i32
        %dma_wait3A_325 = arith.constant 0 : i32
        %dma_wait3A_326 = tpu.memref_slice %arg10[%dma_wait3A_324, %dma_wait3A_325] : memref<4x80xi32, #tpu.memory_space<vmem>> -> memref<1x80xi32, #tpu.memory_space<vmem>>
        %dma_wait3A_327 = arith.constant 0 : i32
        %dma_wait3A_328 = tpu.memref_slice %arg4[%dma_wait3A_317, %add3A_316, %dma_wait3A_327] : memref<2x4000x80xi32, #tpu.memory_space<hbm>> -> memref<1x1x80xi32, #tpu.memory_space<hbm>>
        %dma_wait3A_329 = tpu.memref_squeeze %dma_wait3A_328 : memref<1x1x80xi32, #tpu.memory_space<hbm>> -> memref<1x80xi32, #tpu.memory_space<hbm>>
        tpu.wait_dma2 semaphore(%arg29 : memref<!tpu.dma_semaphore, #tpu.memory_space<semaphore_mem>>) src(%dma_wait3A_329 : memref<1x80xi32, #tpu.memory_space<hbm>>) dst(%dma_wait3A_326 : memref<1x80xi32, #tpu.memory_space<vmem>>)
        %dma_start3A_330 = arith.constant 2 : i32
        %dma_start3A_331 = arith.constant 2 : i32
        %dma_start3A_332 = arith.constant 0 : i32
        %dma_start3A_333 = arith.constant 0 : i32
        %dma_start3A_334 = tpu.memref_slice %arg11[%dma_start3A_330, %dma_start3A_332, %dma_start3A_333] : memref<4x80x128xf32, #tpu.memory_space<vmem>> -> memref<1x80x128xf32, #tpu.memory_space<vmem>>
        %dma_start3A_335 = tpu.memref_squeeze %dma_start3A_334 : memref<1x80x128xf32, #tpu.memory_space<vmem>> -> memref<80x128xf32, #tpu.memory_space<vmem>>
        %dma_start3A_336 = arith.constant 0 : i32
        %dma_start3A_337 = tpu.memref_slice %arg10[%dma_start3A_331, %dma_start3A_336] : memref<4x80xi32, #tpu.memory_space<vmem>> -> memref<1x80xi32, #tpu.memory_space<vmem>>
        %dma_start3A_338 = tpu.memref_squeeze %dma_start3A_337 : memref<1x80xi32, #tpu.memory_space<vmem>> -> memref<80xi32, #tpu.memory_space<vmem>>
        %dma_start3A_339 = arith.constant 0 : i32
        %dma_start3A_340 = arith.constant 0 : i32
        %dma_start3A_341 = tpu.memref_slice %arg13[%dma_start3A_339, %dma_start3A_340] : memref<10112x128xf32, #tpu.memory_space<vmem_shared>> -> memref<10112x128xf32, #tpu.memory_space<vmem_shared>>
        tpu.enqueue_indirect_dma source(%dma_start3A_335 : memref<80x128xf32, #tpu.memory_space<vmem>>) target(%dma_start3A_341 : memref<10112x128xf32, #tpu.memory_space<vmem_shared>>) offsets(%dma_start3A_338 : memref<80xi32, #tpu.memory_space<vmem>>) semaphore(%arg21 : memref<!tpu.dma_semaphore, #tpu.memory_space<semaphore_mem>>) {add = true}
        %dma_start3A_342 = arith.constant 2 : i32
        %dma_start3A_343 = arith.constant 2 : i32
        %dma_start3A_344 = arith.constant 0 : i32
        %dma_start3A_345 = arith.constant 0 : i32
        %dma_start3A_346 = tpu.memref_slice %arg12[%dma_start3A_342, %dma_start3A_344, %dma_start3A_345] : memref<4x80x8xf32, #tpu.memory_space<vmem>> -> memref<1x80x8xf32, #tpu.memory_space<vmem>>
        %dma_start3A_347 = tpu.memref_squeeze %dma_start3A_346 : memref<1x80x8xf32, #tpu.memory_space<vmem>> -> memref<80x8xf32, #tpu.memory_space<vmem>>
        %dma_start3A_348 = arith.constant 0 : i32
        %dma_start3A_349 = tpu.memref_slice %arg10[%dma_start3A_343, %dma_start3A_348] : memref<4x80xi32, #tpu.memory_space<vmem>> -> memref<1x80xi32, #tpu.memory_space<vmem>>
        %dma_start3A_350 = tpu.memref_squeeze %dma_start3A_349 : memref<1x80xi32, #tpu.memory_space<vmem>> -> memref<80xi32, #tpu.memory_space<vmem>>
        %dma_start3A_351 = arith.constant 0 : i32
        %dma_start3A_352 = arith.constant 0 : i32
        %dma_start3A_353 = tpu.memref_slice %arg14[%dma_start3A_351, %dma_start3A_352] : memref<10112x8xf32, #tpu.memory_space<vmem_shared>> -> memref<10112x8xf32, #tpu.memory_space<vmem_shared>>
        tpu.enqueue_indirect_dma source(%dma_start3A_347 : memref<80x8xf32, #tpu.memory_space<vmem>>) target(%dma_start3A_353 : memref<10112x8xf32, #tpu.memory_space<vmem_shared>>) offsets(%dma_start3A_350 : memref<80xi32, #tpu.memory_space<vmem>>) semaphore(%arg21 : memref<!tpu.dma_semaphore, #tpu.memory_space<semaphore_mem>>) {add = true}
        %ge3A = arith.constant 2 : i32
        %ge3A_354 = arith.cmpi sge, %add3A_268, %ge3A : i32
        %convert_element_type3A_355 = arith.extui %ge3A_354 : i1 to i32
        %cond3A_356 = arith.constant 0 : i32
        %cond3A_357 = arith.cmpi ne, %convert_element_type3A_355, %cond3A_356 : i32
        scf.if %cond3A_357 {
          %dma_wait3A_365 = arith.constant 0 : i32
          %dma_wait3A_366 = arith.constant 0 : i32
          %dma_wait3A_367 = arith.constant 0 : i32
          %dma_wait3A_368 = arith.constant 0 : i32
          %dma_wait3A_369 = tpu.memref_slice %arg11[%dma_wait3A_365, %dma_wait3A_367, %dma_wait3A_368] : memref<4x80x128xf32, #tpu.memory_space<vmem>> -> memref<1x80x128xf32, #tpu.memory_space<vmem>>
          %dma_wait3A_370 = tpu.memref_squeeze %dma_wait3A_369 : memref<1x80x128xf32, #tpu.memory_space<vmem>> -> memref<80x128xf32, #tpu.memory_space<vmem>>
          %dma_wait3A_371 = arith.constant 0 : i32
          %dma_wait3A_372 = tpu.memref_slice %arg10[%dma_wait3A_366, %dma_wait3A_371] : memref<4x80xi32, #tpu.memory_space<vmem>> -> memref<1x80xi32, #tpu.memory_space<vmem>>
          %dma_wait3A_373 = tpu.memref_squeeze %dma_wait3A_372 : memref<1x80xi32, #tpu.memory_space<vmem>> -> memref<80xi32, #tpu.memory_space<vmem>>
          %dma_wait3A_374 = arith.constant 0 : i32
          %dma_wait3A_375 = arith.constant 0 : i32
          %dma_wait3A_376 = tpu.memref_slice %arg13[%dma_wait3A_374, %dma_wait3A_375] : memref<10112x128xf32, #tpu.memory_space<vmem_shared>> -> memref<10112x128xf32, #tpu.memory_space<vmem_shared>>
          tpu.wait_indirect_dma semaphore(%arg19 : memref<!tpu.dma_semaphore, #tpu.memory_space<semaphore_mem>>) src(%dma_wait3A_370 : memref<80x128xf32, #tpu.memory_space<vmem>>) dst(%dma_wait3A_376 : memref<10112x128xf32, #tpu.memory_space<vmem_shared>>)
          %dma_wait3A_377 = arith.constant 0 : i32
          %dma_wait3A_378 = arith.constant 0 : i32
          %dma_wait3A_379 = arith.constant 0 : i32
          %dma_wait3A_380 = arith.constant 0 : i32
          %dma_wait3A_381 = tpu.memref_slice %arg12[%dma_wait3A_377, %dma_wait3A_379, %dma_wait3A_380] : memref<4x80x8xf32, #tpu.memory_space<vmem>> -> memref<1x80x8xf32, #tpu.memory_space<vmem>>
          %dma_wait3A_382 = tpu.memref_squeeze %dma_wait3A_381 : memref<1x80x8xf32, #tpu.memory_space<vmem>> -> memref<80x8xf32, #tpu.memory_space<vmem>>
          %dma_wait3A_383 = arith.constant 0 : i32
          %dma_wait3A_384 = tpu.memref_slice %arg10[%dma_wait3A_378, %dma_wait3A_383] : memref<4x80xi32, #tpu.memory_space<vmem>> -> memref<1x80xi32, #tpu.memory_space<vmem>>
          %dma_wait3A_385 = tpu.memref_squeeze %dma_wait3A_384 : memref<1x80xi32, #tpu.memory_space<vmem>> -> memref<80xi32, #tpu.memory_space<vmem>>
          %dma_wait3A_386 = arith.constant 0 : i32
          %dma_wait3A_387 = arith.constant 0 : i32
          %dma_wait3A_388 = tpu.memref_slice %arg14[%dma_wait3A_386, %dma_wait3A_387] : memref<10112x8xf32, #tpu.memory_space<vmem_shared>> -> memref<10112x8xf32, #tpu.memory_space<vmem_shared>>
          tpu.wait_indirect_dma semaphore(%arg19 : memref<!tpu.dma_semaphore, #tpu.memory_space<semaphore_mem>>) src(%dma_wait3A_382 : memref<80x8xf32, #tpu.memory_space<vmem>>) dst(%dma_wait3A_388 : memref<10112x8xf32, #tpu.memory_space<vmem_shared>>)
        } else {
        }
        %add3A_358 = arith.constant 2 : i32
        %add3A_359 = arith.addi %add3A_268, %add3A_358 : i32
        %lt3A_360 = arith.constant 125 : i32
        %lt3A_361 = arith.cmpi slt, %add3A_359, %lt3A_360 : i32
        %convert_element_type3A_362 = arith.extui %lt3A_361 : i1 to i32
        %cond3A_363 = arith.constant 0 : i32
        %cond3A_364 = arith.cmpi ne, %convert_element_type3A_362, %cond3A_363 : i32
        scf.if %cond3A_364 {
          %add3A_365 = arith.constant 2 : i32
          %add3A_366 = arith.addi %add3A_268, %add3A_365 : i32
          %mul3A_367 = arith.constant 125 : i32
          %mul3A_368 = arith.muli %add3A, %mul3A_367 : i32
          %add3A_369 = arith.addi %mul3A_368, %add3A_366 : i32
          %dma_start3A_370 = arith.constant 1 : i32
          %dma_start3A_371 = arith.constant 0 : i32
          %dma_start3A_372 = arith.constant 0 : i32
          %dma_start3A_373 = tpu.memref_slice %arg10[%dma_start3A_371, %dma_start3A_372] : memref<4x80xi32, #tpu.memory_space<vmem>> -> memref<1x80xi32, #tpu.memory_space<vmem>>
          %dma_start3A_374 = arith.constant 0 : i32
          %dma_start3A_375 = tpu.memref_slice %arg4[%dma_start3A_370, %add3A_369, %dma_start3A_374] : memref<2x4000x80xi32, #tpu.memory_space<hbm>> -> memref<1x1x80xi32, #tpu.memory_space<hbm>>
          %dma_start3A_376 = tpu.memref_squeeze %dma_start3A_375 : memref<1x1x80xi32, #tpu.memory_space<hbm>> -> memref<1x80xi32, #tpu.memory_space<hbm>>
          %dma_start3A_377 = arith.constant 0 : i32
          %dma_start3A_378 = arith.constant 0 : i32
          %dma_start3A_379 = tpu.memref_slice %arg10[%dma_start3A_377, %dma_start3A_378] : memref<4x80xi32, #tpu.memory_space<vmem>> -> memref<1x80xi32, #tpu.memory_space<vmem>>
          %dma_start3A_380 = arith.constant 0 : i32
          %dma_start3A_381 = tpu.memref_slice %arg4[%dma_start3A_370, %add3A_369, %dma_start3A_380] : memref<2x4000x80xi32, #tpu.memory_space<hbm>> -> memref<1x1x80xi32, #tpu.memory_space<hbm>>
          %dma_start3A_382 = tpu.memref_squeeze %dma_start3A_381 : memref<1x1x80xi32, #tpu.memory_space<hbm>> -> memref<1x80xi32, #tpu.memory_space<hbm>>
          tpu.enqueue_dma source(%dma_start3A_382 : memref<1x80xi32, #tpu.memory_space<hbm>>) target(%dma_start3A_379 : memref<1x80xi32, #tpu.memory_space<vmem>>) target_semaphore(%arg27 : memref<!tpu.dma_semaphore, #tpu.memory_space<semaphore_mem>>)
          %add3A_383 = arith.constant 2 : i32
          %add3A_384 = arith.addi %add3A_268, %add3A_383 : i32
          %mul3A_385 = arith.constant 125 : i32
          %mul3A_386 = arith.muli %add3A, %mul3A_385 : i32
          %add3A_387 = arith.addi %mul3A_386, %add3A_384 : i32
          %dma_wait3A_388 = arith.constant 0 : i32
          %dma_wait3A_389 = arith.constant 0 : i32
          %dma_wait3A_390 = arith.constant 0 : i32
          %dma_wait3A_391 = tpu.memref_slice %arg9[%dma_wait3A_389, %dma_wait3A_390] : memref<4x80xi32, #tpu.memory_space<vmem>> -> memref<1x80xi32, #tpu.memory_space<vmem>>
          %dma_wait3A_392 = arith.constant 0 : i32
          %dma_wait3A_393 = tpu.memref_slice %arg4[%dma_wait3A_388, %add3A_387, %dma_wait3A_392] : memref<2x4000x80xi32, #tpu.memory_space<hbm>> -> memref<1x1x80xi32, #tpu.memory_space<hbm>>
          %dma_wait3A_394 = tpu.memref_squeeze %dma_wait3A_393 : memref<1x1x80xi32, #tpu.memory_space<hbm>> -> memref<1x80xi32, #tpu.memory_space<hbm>>
          %dma_wait3A_395 = arith.constant 0 : i32
          %dma_wait3A_396 = arith.constant 0 : i32
          %dma_wait3A_397 = tpu.memref_slice %arg9[%dma_wait3A_395, %dma_wait3A_396] : memref<4x80xi32, #tpu.memory_space<vmem>> -> memref<1x80xi32, #tpu.memory_space<vmem>>
          %dma_wait3A_398 = arith.constant 0 : i32
          %dma_wait3A_399 = tpu.memref_slice %arg4[%dma_wait3A_388, %add3A_387, %dma_wait3A_398] : memref<2x4000x80xi32, #tpu.memory_space<hbm>> -> memref<1x1x80xi32, #tpu.memory_space<hbm>>
          %dma_wait3A_400 = tpu.memref_squeeze %dma_wait3A_399 : memref<1x1x80xi32, #tpu.memory_space<hbm>> -> memref<1x80xi32, #tpu.memory_space<hbm>>
          tpu.wait_dma2 semaphore(%arg23 : memref<!tpu.dma_semaphore, #tpu.memory_space<semaphore_mem>>) src(%dma_wait3A_400 : memref<1x80xi32, #tpu.memory_space<hbm>>) dst(%dma_wait3A_397 : memref<1x80xi32, #tpu.memory_space<vmem>>)
          %dma_start3A_401 = arith.constant 0 : i32
          %dma_start3A_402 = arith.constant 0 : i32
          %dma_start3A_403 = arith.constant 0 : i32
          %dma_start3A_404 = arith.constant 0 : i32
          %dma_start3A_405 = tpu.memref_slice %arg11[%dma_start3A_402, %dma_start3A_403, %dma_start3A_404] : memref<4x80x128xf32, #tpu.memory_space<vmem>> -> memref<1x80x128xf32, #tpu.memory_space<vmem>>
          %dma_start3A_406 = tpu.memref_squeeze %dma_start3A_405 : memref<1x80x128xf32, #tpu.memory_space<vmem>> -> memref<80x128xf32, #tpu.memory_space<vmem>>
          %dma_start3A_407 = arith.constant 0 : i32
          %dma_start3A_408 = tpu.memref_slice %arg9[%dma_start3A_401, %dma_start3A_407] : memref<4x80xi32, #tpu.memory_space<vmem>> -> memref<1x80xi32, #tpu.memory_space<vmem>>
          %dma_start3A_409 = tpu.memref_squeeze %dma_start3A_408 : memref<1x80xi32, #tpu.memory_space<vmem>> -> memref<80xi32, #tpu.memory_space<vmem>>
          %dma_start3A_410 = arith.constant 0 : i32
          %dma_start3A_411 = arith.constant 0 : i32
          %dma_start3A_412 = tpu.memref_slice %arg2[%dma_start3A_410, %dma_start3A_411] : memref<10000x128xf32, #tpu.memory_space<hbm>> -> memref<10000x128xf32, #tpu.memory_space<hbm>>
          tpu.enqueue_indirect_dma source(%dma_start3A_412 : memref<10000x128xf32, #tpu.memory_space<hbm>>) target(%dma_start3A_406 : memref<80x128xf32, #tpu.memory_space<vmem>>) offsets(%dma_start3A_409 : memref<80xi32, #tpu.memory_space<vmem>>) semaphore(%arg15 : memref<!tpu.dma_semaphore, #tpu.memory_space<semaphore_mem>>)
          %dma_start3A_413 = arith.constant 0 : i32
          %dma_start3A_414 = arith.constant 0 : i32
          %dma_start3A_415 = arith.constant 0 : i32
          %dma_start3A_416 = arith.constant 0 : i32
          %dma_start3A_417 = tpu.memref_slice %arg12[%dma_start3A_414, %dma_start3A_415, %dma_start3A_416] : memref<4x80x8xf32, #tpu.memory_space<vmem>> -> memref<1x80x8xf32, #tpu.memory_space<vmem>>
          %dma_start3A_418 = tpu.memref_squeeze %dma_start3A_417 : memref<1x80x8xf32, #tpu.memory_space<vmem>> -> memref<80x8xf32, #tpu.memory_space<vmem>>
          %dma_start3A_419 = arith.constant 0 : i32
          %dma_start3A_420 = tpu.memref_slice %arg9[%dma_start3A_413, %dma_start3A_419] : memref<4x80xi32, #tpu.memory_space<vmem>> -> memref<1x80xi32, #tpu.memory_space<vmem>>
          %dma_start3A_421 = tpu.memref_squeeze %dma_start3A_420 : memref<1x80xi32, #tpu.memory_space<vmem>> -> memref<80xi32, #tpu.memory_space<vmem>>
          %dma_start3A_422 = arith.constant 0 : i32
          %dma_start3A_423 = arith.constant 0 : i32
          %dma_start3A_424 = tpu.memref_slice %arg3[%dma_start3A_422, %dma_start3A_423] : memref<10000x8xf32, #tpu.memory_space<hbm>> -> memref<10000x8xf32, #tpu.memory_space<hbm>>
          tpu.enqueue_indirect_dma source(%dma_start3A_424 : memref<10000x8xf32, #tpu.memory_space<hbm>>) target(%dma_start3A_418 : memref<80x8xf32, #tpu.memory_space<vmem>>) offsets(%dma_start3A_421 : memref<80xi32, #tpu.memory_space<vmem>>) semaphore(%arg15 : memref<!tpu.dma_semaphore, #tpu.memory_space<semaphore_mem>>)
        } else {
        }
      } else {
      }
      %mul3A_274 = arith.constant 4 : i32
      %mul3A_275 = arith.muli %mul3A_274, %scan3A_249 : i32
      %add3A_276 = arith.constant 3 : i32
      %add3A_277 = arith.addi %mul3A_275, %add3A_276 : i32
      %lt3A_278 = arith.constant 125 : i32
      %lt3A_279 = arith.cmpi slt, %add3A_277, %lt3A_278 : i32
      %convert_element_type3A_280 = arith.extui %lt3A_279 : i1 to i32
      %cond3A_281 = arith.constant 0 : i32
      %cond3A_282 = arith.cmpi ne, %convert_element_type3A_280, %cond3A_281 : i32
      scf.if %cond3A_282 {
        %dma_wait3A_283 = arith.constant 3 : i32
        %dma_wait3A_284 = arith.constant 3 : i32
        %dma_wait3A_285 = arith.constant 0 : i32
        %dma_wait3A_286 = arith.constant 0 : i32
        %dma_wait3A_287 = tpu.memref_slice %arg11[%dma_wait3A_284, %dma_wait3A_285, %dma_wait3A_286] : memref<4x80x128xf32, #tpu.memory_space<vmem>> -> memref<1x80x128xf32, #tpu.memory_space<vmem>>
        %dma_wait3A_288 = tpu.memref_squeeze %dma_wait3A_287 : memref<1x80x128xf32, #tpu.memory_space<vmem>> -> memref<80x128xf32, #tpu.memory_space<vmem>>
        %dma_wait3A_289 = arith.constant 0 : i32
        %dma_wait3A_290 = tpu.memref_slice %arg9[%dma_wait3A_283, %dma_wait3A_289] : memref<4x80xi32, #tpu.memory_space<vmem>> -> memref<1x80xi32, #tpu.memory_space<vmem>>
        %dma_wait3A_291 = tpu.memref_squeeze %dma_wait3A_290 : memref<1x80xi32, #tpu.memory_space<vmem>> -> memref<80xi32, #tpu.memory_space<vmem>>
        %dma_wait3A_292 = arith.constant 0 : i32
        %dma_wait3A_293 = arith.constant 0 : i32
        %dma_wait3A_294 = tpu.memref_slice %arg2[%dma_wait3A_292, %dma_wait3A_293] : memref<10000x128xf32, #tpu.memory_space<hbm>> -> memref<10000x128xf32, #tpu.memory_space<hbm>>
        tpu.wait_indirect_dma semaphore(%arg18 : memref<!tpu.dma_semaphore, #tpu.memory_space<semaphore_mem>>) src(%dma_wait3A_294 : memref<10000x128xf32, #tpu.memory_space<hbm>>) dst(%dma_wait3A_288 : memref<80x128xf32, #tpu.memory_space<vmem>>)
        %dma_wait3A_295 = arith.constant 3 : i32
        %dma_wait3A_296 = arith.constant 3 : i32
        %dma_wait3A_297 = arith.constant 0 : i32
        %dma_wait3A_298 = arith.constant 0 : i32
        %dma_wait3A_299 = tpu.memref_slice %arg12[%dma_wait3A_296, %dma_wait3A_297, %dma_wait3A_298] : memref<4x80x8xf32, #tpu.memory_space<vmem>> -> memref<1x80x8xf32, #tpu.memory_space<vmem>>
        %dma_wait3A_300 = tpu.memref_squeeze %dma_wait3A_299 : memref<1x80x8xf32, #tpu.memory_space<vmem>> -> memref<80x8xf32, #tpu.memory_space<vmem>>
        %dma_wait3A_301 = arith.constant 0 : i32
        %dma_wait3A_302 = tpu.memref_slice %arg9[%dma_wait3A_295, %dma_wait3A_301] : memref<4x80xi32, #tpu.memory_space<vmem>> -> memref<1x80xi32, #tpu.memory_space<vmem>>
        %dma_wait3A_303 = tpu.memref_squeeze %dma_wait3A_302 : memref<1x80xi32, #tpu.memory_space<vmem>> -> memref<80xi32, #tpu.memory_space<vmem>>
        %dma_wait3A_304 = arith.constant 0 : i32
        %dma_wait3A_305 = arith.constant 0 : i32
        %dma_wait3A_306 = tpu.memref_slice %arg3[%dma_wait3A_304, %dma_wait3A_305] : memref<10000x8xf32, #tpu.memory_space<hbm>> -> memref<10000x8xf32, #tpu.memory_space<hbm>>
        tpu.wait_indirect_dma semaphore(%arg18 : memref<!tpu.dma_semaphore, #tpu.memory_space<semaphore_mem>>) src(%dma_wait3A_306 : memref<10000x8xf32, #tpu.memory_space<hbm>>) dst(%dma_wait3A_300 : memref<80x8xf32, #tpu.memory_space<vmem>>)
        %add3A_307 = arith.constant 4 : i32
        %add3A_308 = arith.addi %add3A_277, %add3A_307 : i32
        %lt3A_309 = arith.constant 125 : i32
        %lt3A_310 = arith.cmpi slt, %add3A_308, %lt3A_309 : i32
        %convert_element_type3A_311 = arith.extui %lt3A_310 : i1 to i32
        %cond3A_312 = arith.constant 0 : i32
        %cond3A_313 = arith.cmpi ne, %convert_element_type3A_311, %cond3A_312 : i32
        scf.if %cond3A_313 {
          %add3A_365 = arith.constant 4 : i32
          %add3A_366 = arith.addi %add3A_277, %add3A_365 : i32
          %mul3A_367 = arith.constant 125 : i32
          %mul3A_368 = arith.muli %add3A, %mul3A_367 : i32
          %add3A_369 = arith.addi %mul3A_368, %add3A_366 : i32
          %dma_start3A_370 = arith.constant 0 : i32
          %dma_start3A_371 = arith.constant 3 : i32
          %dma_start3A_372 = arith.constant 0 : i32
          %dma_start3A_373 = tpu.memref_slice %arg9[%dma_start3A_371, %dma_start3A_372] : memref<4x80xi32, #tpu.memory_space<vmem>> -> memref<1x80xi32, #tpu.memory_space<vmem>>
          %dma_start3A_374 = arith.constant 0 : i32
          %dma_start3A_375 = tpu.memref_slice %arg4[%dma_start3A_370, %add3A_369, %dma_start3A_374] : memref<2x4000x80xi32, #tpu.memory_space<hbm>> -> memref<1x1x80xi32, #tpu.memory_space<hbm>>
          %dma_start3A_376 = tpu.memref_squeeze %dma_start3A_375 : memref<1x1x80xi32, #tpu.memory_space<hbm>> -> memref<1x80xi32, #tpu.memory_space<hbm>>
          %dma_start3A_377 = arith.constant 3 : i32
          %dma_start3A_378 = arith.constant 0 : i32
          %dma_start3A_379 = tpu.memref_slice %arg9[%dma_start3A_377, %dma_start3A_378] : memref<4x80xi32, #tpu.memory_space<vmem>> -> memref<1x80xi32, #tpu.memory_space<vmem>>
          %dma_start3A_380 = arith.constant 0 : i32
          %dma_start3A_381 = tpu.memref_slice %arg4[%dma_start3A_370, %add3A_369, %dma_start3A_380] : memref<2x4000x80xi32, #tpu.memory_space<hbm>> -> memref<1x1x80xi32, #tpu.memory_space<hbm>>
          %dma_start3A_382 = tpu.memref_squeeze %dma_start3A_381 : memref<1x1x80xi32, #tpu.memory_space<hbm>> -> memref<1x80xi32, #tpu.memory_space<hbm>>
          tpu.enqueue_dma source(%dma_start3A_382 : memref<1x80xi32, #tpu.memory_space<hbm>>) target(%dma_start3A_379 : memref<1x80xi32, #tpu.memory_space<vmem>>) target_semaphore(%arg26 : memref<!tpu.dma_semaphore, #tpu.memory_space<semaphore_mem>>)
        } else {
        }
        %mul3A_314 = arith.constant 125 : i32
        %mul3A_315 = arith.muli %add3A, %mul3A_314 : i32
        %add3A_316 = arith.addi %mul3A_315, %add3A_277 : i32
        %dma_wait3A_317 = arith.constant 1 : i32
        %dma_wait3A_318 = arith.constant 3 : i32
        %dma_wait3A_319 = arith.constant 0 : i32
        %dma_wait3A_320 = tpu.memref_slice %arg10[%dma_wait3A_318, %dma_wait3A_319] : memref<4x80xi32, #tpu.memory_space<vmem>> -> memref<1x80xi32, #tpu.memory_space<vmem>>
        %dma_wait3A_321 = arith.constant 0 : i32
        %dma_wait3A_322 = tpu.memref_slice %arg4[%dma_wait3A_317, %add3A_316, %dma_wait3A_321] : memref<2x4000x80xi32, #tpu.memory_space<hbm>> -> memref<1x1x80xi32, #tpu.memory_space<hbm>>
        %dma_wait3A_323 = tpu.memref_squeeze %dma_wait3A_322 : memref<1x1x80xi32, #tpu.memory_space<hbm>> -> memref<1x80xi32, #tpu.memory_space<hbm>>
        %dma_wait3A_324 = arith.constant 3 : i32
        %dma_wait3A_325 = arith.constant 0 : i32
        %dma_wait3A_326 = tpu.memref_slice %arg10[%dma_wait3A_324, %dma_wait3A_325] : memref<4x80xi32, #tpu.memory_space<vmem>> -> memref<1x80xi32, #tpu.memory_space<vmem>>
        %dma_wait3A_327 = arith.constant 0 : i32
        %dma_wait3A_328 = tpu.memref_slice %arg4[%dma_wait3A_317, %add3A_316, %dma_wait3A_327] : memref<2x4000x80xi32, #tpu.memory_space<hbm>> -> memref<1x1x80xi32, #tpu.memory_space<hbm>>
        %dma_wait3A_329 = tpu.memref_squeeze %dma_wait3A_328 : memref<1x1x80xi32, #tpu.memory_space<hbm>> -> memref<1x80xi32, #tpu.memory_space<hbm>>
        tpu.wait_dma2 semaphore(%arg30 : memref<!tpu.dma_semaphore, #tpu.memory_space<semaphore_mem>>) src(%dma_wait3A_329 : memref<1x80xi32, #tpu.memory_space<hbm>>) dst(%dma_wait3A_326 : memref<1x80xi32, #tpu.memory_space<vmem>>)
        %dma_start3A_330 = arith.constant 3 : i32
        %dma_start3A_331 = arith.constant 3 : i32
        %dma_start3A_332 = arith.constant 0 : i32
        %dma_start3A_333 = arith.constant 0 : i32
        %dma_start3A_334 = tpu.memref_slice %arg11[%dma_start3A_330, %dma_start3A_332, %dma_start3A_333] : memref<4x80x128xf32, #tpu.memory_space<vmem>> -> memref<1x80x128xf32, #tpu.memory_space<vmem>>
        %dma_start3A_335 = tpu.memref_squeeze %dma_start3A_334 : memref<1x80x128xf32, #tpu.memory_space<vmem>> -> memref<80x128xf32, #tpu.memory_space<vmem>>
        %dma_start3A_336 = arith.constant 0 : i32
        %dma_start3A_337 = tpu.memref_slice %arg10[%dma_start3A_331, %dma_start3A_336] : memref<4x80xi32, #tpu.memory_space<vmem>> -> memref<1x80xi32, #tpu.memory_space<vmem>>
        %dma_start3A_338 = tpu.memref_squeeze %dma_start3A_337 : memref<1x80xi32, #tpu.memory_space<vmem>> -> memref<80xi32, #tpu.memory_space<vmem>>
        %dma_start3A_339 = arith.constant 0 : i32
        %dma_start3A_340 = arith.constant 0 : i32
        %dma_start3A_341 = tpu.memref_slice %arg13[%dma_start3A_339, %dma_start3A_340] : memref<10112x128xf32, #tpu.memory_space<vmem_shared>> -> memref<10112x128xf32, #tpu.memory_space<vmem_shared>>
        tpu.enqueue_indirect_dma source(%dma_start3A_335 : memref<80x128xf32, #tpu.memory_space<vmem>>) target(%dma_start3A_341 : memref<10112x128xf32, #tpu.memory_space<vmem_shared>>) offsets(%dma_start3A_338 : memref<80xi32, #tpu.memory_space<vmem>>) semaphore(%arg22 : memref<!tpu.dma_semaphore, #tpu.memory_space<semaphore_mem>>) {add = true}
        %dma_start3A_342 = arith.constant 3 : i32
        %dma_start3A_343 = arith.constant 3 : i32
        %dma_start3A_344 = arith.constant 0 : i32
        %dma_start3A_345 = arith.constant 0 : i32
        %dma_start3A_346 = tpu.memref_slice %arg12[%dma_start3A_342, %dma_start3A_344, %dma_start3A_345] : memref<4x80x8xf32, #tpu.memory_space<vmem>> -> memref<1x80x8xf32, #tpu.memory_space<vmem>>
        %dma_start3A_347 = tpu.memref_squeeze %dma_start3A_346 : memref<1x80x8xf32, #tpu.memory_space<vmem>> -> memref<80x8xf32, #tpu.memory_space<vmem>>
        %dma_start3A_348 = arith.constant 0 : i32
        %dma_start3A_349 = tpu.memref_slice %arg10[%dma_start3A_343, %dma_start3A_348] : memref<4x80xi32, #tpu.memory_space<vmem>> -> memref<1x80xi32, #tpu.memory_space<vmem>>
        %dma_start3A_350 = tpu.memref_squeeze %dma_start3A_349 : memref<1x80xi32, #tpu.memory_space<vmem>> -> memref<80xi32, #tpu.memory_space<vmem>>
        %dma_start3A_351 = arith.constant 0 : i32
        %dma_start3A_352 = arith.constant 0 : i32
        %dma_start3A_353 = tpu.memref_slice %arg14[%dma_start3A_351, %dma_start3A_352] : memref<10112x8xf32, #tpu.memory_space<vmem_shared>> -> memref<10112x8xf32, #tpu.memory_space<vmem_shared>>
        tpu.enqueue_indirect_dma source(%dma_start3A_347 : memref<80x8xf32, #tpu.memory_space<vmem>>) target(%dma_start3A_353 : memref<10112x8xf32, #tpu.memory_space<vmem_shared>>) offsets(%dma_start3A_350 : memref<80xi32, #tpu.memory_space<vmem>>) semaphore(%arg22 : memref<!tpu.dma_semaphore, #tpu.memory_space<semaphore_mem>>) {add = true}
        %ge3A = arith.constant 2 : i32
        %ge3A_354 = arith.cmpi sge, %add3A_277, %ge3A : i32
        %convert_element_type3A_355 = arith.extui %ge3A_354 : i1 to i32
        %cond3A_356 = arith.constant 0 : i32
        %cond3A_357 = arith.cmpi ne, %convert_element_type3A_355, %cond3A_356 : i32
        scf.if %cond3A_357 {
          %dma_wait3A_365 = arith.constant 1 : i32
          %dma_wait3A_366 = arith.constant 1 : i32
          %dma_wait3A_367 = arith.constant 0 : i32
          %dma_wait3A_368 = arith.constant 0 : i32
          %dma_wait3A_369 = tpu.memref_slice %arg11[%dma_wait3A_365, %dma_wait3A_367, %dma_wait3A_368] : memref<4x80x128xf32, #tpu.memory_space<vmem>> -> memref<1x80x128xf32, #tpu.memory_space<vmem>>
          %dma_wait3A_370 = tpu.memref_squeeze %dma_wait3A_369 : memref<1x80x128xf32, #tpu.memory_space<vmem>> -> memref<80x128xf32, #tpu.memory_space<vmem>>
          %dma_wait3A_371 = arith.constant 0 : i32
          %dma_wait3A_372 = tpu.memref_slice %arg10[%dma_wait3A_366, %dma_wait3A_371] : memref<4x80xi32, #tpu.memory_space<vmem>> -> memref<1x80xi32, #tpu.memory_space<vmem>>
          %dma_wait3A_373 = tpu.memref_squeeze %dma_wait3A_372 : memref<1x80xi32, #tpu.memory_space<vmem>> -> memref<80xi32, #tpu.memory_space<vmem>>
          %dma_wait3A_374 = arith.constant 0 : i32
          %dma_wait3A_375 = arith.constant 0 : i32
          %dma_wait3A_376 = tpu.memref_slice %arg13[%dma_wait3A_374, %dma_wait3A_375] : memref<10112x128xf32, #tpu.memory_space<vmem_shared>> -> memref<10112x128xf32, #tpu.memory_space<vmem_shared>>
          tpu.wait_indirect_dma semaphore(%arg20 : memref<!tpu.dma_semaphore, #tpu.memory_space<semaphore_mem>>) src(%dma_wait3A_370 : memref<80x128xf32, #tpu.memory_space<vmem>>) dst(%dma_wait3A_376 : memref<10112x128xf32, #tpu.memory_space<vmem_shared>>)
          %dma_wait3A_377 = arith.constant 1 : i32
          %dma_wait3A_378 = arith.constant 1 : i32
          %dma_wait3A_379 = arith.constant 0 : i32
          %dma_wait3A_380 = arith.constant 0 : i32
          %dma_wait3A_381 = tpu.memref_slice %arg12[%dma_wait3A_377, %dma_wait3A_379, %dma_wait3A_380] : memref<4x80x8xf32, #tpu.memory_space<vmem>> -> memref<1x80x8xf32, #tpu.memory_space<vmem>>
          %dma_wait3A_382 = tpu.memref_squeeze %dma_wait3A_381 : memref<1x80x8xf32, #tpu.memory_space<vmem>> -> memref<80x8xf32, #tpu.memory_space<vmem>>
          %dma_wait3A_383 = arith.constant 0 : i32
          %dma_wait3A_384 = tpu.memref_slice %arg10[%dma_wait3A_378, %dma_wait3A_383] : memref<4x80xi32, #tpu.memory_space<vmem>> -> memref<1x80xi32, #tpu.memory_space<vmem>>
          %dma_wait3A_385 = tpu.memref_squeeze %dma_wait3A_384 : memref<1x80xi32, #tpu.memory_space<vmem>> -> memref<80xi32, #tpu.memory_space<vmem>>
          %dma_wait3A_386 = arith.constant 0 : i32
          %dma_wait3A_387 = arith.constant 0 : i32
          %dma_wait3A_388 = tpu.memref_slice %arg14[%dma_wait3A_386, %dma_wait3A_387] : memref<10112x8xf32, #tpu.memory_space<vmem_shared>> -> memref<10112x8xf32, #tpu.memory_space<vmem_shared>>
          tpu.wait_indirect_dma semaphore(%arg20 : memref<!tpu.dma_semaphore, #tpu.memory_space<semaphore_mem>>) src(%dma_wait3A_382 : memref<80x8xf32, #tpu.memory_space<vmem>>) dst(%dma_wait3A_388 : memref<10112x8xf32, #tpu.memory_space<vmem_shared>>)
        } else {
        }
        %add3A_358 = arith.constant 2 : i32
        %add3A_359 = arith.addi %add3A_277, %add3A_358 : i32
        %lt3A_360 = arith.constant 125 : i32
        %lt3A_361 = arith.cmpi slt, %add3A_359, %lt3A_360 : i32
        %convert_element_type3A_362 = arith.extui %lt3A_361 : i1 to i32
        %cond3A_363 = arith.constant 0 : i32
        %cond3A_364 = arith.cmpi ne, %convert_element_type3A_362, %cond3A_363 : i32
        scf.if %cond3A_364 {
          %add3A_365 = arith.constant 2 : i32
          %add3A_366 = arith.addi %add3A_277, %add3A_365 : i32
          %mul3A_367 = arith.constant 125 : i32
          %mul3A_368 = arith.muli %add3A, %mul3A_367 : i32
          %add3A_369 = arith.addi %mul3A_368, %add3A_366 : i32
          %dma_start3A_370 = arith.constant 1 : i32
          %dma_start3A_371 = arith.constant 1 : i32
          %dma_start3A_372 = arith.constant 0 : i32
          %dma_start3A_373 = tpu.memref_slice %arg10[%dma_start3A_371, %dma_start3A_372] : memref<4x80xi32, #tpu.memory_space<vmem>> -> memref<1x80xi32, #tpu.memory_space<vmem>>
          %dma_start3A_374 = arith.constant 0 : i32
          %dma_start3A_375 = tpu.memref_slice %arg4[%dma_start3A_370, %add3A_369, %dma_start3A_374] : memref<2x4000x80xi32, #tpu.memory_space<hbm>> -> memref<1x1x80xi32, #tpu.memory_space<hbm>>
          %dma_start3A_376 = tpu.memref_squeeze %dma_start3A_375 : memref<1x1x80xi32, #tpu.memory_space<hbm>> -> memref<1x80xi32, #tpu.memory_space<hbm>>
          %dma_start3A_377 = arith.constant 1 : i32
          %dma_start3A_378 = arith.constant 0 : i32
          %dma_start3A_379 = tpu.memref_slice %arg10[%dma_start3A_377, %dma_start3A_378] : memref<4x80xi32, #tpu.memory_space<vmem>> -> memref<1x80xi32, #tpu.memory_space<vmem>>
          %dma_start3A_380 = arith.constant 0 : i32
          %dma_start3A_381 = tpu.memref_slice %arg4[%dma_start3A_370, %add3A_369, %dma_start3A_380] : memref<2x4000x80xi32, #tpu.memory_space<hbm>> -> memref<1x1x80xi32, #tpu.memory_space<hbm>>
          %dma_start3A_382 = tpu.memref_squeeze %dma_start3A_381 : memref<1x1x80xi32, #tpu.memory_space<hbm>> -> memref<1x80xi32, #tpu.memory_space<hbm>>
          tpu.enqueue_dma source(%dma_start3A_382 : memref<1x80xi32, #tpu.memory_space<hbm>>) target(%dma_start3A_379 : memref<1x80xi32, #tpu.memory_space<vmem>>) target_semaphore(%arg28 : memref<!tpu.dma_semaphore, #tpu.memory_space<semaphore_mem>>)
          %add3A_383 = arith.constant 2 : i32
          %add3A_384 = arith.addi %add3A_277, %add3A_383 : i32
          %mul3A_385 = arith.constant 125 : i32
          %mul3A_386 = arith.muli %add3A, %mul3A_385 : i32
          %add3A_387 = arith.addi %mul3A_386, %add3A_384 : i32
          %dma_wait3A_388 = arith.constant 0 : i32
          %dma_wait3A_389 = arith.constant 1 : i32
          %dma_wait3A_390 = arith.constant 0 : i32
          %dma_wait3A_391 = tpu.memref_slice %arg9[%dma_wait3A_389, %dma_wait3A_390] : memref<4x80xi32, #tpu.memory_space<vmem>> -> memref<1x80xi32, #tpu.memory_space<vmem>>
          %dma_wait3A_392 = arith.constant 0 : i32
          %dma_wait3A_393 = tpu.memref_slice %arg4[%dma_wait3A_388, %add3A_387, %dma_wait3A_392] : memref<2x4000x80xi32, #tpu.memory_space<hbm>> -> memref<1x1x80xi32, #tpu.memory_space<hbm>>
          %dma_wait3A_394 = tpu.memref_squeeze %dma_wait3A_393 : memref<1x1x80xi32, #tpu.memory_space<hbm>> -> memref<1x80xi32, #tpu.memory_space<hbm>>
          %dma_wait3A_395 = arith.constant 1 : i32
          %dma_wait3A_396 = arith.constant 0 : i32
          %dma_wait3A_397 = tpu.memref_slice %arg9[%dma_wait3A_395, %dma_wait3A_396] : memref<4x80xi32, #tpu.memory_space<vmem>> -> memref<1x80xi32, #tpu.memory_space<vmem>>
          %dma_wait3A_398 = arith.constant 0 : i32
          %dma_wait3A_399 = tpu.memref_slice %arg4[%dma_wait3A_388, %add3A_387, %dma_wait3A_398] : memref<2x4000x80xi32, #tpu.memory_space<hbm>> -> memref<1x1x80xi32, #tpu.memory_space<hbm>>
          %dma_wait3A_400 = tpu.memref_squeeze %dma_wait3A_399 : memref<1x1x80xi32, #tpu.memory_space<hbm>> -> memref<1x80xi32, #tpu.memory_space<hbm>>
          tpu.wait_dma2 semaphore(%arg24 : memref<!tpu.dma_semaphore, #tpu.memory_space<semaphore_mem>>) src(%dma_wait3A_400 : memref<1x80xi32, #tpu.memory_space<hbm>>) dst(%dma_wait3A_397 : memref<1x80xi32, #tpu.memory_space<vmem>>)
          %dma_start3A_401 = arith.constant 1 : i32
          %dma_start3A_402 = arith.constant 1 : i32
          %dma_start3A_403 = arith.constant 0 : i32
          %dma_start3A_404 = arith.constant 0 : i32
          %dma_start3A_405 = tpu.memref_slice %arg11[%dma_start3A_402, %dma_start3A_403, %dma_start3A_404] : memref<4x80x128xf32, #tpu.memory_space<vmem>> -> memref<1x80x128xf32, #tpu.memory_space<vmem>>
          %dma_start3A_406 = tpu.memref_squeeze %dma_start3A_405 : memref<1x80x128xf32, #tpu.memory_space<vmem>> -> memref<80x128xf32, #tpu.memory_space<vmem>>
          %dma_start3A_407 = arith.constant 0 : i32
          %dma_start3A_408 = tpu.memref_slice %arg9[%dma_start3A_401, %dma_start3A_407] : memref<4x80xi32, #tpu.memory_space<vmem>> -> memref<1x80xi32, #tpu.memory_space<vmem>>
          %dma_start3A_409 = tpu.memref_squeeze %dma_start3A_408 : memref<1x80xi32, #tpu.memory_space<vmem>> -> memref<80xi32, #tpu.memory_space<vmem>>
          %dma_start3A_410 = arith.constant 0 : i32
          %dma_start3A_411 = arith.constant 0 : i32
          %dma_start3A_412 = tpu.memref_slice %arg2[%dma_start3A_410, %dma_start3A_411] : memref<10000x128xf32, #tpu.memory_space<hbm>> -> memref<10000x128xf32, #tpu.memory_space<hbm>>
          tpu.enqueue_indirect_dma source(%dma_start3A_412 : memref<10000x128xf32, #tpu.memory_space<hbm>>) target(%dma_start3A_406 : memref<80x128xf32, #tpu.memory_space<vmem>>) offsets(%dma_start3A_409 : memref<80xi32, #tpu.memory_space<vmem>>) semaphore(%arg16 : memref<!tpu.dma_semaphore, #tpu.memory_space<semaphore_mem>>)
          %dma_start3A_413 = arith.constant 1 : i32
          %dma_start3A_414 = arith.constant 1 : i32
          %dma_start3A_415 = arith.constant 0 : i32
          %dma_start3A_416 = arith.constant 0 : i32
          %dma_start3A_417 = tpu.memref_slice %arg12[%dma_start3A_414, %dma_start3A_415, %dma_start3A_416] : memref<4x80x8xf32, #tpu.memory_space<vmem>> -> memref<1x80x8xf32, #tpu.memory_space<vmem>>
          %dma_start3A_418 = tpu.memref_squeeze %dma_start3A_417 : memref<1x80x8xf32, #tpu.memory_space<vmem>> -> memref<80x8xf32, #tpu.memory_space<vmem>>
          %dma_start3A_419 = arith.constant 0 : i32
          %dma_start3A_420 = tpu.memref_slice %arg9[%dma_start3A_413, %dma_start3A_419] : memref<4x80xi32, #tpu.memory_space<vmem>> -> memref<1x80xi32, #tpu.memory_space<vmem>>
          %dma_start3A_421 = tpu.memref_squeeze %dma_start3A_420 : memref<1x80xi32, #tpu.memory_space<vmem>> -> memref<80xi32, #tpu.memory_space<vmem>>
          %dma_start3A_422 = arith.constant 0 : i32
          %dma_start3A_423 = arith.constant 0 : i32
          %dma_start3A_424 = tpu.memref_slice %arg3[%dma_start3A_422, %dma_start3A_423] : memref<10000x8xf32, #tpu.memory_space<hbm>> -> memref<10000x8xf32, #tpu.memory_space<hbm>>
          tpu.enqueue_indirect_dma source(%dma_start3A_424 : memref<10000x8xf32, #tpu.memory_space<hbm>>) target(%dma_start3A_418 : memref<80x8xf32, #tpu.memory_space<vmem>>) offsets(%dma_start3A_421 : memref<80xi32, #tpu.memory_space<vmem>>) semaphore(%arg16 : memref<!tpu.dma_semaphore, #tpu.memory_space<semaphore_mem>>)
        } else {
        }
      } else {
      }
    }
    %scan3A_191 = arith.constant 32 : i32
    %dma_wait3A_192 = arith.constant 3 : i32
    %dma_wait3A_193 = arith.constant 3 : i32
    %dma_wait3A_194 = arith.constant 0 : i32
    %dma_wait3A_195 = arith.constant 0 : i32
    %dma_wait3A_196 = tpu.memref_slice %arg11[%dma_wait3A_192, %dma_wait3A_194, %dma_wait3A_195] : memref<4x80x128xf32, #tpu.memory_space<vmem>> -> memref<1x80x128xf32, #tpu.memory_space<vmem>>
    %dma_wait3A_197 = tpu.memref_squeeze %dma_wait3A_196 : memref<1x80x128xf32, #tpu.memory_space<vmem>> -> memref<80x128xf32, #tpu.memory_space<vmem>>
    %dma_wait3A_198 = arith.constant 0 : i32
    %dma_wait3A_199 = tpu.memref_slice %arg10[%dma_wait3A_193, %dma_wait3A_198] : memref<4x80xi32, #tpu.memory_space<vmem>> -> memref<1x80xi32, #tpu.memory_space<vmem>>
    %dma_wait3A_200 = tpu.memref_squeeze %dma_wait3A_199 : memref<1x80xi32, #tpu.memory_space<vmem>> -> memref<80xi32, #tpu.memory_space<vmem>>
    %dma_wait3A_201 = arith.constant 0 : i32
    %dma_wait3A_202 = arith.constant 0 : i32
    %dma_wait3A_203 = tpu.memref_slice %arg13[%dma_wait3A_201, %dma_wait3A_202] : memref<10112x128xf32, #tpu.memory_space<vmem_shared>> -> memref<10112x128xf32, #tpu.memory_space<vmem_shared>>
    tpu.wait_indirect_dma semaphore(%arg22 : memref<!tpu.dma_semaphore, #tpu.memory_space<semaphore_mem>>) src(%dma_wait3A_197 : memref<80x128xf32, #tpu.memory_space<vmem>>) dst(%dma_wait3A_203 : memref<10112x128xf32, #tpu.memory_space<vmem_shared>>)
    %dma_wait3A_204 = arith.constant 3 : i32
    %dma_wait3A_205 = arith.constant 3 : i32
    %dma_wait3A_206 = arith.constant 0 : i32
    %dma_wait3A_207 = arith.constant 0 : i32
    %dma_wait3A_208 = tpu.memref_slice %arg12[%dma_wait3A_204, %dma_wait3A_206, %dma_wait3A_207] : memref<4x80x8xf32, #tpu.memory_space<vmem>> -> memref<1x80x8xf32, #tpu.memory_space<vmem>>
    %dma_wait3A_209 = tpu.memref_squeeze %dma_wait3A_208 : memref<1x80x8xf32, #tpu.memory_space<vmem>> -> memref<80x8xf32, #tpu.memory_space<vmem>>
    %dma_wait3A_210 = arith.constant 0 : i32
    %dma_wait3A_211 = tpu.memref_slice %arg10[%dma_wait3A_205, %dma_wait3A_210] : memref<4x80xi32, #tpu.memory_space<vmem>> -> memref<1x80xi32, #tpu.memory_space<vmem>>
    %dma_wait3A_212 = tpu.memref_squeeze %dma_wait3A_211 : memref<1x80xi32, #tpu.memory_space<vmem>> -> memref<80xi32, #tpu.memory_space<vmem>>
    %dma_wait3A_213 = arith.constant 0 : i32
    %dma_wait3A_214 = arith.constant 0 : i32
    %dma_wait3A_215 = tpu.memref_slice %arg14[%dma_wait3A_213, %dma_wait3A_214] : memref<10112x8xf32, #tpu.memory_space<vmem_shared>> -> memref<10112x8xf32, #tpu.memory_space<vmem_shared>>
    tpu.wait_indirect_dma semaphore(%arg22 : memref<!tpu.dma_semaphore, #tpu.memory_space<semaphore_mem>>) src(%dma_wait3A_209 : memref<80x8xf32, #tpu.memory_space<vmem>>) dst(%dma_wait3A_215 : memref<10112x8xf32, #tpu.memory_space<vmem_shared>>)
    %dma_wait3A_216 = arith.constant 0 : i32
    %dma_wait3A_217 = arith.constant 0 : i32
    %dma_wait3A_218 = arith.constant 0 : i32
    %dma_wait3A_219 = arith.constant 0 : i32
    %dma_wait3A_220 = tpu.memref_slice %arg11[%dma_wait3A_216, %dma_wait3A_218, %dma_wait3A_219] : memref<4x80x128xf32, #tpu.memory_space<vmem>> -> memref<1x80x128xf32, #tpu.memory_space<vmem>>
    %dma_wait3A_221 = tpu.memref_squeeze %dma_wait3A_220 : memref<1x80x128xf32, #tpu.memory_space<vmem>> -> memref<80x128xf32, #tpu.memory_space<vmem>>
    %dma_wait3A_222 = arith.constant 0 : i32
    %dma_wait3A_223 = tpu.memref_slice %arg10[%dma_wait3A_217, %dma_wait3A_222] : memref<4x80xi32, #tpu.memory_space<vmem>> -> memref<1x80xi32, #tpu.memory_space<vmem>>
    %dma_wait3A_224 = tpu.memref_squeeze %dma_wait3A_223 : memref<1x80xi32, #tpu.memory_space<vmem>> -> memref<80xi32, #tpu.memory_space<vmem>>
    %dma_wait3A_225 = arith.constant 0 : i32
    %dma_wait3A_226 = arith.constant 0 : i32
    %dma_wait3A_227 = tpu.memref_slice %arg13[%dma_wait3A_225, %dma_wait3A_226] : memref<10112x128xf32, #tpu.memory_space<vmem_shared>> -> memref<10112x128xf32, #tpu.memory_space<vmem_shared>>
    tpu.wait_indirect_dma semaphore(%arg19 : memref<!tpu.dma_semaphore, #tpu.memory_space<semaphore_mem>>) src(%dma_wait3A_221 : memref<80x128xf32, #tpu.memory_space<vmem>>) dst(%dma_wait3A_227 : memref<10112x128xf32, #tpu.memory_space<vmem_shared>>)
    %dma_wait3A_228 = arith.constant 0 : i32
    %dma_wait3A_229 = arith.constant 0 : i32
    %dma_wait3A_230 = arith.constant 0 : i32
    %dma_wait3A_231 = arith.constant 0 : i32
    %dma_wait3A_232 = tpu.memref_slice %arg12[%dma_wait3A_228, %dma_wait3A_230, %dma_wait3A_231] : memref<4x80x8xf32, #tpu.memory_space<vmem>> -> memref<1x80x8xf32, #tpu.memory_space<vmem>>
    %dma_wait3A_233 = tpu.memref_squeeze %dma_wait3A_232 : memref<1x80x8xf32, #tpu.memory_space<vmem>> -> memref<80x8xf32, #tpu.memory_space<vmem>>
    %dma_wait3A_234 = arith.constant 0 : i32
    %dma_wait3A_235 = tpu.memref_slice %arg10[%dma_wait3A_229, %dma_wait3A_234] : memref<4x80xi32, #tpu.memory_space<vmem>> -> memref<1x80xi32, #tpu.memory_space<vmem>>
    %dma_wait3A_236 = tpu.memref_squeeze %dma_wait3A_235 : memref<1x80xi32, #tpu.memory_space<vmem>> -> memref<80xi32, #tpu.memory_space<vmem>>
    %dma_wait3A_237 = arith.constant 0 : i32
    %dma_wait3A_238 = arith.constant 0 : i32
    %dma_wait3A_239 = tpu.memref_slice %arg14[%dma_wait3A_237, %dma_wait3A_238] : memref<10112x8xf32, #tpu.memory_space<vmem_shared>> -> memref<10112x8xf32, #tpu.memory_space<vmem_shared>>
    tpu.wait_indirect_dma semaphore(%arg19 : memref<!tpu.dma_semaphore, #tpu.memory_space<semaphore_mem>>) src(%dma_wait3A_233 : memref<80x8xf32, #tpu.memory_space<vmem>>) dst(%dma_wait3A_239 : memref<10112x8xf32, #tpu.memory_space<vmem_shared>>)
    %barrier3A_240 = arith.constant 0 : index
    tpu.barrier barrier_id(%barrier3A_240)
    %mul3A_241 = arith.constant 632 : i32
    %mul3A_242 = arith.muli %arg1, %mul3A_241 : i32
    %mul3A_243 = arith.constant 632 : i32
    %mul3A_244 = arith.muli %arg1, %mul3A_243 : i32
    "tpu.region"() ({
      %run_scoped3A = tpu.sem_alloc : memref<!tpu.dma_semaphore, #tpu.memory_space<semaphore_mem>>
      %dma_start3A_249 = arith.constant 0 : i32
      %dma_start3A_250 = tpu.memref_slice %arg7[%arg0, %mul3A_244, %dma_start3A_249] : memref<2x10112x128xf32, #tpu.memory_space<hbm>> -> memref<1x632x128xf32, #tpu.memory_space<hbm>>
      %dma_start3A_251 = tpu.memref_squeeze %dma_start3A_250 : memref<1x632x128xf32, #tpu.memory_space<hbm>> -> memref<632x128xf32, #tpu.memory_space<hbm>>
      %dma_start3A_252 = arith.constant 0 : i32
      %dma_start3A_253 = tpu.memref_slice %arg13[%mul3A_242, %dma_start3A_252] : memref<10112x128xf32, #tpu.memory_space<vmem_shared>> -> memref<632x128xf32, #tpu.memory_space<vmem_shared>>
      tpu.enqueue_dma source(%dma_start3A_253 : memref<632x128xf32, #tpu.memory_space<vmem_shared>>) target(%dma_start3A_251 : memref<632x128xf32, #tpu.memory_space<hbm>>) target_semaphore(%run_scoped3A : memref<!tpu.dma_semaphore, #tpu.memory_space<semaphore_mem>>)
      %dma_wait3A_254 = arith.constant 0 : i32
      %dma_wait3A_255 = tpu.memref_slice %arg7[%arg0, %mul3A_244, %dma_wait3A_254] : memref<2x10112x128xf32, #tpu.memory_space<hbm>> -> memref<1x632x128xf32, #tpu.memory_space<hbm>>
      %dma_wait3A_256 = tpu.memref_squeeze %dma_wait3A_255 : memref<1x632x128xf32, #tpu.memory_space<hbm>> -> memref<632x128xf32, #tpu.memory_space<hbm>>
      %dma_wait3A_257 = arith.constant 0 : i32
      %dma_wait3A_258 = tpu.memref_slice %arg13[%mul3A_242, %dma_wait3A_257] : memref<10112x128xf32, #tpu.memory_space<vmem_shared>> -> memref<632x128xf32, #tpu.memory_space<vmem_shared>>
      tpu.wait_dma2 semaphore(%run_scoped3A : memref<!tpu.dma_semaphore, #tpu.memory_space<semaphore_mem>>) src(%dma_wait3A_258 : memref<632x128xf32, #tpu.memory_space<vmem_shared>>) dst(%dma_wait3A_256 : memref<632x128xf32, #tpu.memory_space<hbm>>)
      tpu.yield
    }) : () -> ()
    %mul3A_245 = arith.constant 632 : i32
    %mul3A_246 = arith.muli %arg1, %mul3A_245 : i32
    %mul3A_247 = arith.constant 632 : i32
    %mul3A_248 = arith.muli %arg1, %mul3A_247 : i32
    "tpu.region"() ({
      %run_scoped3A = tpu.sem_alloc : memref<!tpu.dma_semaphore, #tpu.memory_space<semaphore_mem>>
      %dma_start3A_249 = arith.constant 0 : i32
      %dma_start3A_250 = tpu.memref_slice %arg8[%arg0, %mul3A_248, %dma_start3A_249] : memref<2x10112x8xf32, #tpu.memory_space<hbm>> -> memref<1x632x8xf32, #tpu.memory_space<hbm>>
      %dma_start3A_251 = tpu.memref_squeeze %dma_start3A_250 : memref<1x632x8xf32, #tpu.memory_space<hbm>> -> memref<632x8xf32, #tpu.memory_space<hbm>>
      %dma_start3A_252 = arith.constant 0 : i32
      %dma_start3A_253 = tpu.memref_slice %arg14[%mul3A_246, %dma_start3A_252] : memref<10112x8xf32, #tpu.memory_space<vmem_shared>> -> memref<632x8xf32, #tpu.memory_space<vmem_shared>>
      tpu.enqueue_dma source(%dma_start3A_253 : memref<632x8xf32, #tpu.memory_space<vmem_shared>>) target(%dma_start3A_251 : memref<632x8xf32, #tpu.memory_space<hbm>>) target_semaphore(%run_scoped3A : memref<!tpu.dma_semaphore, #tpu.memory_space<semaphore_mem>>)
      %dma_wait3A_254 = arith.constant 0 : i32
      %dma_wait3A_255 = tpu.memref_slice %arg8[%arg0, %mul3A_248, %dma_wait3A_254] : memref<2x10112x8xf32, #tpu.memory_space<hbm>> -> memref<1x632x8xf32, #tpu.memory_space<hbm>>
      %dma_wait3A_256 = tpu.memref_squeeze %dma_wait3A_255 : memref<1x632x8xf32, #tpu.memory_space<hbm>> -> memref<632x8xf32, #tpu.memory_space<hbm>>
      %dma_wait3A_257 = arith.constant 0 : i32
      %dma_wait3A_258 = tpu.memref_slice %arg14[%mul3A_246, %dma_wait3A_257] : memref<10112x8xf32, #tpu.memory_space<vmem_shared>> -> memref<632x8xf32, #tpu.memory_space<vmem_shared>>
      tpu.wait_dma2 semaphore(%run_scoped3A : memref<!tpu.dma_semaphore, #tpu.memory_space<semaphore_mem>>) src(%dma_wait3A_258 : memref<632x8xf32, #tpu.memory_space<vmem_shared>>) dst(%dma_wait3A_256 : memref<632x8xf32, #tpu.memory_space<hbm>>)
      tpu.yield
    }) : () -> ()
    return
  }
}

module attributes {stable_mosaic.version = 14 : i64} {
  func.func @_expmap_linear_body(%arg0: i32, %arg1: memref<2000x128xf32, #tpu.memory_space<vmem>>, %arg2: memref<129x129xf32, #tpu.memory_space<vmem>>, %arg3: memref<1x129xf32, #tpu.memory_space<vmem>>, %arg4: memref<1x1xf32, #tpu.memory_space<vmem>>, %arg5: memref<2000x128xf32, #tpu.memory_space<vmem>>, %arg6: memref<2000x8xf32, #tpu.memory_space<vmem>>) attributes {dimension_semantics = [#tpu.dimension_semantics<arbitrary>], iteration_bounds = array<i64: 5>, scalar_prefetch = 0 : i64, scratch_operands = 0 : i64, tpu.core_type = #tpu.core_type<tc>, window_params = [{transform_indices = @transform_0, window_bounds = array<i64: 2000, 128>}, {pipeline_mode = #tpu.pipeline_mode<synchronous>, transform_indices = @transform_1, window_bounds = array<i64: 129, 129>}, {pipeline_mode = #tpu.pipeline_mode<synchronous>, transform_indices = @transform_2, window_bounds = array<i64: 1, 129>}, {pipeline_mode = #tpu.pipeline_mode<synchronous>, transform_indices = @transform_3, window_bounds = array<i64: 1, 1>}, {transform_indices = @transform_4, window_bounds = array<i64: 2000, 128>}, {transform_indices = @transform_5, window_bounds = array<i64: 2000, 8>}]} {
    %get3A = arith.constant 0 : index
    %get3A_0 = arith.constant 0 : index
    %get3A_1 = vector.load %arg1[%get3A, %get3A_0] : memref<2000x128xf32, #tpu.memory_space<vmem>>, vector<2000x128xf32>
    %mul3A = arith.mulf %get3A_1, %get3A_1 : vector<2000x128xf32>
    %reduce_sum3A = arith.constant dense<0.000000e+00> : vector<2000xf32>
    %reduce_sum3A_2 = vector.multi_reduction <add>, %mul3A, %reduce_sum3A [1] : vector<2000x128xf32> to vector<2000xf32>
    %broadcast_in_dim3A = vector.shape_cast %reduce_sum3A_2 : vector<2000xf32> to vector<2000x1xf32>
    %sqrt3A = math.sqrt %broadcast_in_dim3A : vector<2000x1xf32>
    %max3A = arith.constant 9.99999993E-9 : f32
    %max3A_3 = vector.broadcast %max3A : f32 to vector<2000x1xf32>
    %max3A_4 = arith.maximumf %sqrt3A, %max3A_3 : vector<2000x1xf32>
    %exp3A = math.exp %max3A_4 : vector<2000x1xf32>
    %div3A = arith.constant 1.000000e+00 : f32
    %div3A_5 = vector.broadcast %div3A : f32 to vector<2000x1xf32>
    %div3A_6 = arith.divf %div3A_5, %exp3A : vector<2000x1xf32>
    %add3A = arith.addf %exp3A, %div3A_6 : vector<2000x1xf32>
    %mul3A_7 = arith.constant 5.000000e-01 : f32
    %mul3A_8 = vector.broadcast %mul3A_7 : f32 to vector<2000x1xf32>
    %mul3A_9 = arith.mulf %mul3A_8, %add3A : vector<2000x1xf32>
    %sub3A = arith.subf %exp3A, %div3A_6 : vector<2000x1xf32>
    %mul3A_10 = arith.constant 5.000000e-01 : f32
    %mul3A_11 = vector.broadcast %mul3A_10 : f32 to vector<2000x1xf32>
    %mul3A_12 = arith.mulf %mul3A_11, %sub3A : vector<2000x1xf32>
    %div3A_13 = arith.divf %mul3A_12, %max3A_4 : vector<2000x1xf32>
    %get3A_14 = arith.constant 0 : index
    %get3A_15 = arith.constant 0 : index
    %get3A_16 = vector.load %arg2[%get3A_14, %get3A_15] : memref<129x129xf32, #tpu.memory_space<vmem>>, vector<129x129xf32>
    %mul3A_17 = vector.broadcast %div3A_13 : vector<2000x1xf32> to vector<2000x128xf32>
    %mul3A_18 = arith.mulf %mul3A_17, %get3A_1 : vector<2000x128xf32>
    %slice3A = vector.extract_strided_slice %get3A_16 {offsets = [0, 1], sizes = [129, 128], strides = [1, 1]} : vector<129x129xf32> to vector<129x128xf32>
    %dot_general3A = arith.constant dense<0.000000e+00> : vector<2000x129xf32>
    %dot_general3A_19 = tpu.matmul %mul3A_18, %slice3A, %dot_general3A {dimension_numbers = #tpu.dot_dimension_numbers<[1], [1], [0], [0], [0, 0, 1, 0], [], []>, transpose_lhs_hint = false} : vector<2000x128xf32>, vector<129x128xf32>, vector<2000x129xf32> -> vector<2000x129xf32>
    %slice3A_20 = vector.extract_strided_slice %get3A_16 {offsets = [0, 0], sizes = [129, 1], strides = [1, 1]} : vector<129x129xf32> to vector<129x1xf32>
    %squeeze3A = vector.shape_cast %slice3A_20 : vector<129x1xf32> to vector<129xf32>
    %broadcast_in_dim3A_21 = vector.shape_cast %squeeze3A : vector<129xf32> to vector<1x129xf32>
    %mul3A_22 = vector.broadcast %mul3A_9 : vector<2000x1xf32> to vector<2000x129xf32>
    %mul3A_23 = vector.broadcast %broadcast_in_dim3A_21 : vector<1x129xf32> to vector<2000x129xf32>
    %mul3A_24 = arith.mulf %mul3A_22, %mul3A_23 : vector<2000x129xf32>
    %add3A_25 = arith.addf %dot_general3A_19, %mul3A_24 : vector<2000x129xf32>
    %get3A_26 = arith.constant 0 : index
    %get3A_27 = arith.constant 0 : index
    %get3A_28 = vector.load %arg3[%get3A_26, %get3A_27] : memref<1x129xf32, #tpu.memory_space<vmem>>, vector<1x129xf32>
    %add3A_29 = vector.broadcast %get3A_28 : vector<1x129xf32> to vector<2000x129xf32>
    %add3A_30 = arith.addf %add3A_25, %add3A_29 : vector<2000x129xf32>
    %get3A_31 = arith.constant 0 : index
    %get3A_32 = arith.constant 0 : index
    %get3A_33 = vector.load %arg4[%get3A_31, %get3A_32] : memref<1x1xf32, #tpu.memory_space<vmem>>, vector<1x1xf32>
    %get3A_34 = vector.extract %get3A_33[0, 0] : f32 from vector<1x1xf32>
    %exp3A_35 = math.exp %get3A_34 : f32
    %min3A = arith.constant 1.000000e+01 : f32
    %min3A_36 = arith.minimumf %exp3A_35, %min3A : f32
    %slice3A_37 = vector.extract_strided_slice %add3A_30 {offsets = [0, 0], sizes = [2000, 1], strides = [1, 1]} : vector<2000x129xf32> to vector<2000x1xf32>
    %neg3A = arith.constant 0.000000e+00 : f32
    %neg3A_38 = vector.broadcast %neg3A : f32 to vector<2000x1xf32>
    %neg3A_39 = arith.subf %neg3A_38, %slice3A_37 : vector<2000x1xf32>
    %exp3A_40 = math.exp %neg3A_39 : vector<2000x1xf32>
    %add3A_41 = arith.constant 1.000000e+00 : f32
    %add3A_42 = vector.broadcast %add3A_41 : f32 to vector<2000x1xf32>
    %add3A_43 = arith.addf %add3A_42, %exp3A_40 : vector<2000x1xf32>
    %div3A_44 = vector.broadcast %min3A_36 : f32 to vector<2000x1xf32>
    %div3A_45 = arith.divf %div3A_44, %add3A_43 : vector<2000x1xf32>
    %add3A_46 = arith.constant 1.500000e+00 : f32
    %add3A_47 = vector.broadcast %add3A_46 : f32 to vector<2000x1xf32>
    %add3A_48 = arith.addf %div3A_45, %add3A_47 : vector<2000x1xf32>
    %mul3A_49 = arith.mulf %add3A_30, %add3A_30 : vector<2000x129xf32>
    %reduce_sum3A_50 = arith.constant dense<0.000000e+00> : vector<2000xf32>
    %reduce_sum3A_51 = vector.multi_reduction <add>, %mul3A_49, %reduce_sum3A_50 [1] : vector<2000x129xf32> to vector<2000xf32>
    %broadcast_in_dim3A_52 = vector.shape_cast %reduce_sum3A_51 : vector<2000xf32> to vector<2000x1xf32>
    %slice3A_53 = vector.extract_strided_slice %add3A_30 {offsets = [0, 0], sizes = [2000, 1], strides = [1, 1]} : vector<2000x129xf32> to vector<2000x1xf32>
    %slice3A_54 = vector.extract_strided_slice %add3A_30 {offsets = [0, 0], sizes = [2000, 1], strides = [1, 1]} : vector<2000x129xf32> to vector<2000x1xf32>
    %mul3A_55 = arith.mulf %slice3A_53, %slice3A_54 : vector<2000x1xf32>
    %sub3A_56 = arith.subf %broadcast_in_dim3A_52, %mul3A_55 : vector<2000x1xf32>
    %max3A_57 = arith.constant 9.99999993E-9 : f32
    %max3A_58 = vector.broadcast %max3A_57 : f32 to vector<2000x1xf32>
    %max3A_59 = arith.maximumf %sub3A_56, %max3A_58 : vector<2000x1xf32>
    %mul3A_60 = arith.mulf %add3A_48, %add3A_48 : vector<2000x1xf32>
    %sub3A_61 = arith.constant 1.000000e+00 : f32
    %sub3A_62 = vector.broadcast %sub3A_61 : f32 to vector<2000x1xf32>
    %sub3A_63 = arith.subf %mul3A_60, %sub3A_62 : vector<2000x1xf32>
    %div3A_64 = arith.divf %sub3A_63, %max3A_59 : vector<2000x1xf32>
    %max3A_65 = arith.constant 9.99999993E-9 : f32
    %max3A_66 = vector.broadcast %max3A_65 : f32 to vector<2000x1xf32>
    %max3A_67 = arith.maximumf %div3A_64, %max3A_66 : vector<2000x1xf32>
    %sqrt3A_68 = math.sqrt %max3A_67 : vector<2000x1xf32>
    %slice3A_69 = vector.extract_strided_slice %add3A_30 {offsets = [0, 1], sizes = [2000, 128], strides = [1, 1]} : vector<2000x129xf32> to vector<2000x128xf32>
    %mul3A_70 = vector.broadcast %sqrt3A_68 : vector<2000x1xf32> to vector<2000x128xf32>
    %mul3A_71 = arith.mulf %slice3A_69, %mul3A_70 : vector<2000x128xf32>
    %iota3A = tpu.iota {dimensions = array<i32: 1>} : vector<2000x8xi32>
    %eq3A = arith.constant 0 : i32
    %eq3A_72 = vector.broadcast %eq3A : i32 to vector<2000x8xi32>
    %eq3A_73 = arith.cmpi eq, %iota3A, %eq3A_72 : vector<2000x8xi32>
    %jit3A = arith.constant 0.000000e+00 : f32
    %broadcast_in_dim3A_74 = vector.shape_cast %add3A_48 : vector<2000x1xf32> to vector<2000x1xf32>
    %broadcast_in_dim3A_75 = vector.broadcast %broadcast_in_dim3A_74 : vector<2000x1xf32> to vector<2000x8xf32>
    %broadcast_in_dim3A_76 = vector.broadcast %jit3A : f32 to vector<2000x8xf32>
    %select_n3A = arith.select %eq3A_73, %broadcast_in_dim3A_75, %broadcast_in_dim3A_76 : vector<2000x8xi1>, vector<2000x8xf32>
    %swap3A = arith.constant 0 : index
    %swap3A_77 = arith.constant 0 : index
    %swap3A_78 = vector.load %arg5[%swap3A, %swap3A_77] : memref<2000x128xf32, #tpu.memory_space<vmem>>, vector<2000x128xf32>
    tpu.vector_store %arg5[%swap3A, %swap3A_77], %mul3A_71 {strides = array<i32>} : memref<2000x128xf32, #tpu.memory_space<vmem>>, vector<2000x128xf32>,
    %swap3A_79 = arith.constant 0 : index
    %swap3A_80 = arith.constant 0 : index
    %swap3A_81 = vector.load %arg6[%swap3A_79, %swap3A_80] : memref<2000x8xf32, #tpu.memory_space<vmem>>, vector<2000x8xf32>
    tpu.vector_store %arg6[%swap3A_79, %swap3A_80], %select_n3A {strides = array<i32>} : memref<2000x8xf32, #tpu.memory_space<vmem>>, vector<2000x8xf32>,
    return
  }
  func.func @transform_0(%arg0: i32) -> (i32, i32) {
    %c0_i32 = arith.constant 0 : i32
    %c0_i32_0 = arith.constant 0 : i32
    return %arg0, %c0_i32 : i32, i32
  }
  func.func @transform_1(%arg0: i32) -> (i32, i32) {
    %c0_i32 = arith.constant 0 : i32
    %c0_i32_0 = arith.constant 0 : i32
    %c0_i32_1 = arith.constant 0 : i32
    return %c0_i32, %c0_i32_0 : i32, i32
  }
  func.func @transform_2(%arg0: i32) -> (i32, i32) {
    %c0_i32 = arith.constant 0 : i32
    %c0_i32_0 = arith.constant 0 : i32
    %c0_i32_1 = arith.constant 0 : i32
    return %c0_i32, %c0_i32_0 : i32, i32
  }
  func.func @transform_3(%arg0: i32) -> (i32, i32) {
    %c0_i32 = arith.constant 0 : i32
    %c0_i32_0 = arith.constant 0 : i32
    %c0_i32_1 = arith.constant 0 : i32
    return %c0_i32, %c0_i32_0 : i32, i32
  }
  func.func @transform_4(%arg0: i32) -> (i32, i32) {
    %c0_i32 = arith.constant 0 : i32
    %c0_i32_0 = arith.constant 0 : i32
    return %arg0, %c0_i32 : i32, i32
  }
  func.func @transform_5(%arg0: i32) -> (i32, i32) {
    %c0_i32 = arith.constant 0 : i32
    %c0_i32_0 = arith.constant 0 : i32
    return %arg0, %c0_i32 : i32, i32
  }
}

module attributes {stable_mosaic.version = 14 : i64} {
  func.func @_agg_linear_body(%arg0: i32, %arg1: memref<1x2000x128xf32, #tpu.memory_space<vmem>>, %arg2: memref<1x2000x128xf32, #tpu.memory_space<vmem>>, %arg3: memref<1x2000x8xf32, #tpu.memory_space<vmem>>, %arg4: memref<1x2000x8xf32, #tpu.memory_space<vmem>>, %arg5: memref<129x129xf32, #tpu.memory_space<vmem>>, %arg6: memref<1x129xf32, #tpu.memory_space<vmem>>, %arg7: memref<1x1xf32, #tpu.memory_space<vmem>>, %arg8: memref<2000x128xf32, #tpu.memory_space<vmem>>, %arg9: memref<2000x8xf32, #tpu.memory_space<vmem>>) attributes {dimension_semantics = [#tpu.dimension_semantics<arbitrary>], iteration_bounds = array<i64: 5>, scalar_prefetch = 0 : i64, scratch_operands = 0 : i64, tpu.core_type = #tpu.core_type<tc>, window_params = [{transform_indices = @transform_0, window_bounds = array<i64: 1, 2000, 128>}, {transform_indices = @transform_1, window_bounds = array<i64: 1, 2000, 128>}, {transform_indices = @transform_2, window_bounds = array<i64: 1, 2000, 8>}, {transform_indices = @transform_3, window_bounds = array<i64: 1, 2000, 8>}, {pipeline_mode = #tpu.pipeline_mode<synchronous>, transform_indices = @transform_4, window_bounds = array<i64: 129, 129>}, {pipeline_mode = #tpu.pipeline_mode<synchronous>, transform_indices = @transform_5, window_bounds = array<i64: 1, 129>}, {pipeline_mode = #tpu.pipeline_mode<synchronous>, transform_indices = @transform_6, window_bounds = array<i64: 1, 1>}, {transform_indices = @transform_7, window_bounds = array<i64: 2000, 128>}, {transform_indices = @transform_8, window_bounds = array<i64: 2000, 8>}]} {
    %get3A = arith.constant 0 : index
    %get3A_0 = arith.constant 0 : index
    %get3A_1 = arith.constant 0 : index
    %get3A_2 = vector.load %arg1[%get3A, %get3A_0, %get3A_1] : memref<1x2000x128xf32, #tpu.memory_space<vmem>>, vector<1x2000x128xf32>
    %get3A_3 = vector.shape_cast %get3A_2 : vector<1x2000x128xf32> to vector<2000x128xf32>
    %get3A_4 = arith.constant 0 : index
    %get3A_5 = arith.constant 0 : index
    %get3A_6 = arith.constant 0 : index
    %get3A_7 = vector.load %arg2[%get3A_4, %get3A_5, %get3A_6] : memref<1x2000x128xf32, #tpu.memory_space<vmem>>, vector<1x2000x128xf32>
    %get3A_8 = vector.shape_cast %get3A_7 : vector<1x2000x128xf32> to vector<2000x128xf32>
    %add3A = arith.addf %get3A_3, %get3A_8 : vector<2000x128xf32>
    %get3A_9 = arith.constant 0 : index
    %get3A_10 = arith.constant 0 : index
    %get3A_11 = arith.constant 0 : index
    %get3A_12 = vector.load %arg3[%get3A_9, %get3A_10, %get3A_11] : memref<1x2000x8xf32, #tpu.memory_space<vmem>>, vector<1x2000x8xf32>
    %get3A_13 = vector.shape_cast %get3A_12 : vector<1x2000x8xf32> to vector<2000x8xf32>
    %get3A_14 = arith.constant 0 : index
    %get3A_15 = arith.constant 0 : index
    %get3A_16 = arith.constant 0 : index
    %get3A_17 = vector.load %arg4[%get3A_14, %get3A_15, %get3A_16] : memref<1x2000x8xf32, #tpu.memory_space<vmem>>, vector<1x2000x8xf32>
    %get3A_18 = vector.shape_cast %get3A_17 : vector<1x2000x8xf32> to vector<2000x8xf32>
    %add3A_19 = arith.addf %get3A_13, %get3A_18 : vector<2000x8xf32>
    %slice3A = vector.extract_strided_slice %add3A_19 {offsets = [0, 0], sizes = [2000, 1], strides = [1, 1]} : vector<2000x8xf32> to vector<2000x1xf32>
    %mul3A = arith.mulf %add3A, %add3A : vector<2000x128xf32>
    %reduce_sum3A = arith.constant dense<0.000000e+00> : vector<2000xf32>
    %reduce_sum3A_20 = vector.multi_reduction <add>, %mul3A, %reduce_sum3A [1] : vector<2000x128xf32> to vector<2000xf32>
    %broadcast_in_dim3A = vector.shape_cast %reduce_sum3A_20 : vector<2000xf32> to vector<2000x1xf32>
    %mul3A_21 = arith.mulf %slice3A, %slice3A : vector<2000x1xf32>
    %sub3A = arith.subf %broadcast_in_dim3A, %mul3A_21 : vector<2000x1xf32>
    %abs3A = math.absf %sub3A : vector<2000x1xf32>
    %max3A = arith.constant 9.99999993E-9 : f32
    %max3A_22 = vector.broadcast %max3A : f32 to vector<2000x1xf32>
    %max3A_23 = arith.maximumf %abs3A, %max3A_22 : vector<2000x1xf32>
    %sqrt3A = math.sqrt %max3A_23 : vector<2000x1xf32>
    %div3A = vector.broadcast %sqrt3A : vector<2000x1xf32> to vector<2000x128xf32>
    %div3A_24 = arith.divf %add3A, %div3A : vector<2000x128xf32>
    %max3A_25 = arith.constant 0.000000e+00 : f32
    %max3A_26 = vector.broadcast %max3A_25 : f32 to vector<2000x128xf32>
    %max3A_27 = arith.maximumf %div3A_24, %max3A_26 : vector<2000x128xf32>
    %div3A_28 = arith.divf %slice3A, %sqrt3A : vector<2000x1xf32>
    %max3A_29 = arith.constant 0.000000e+00 : f32
    %max3A_30 = vector.broadcast %max3A_29 : f32 to vector<2000x1xf32>
    %max3A_31 = arith.maximumf %div3A_28, %max3A_30 : vector<2000x1xf32>
    %get3A_32 = arith.constant 0 : index
    %get3A_33 = arith.constant 0 : index
    %get3A_34 = vector.load %arg5[%get3A_32, %get3A_33] : memref<129x129xf32, #tpu.memory_space<vmem>>, vector<129x129xf32>
    %slice3A_35 = vector.extract_strided_slice %get3A_34 {offsets = [0, 1], sizes = [129, 128], strides = [1, 1]} : vector<129x129xf32> to vector<129x128xf32>
    %dot_general3A = arith.constant dense<0.000000e+00> : vector<2000x129xf32>
    %dot_general3A_36 = tpu.matmul %max3A_27, %slice3A_35, %dot_general3A {dimension_numbers = #tpu.dot_dimension_numbers<[1], [1], [0], [0], [0, 0, 1, 0], [], []>, transpose_lhs_hint = false} : vector<2000x128xf32>, vector<129x128xf32>, vector<2000x129xf32> -> vector<2000x129xf32>
    %slice3A_37 = vector.extract_strided_slice %get3A_34 {offsets = [0, 0], sizes = [129, 1], strides = [1, 1]} : vector<129x129xf32> to vector<129x1xf32>
    %squeeze3A = vector.shape_cast %slice3A_37 : vector<129x1xf32> to vector<129xf32>
    %broadcast_in_dim3A_38 = vector.shape_cast %squeeze3A : vector<129xf32> to vector<1x129xf32>
    %mul3A_39 = vector.broadcast %max3A_31 : vector<2000x1xf32> to vector<2000x129xf32>
    %mul3A_40 = vector.broadcast %broadcast_in_dim3A_38 : vector<1x129xf32> to vector<2000x129xf32>
    %mul3A_41 = arith.mulf %mul3A_39, %mul3A_40 : vector<2000x129xf32>
    %add3A_42 = arith.addf %dot_general3A_36, %mul3A_41 : vector<2000x129xf32>
    %get3A_43 = arith.constant 0 : index
    %get3A_44 = arith.constant 0 : index
    %get3A_45 = vector.load %arg6[%get3A_43, %get3A_44] : memref<1x129xf32, #tpu.memory_space<vmem>>, vector<1x129xf32>
    %add3A_46 = vector.broadcast %get3A_45 : vector<1x129xf32> to vector<2000x129xf32>
    %add3A_47 = arith.addf %add3A_42, %add3A_46 : vector<2000x129xf32>
    %get3A_48 = arith.constant 0 : index
    %get3A_49 = arith.constant 0 : index
    %get3A_50 = vector.load %arg7[%get3A_48, %get3A_49] : memref<1x1xf32, #tpu.memory_space<vmem>>, vector<1x1xf32>
    %get3A_51 = vector.extract %get3A_50[0, 0] : f32 from vector<1x1xf32>
    %exp3A = math.exp %get3A_51 : f32
    %min3A = arith.constant 1.000000e+01 : f32
    %min3A_52 = arith.minimumf %exp3A, %min3A : f32
    %slice3A_53 = vector.extract_strided_slice %add3A_47 {offsets = [0, 0], sizes = [2000, 1], strides = [1, 1]} : vector<2000x129xf32> to vector<2000x1xf32>
    %neg3A = arith.constant 0.000000e+00 : f32
    %neg3A_54 = vector.broadcast %neg3A : f32 to vector<2000x1xf32>
    %neg3A_55 = arith.subf %neg3A_54, %slice3A_53 : vector<2000x1xf32>
    %exp3A_56 = math.exp %neg3A_55 : vector<2000x1xf32>
    %add3A_57 = arith.constant 1.000000e+00 : f32
    %add3A_58 = vector.broadcast %add3A_57 : f32 to vector<2000x1xf32>
    %add3A_59 = arith.addf %add3A_58, %exp3A_56 : vector<2000x1xf32>
    %div3A_60 = vector.broadcast %min3A_52 : f32 to vector<2000x1xf32>
    %div3A_61 = arith.divf %div3A_60, %add3A_59 : vector<2000x1xf32>
    %add3A_62 = arith.constant 1.500000e+00 : f32
    %add3A_63 = vector.broadcast %add3A_62 : f32 to vector<2000x1xf32>
    %add3A_64 = arith.addf %div3A_61, %add3A_63 : vector<2000x1xf32>
    %mul3A_65 = arith.mulf %add3A_47, %add3A_47 : vector<2000x129xf32>
    %reduce_sum3A_66 = arith.constant dense<0.000000e+00> : vector<2000xf32>
    %reduce_sum3A_67 = vector.multi_reduction <add>, %mul3A_65, %reduce_sum3A_66 [1] : vector<2000x129xf32> to vector<2000xf32>
    %broadcast_in_dim3A_68 = vector.shape_cast %reduce_sum3A_67 : vector<2000xf32> to vector<2000x1xf32>
    %slice3A_69 = vector.extract_strided_slice %add3A_47 {offsets = [0, 0], sizes = [2000, 1], strides = [1, 1]} : vector<2000x129xf32> to vector<2000x1xf32>
    %slice3A_70 = vector.extract_strided_slice %add3A_47 {offsets = [0, 0], sizes = [2000, 1], strides = [1, 1]} : vector<2000x129xf32> to vector<2000x1xf32>
    %mul3A_71 = arith.mulf %slice3A_69, %slice3A_70 : vector<2000x1xf32>
    %sub3A_72 = arith.subf %broadcast_in_dim3A_68, %mul3A_71 : vector<2000x1xf32>
    %max3A_73 = arith.constant 9.99999993E-9 : f32
    %max3A_74 = vector.broadcast %max3A_73 : f32 to vector<2000x1xf32>
    %max3A_75 = arith.maximumf %sub3A_72, %max3A_74 : vector<2000x1xf32>
    %mul3A_76 = arith.mulf %add3A_64, %add3A_64 : vector<2000x1xf32>
    %sub3A_77 = arith.constant 1.000000e+00 : f32
    %sub3A_78 = vector.broadcast %sub3A_77 : f32 to vector<2000x1xf32>
    %sub3A_79 = arith.subf %mul3A_76, %sub3A_78 : vector<2000x1xf32>
    %div3A_80 = arith.divf %sub3A_79, %max3A_75 : vector<2000x1xf32>
    %max3A_81 = arith.constant 9.99999993E-9 : f32
    %max3A_82 = vector.broadcast %max3A_81 : f32 to vector<2000x1xf32>
    %max3A_83 = arith.maximumf %div3A_80, %max3A_82 : vector<2000x1xf32>
    %sqrt3A_84 = math.sqrt %max3A_83 : vector<2000x1xf32>
    %slice3A_85 = vector.extract_strided_slice %add3A_47 {offsets = [0, 1], sizes = [2000, 128], strides = [1, 1]} : vector<2000x129xf32> to vector<2000x128xf32>
    %mul3A_86 = vector.broadcast %sqrt3A_84 : vector<2000x1xf32> to vector<2000x128xf32>
    %mul3A_87 = arith.mulf %slice3A_85, %mul3A_86 : vector<2000x128xf32>
    %iota3A = tpu.iota {dimensions = array<i32: 1>} : vector<2000x8xi32>
    %eq3A = arith.constant 0 : i32
    %eq3A_88 = vector.broadcast %eq3A : i32 to vector<2000x8xi32>
    %eq3A_89 = arith.cmpi eq, %iota3A, %eq3A_88 : vector<2000x8xi32>
    %jit3A = arith.constant 0.000000e+00 : f32
    %broadcast_in_dim3A_90 = vector.shape_cast %add3A_64 : vector<2000x1xf32> to vector<2000x1xf32>
    %broadcast_in_dim3A_91 = vector.broadcast %broadcast_in_dim3A_90 : vector<2000x1xf32> to vector<2000x8xf32>
    %broadcast_in_dim3A_92 = vector.broadcast %jit3A : f32 to vector<2000x8xf32>
    %select_n3A = arith.select %eq3A_89, %broadcast_in_dim3A_91, %broadcast_in_dim3A_92 : vector<2000x8xi1>, vector<2000x8xf32>
    %swap3A = arith.constant 0 : index
    %swap3A_93 = arith.constant 0 : index
    %swap3A_94 = vector.load %arg8[%swap3A, %swap3A_93] : memref<2000x128xf32, #tpu.memory_space<vmem>>, vector<2000x128xf32>
    tpu.vector_store %arg8[%swap3A, %swap3A_93], %mul3A_87 {strides = array<i32>} : memref<2000x128xf32, #tpu.memory_space<vmem>>, vector<2000x128xf32>,
    %swap3A_95 = arith.constant 0 : index
    %swap3A_96 = arith.constant 0 : index
    %swap3A_97 = vector.load %arg9[%swap3A_95, %swap3A_96] : memref<2000x8xf32, #tpu.memory_space<vmem>>, vector<2000x8xf32>
    tpu.vector_store %arg9[%swap3A_95, %swap3A_96], %select_n3A {strides = array<i32>} : memref<2000x8xf32, #tpu.memory_space<vmem>>, vector<2000x8xf32>,
    return
  }
  func.func @transform_0(%arg0: i32) -> (i32, i32, i32) {
    %c0_i32 = arith.constant 0 : i32
    %c0_i32_0 = arith.constant 0 : i32
    %c0_i32_1 = arith.constant 0 : i32
    return %c0_i32, %arg0, %c0_i32_0 : i32, i32, i32
  }
  func.func @transform_1(%arg0: i32) -> (i32, i32, i32) {
    %c1_i32 = arith.constant 1 : i32
    %c0_i32 = arith.constant 0 : i32
    %c0_i32_0 = arith.constant 0 : i32
    return %c1_i32, %arg0, %c0_i32 : i32, i32, i32
  }
  func.func @transform_2(%arg0: i32) -> (i32, i32, i32) {
    %c0_i32 = arith.constant 0 : i32
    %c0_i32_0 = arith.constant 0 : i32
    %c0_i32_1 = arith.constant 0 : i32
    return %c0_i32, %arg0, %c0_i32_0 : i32, i32, i32
  }
  func.func @transform_3(%arg0: i32) -> (i32, i32, i32) {
    %c1_i32 = arith.constant 1 : i32
    %c0_i32 = arith.constant 0 : i32
    %c0_i32_0 = arith.constant 0 : i32
    return %c1_i32, %arg0, %c0_i32 : i32, i32, i32
  }
  func.func @transform_4(%arg0: i32) -> (i32, i32) {
    %c0_i32 = arith.constant 0 : i32
    %c0_i32_0 = arith.constant 0 : i32
    %c0_i32_1 = arith.constant 0 : i32
    return %c0_i32, %c0_i32_0 : i32, i32
  }
  func.func @transform_5(%arg0: i32) -> (i32, i32) {
    %c0_i32 = arith.constant 0 : i32
    %c0_i32_0 = arith.constant 0 : i32
    %c0_i32_1 = arith.constant 0 : i32
    return %c0_i32, %c0_i32_0 : i32, i32
  }
  func.func @transform_6(%arg0: i32) -> (i32, i32) {
    %c0_i32 = arith.constant 0 : i32
    %c0_i32_0 = arith.constant 0 : i32
    %c0_i32_1 = arith.constant 0 : i32
    return %c0_i32, %c0_i32_0 : i32, i32
  }
  func.func @transform_7(%arg0: i32) -> (i32, i32) {
    %c0_i32 = arith.constant 0 : i32
    %c0_i32_0 = arith.constant 0 : i32
    return %arg0, %c0_i32 : i32, i32
  }
  func.func @transform_8(%arg0: i32) -> (i32, i32) {
    %c0_i32 = arith.constant 0 : i32
    %c0_i32_0 = arith.constant 0 : i32
    return %arg0, %c0_i32 : i32, i32
  }
}

module attributes {stable_mosaic.version = 14 : i64} {
  func.func @_agg_decode_body(%arg0: i32, %arg1: memref<1x2000x128xf32, #tpu.memory_space<vmem>>, %arg2: memref<1x2000x128xf32, #tpu.memory_space<vmem>>, %arg3: memref<1x2000x8xf32, #tpu.memory_space<vmem>>, %arg4: memref<1x2000x8xf32, #tpu.memory_space<vmem>>, %arg5: memref<7x129xf32, #tpu.memory_space<vmem>>, %arg6: memref<1x7xf32, #tpu.memory_space<vmem>>, %arg7: memref<2000x7xf32, #tpu.memory_space<vmem>>) attributes {dimension_semantics = [#tpu.dimension_semantics<arbitrary>], iteration_bounds = array<i64: 5>, scalar_prefetch = 0 : i64, scratch_operands = 0 : i64, tpu.core_type = #tpu.core_type<tc>, window_params = [{transform_indices = @transform_0, window_bounds = array<i64: 1, 2000, 128>}, {transform_indices = @transform_1, window_bounds = array<i64: 1, 2000, 128>}, {transform_indices = @transform_2, window_bounds = array<i64: 1, 2000, 8>}, {transform_indices = @transform_3, window_bounds = array<i64: 1, 2000, 8>}, {pipeline_mode = #tpu.pipeline_mode<synchronous>, transform_indices = @transform_4, window_bounds = array<i64: 7, 129>}, {pipeline_mode = #tpu.pipeline_mode<synchronous>, transform_indices = @transform_5, window_bounds = array<i64: 1, 7>}, {transform_indices = @transform_6, window_bounds = array<i64: 2000, 7>}]} {
    %get3A = arith.constant 0 : index
    %get3A_0 = arith.constant 0 : index
    %get3A_1 = arith.constant 0 : index
    %get3A_2 = vector.load %arg1[%get3A, %get3A_0, %get3A_1] : memref<1x2000x128xf32, #tpu.memory_space<vmem>>, vector<1x2000x128xf32>
    %get3A_3 = vector.shape_cast %get3A_2 : vector<1x2000x128xf32> to vector<2000x128xf32>
    %get3A_4 = arith.constant 0 : index
    %get3A_5 = arith.constant 0 : index
    %get3A_6 = arith.constant 0 : index
    %get3A_7 = vector.load %arg2[%get3A_4, %get3A_5, %get3A_6] : memref<1x2000x128xf32, #tpu.memory_space<vmem>>, vector<1x2000x128xf32>
    %get3A_8 = vector.shape_cast %get3A_7 : vector<1x2000x128xf32> to vector<2000x128xf32>
    %add3A = arith.addf %get3A_3, %get3A_8 : vector<2000x128xf32>
    %get3A_9 = arith.constant 0 : index
    %get3A_10 = arith.constant 0 : index
    %get3A_11 = arith.constant 0 : index
    %get3A_12 = vector.load %arg3[%get3A_9, %get3A_10, %get3A_11] : memref<1x2000x8xf32, #tpu.memory_space<vmem>>, vector<1x2000x8xf32>
    %get3A_13 = vector.shape_cast %get3A_12 : vector<1x2000x8xf32> to vector<2000x8xf32>
    %get3A_14 = arith.constant 0 : index
    %get3A_15 = arith.constant 0 : index
    %get3A_16 = arith.constant 0 : index
    %get3A_17 = vector.load %arg4[%get3A_14, %get3A_15, %get3A_16] : memref<1x2000x8xf32, #tpu.memory_space<vmem>>, vector<1x2000x8xf32>
    %get3A_18 = vector.shape_cast %get3A_17 : vector<1x2000x8xf32> to vector<2000x8xf32>
    %add3A_19 = arith.addf %get3A_13, %get3A_18 : vector<2000x8xf32>
    %slice3A = vector.extract_strided_slice %add3A_19 {offsets = [0, 0], sizes = [2000, 1], strides = [1, 1]} : vector<2000x8xf32> to vector<2000x1xf32>
    %mul3A = arith.mulf %add3A, %add3A : vector<2000x128xf32>
    %reduce_sum3A = arith.constant dense<0.000000e+00> : vector<2000xf32>
    %reduce_sum3A_20 = vector.multi_reduction <add>, %mul3A, %reduce_sum3A [1] : vector<2000x128xf32> to vector<2000xf32>
    %broadcast_in_dim3A = vector.shape_cast %reduce_sum3A_20 : vector<2000xf32> to vector<2000x1xf32>
    %mul3A_21 = arith.mulf %slice3A, %slice3A : vector<2000x1xf32>
    %sub3A = arith.subf %broadcast_in_dim3A, %mul3A_21 : vector<2000x1xf32>
    %abs3A = math.absf %sub3A : vector<2000x1xf32>
    %max3A = arith.constant 9.99999993E-9 : f32
    %max3A_22 = vector.broadcast %max3A : f32 to vector<2000x1xf32>
    %max3A_23 = arith.maximumf %abs3A, %max3A_22 : vector<2000x1xf32>
    %sqrt3A = math.sqrt %max3A_23 : vector<2000x1xf32>
    %div3A = vector.broadcast %sqrt3A : vector<2000x1xf32> to vector<2000x128xf32>
    %div3A_24 = arith.divf %add3A, %div3A : vector<2000x128xf32>
    %div3A_25 = arith.divf %slice3A, %sqrt3A : vector<2000x1xf32>
    %get3A_26 = arith.constant 0 : index
    %get3A_27 = arith.constant 0 : index
    %get3A_28 = vector.load %arg5[%get3A_26, %get3A_27] : memref<7x129xf32, #tpu.memory_space<vmem>>, vector<7x129xf32>
    %slice3A_29 = vector.extract_strided_slice %get3A_28 {offsets = [0, 1], sizes = [7, 128], strides = [1, 1]} : vector<7x129xf32> to vector<7x128xf32>
    %dot_general3A = arith.constant dense<0.000000e+00> : vector<2000x7xf32>
    %dot_general3A_30 = tpu.matmul %div3A_24, %slice3A_29, %dot_general3A {dimension_numbers = #tpu.dot_dimension_numbers<[1], [1], [0], [0], [0, 0, 1, 0], [], []>, transpose_lhs_hint = false} : vector<2000x128xf32>, vector<7x128xf32>, vector<2000x7xf32> -> vector<2000x7xf32>
    %slice3A_31 = vector.extract_strided_slice %get3A_28 {offsets = [0, 0], sizes = [7, 1], strides = [1, 1]} : vector<7x129xf32> to vector<7x1xf32>
    %squeeze3A = vector.shape_cast %slice3A_31 : vector<7x1xf32> to vector<7xf32>
    %broadcast_in_dim3A_32 = vector.shape_cast %squeeze3A : vector<7xf32> to vector<1x7xf32>
    %mul3A_33 = vector.broadcast %div3A_25 : vector<2000x1xf32> to vector<2000x7xf32>
    %mul3A_34 = vector.broadcast %broadcast_in_dim3A_32 : vector<1x7xf32> to vector<2000x7xf32>
    %mul3A_35 = arith.mulf %mul3A_33, %mul3A_34 : vector<2000x7xf32>
    %sub3A_36 = arith.subf %dot_general3A_30, %mul3A_35 : vector<2000x7xf32>
    %mul3A_37 = arith.constant 2.000000e+00 : f32
    %mul3A_38 = vector.broadcast %mul3A_37 : f32 to vector<2000x7xf32>
    %mul3A_39 = arith.mulf %mul3A_38, %sub3A_36 : vector<2000x7xf32>
    %add3A_40 = arith.constant 2.000000e+00 : f32
    %add3A_41 = vector.broadcast %add3A_40 : f32 to vector<2000x7xf32>
    %add3A_42 = arith.addf %add3A_41, %mul3A_39 : vector<2000x7xf32>
    %get3A_43 = arith.constant 0 : index
    %get3A_44 = arith.constant 0 : index
    %get3A_45 = vector.load %arg6[%get3A_43, %get3A_44] : memref<1x7xf32, #tpu.memory_space<vmem>>, vector<1x7xf32>
    %add3A_46 = vector.broadcast %get3A_45 : vector<1x7xf32> to vector<2000x7xf32>
    %add3A_47 = arith.addf %add3A_42, %add3A_46 : vector<2000x7xf32>
    %swap3A = arith.constant 0 : index
    %swap3A_48 = arith.constant 0 : index
    %swap3A_49 = vector.load %arg7[%swap3A, %swap3A_48] : memref<2000x7xf32, #tpu.memory_space<vmem>>, vector<2000x7xf32>
    tpu.vector_store %arg7[%swap3A, %swap3A_48], %add3A_47 {strides = array<i32>} : memref<2000x7xf32, #tpu.memory_space<vmem>>, vector<2000x7xf32>,
    return
  }
  func.func @transform_0(%arg0: i32) -> (i32, i32, i32) {
    %c0_i32 = arith.constant 0 : i32
    %c0_i32_0 = arith.constant 0 : i32
    %c0_i32_1 = arith.constant 0 : i32
    return %c0_i32, %arg0, %c0_i32_0 : i32, i32, i32
  }
  func.func @transform_1(%arg0: i32) -> (i32, i32, i32) {
    %c1_i32 = arith.constant 1 : i32
    %c0_i32 = arith.constant 0 : i32
    %c0_i32_0 = arith.constant 0 : i32
    return %c1_i32, %arg0, %c0_i32 : i32, i32, i32
  }
  func.func @transform_2(%arg0: i32) -> (i32, i32, i32) {
    %c0_i32 = arith.constant 0 : i32
    %c0_i32_0 = arith.constant 0 : i32
    %c0_i32_1 = arith.constant 0 : i32
    return %c0_i32, %arg0, %c0_i32_0 : i32, i32, i32
  }
  func.func @transform_3(%arg0: i32) -> (i32, i32, i32) {
    %c1_i32 = arith.constant 1 : i32
    %c0_i32 = arith.constant 0 : i32
    %c0_i32_0 = arith.constant 0 : i32
    return %c1_i32, %arg0, %c0_i32 : i32, i32, i32
  }
  func.func @transform_4(%arg0: i32) -> (i32, i32) {
    %c0_i32 = arith.constant 0 : i32
    %c0_i32_0 = arith.constant 0 : i32
    %c0_i32_1 = arith.constant 0 : i32
    return %c0_i32, %c0_i32_0 : i32, i32
  }
  func.func @transform_5(%arg0: i32) -> (i32, i32) {
    %c0_i32 = arith.constant 0 : i32
    %c0_i32_0 = arith.constant 0 : i32
    %c0_i32_1 = arith.constant 0 : i32
    return %c0_i32, %c0_i32_0 : i32, i32
  }
  func.func @transform_6(%arg0: i32) -> (i32, i32) {
    %c0_i32 = arith.constant 0 : i32
    %c0_i32_0 = arith.constant 0 : i32
    return %arg0, %c0_i32 : i32, i32
  }
}

</mosaic_0001>

<sc_bundles>
// kernel: kernel.10.cloned.1.call-start
scs
__scs_entry_jumppad:
0x0: {  	(pc) =	sbr.rel $0x88, $3  }
0x1: {  	(tag) =	ssettag $0x0;
	lr =	simm.s32 $0x1  }
0x2: {  	[smem:$0x3F97] =	sst lr;
	_ =	strace $0xD0000000  }
0x3: {  	_ = 	snop  }
0x4: {  	_ = 	snop  }
0x5: {  	_ = 	snop  }
0x6: {  	_ = 	snop  }
0x7: {  	_ = 	snop  }
__scs_overlays_trampoline_lowered:
0x8: {  	[smem:$0x3FA6] =	sst s0  }
0x9: {  	[smem:$0x3FA7] =	sst s1  }
0xa: {  	[smem:$0x3FA8] =	sst s2  }
0xb: {  	[smem:$0x3FA9] =	sst s3  }
0xc: {  	[smem:$0x3FAA] =	sst s4  }
0xd: {  	[smem:$0x3FAB] =	sst s5  }
0xe: {  	[smem:$0x3FAC] =	sst s6  }
0xf: {  	[smem:$0x3FAD] =	sst s7  }
0x10: {  	[smem:$0x3FAE] =	sst s8  }
0x11: {  	[smem:$0x3FAF] =	sst s9;
	s0 =	simm.s32 @!p0 $0x0  }
0x12: {  	s1 =	sld [smem:$0x3F95];
	s0 =	simm.s32 @p0 $0x1  }
0x13: {  	[smem:$0x3FB0] =	sst s0;
	s0 =	simm.s32 @!p1 $0x0  }
0x14: {  	s2 =	sld [smem:$0x3F94];
	s0 =	simm.s32 @p1 $0x1  }
0x15: {  	[smem:$0x3FB1] =	sst s0;
	s0 =	simm.s32 @!p2 $0x0  }
0x16: {  	s3 =	sld [smem:$0x3FDB];
	s0 =	simm.s32 @p2 $0x1  }
0x17: {  	s4 =	simm.s32 $0x1BF5;
	[smem:$0x3FB3] =	sst s0  }
0x18: {  	s0 =	sld [smem:$0x3F96];
	_ =	swait.ge [sflag:s4], $0x0  }
0x19: {  	s7 =	sld [smem:$0x3F97]  }
0x1a: {  	s8 =	sadd.s32 $0xFFFFE003, lr  }
0x1b: {  	s9 =	sadd.s32 $0xFFFFFEF7, lr;
	s5 =	simm.s32 $0xFFFFFFFF;
	p2 =	slt.u32 s8, $0xFFFFF086  }
0x1c: {  	p1 =	slt.u32 s9, $0xF7A;
	s5 =	simm.s32 @!p2 $0x0  }
0x1d: {  	s5 =	simm.s32 @p1 $0x1;
	p0 =	seq.s32 s7, s2  }
0x1e: {  	s7 =	smul.u32 @!p0 $0xF7A, s2;
	p2 =	seq.s32 @!p0 s5, $0x0  }
0x1f: {  	s9 =	smul.u32 $0xF7A, s1;
	s8 =	simm.s32 @!p0 $0x1BF5;
	p2 =	por !p2, p0  }
0x20: {  	[sflag:s8] =	ssyncset.s32 @!p0 $0xFFFFF086;
	s6 =	sadd.s32 @!p0 s3, s7;
	s7 =	simm.s32 @!p0 $0x108  }
0x21: {  	s3 =	sadd.s32 s3, s9;
	s6 =	sadd.s32 @!p0 $0x88, s6;
	s7 =	simm.s32 @p2 $0x1082  }
0x22: {  	[simem:s7], [sflag:s8] =	dma.local @!p0 [hbm:s6], $0xF7A  }
0x23: {  	s9 =	sor.u32 $0xD0000000, s2;
	s6 =	simm.s32 $0x108;
	_ =	swait.ge @!p0 [sflag:s8], $0x0  }
0x24: {  	s3 =	sadd.s32 $0x88, s3;
	s6 =	simm.s32 @!p1 $0x1082;
	[sflag:s4] =	ssyncset.s32 $0xFFFFF086  }
0x25: {  	[simem:s6], [sflag:s4] =	dma.local [hbm:s3], $0xF7A  }
0x26: {  	[smem:$0x3F97] =	sst s1;
	(tag) =	ssettag s2;
	_ =	strace s9  }
0x27: {  	s1 =	sld [smem:$0x3FA7]  }
0x28: {  	s2 =	sld [smem:$0x3FA8]  }
0x29: {  	s4 =	sld [smem:$0x3FAA]  }
0x2a: {  	p0 =	seq.s32 s5, $0x0;
	s5 =	sld [smem:$0x3FAB]  }
0x2b: {  	s6 =	sld [smem:$0x3FAC]  }
0x2c: {  	s7 =	sld [smem:$0x3FAD]  }
0x2d: {  	s3 =	simm.s32 $0x108;
	s8 =	sld [smem:$0x3FAE]  }
0x2e: {  	s3 =	simm.s32 @!p0 $0x1082;
	s9 =	sld [smem:$0x3FAF]  }
0x2f: {  	lr =	sadd.s32 s0, s3;
	s0 =	sld [smem:$0x3FA6]  }
0x30: {  	s3 =	sld [smem:$0x3FA9]  }
0x31: {  	[smem:$0x3FB2] =	sst s10  }
0x32: {  	s10 =	sld [smem:$0x3FB0];
	_ =	sdelay $0x3  }
0x33: {  	p0 =	seq.s32 s10, $0x1;
	s10 =	sld [smem:$0x3FB2];
	_ =	sdelay $0x3  }
0x34: {  	[smem:$0x3FB2] =	sst s10  }
0x35: {  	s10 =	sld [smem:$0x3FB1];
	_ =	sdelay $0x3  }
0x36: {  	p1 =	seq.s32 s10, $0x1;
	s10 =	sld [smem:$0x3FB2];
	_ =	sdelay $0x3  }
0x37: {  	[smem:$0x3FB2] =	sst s10  }
0x38: {  	s10 =	sld [smem:$0x3FB3]  }
0x39: {  	_ = 	snop;
	(pc) =	sbr.ind lr, $3  }
0x3a: {  	_ = 	snop  }
0x3b: {  	_ = 	snop  }
0x3c: {  	p2 =	seq.s32 s10, $0x1;
	s10 =	sld [smem:$0x3FB2]  }
0x3d: {  	_ =	shalt  }
0x3e: {  	_ =	shalt  }
0x3f: {  	_ =	shalt  }
0x40: {  	_ =	shalt  }
0x41: {  	_ =	shalt  }
0x42: {  	_ =	shalt  }
0x43: {  	_ =	shalt  }
0x44: {  	_ =	shalt  }
0x45: {  	_ =	shalt  }
0x46: {  	_ =	shalt  }
0x47: {  	_ =	shalt  }
0x48: {  	_ =	shalt  }
0x49: {  	_ =	shalt  }
0x4a: {  	_ =	shalt  }
0x4b: {  	_ =	shalt  }
0x4c: {  	_ =	shalt  }
0x4d: {  	_ =	shalt  }
0x4e: {  	_ =	shalt  }
0x4f: {  	_ =	shalt  }
0x50: {  	_ =	shalt  }
0x51: {  	_ =	shalt  }
0x52: {  	_ =	shalt  }
0x53: {  	_ =	shalt  }
0x54: {  	_ =	shalt  }
0x55: {  	_ =	shalt  }
0x56: {  	_ =	shalt  }
0x57: {  	_ =	shalt  }
0x58: {  	_ =	shalt  }
0x59: {  	_ =	shalt  }
0x5a: {  	_ =	shalt  }
0x5b: {  	_ =	shalt  }
0x5c: {  	_ =	shalt  }
0x5d: {  	_ =	shalt  }
0x5e: {  	_ =	shalt  }
0x5f: {  	_ =	shalt  }
0x60: {  	_ =	shalt  }
0x61: {  	_ =	shalt  }
0x62: {  	_ =	shalt  }
0x63: {  	_ =	shalt  }
0x64: {  	_ =	shalt  }
0x65: {  	_ =	shalt  }
0x66: {  	_ =	shalt  }
0x67: {  	_ =	shalt  }
0x68: {  	_ =	shalt  }
0x69: {  	_ =	shalt  }
0x6a: {  	_ =	shalt  }
0x6b: {  	_ =	shalt  }
0x6c: {  	_ =	shalt  }
0x6d: {  	_ =	shalt  }
0x6e: {  	_ =	shalt  }
0x6f: {  	_ =	shalt  }
0x70: {  	_ =	shalt  }
0x71: {  	_ =	shalt  }
0x72: {  	_ =	shalt  }
0x73: {  	_ =	shalt  }
0x74: {  	_ =	shalt  }
0x75: {  	_ =	shalt  }
0x76: {  	_ =	shalt  }
0x77: {  	_ =	shalt  }
0x78: {  	_ =	shalt  }
0x79: {  	_ =	shalt  }
0x7a: {  	_ =	shalt  }
0x7b: {  	_ =	shalt  }
0x7c: {  	_ =	shalt  }
0x7d: {  	_ =	shalt  }
0x7e: {  	_ =	shalt  }
0x7f: {  	_ =	shalt  }
0x80: {  	_ =	shalt  }
0x81: {  	_ =	shalt  }
0x82: {  	_ =	shalt  }
0x83: {  	_ =	shalt  }
0x84: {  	_ =	shalt  }
0x85: {  	_ =	shalt  }
0x86: {  	_ =	shalt  }
0x87: {  	_ =	shalt  }
.Lfunc_end0:
.L_simem_size_0:
called_computation.1_lowered:
.L_overlay_start_0:
0x88: {  	s2 =	sld [smem:$0x3FD9]  }
0x89: {  	s3 =	sld [smem:$0x3FFE];
	_ =	sdelay $0x1  }
0x8a: {  	s1 =	srdreg.scid  }
0x8b: {  	s0 =	sand.u32 $0x1, s1  }
0x8c: {  	s17 =	sshll.u32 s0, $0xA;
	s2 =	sadd.s32 s3, s2  }
0x8d: {  	s2 =	sadd.s32 s2, s17  }
0x8e: {  	[smem:$0x3FBE] =	sst s2  }
0x8f: {  	_ = 	snop  }
0x90: {  	s2 =	sld [smem:$0x3FD0];
	(tm) =	ssettm $0x1  }
0x91: {  	s18 =	sld [smem:$0x3FFB];
	_ =	sdelay $0x3  }
0x92: {  	_ =	strace s18  }
0x93: {  	s3 =	sld [smem:$0x3FFC];
	_ =	sdelay $0x3  }
0x94: {  	_ =	strace s3  }
0x95: {  	s3 =	sld [smem:$0x3FFD];
	_ =	sdelay $0x3  }
0x96: {  	_ =	strace s3  }
0x97: {  	_ =	strace $0x8FFFFFFF  }
0x98: {  	s19 =	sld [smem:$0x3FDB];
	_ =	sdelay $0x1  }
0x99: {  	s4 =	simm.s32 $_scs_section_size  }
0x9a: {  	s5 =	simm.s32 $_size__tile_overlayer_lowered;
	s6 =	simm.s32 $_tile_overlayer_lowered  }
0x9b: {  	s22 =	simm.s32 $0x1BFF;
	s21 =	sshll.u32 s6, $0x1;
	s3 =	sadd.s32 s4, s19  }
0x9c: {  	s7 =	simm.s32 $0x0;
	s20 =	sshll.u32 s5, $0x1;
	s5 =	sadd.s32 s21, s3  }
0x9d: {  	[timem:s7], [sflag:s22] =	dma.local [hbm:s5], s20  }
0x9e: {  	_ =	swait.ge [sflag:s22], s20  }
0x9f: {  	s4 =	ssub.s32 $0x0, s20;
	[sflag:s22] =	ssyncset.done $0x0  }
0xa0: {  	[sflag:s22] =	ssyncadd.s32 s4;
	_ =	sdelay $0x1  }
0xa1: {  	s23 =	simm.s32 $0x1B8B  }
0xa2: {  	_ =	swait.ge [sflag:s23], $0x1  }
0xa3: {  	[sflag:s23] =	ssyncset.done $0x0  }
0xa4: {  	s25 =	simm.s32 $0x1B8E;
	s24 =	sld [smem:$0x3FFE];
	[sflag:s23] =	ssyncadd.s32 $0xFFFFFFFF  }
0xa5: {  	s26 =	simm.s32 $execute0_lowered;
	[smem:$0x3FD2] =	sst s25  }
0xa6: {  	s5 =	sshll.u32 s26, $0x1;
	_ =	strace $0x80000049;
	[dreg:$0x1] =	wrdreg $0xFFFFFFFF  }
0xa7: {  	s28 =	simm.s32 $_size_execute0_lowered;
	s3 =	sadd.s32 s3, s5;
	[dreg:$0x0] =	wrdreg $0x0  }
0xa8: {  	s5 =	sshll.u32 s28, $0x1;
	[dreg:$0x2] =	wrdreg s3  }
0xa9: {  	[dreg:$0x3] =	wrdreg s5  }
0xaa: {  	[dreg:$0x4] =	wrdreg $0xC0  }
0xab: {  	_ =	task [dreg:s7], $0x5FFFF  }
0xac: {  	[dreg:$0x1] =	wrdreg $0xFFFFFFFF  }
0xad: {  	[dreg:$0x0] =	wrdreg $0x60  }
0xae: {  	[dreg:$0x2] =	wrdreg s24  }
0xaf: {  	[dreg:$0x3] =	wrdreg s2  }
0xb0: {  	[dreg:$0x4] =	wrdreg $0xAC800  }
0xb1: {  	[dreg:$0x5] =	wrdreg $0x1E8800  }
0xb2: {  	[dreg:$0x6] =	wrdreg $0x9  }
0xb3: {  	_ =	task.clear_ibuf [dreg:s7], $0x7FFFF;
	_ =	strace $0x90000049  }
0xb4: {  	s29 =	simm.s32 $0x9;
	_ =	strace $0x8000004B  }
0xb5: {  	_ =	swait.ge [sflag:s29], $0x1  }
0xb6: {  	[sflag:s29] =	ssyncadd.s32 $0xFFFFFFFF  }
0xb7: {  	_ =	strace $0x9000004B  }
0xb8: {  	_ =	sfence  }
0xb9: {  	s30 =	sld [smem:$0x0];
	_ =	sdelay $0x2  }
0xba: {  	s31 =	sshll.u32 s1, $0xD;
	s1 =	sshrl.u32 s1, $0x2  }
0xbb: {  	s3 =	sand.u32 $0x4000, s31;
	s1 =	sadd.s32 s1, s30  }
0xbc: {  	s0 =	sor.u32 s3, s0;
	s1 =	sshll.u32 s1, $0x11  }
0xbd: {  	s0 =	sor.u32 s1, s0  }
0xbe: {  	s0 =	sadd.s32 $0x8F2B, s0  }
0xbf: {  	[sflag:s0] =	ssyncadd.remote.s32 $0x1  }
0xc0: {  	_ =	sfence.sel $0xFFFF  }
0xc1: {  	[dreg:$0x0] =	wrdreg $0xFFFFFFFF;
	(pc) =	sbr.abs _section_cstart, $3  }
0xc2: {  	[dreg:$0x1] =	wrdreg $0xFFFFFFFF  }
0xc3: {  	_ =	task.clear_ibuf [dreg:s7], $0x2FFFF;
	_ =	strace $0x9FFFFFFF  }
0xc4: {  	(tm) =	ssettm $0x7FFFFFFF  }
0xc5: {  	_ =	shalt  }
tec
execute0_lowered:
.L_overlay_start_1:
0x0: {  	(tag) =	ssettag $0x1  }
0x1: {  	s0 =	rddreg [dreg:$0x0]  }
0x2: {  	s1 =	rddreg [dreg:$0x1]  }
0x3: {  	s3 =	rddreg [dreg:$0x2]  }
0x4: {  	s4 =	rddreg [dreg:$0x3]  }
0x5: {  	s2 =	srdreg.scid;
	s15 =	stileid.u32;
	s5 =	simm.s32 $0x0  }
0x6: {  	s28 =	simm.s32 $0x50;
	s31 =	simm.s32 $0x140;
	s8 =	smul.u32 $0x13C00, s15  }
0x7: {  	s2 =	sand.u32 $0x1, s2;
	[smem:$0x7FF] =	sst s5;
	s10 =	smul.u32 $0x13C0, s15  }
0x8: {  	s6 =	sadd.s32 $0x16400, s0;
	s12 =	sadd.s32 $0x3DA00, s0;
	s30 =	smul.u32 $0x4E20, s15  }
0x9: {  	s23 =	sadd.s32 $0x3D600, s0;
	s13 =	sshll.u32 s15, $0x1;
	s20 =	smul.u32 $0x9C4, s15  }
0xa: {  	s26 =	sshll.u32 s15, $0x6;
	s15 =	simm.s32 $0x1E0;
	s7 =	smul.u32 $0x13C000, s2  }
0xb: {  	_ =	strace $0x8000004A;
	s11 =	smul.u32 $0x13C00, s2;
	[dreg:$0x5] =	wrdreg s12  }
0xc: {  	[dreg:$0x6] =	wrdreg s23;
	s24 =	ssub.s32 $0x2, s2;
	s17 =	smul.u32 $0x2710, s2  }
0xd: {  	s13 =	sor.u32 s2, s13;
	s16 =	sor.u32 $0x1C11, s26;
	s2 =	smul.u32 $0x4E2, s2  }
0xe: {  	s14 =	sshrl.u32 s24, $0x1;
	s25 =	smul.u32 $0x2710, s13;
	[dreg:$0x8] =	wrdreg s16  }
0xf: {  	s9 =	sadd.s32 s8, s7;
	s7 =	sadd.s32 $0x2A00, s0;
	s11 =	sadd.s32 s10, s11  }
0x10: {  	s12 =	ssub.s32 s24, s14;
	s8 =	sadd.s32 s8, s3;
	s10 =	sadd.s32 s10, s4  }
0x11: {  	s9 =	sshrl.u32 s9, $0x3;
	s11 =	sshrl.u32 s11, $0x3;
	[dreg:$0x7] =	wrdreg s8  }
0x12: {  	s29 =	sshrl.u32 s25, $0x3;
	[dreg:$0x9] =	wrdreg s10;
	s8 =	sadd.s32 s17, s30  }
0x13: {  	s10 =	sadd.s32 s20, s7;
	s20 =	simm.s32 $0x5;
	s9 =	sadd.s32 s9, s0  }
0x14: {  	s0 =	sadd.s32 s11, s0;
	s11 =	smul.u32 $0x7D, s13;
	s14 =	sadd.s32 s7, s29  }
0x15: {  	s24 =	sadd.s32 $0x4E390, s8;
	s29 =	smax.u32 s12, $0x1;
	[dreg:$0xa] =	wrdreg s14  }
0x16: {  	s26 =	sadd.s32 $0x4E340, s8;
	s18 =	sadd.s32 $0xA, s14;
	[dreg:$0x12] =	wrdreg s29  }
0x17: {  	s8 =	simm.s32 $0x11;
	s19 =	sadd.s32 $0x14, s14;
	[dreg:$0xb] =	wrdreg s18  }
0x18: {  	s12 =	simm.s32 $0x0;
	s21 =	sadd.s32 $0x1E, s14;
	[dreg:$0xc] =	wrdreg s19  }
0x19: {  	s22 =	sadd.s32 $0x9C40, s14;
	s23 =	sadd.s32 $0x9C4A, s14;
	[dreg:$0xd] =	wrdreg s21  }
0x1a: {  	s9 =	sadd.s32 $0x45200, s9;
	s0 =	sadd.s32 $0x40200, s0;
	[dreg:$0xe] =	wrdreg s22  }
.Ltmp0:
0x1b: {  	s25 =	sshrl.u32 s24, $0x3;
	[dreg:$0xf] =	wrdreg s23;
	(pc) =	sbr.rel .LBB2_1-.Ltmp0, $4  }
0x1c: {  	s30 =	sshrl.u32 s26, $0x3;
	[dreg:$0x10] =	wrdreg s9;
	s21 =	sadd.s32 s2, s10  }
0x1d: {  	[dreg:$0x11] =	wrdreg s0;
	s24 =	sadd.s32 s25, s7;
	s0 =	sadd.s32 s30, s7  }
0x1e: {  	s2 =	simm.s32 $0x9;
	s9 =	simm.s32 $0x1;
	s10 =	simm.s32 $0xD  }
0x1f: {  	s18 =	simm.s32 $0x3;
	s19 =	simm.s32 $0xF;
	[dreg:$0x13] =	wrdreg s0  }
.LBB2_8:
0x20: {  	s0 =	simm.s32 $0x8  }
0x21: {  	_ =	swait.ge [sflag:s0], $0x2800  }
0x22: {  	[sflag:s0] =	ssyncset.done $0x0  }
0x23: {  	[sflag:s0] =	ssyncadd.s32 $0xFFFFD800  }
0x24: {  	_ =	swait.ge [sflag:s0], $0x280  }
0x25: {  	[sflag:s0] =	ssyncset.done $0x0  }
0x26: {  	[sflag:s0] =	ssyncadd.s32 $0xFFFFFD80  }
0x27: {  	_ =	swait.ge [sflag:s20], $0x2800  }
0x28: {  	[sflag:s20] =	ssyncset.done $0x0  }
0x29: {  	[sflag:s20] =	ssyncadd.s32 $0xFFFFD800  }
0x2a: {  	_ =	swait.ge [sflag:s20], $0x280  }
0x2b: {  	[sflag:s20] =	ssyncset.done $0x0  }
0x2c: {  	[sflag:s20] =	ssyncadd.s32 $0xFFFFFD80  }
0x2d: {  	[bflag:$0x0] =	sbarrier.arrive $0xFFFF  }
0x2e: {  	s16 =	rddreg [dreg:$0x8]  }
0x2f: {  	s25 =	rddreg [dreg:$0x10]  }
0x30: {  	s8 =	rddreg [dreg:$0x15]  }
0x31: {  	[hbm:s25], [sflag:s16] =	dma.local [spmem:s8], $0x2780  }
0x32: {  	s8 =	simm.s32 $0x11  }
0x33: {  	_ =	swait.ge [sflag:s8], $0x2780  }
0x34: {  	[sflag:s8] =	ssyncset.done $0x0;
	s26 =	rddreg [dreg:$0x11]  }
0x35: {  	s12 =	rddreg [dreg:$0x16];
	[sflag:s8] =	ssyncadd.s32 $0xFFFFD880  }
0x36: {  	[hbm:s26], [sflag:s16] =	dma.local [spmem:s12], $0x278  }
0x37: {  	_ =	swait.ge [sflag:s8], $0x278  }
0x38: {  	s29 =	rddreg [dreg:$0x14]  }
0x39: {  	s30 =	rddreg [dreg:$0x12];
	s12 =	sadd.s32 $0x1, s29  }
0x3a: {  	p0 =	sne.s32 s12, s30  }
.Ltmp1:
0x3b: {  	_ = 	snop;
	(pc) =	sbr.rel @!p0 .LBB2_9-.Ltmp1, $3  }
0x3c: {  	_ =	sdelay $0x1  }
0x3d: {  	[sflag:s8] =	ssyncset.done $0x0  }
0x3e: {  	[sflag:s8] =	ssyncadd.s32 $0xFFFFFD88  }
.LBB2_1:
0x3f: {  	[dreg:$0x14] =	wrdreg s12  }
0x40: {  	s0 =	rddreg [dreg:$0x7]  }
0x41: {  	s22 =	rddreg [dreg:$0x5];
	s17 =	sshrl.u32 s0, $0x3  }
0x42: {  	[dreg:$0x15] =	wrdreg s17  }
0x43: {  	[spmem:s17], [sflag:s16] =	dma.local [hbm:s22], $0x2780  }
0x44: {  	_ =	swait.ge [sflag:s8], $0x2780  }
0x45: {  	s23 =	rddreg [dreg:$0x9]  }
0x46: {  	[sflag:s8] =	ssyncset.done $0x0;
	s26 =	rddreg [dreg:$0x6];
	s25 =	sshrl.u32 s23, $0x3  }
0x47: {  	[sflag:s8] =	ssyncadd.s32 $0xFFFFD880;
	[dreg:$0x16] =	wrdreg s25  }
0x48: {  	[spmem:s25], [sflag:s16] =	dma.local [hbm:s26], $0x278  }
0x49: {  	_ =	swait.ge [sflag:s8], $0x278  }
0x4a: {  	[sflag:s8] =	ssyncset.done $0x0  }
0x4b: {  	[sflag:s8] =	ssyncadd.s32 $0xFFFFFD88  }
0x4c: {  	[bflag:$0x0] =	sbarrier.arrive $0xFFFF  }
0x4d: {  	s29 =	rddreg [dreg:$0xa]  }
0x4e: {  	[tilespmem:s5], [sflag:$0x9] =	stream.linear.gather [hbm4b:s29+s5], $0x50, $0x38;
	[tilespmem:$0x1FC40] =	vst v63  }
0x4f: {  	s30 =	rddreg [dreg:$0xb]  }
0x50: {  	[tilespmem:s28], [sflag:$0xA] =	stream.linear.gather [hbm4b:s30+s5], $0x50, $0x38;
	[tilespmem:$0x1FC40] =	vst v63  }
0x51: {  	s12 =	simm.s32 $0xA0;
	s8 =	rddreg [dreg:$0xc]  }
0x52: {  	[tilespmem:s12], [sflag:$0xB] =	stream.linear.gather [hbm4b:s8+s5], $0x50, $0x38;
	[tilespmem:$0x1FC40] =	vst v63  }
0x53: {  	s14 =	simm.s32 $0xF0;
	s13 =	rddreg [dreg:$0xd]  }
0x54: {  	[tilespmem:s14], [sflag:$0xC] =	stream.linear.gather [hbm4b:s13+s5], $0x50, $0x38;
	[tilespmem:$0x1FC40] =	vst v63  }
0x55: {  	s16 =	rddreg [dreg:$0xe]  }
0x56: {  	[tilespmem:s31], [sflag:$0xD] =	stream.linear.gather [hbm4b:s16+s5], $0x50, $0x38;
	[tilespmem:$0x1FC40] =	vst v63  }
0x57: {  	s22 =	simm.s32 $0x190;
	s17 =	rddreg [dreg:$0xf]  }
0x58: {  	[tilespmem:s22], [sflag:$0xE] =	stream.linear.gather [hbm4b:s17+s5], $0x50, $0x38;
	[tilespmem:$0x1FC40] =	vst v63  }
0x59: {  	_ =	swait.ge [sflag:s2], $0x50  }
0x5a: {  	[sflag:s2] =	ssyncset.done $0x0  }
0x5b: {  	s23 =	simm.s32 $0x280;
	[sflag:s2] =	ssyncadd.s32 $0xFFFFFFB0  }
0x5c: {  	[tilespmem:s23], [sflag:$0x1] =	stream.indirect.gather [hbm4b:s6+s28], $0x80, s5, s28, $0xb8;
	[tilespmem:$0x1FC40] =	vst v63  }
0x5d: {  	s25 =	simm.s32 $0xA280;
	s26 =	simm.s32 $0xA  }
0x5e: {  	[tilespmem:s25], [sflag:$0x1] =	stream.indirect.gather [hbm4b:s1+s28], $0x8, s5, s28, $0xb8;
	[tilespmem:$0x1FC40] =	vst v63  }
0x5f: {  	_ =	swait.ge [sflag:s26], $0x50  }
.Ltmp2:
0x60: {  	[sflag:s26] =	ssyncset.done $0x0;
	(pc) =	sbr.rel .LBB2_2-.Ltmp2, $4  }
0x61: {  	s29 =	simm.s32 $0x2A80;
	s30 =	simm.s32 $0xA500;
	[sflag:s26] =	ssyncadd.s32 $0xFFFFFFB0  }
0x62: {  	[tilespmem:s29], [sflag:$0x2] =	stream.indirect.gather [hbm4b:s6+s28], $0x80, s28, s28, $0xb8;
	[tilespmem:$0x1FC40] =	vst v63  }
0x63: {  	s8 =	simm.s32 $0x0;
	s14 =	simm.s32 $0x0;
	s22 =	simm.s32 $0x3  }
0x64: {  	[tilespmem:s30], [sflag:$0x2] =	stream.indirect.gather [hbm4b:s1+s28], $0x8, s28, s28, $0xb8;
	[tilespmem:$0x1FC40] =	vst v63  }
.LBB2_7:
0x65: {  	s0 =	simm.s32 @!p2 $0x4  }
0x66: {  	_ =	swait.ge @!p2 [sflag:s0], $0x2800  }
0x67: {  	[sflag:s0] =	ssyncset.done @!p2 $0x0  }
0x68: {  	[sflag:s0] =	ssyncadd.s32 @!p2 $0xFFFFD800  }
0x69: {  	_ =	swait.ge @!p2 [sflag:s0], $0x280  }
0x6a: {  	[sflag:s0] =	ssyncset.done @!p2 $0x0  }
0x6b: {  	s13 =	simm.s32 @!p1 $0xF0;
	[sflag:s0] =	ssyncadd.s32 @!p2 $0xFFFFFD80;
	s0 =	sadd.s32 @!p1 $0x46, s23  }
0x6c: {  	[tilespmem:s13], [sflag:$0xC] =	stream.linear.gather @!p1 [hbm4b:s0+s26], $0x50, $0x38;
	[tilespmem:$0x1FC40] =	vst v63  }
0x6d: {  	s0 =	simm.s32 @!p2 $0x10  }
0x6e: {  	_ =	swait.ge @!p2 [sflag:s0], $0x50  }
0x6f: {  	[sflag:s0] =	ssyncset.done @!p2 $0x0  }
0x70: {  	[sflag:s0] =	ssyncadd.s32 @!p2 $0xFFFFFFB0  }
0x71: {  	[spmem:s3] =	stream.indirect.scatter.add.f32 @!p2 [tilespmem:s16], [sflag:$0x8], $0x80, s29, s25, $0xb8;
	[tilespmem:$0x1FC40] =	vst v63  }
0x72: {  	s0 =	simm.s32 @!p2 $0x6  }
0x73: {  	[spmem:s4] =	stream.indirect.scatter.add.f32 @!p2 [tilespmem:s17], [sflag:$0x8], $0x8, s29, s25, $0xb8;
	[tilespmem:$0x1FC40] =	vst v63  }
0x74: {  	_ =	swait.ge @!p2 [sflag:s0], $0x2800  }
0x75: {  	[sflag:s0] =	ssyncset.done @!p2 $0x0  }
0x76: {  	[sflag:s0] =	ssyncadd.s32 @!p2 $0xFFFFD800  }
0x77: {  	_ =	swait.ge @!p2 [sflag:s0], $0x280  }
0x78: {  	[sflag:s0] =	ssyncset.done @!p2 $0x0  }
0x79: {  	s13 =	simm.s32 @!p1 $0x190;
	[sflag:s0] =	ssyncadd.s32 @!p2 $0xFFFFFD80;
	s0 =	sadd.s32 @!p1 s14, s24  }
0x7a: {  	[tilespmem:s13], [sflag:$0xE] =	stream.linear.gather @!p1 [hbm4b:s0+s26], $0x50, $0x38;
	[tilespmem:$0x1FC40] =	vst v63  }
0x7b: {  	s14 =	sadd.s32 $0x28, s14;
	s0 =	simm.s32 @!p1 $0xA  }
0x7c: {  	p0 =	sne.s32 s14, $0x500;
	_ =	swait.ge @!p1 [sflag:s0], $0x50  }
.Ltmp3:
0x7d: {  	[sflag:s0] =	ssyncset.done @!p1 $0x0;
	(pc) =	sbr.rel @!p0 .LBB2_8-.Ltmp3, $4  }
0x7e: {  	[sflag:s0] =	ssyncadd.s32 @!p1 $0xFFFFFFB0;
	s0 =	simm.s32 @!p1 $0x2A80  }
0x7f: {  	[tilespmem:s0], [sflag:$0x2] =	stream.indirect.gather @!p1 [hbm4b:s6+s12], $0x80, s12, s12, $0xb8;
	[tilespmem:$0x1FC40] =	vst v63  }
0x80: {  	s8 =	sadd.s32 $0x1, s8;
	s22 =	sadd.s32 $0x4, s22;
	s0 =	simm.s32 @!p1 $0xA500  }
0x81: {  	[tilespmem:s0], [sflag:$0x2] =	stream.indirect.gather @!p1 [hbm4b:s1+s12], $0x8, s12, s12, $0xb8;
	[tilespmem:$0x1FC40] =	vst v63  }
.LBB2_2:
0x82: {  	_ =	swait.ge [sflag:s9], $0x2800  }
0x83: {  	[sflag:s9] =	ssyncset.done $0x0  }
0x84: {  	[sflag:s9] =	ssyncadd.s32 $0xFFFFD800  }
0x85: {  	p0 =	seq.s32 s14, $0x4D8;
	_ =	swait.ge [sflag:s9], $0x280  }
0x86: {  	s12 =	sadd.s32 @!p0 s14, s21;
	[sflag:s9] =	ssyncset.done $0x0  }
0x87: {  	s16 =	simm.s32 @!p0 $0x0;
	s12 =	sadd.s32 @!p0 $0x28, s12;
	[sflag:s9] =	ssyncadd.s32 $0xFFFFFD80  }
0x88: {  	[tilespmem:s16], [sflag:$0x9] =	stream.linear.gather @!p0 [hbm4b:s12+s16], $0x50, $0x38;
	[tilespmem:$0x1FC40] =	vst v63  }
0x89: {  	_ =	swait.ge [sflag:s10], $0x50  }
0x8a: {  	p1 =	seq.s32 s14, $0x0;
	[sflag:s10] =	ssyncset.done $0x0  }
0x8b: {  	s0 =	simm.s32 $0x280;
	s12 =	sadd.s32 @!p1 $0xFFFFFFFF, s22;
	[sflag:s10] =	ssyncadd.s32 $0xFFFFFFB0  }
0x8c: {  	[spmem:s3] =	stream.indirect.scatter.add.f32 [tilespmem:s0], [sflag:$0x5], $0x80, s31, s28, $0xb8;
	[tilespmem:$0x1FC40] =	vst v63  }
0x8d: {  	s30 =	simm.s32 $0xA280;
	s16 =	simm.s32 @!p1 $0x7;
	p2 =	sgt.u32 @!p1 s12, $0x7C  }
0x8e: {  	[spmem:s4] =	stream.indirect.scatter.add.f32 [tilespmem:s30], [sflag:$0x5], $0x8, s31, s28, $0xb8;
	[tilespmem:$0x1FC40] =	vst v63  }
0x8f: {  	p2 =	por p1, !p2;
	_ =	swait.ge @!p1 [sflag:s16], $0x2800  }
.Ltmp4:
0x90: {  	[sflag:s16] =	ssyncset.done @!p1 $0x0;
	(pc) =	sbr.rel @!p2 .LBB2_4-.Ltmp4, $4  }
0x91: {  	[sflag:s16] =	ssyncadd.s32 @!p1 $0xFFFFD800  }
0x92: {  	_ =	swait.ge @!p1 [sflag:s16], $0x280  }
0x93: {  	[sflag:s16] =	ssyncset.done @!p1 $0x0  }
0x94: {  	p3 =	por @!p1 $0x0, $0x0;
	[sflag:s16] =	ssyncadd.s32 @!p1 $0xFFFFFD80  }
0x95: {  	s12 =	simm.s32 @p1 $0x2  }
0x96: {  	s12 =	sadd.s32 s11, s12  }
0x97: {  	s12 =	smul.u32 $0x50, s12;
	_ =	sdelay $0x1  }
0x98: {  	s12 =	sshrl.u32 s12, $0x3  }
0x99: {  	s12 =	sadd.s32 s7, s12  }
0x9a: {  	s0 =	simm.s32 $0xB;
	s12 =	sadd.s32 $0x9C40, s12  }
0x9b: {  	[tilespmem:s15], [sflag:$0xF] =	stream.linear.gather [hbm4b:s12+s5], $0x50, $0x38;
	[tilespmem:$0x1FC40] =	vst v63  }
0x9c: {  	_ =	swait.ge [sflag:s0], $0x50  }
0x9d: {  	[sflag:s0] =	ssyncset.done $0x0  }
0x9e: {  	s26 =	simm.s32 $0xA0;
	s29 =	simm.s32 $0x5280;
	[sflag:s0] =	ssyncadd.s32 $0xFFFFFFB0  }
0x9f: {  	[tilespmem:s29], [sflag:$0x3] =	stream.indirect.gather [hbm4b:s6+s28], $0x80, s26, s28, $0xb8;
	[tilespmem:$0x1FC40] =	vst v63  }
0xa0: {  	s30 =	simm.s32 $0xA780;
	p3 =	por $0x1, $0x1  }
0xa1: {  	[tilespmem:s30], [sflag:$0x3] =	stream.indirect.gather [hbm4b:s1+s28], $0x8, s26, s28, $0xb8;
	[tilespmem:$0x1FC40] =	vst v63  }
.LBB2_4:
0xa2: {  	p2 =	sgt.u32 s8, $0x1E  }
0xa3: {  	s12 =	simm.s32 @!p2 $0x2  }
0xa4: {  	_ =	swait.ge @!p2 [sflag:s12], $0x2800  }
0xa5: {  	[sflag:s12] =	ssyncset.done @!p2 $0x0  }
0xa6: {  	p1 =	seq.s32 @!p2 s14, $0x4B0;
	[sflag:s12] =	ssyncadd.s32 @!p2 $0xFFFFD800  }
0xa7: {  	p1 =	por p1, p2;
	_ =	swait.ge @!p2 [sflag:s12], $0x280  }
0xa8: {  	s23 =	sadd.s32 @!p1 s14, s21;
	s26 =	simm.s32 @!p1 $0x0;
	[sflag:s12] =	ssyncset.done @!p2 $0x0  }
0xa9: {  	s16 =	sadd.s32 @!p1 $0x32, s23;
	[sflag:s12] =	ssyncadd.s32 @!p2 $0xFFFFFD80;
	s12 =	simm.s32 @!p1 $0x50  }
0xaa: {  	[tilespmem:s12], [sflag:$0xA] =	stream.linear.gather @!p1 [hbm4b:s16+s26], $0x50, $0x38;
	[tilespmem:$0x1FC40] =	vst v63  }
0xab: {  	s16 =	simm.s32 @!p2 $0xE  }
0xac: {  	_ =	swait.ge @!p2 [sflag:s16], $0x50  }
0xad: {  	s25 =	simm.s32 @!p2 $0x50;
	s17 =	simm.s32 @!p2 $0x2A80;
	[sflag:s16] =	ssyncset.done @!p2 $0x0  }
0xae: {  	p4 =	seq.s32 @!p2 s14, $0x0;
	[sflag:s16] =	ssyncadd.s32 @!p2 $0xFFFFFFB0;
	s16 =	simm.s32 @!p2 $0x190  }
0xaf: {  	[spmem:s3] =	stream.indirect.scatter.add.f32 @!p2 [tilespmem:s17], [sflag:$0x6], $0x80, s16, s25, $0xb8;
	[tilespmem:$0x1FC40] =	vst v63  }
0xb0: {  	p5 =	por p4, p2;
	s17 =	simm.s32 @!p2 $0xA500  }
0xb1: {  	[spmem:s4] =	stream.indirect.scatter.add.f32 @!p2 [tilespmem:s17], [sflag:$0x6], $0x8, s16, s25, $0xb8;
	[tilespmem:$0x1FC40] =	vst v63  }
0xb2: {  	p4 =	por !p4, p2;
	s16 =	simm.s32 @!p5 $0x8;
	s17 =	smov.u32 s22  }
0xb3: {  	_ =	swait.ge @!p5 [sflag:s16], $0x2800;
	s17 =	simm.s32 @!p4 $0x3  }
0xb4: {  	[sflag:s16] =	ssyncset.done @!p5 $0x0;
	s17 =	sadd.s32 @!p2 s11, s17  }
0xb5: {  	[sflag:s16] =	ssyncadd.s32 @!p5 $0xFFFFD800;
	s17 =	smul.u32 @!p2 $0x50, s17  }
0xb6: {  	_ =	swait.ge @!p5 [sflag:s16], $0x280  }
0xb7: {  	[sflag:s16] =	ssyncset.done @!p5 $0x0;
	s17 =	sshrl.u32 @!p2 s17, $0x3  }
0xb8: {  	[sflag:s16] =	ssyncadd.s32 @!p5 $0xFFFFFD80;
	s16 =	sadd.s32 @!p2 s7, s17  }
0xb9: {  	s29 =	simm.s32 @!p2 $0x230;
	s17 =	simm.s32 @!p2 $0x0;
	s16 =	sadd.s32 @!p2 $0x9C40, s16  }
0xba: {  	[tilespmem:s29], [sflag:$0x10] =	stream.linear.gather @!p2 [hbm4b:s16+s17], $0x50, $0x38;
	[tilespmem:$0x1FC40] =	vst v63  }
0xbb: {  	s16 =	simm.s32 @!p2 $0xC  }
0xbc: {  	_ =	swait.ge @!p2 [sflag:s16], $0x50  }
.Ltmp5:
0xbd: {  	[sflag:s16] =	ssyncset.done @!p2 $0x0;
	(pc) =	sbr.rel @!p3 .LBB2_7-.Ltmp5, $4  }
0xbe: {  	s30 =	simm.s32 @!p2 $0xF0;
	[sflag:s16] =	ssyncadd.s32 @!p2 $0xFFFFFFB0;
	s16 =	simm.s32 @!p2 $0x7A80  }
0xbf: {  	[tilespmem:s16], [sflag:$0x4] =	stream.indirect.gather @!p2 [hbm4b:s6+s25], $0x80, s30, s25, $0xb8;
	[tilespmem:$0x1FC40] =	vst v63  }
0xc0: {  	s17 =	simm.s32 @!p2 $0xAA00  }
0xc1: {  	[tilespmem:s17], [sflag:$0x4] =	stream.indirect.gather @!p2 [hbm4b:s1+s25], $0x8, s30, s25, $0xb8;
	[tilespmem:$0x1FC40] =	vst v63  }
0xc2: {  	_ =	swait.ge [sflag:s18], $0x2800  }
0xc3: {  	[sflag:s18] =	ssyncset.done $0x0  }
0xc4: {  	[sflag:s18] =	ssyncadd.s32 $0xFFFFD800  }
0xc5: {  	p3 =	sgt.u32 s8, $0x1D;
	_ =	swait.ge [sflag:s18], $0x280  }
0xc6: {  	s30 =	sadd.s32 @!p3 s14, s21;
	s0 =	simm.s32 @!p3 $0x0;
	[sflag:s18] =	ssyncset.done $0x0  }
0xc7: {  	s13 =	simm.s32 @!p3 $0xA0;
	s30 =	sadd.s32 @!p3 $0x3C, s30;
	[sflag:s18] =	ssyncadd.s32 $0xFFFFFD80  }
0xc8: {  	[tilespmem:s13], [sflag:$0xB] =	stream.linear.gather @!p3 [hbm4b:s30+s0], $0x50, $0x38;
	[tilespmem:$0x1FC40] =	vst v63  }
0xc9: {  	_ =	swait.ge [sflag:s19], $0x50  }
0xca: {  	[sflag:s19] =	ssyncset.done $0x0  }
0xcb: {  	s15 =	simm.s32 $0x5280;
	s0 =	simm.s32 $0x1E0;
	[sflag:s19] =	ssyncadd.s32 $0xFFFFFFB0  }
0xcc: {  	[spmem:s3] =	stream.indirect.scatter.add.f32 [tilespmem:s15], [sflag:$0x7], $0x80, s0, s28, $0xb8;
	[tilespmem:$0x1FC40] =	vst v63  }
0xcd: {  	s30 =	simm.s32 $0xA780  }
0xce: {  	[spmem:s4] =	stream.indirect.scatter.add.f32 [tilespmem:s30], [sflag:$0x7], $0x8, s0, s28, $0xb8;
	[tilespmem:$0x1FC40] =	vst v63  }
0xcf: {  	_ =	swait.ge [sflag:s20], $0x2800  }
.Ltmp6:
0xd0: {  	[sflag:s20] =	ssyncset.done $0x0;
	(pc) =	sbr.rel @p0 .LBB2_8-.Ltmp6, $4  }
0xd1: {  	[sflag:s20] =	ssyncadd.s32 $0xFFFFD800  }
0xd2: {  	_ =	swait.ge [sflag:s20], $0x280  }
0xd3: {  	[sflag:s20] =	ssyncset.done $0x0  }
0xd4: {  	s15 =	simm.s32 $0x1E0;
	[sflag:s20] =	ssyncadd.s32 $0xFFFFFD80  }
0xd5: {  	s0 =	rddreg [dreg:$0x13]  }
0xd6: {  	s0 =	sadd.s32 s14, s0  }
0xd7: {  	[tilespmem:s31], [sflag:$0xD] =	stream.linear.gather [hbm4b:s0+s5], $0x50, $0x38;
	[tilespmem:$0x1FC40] =	vst v63  }
0xd8: {  	_ =	swait.ge [sflag:s2], $0x50  }
.Ltmp7:
0xd9: {  	[sflag:s2] =	ssyncset.done $0x0;
	(pc) =	sbr.rel .LBB2_7-.Ltmp7, $4  }
0xda: {  	s13 =	simm.s32 $0x280;
	[sflag:s2] =	ssyncadd.s32 $0xFFFFFFB0  }
0xdb: {  	[tilespmem:s13], [sflag:$0x1] =	stream.indirect.gather [hbm4b:s6+s28], $0x80, s5, s28, $0xb8;
	[tilespmem:$0x1FC40] =	vst v63  }
0xdc: {  	s30 =	simm.s32 $0xA280  }
0xdd: {  	[tilespmem:s30], [sflag:$0x1] =	stream.indirect.gather [hbm4b:s1+s28], $0x8, s5, s28, $0xb8;
	[tilespmem:$0x1FC40] =	vst v63  }
.LBB2_9:
0xde: {  	_ =	sfence.sel $0x180000  }
0xdf: {  	[bflag:$0x0] =	sbarrier.arrive $0xFFFF  }
0xe0: {  	_ =	strace $0x9000004A  }
0xe1: {  	s0 =	stileid.u32;
	[bflag:$0x2] =	sbarrier.arrive $0xFFFF  }
0xe2: {  	p0 =	sne.s32 s0, $0x0;
	s0 =	rddreg [dreg:$0x4]  }
0xe3: {  	s0 =	sadd.s32 @!p0 $0x100000, s0  }
0xe4: {  	[sflag:s0] =	ssyncadd.tile.s32 @!p0 $0x1;
	_ =	shalt  }
.Lfunc_end2:
_tile_overlayer_lowered:
.L_overlay_start_2:
0xe5: {  	(tag) =	ssettag $0x2  }
0xe6: {  	s0 =	rddreg [dreg:$0x0];
	s2 =	stileid.u32  }
0xe7: {  	s1 =	rddreg [dreg:$0x1];
	p0 =	sne.s32 s2, $0x0  }
0xe8: {  	s3 =	rddreg [dreg:$0x2];
	[bflag:$0x3] =	sbarrier.arrive $0xFFFF;
	s2 =	simm.s32 @!p0 $0x1C11  }
0xe9: {  	[timem:s3], [sflag:s2] =	dma.local @!p0 [hbm:s0], s1  }
0xea: {  	s0 =	simm.s32 @!p0 $0x11  }
0xeb: {  	_ =	swait.ge @!p0 [sflag:s0], s1  }
0xec: {  	s1 =	ssub.s32 @!p0 $0x0, s1;
	[sflag:s0] =	ssyncset.done @!p0 $0x0  }
0xed: {  	[sflag:s0] =	ssyncadd.s32 @!p0 s1  }
0xee: {  	[bflag:$0x3] =	sbarrier.arrive $0xFFFF  }
0xef: {  	_ =	shalt  }

// kernel: kernel.7.cloned.1.call-start
scs
__scs_entry_jumppad:
0x0: {  	(pc) =	sbr.rel $0x88, $3  }
0x1: {  	(tag) =	ssettag $0x0;
	lr =	simm.s32 $0x1  }
0x2: {  	[smem:$0x3F97] =	sst lr;
	_ =	strace $0xD0000000  }
0x3: {  	_ = 	snop  }
0x4: {  	_ = 	snop  }
0x5: {  	_ = 	snop  }
0x6: {  	_ = 	snop  }
0x7: {  	_ = 	snop  }
__scs_overlays_trampoline_lowered:
0x8: {  	[smem:$0x3FA6] =	sst s0  }
0x9: {  	[smem:$0x3FA7] =	sst s1  }
0xa: {  	[smem:$0x3FA8] =	sst s2  }
0xb: {  	[smem:$0x3FA9] =	sst s3  }
0xc: {  	[smem:$0x3FAA] =	sst s4  }
0xd: {  	[smem:$0x3FAB] =	sst s5  }
0xe: {  	[smem:$0x3FAC] =	sst s6  }
0xf: {  	[smem:$0x3FAD] =	sst s7  }
0x10: {  	[smem:$0x3FAE] =	sst s8  }
0x11: {  	[smem:$0x3FAF] =	sst s9;
	s0 =	simm.s32 @!p0 $0x0  }
0x12: {  	s1 =	sld [smem:$0x3F95];
	s0 =	simm.s32 @p0 $0x1  }
0x13: {  	[smem:$0x3FB0] =	sst s0;
	s0 =	simm.s32 @!p1 $0x0  }
0x14: {  	s2 =	sld [smem:$0x3F94];
	s0 =	simm.s32 @p1 $0x1  }
0x15: {  	[smem:$0x3FB1] =	sst s0;
	s0 =	simm.s32 @!p2 $0x0  }
0x16: {  	s3 =	sld [smem:$0x3FDB];
	s0 =	simm.s32 @p2 $0x1  }
0x17: {  	s4 =	simm.s32 $0x1BF5;
	[smem:$0x3FB3] =	sst s0  }
0x18: {  	s0 =	sld [smem:$0x3F96];
	_ =	swait.ge [sflag:s4], $0x0  }
0x19: {  	s7 =	sld [smem:$0x3F97]  }
0x1a: {  	s8 =	sadd.s32 $0xFFFFE003, lr  }
0x1b: {  	s9 =	sadd.s32 $0xFFFFFEF7, lr;
	s5 =	simm.s32 $0xFFFFFFFF;
	p2 =	slt.u32 s8, $0xFFFFF086  }
0x1c: {  	p1 =	slt.u32 s9, $0xF7A;
	s5 =	simm.s32 @!p2 $0x0  }
0x1d: {  	s5 =	simm.s32 @p1 $0x1;
	p0 =	seq.s32 s7, s2  }
0x1e: {  	s7 =	smul.u32 @!p0 $0xF7A, s2;
	p2 =	seq.s32 @!p0 s5, $0x0  }
0x1f: {  	s9 =	smul.u32 $0xF7A, s1;
	s8 =	simm.s32 @!p0 $0x1BF5;
	p2 =	por !p2, p0  }
0x20: {  	[sflag:s8] =	ssyncset.s32 @!p0 $0xFFFFF086;
	s6 =	sadd.s32 @!p0 s3, s7;
	s7 =	simm.s32 @!p0 $0x108  }
0x21: {  	s3 =	sadd.s32 s3, s9;
	s6 =	sadd.s32 @!p0 $0x88, s6;
	s7 =	simm.s32 @p2 $0x1082  }
0x22: {  	[simem:s7], [sflag:s8] =	dma.local @!p0 [hbm:s6], $0xF7A  }
0x23: {  	s9 =	sor.u32 $0xD0000000, s2;
	s6 =	simm.s32 $0x108;
	_ =	swait.ge @!p0 [sflag:s8], $0x0  }
0x24: {  	s3 =	sadd.s32 $0x88, s3;
	s6 =	simm.s32 @!p1 $0x1082;
	[sflag:s4] =	ssyncset.s32 $0xFFFFF086  }
0x25: {  	[simem:s6], [sflag:s4] =	dma.local [hbm:s3], $0xF7A  }
0x26: {  	[smem:$0x3F97] =	sst s1;
	(tag) =	ssettag s2;
	_ =	strace s9  }
0x27: {  	s1 =	sld [smem:$0x3FA7]  }
0x28: {  	s2 =	sld [smem:$0x3FA8]  }
0x29: {  	s4 =	sld [smem:$0x3FAA]  }
0x2a: {  	p0 =	seq.s32 s5, $0x0;
	s5 =	sld [smem:$0x3FAB]  }
0x2b: {  	s6 =	sld [smem:$0x3FAC]  }
0x2c: {  	s7 =	sld [smem:$0x3FAD]  }
0x2d: {  	s3 =	simm.s32 $0x108;
	s8 =	sld [smem:$0x3FAE]  }
0x2e: {  	s3 =	simm.s32 @!p0 $0x1082;
	s9 =	sld [smem:$0x3FAF]  }
0x2f: {  	lr =	sadd.s32 s0, s3;
	s0 =	sld [smem:$0x3FA6]  }
0x30: {  	s3 =	sld [smem:$0x3FA9]  }
0x31: {  	[smem:$0x3FB2] =	sst s10  }
0x32: {  	s10 =	sld [smem:$0x3FB0];
	_ =	sdelay $0x3  }
0x33: {  	p0 =	seq.s32 s10, $0x1;
	s10 =	sld [smem:$0x3FB2];
	_ =	sdelay $0x3  }
0x34: {  	[smem:$0x3FB2] =	sst s10  }
0x35: {  	s10 =	sld [smem:$0x3FB1];
	_ =	sdelay $0x3  }
0x36: {  	p1 =	seq.s32 s10, $0x1;
	s10 =	sld [smem:$0x3FB2];
	_ =	sdelay $0x3  }
0x37: {  	[smem:$0x3FB2] =	sst s10  }
0x38: {  	s10 =	sld [smem:$0x3FB3]  }
0x39: {  	_ = 	snop;
	(pc) =	sbr.ind lr, $3  }
0x3a: {  	_ = 	snop  }
0x3b: {  	_ = 	snop  }
0x3c: {  	p2 =	seq.s32 s10, $0x1;
	s10 =	sld [smem:$0x3FB2]  }
0x3d: {  	_ =	shalt  }
0x3e: {  	_ =	shalt  }
0x3f: {  	_ =	shalt  }
0x40: {  	_ =	shalt  }
0x41: {  	_ =	shalt  }
0x42: {  	_ =	shalt  }
0x43: {  	_ =	shalt  }
0x44: {  	_ =	shalt  }
0x45: {  	_ =	shalt  }
0x46: {  	_ =	shalt  }
0x47: {  	_ =	shalt  }
0x48: {  	_ =	shalt  }
0x49: {  	_ =	shalt  }
0x4a: {  	_ =	shalt  }
0x4b: {  	_ =	shalt  }
0x4c: {  	_ =	shalt  }
0x4d: {  	_ =	shalt  }
0x4e: {  	_ =	shalt  }
0x4f: {  	_ =	shalt  }
0x50: {  	_ =	shalt  }
0x51: {  	_ =	shalt  }
0x52: {  	_ =	shalt  }
0x53: {  	_ =	shalt  }
0x54: {  	_ =	shalt  }
0x55: {  	_ =	shalt  }
0x56: {  	_ =	shalt  }
0x57: {  	_ =	shalt  }
0x58: {  	_ =	shalt  }
0x59: {  	_ =	shalt  }
0x5a: {  	_ =	shalt  }
0x5b: {  	_ =	shalt  }
0x5c: {  	_ =	shalt  }
0x5d: {  	_ =	shalt  }
0x5e: {  	_ =	shalt  }
0x5f: {  	_ =	shalt  }
0x60: {  	_ =	shalt  }
0x61: {  	_ =	shalt  }
0x62: {  	_ =	shalt  }
0x63: {  	_ =	shalt  }
0x64: {  	_ =	shalt  }
0x65: {  	_ =	shalt  }
0x66: {  	_ =	shalt  }
0x67: {  	_ =	shalt  }
0x68: {  	_ =	shalt  }
0x69: {  	_ =	shalt  }
0x6a: {  	_ =	shalt  }
0x6b: {  	_ =	shalt  }
0x6c: {  	_ =	shalt  }
0x6d: {  	_ =	shalt  }
0x6e: {  	_ =	shalt  }
0x6f: {  	_ =	shalt  }
0x70: {  	_ =	shalt  }
0x71: {  	_ =	shalt  }
0x72: {  	_ =	shalt  }
0x73: {  	_ =	shalt  }
0x74: {  	_ =	shalt  }
0x75: {  	_ =	shalt  }
0x76: {  	_ =	shalt  }
0x77: {  	_ =	shalt  }
0x78: {  	_ =	shalt  }
0x79: {  	_ =	shalt  }
0x7a: {  	_ =	shalt  }
0x7b: {  	_ =	shalt  }
0x7c: {  	_ =	shalt  }
0x7d: {  	_ =	shalt  }
0x7e: {  	_ =	shalt  }
0x7f: {  	_ =	shalt  }
0x80: {  	_ =	shalt  }
0x81: {  	_ =	shalt  }
0x82: {  	_ =	shalt  }
0x83: {  	_ =	shalt  }
0x84: {  	_ =	shalt  }
0x85: {  	_ =	shalt  }
0x86: {  	_ =	shalt  }
0x87: {  	_ =	shalt  }
.Lfunc_end0:
.L_simem_size_0:
called_computation_lowered:
.L_overlay_start_0:
0x88: {  	s2 =	sld [smem:$0x3FD9]  }
0x89: {  	s3 =	sld [smem:$0x3FFE];
	_ =	sdelay $0x1  }
0x8a: {  	s1 =	srdreg.scid  }
0x8b: {  	s0 =	sand.u32 $0x1, s1  }
0x8c: {  	s17 =	sshll.u32 s0, $0xA;
	s2 =	sadd.s32 s3, s2  }
0x8d: {  	s2 =	sadd.s32 s2, s17  }
0x8e: {  	[smem:$0x3FBE] =	sst s2  }
0x8f: {  	_ = 	snop  }
0x90: {  	s2 =	sld [smem:$0x3FD0];
	(tm) =	ssettm $0x1  }
0x91: {  	s18 =	sld [smem:$0x3FFB];
	_ =	sdelay $0x3  }
0x92: {  	_ =	strace s18  }
0x93: {  	s3 =	sld [smem:$0x3FFC];
	_ =	sdelay $0x3  }
0x94: {  	_ =	strace s3  }
0x95: {  	s3 =	sld [smem:$0x3FFD];
	_ =	sdelay $0x3  }
0x96: {  	_ =	strace s3  }
0x97: {  	_ =	strace $0x8FFFFFFF  }
0x98: {  	s19 =	sld [smem:$0x3FDB];
	_ =	sdelay $0x1  }
0x99: {  	s4 =	simm.s32 $_scs_section_size  }
0x9a: {  	s5 =	simm.s32 $_size__tile_overlayer_lowered;
	s6 =	simm.s32 $_tile_overlayer_lowered  }
0x9b: {  	s22 =	simm.s32 $0x1BFF;
	s21 =	sshll.u32 s6, $0x1;
	s3 =	sadd.s32 s4, s19  }
0x9c: {  	s7 =	simm.s32 $0x0;
	s20 =	sshll.u32 s5, $0x1;
	s5 =	sadd.s32 s21, s3  }
0x9d: {  	[timem:s7], [sflag:s22] =	dma.local [hbm:s5], s20  }
0x9e: {  	_ =	swait.ge [sflag:s22], s20  }
0x9f: {  	s4 =	ssub.s32 $0x0, s20;
	[sflag:s22] =	ssyncset.done $0x0  }
0xa0: {  	[sflag:s22] =	ssyncadd.s32 s4;
	_ =	sdelay $0x1  }
0xa1: {  	s23 =	simm.s32 $0x1B8B  }
0xa2: {  	_ =	swait.ge [sflag:s23], $0x1  }
0xa3: {  	[sflag:s23] =	ssyncset.done $0x0  }
0xa4: {  	s25 =	simm.s32 $0x1B8E;
	s24 =	sld [smem:$0x3FFE];
	[sflag:s23] =	ssyncadd.s32 $0xFFFFFFFF  }
0xa5: {  	s26 =	simm.s32 $execute0_lowered;
	[smem:$0x3FD2] =	sst s25  }
0xa6: {  	s5 =	sshll.u32 s26, $0x1;
	_ =	strace $0x80000046;
	[dreg:$0x1] =	wrdreg $0xFFFFFFFF  }
0xa7: {  	s28 =	simm.s32 $_size_execute0_lowered;
	s3 =	sadd.s32 s3, s5;
	[dreg:$0x0] =	wrdreg $0x0  }
0xa8: {  	s5 =	sshll.u32 s28, $0x1;
	[dreg:$0x2] =	wrdreg s3  }
0xa9: {  	[dreg:$0x3] =	wrdreg s5  }
0xaa: {  	[dreg:$0x4] =	wrdreg $0xC0  }
0xab: {  	_ =	task [dreg:s7], $0x5FFFF  }
0xac: {  	[dreg:$0x1] =	wrdreg $0xFFFFFFFF  }
0xad: {  	[dreg:$0x0] =	wrdreg $0x60  }
0xae: {  	[dreg:$0x2] =	wrdreg s24  }
0xaf: {  	[dreg:$0x3] =	wrdreg s2  }
0xb0: {  	[dreg:$0x4] =	wrdreg $0xAC800  }
0xb1: {  	[dreg:$0x5] =	wrdreg $0x1E8800  }
0xb2: {  	[dreg:$0x6] =	wrdreg $0x9  }
0xb3: {  	_ =	task.clear_ibuf [dreg:s7], $0x7FFFF;
	_ =	strace $0x90000046  }
0xb4: {  	s29 =	simm.s32 $0x9;
	_ =	strace $0x80000048  }
0xb5: {  	_ =	swait.ge [sflag:s29], $0x1  }
0xb6: {  	[sflag:s29] =	ssyncadd.s32 $0xFFFFFFFF  }
0xb7: {  	_ =	strace $0x90000048  }
0xb8: {  	_ =	sfence  }
0xb9: {  	s30 =	sld [smem:$0x0];
	_ =	sdelay $0x2  }
0xba: {  	s31 =	sshll.u32 s1, $0xD;
	s1 =	sshrl.u32 s1, $0x2  }
0xbb: {  	s3 =	sand.u32 $0x4000, s31;
	s1 =	sadd.s32 s1, s30  }
0xbc: {  	s0 =	sor.u32 s3, s0;
	s1 =	sshll.u32 s1, $0x11  }
0xbd: {  	s0 =	sor.u32 s1, s0  }
0xbe: {  	s0 =	sadd.s32 $0x8F2B, s0  }
0xbf: {  	[sflag:s0] =	ssyncadd.remote.s32 $0x1  }
0xc0: {  	_ =	sfence.sel $0xFFFF  }
0xc1: {  	[dreg:$0x0] =	wrdreg $0xFFFFFFFF;
	(pc) =	sbr.abs _section_cstart, $3  }
0xc2: {  	[dreg:$0x1] =	wrdreg $0xFFFFFFFF  }
0xc3: {  	_ =	task.clear_ibuf [dreg:s7], $0x2FFFF;
	_ =	strace $0x9FFFFFFF  }
0xc4: {  	(tm) =	ssettm $0x7FFFFFFF  }
0xc5: {  	_ =	shalt  }
tec
execute0_lowered:
.L_overlay_start_1:
0x0: {  	(tag) =	ssettag $0x1  }
0x1: {  	s0 =	rddreg [dreg:$0x0]  }
0x2: {  	s1 =	rddreg [dreg:$0x1]  }
0x3: {  	s3 =	rddreg [dreg:$0x2]  }
0x4: {  	s4 =	rddreg [dreg:$0x3]  }
0x5: {  	s2 =	srdreg.scid;
	s15 =	stileid.u32;
	s5 =	simm.s32 $0x0  }
0x6: {  	s28 =	simm.s32 $0x50;
	s31 =	simm.s32 $0x140;
	s8 =	smul.u32 $0x13C00, s15  }
0x7: {  	s2 =	sand.u32 $0x1, s2;
	[smem:$0x7FF] =	sst s5;
	s10 =	smul.u32 $0x13C0, s15  }
0x8: {  	s6 =	sadd.s32 $0x16400, s0;
	s12 =	sadd.s32 $0x3DA00, s0;
	s30 =	smul.u32 $0x4E20, s15  }
0x9: {  	s23 =	sadd.s32 $0x3D600, s0;
	s13 =	sshll.u32 s15, $0x1;
	s20 =	smul.u32 $0x9C4, s15  }
0xa: {  	s26 =	sshll.u32 s15, $0x6;
	s15 =	simm.s32 $0x1E0;
	s7 =	smul.u32 $0x13C000, s2  }
0xb: {  	_ =	strace $0x80000047;
	s11 =	smul.u32 $0x13C00, s2;
	[dreg:$0x5] =	wrdreg s12  }
0xc: {  	[dreg:$0x6] =	wrdreg s23;
	s24 =	ssub.s32 $0x2, s2;
	s17 =	smul.u32 $0x2710, s2  }
0xd: {  	s13 =	sor.u32 s2, s13;
	s16 =	sor.u32 $0x1C11, s26;
	s2 =	smul.u32 $0x4E2, s2  }
0xe: {  	s14 =	sshrl.u32 s24, $0x1;
	s25 =	smul.u32 $0x2710, s13;
	[dreg:$0x8] =	wrdreg s16  }
0xf: {  	s9 =	sadd.s32 s8, s7;
	s7 =	sadd.s32 $0x2A00, s0;
	s11 =	sadd.s32 s10, s11  }
0x10: {  	s12 =	ssub.s32 s24, s14;
	s8 =	sadd.s32 s8, s3;
	s10 =	sadd.s32 s10, s4  }
0x11: {  	s9 =	sshrl.u32 s9, $0x3;
	s11 =	sshrl.u32 s11, $0x3;
	[dreg:$0x7] =	wrdreg s8  }
0x12: {  	s29 =	sshrl.u32 s25, $0x3;
	[dreg:$0x9] =	wrdreg s10;
	s8 =	sadd.s32 s17, s30  }
0x13: {  	s10 =	sadd.s32 s20, s7;
	s20 =	simm.s32 $0x5;
	s9 =	sadd.s32 s9, s0  }
0x14: {  	s0 =	sadd.s32 s11, s0;
	s11 =	smul.u32 $0x7D, s13;
	s14 =	sadd.s32 s7, s29  }
0x15: {  	s24 =	sadd.s32 $0x4E390, s8;
	s29 =	smax.u32 s12, $0x1;
	[dreg:$0xa] =	wrdreg s14  }
0x16: {  	s26 =	sadd.s32 $0x4E340, s8;
	s18 =	sadd.s32 $0xA, s14;
	[dreg:$0x12] =	wrdreg s29  }
0x17: {  	s8 =	simm.s32 $0x11;
	s19 =	sadd.s32 $0x14, s14;
	[dreg:$0xb] =	wrdreg s18  }
0x18: {  	s12 =	simm.s32 $0x0;
	s21 =	sadd.s32 $0x1E, s14;
	[dreg:$0xc] =	wrdreg s19  }
0x19: {  	s22 =	sadd.s32 $0x9C40, s14;
	s23 =	sadd.s32 $0x9C4A, s14;
	[dreg:$0xd] =	wrdreg s21  }
0x1a: {  	s9 =	sadd.s32 $0x45200, s9;
	s0 =	sadd.s32 $0x40200, s0;
	[dreg:$0xe] =	wrdreg s22  }
.Ltmp0:
0x1b: {  	s25 =	sshrl.u32 s24, $0x3;
	[dreg:$0xf] =	wrdreg s23;
	(pc) =	sbr.rel .LBB2_1-.Ltmp0, $4  }
0x1c: {  	s30 =	sshrl.u32 s26, $0x3;
	[dreg:$0x10] =	wrdreg s9;
	s21 =	sadd.s32 s2, s10  }
0x1d: {  	[dreg:$0x11] =	wrdreg s0;
	s24 =	sadd.s32 s25, s7;
	s0 =	sadd.s32 s30, s7  }
0x1e: {  	s2 =	simm.s32 $0x9;
	s9 =	simm.s32 $0x1;
	s10 =	simm.s32 $0xD  }
0x1f: {  	s18 =	simm.s32 $0x3;
	s19 =	simm.s32 $0xF;
	[dreg:$0x13] =	wrdreg s0  }
.LBB2_8:
0x20: {  	s0 =	simm.s32 $0x8  }
0x21: {  	_ =	swait.ge [sflag:s0], $0x2800  }
0x22: {  	[sflag:s0] =	ssyncset.done $0x0  }
0x23: {  	[sflag:s0] =	ssyncadd.s32 $0xFFFFD800  }
0x24: {  	_ =	swait.ge [sflag:s0], $0x280  }
0x25: {  	[sflag:s0] =	ssyncset.done $0x0  }
0x26: {  	[sflag:s0] =	ssyncadd.s32 $0xFFFFFD80  }
0x27: {  	_ =	swait.ge [sflag:s20], $0x2800  }
0x28: {  	[sflag:s20] =	ssyncset.done $0x0  }
0x29: {  	[sflag:s20] =	ssyncadd.s32 $0xFFFFD800  }
0x2a: {  	_ =	swait.ge [sflag:s20], $0x280  }
0x2b: {  	[sflag:s20] =	ssyncset.done $0x0  }
0x2c: {  	[sflag:s20] =	ssyncadd.s32 $0xFFFFFD80  }
0x2d: {  	[bflag:$0x0] =	sbarrier.arrive $0xFFFF  }
0x2e: {  	s16 =	rddreg [dreg:$0x8]  }
0x2f: {  	s25 =	rddreg [dreg:$0x10]  }
0x30: {  	s8 =	rddreg [dreg:$0x15]  }
0x31: {  	[hbm:s25], [sflag:s16] =	dma.local [spmem:s8], $0x2780  }
0x32: {  	s8 =	simm.s32 $0x11  }
0x33: {  	_ =	swait.ge [sflag:s8], $0x2780  }
0x34: {  	[sflag:s8] =	ssyncset.done $0x0;
	s26 =	rddreg [dreg:$0x11]  }
0x35: {  	s12 =	rddreg [dreg:$0x16];
	[sflag:s8] =	ssyncadd.s32 $0xFFFFD880  }
0x36: {  	[hbm:s26], [sflag:s16] =	dma.local [spmem:s12], $0x278  }
0x37: {  	_ =	swait.ge [sflag:s8], $0x278  }
0x38: {  	s29 =	rddreg [dreg:$0x14]  }
0x39: {  	s30 =	rddreg [dreg:$0x12];
	s12 =	sadd.s32 $0x1, s29  }
0x3a: {  	p0 =	sne.s32 s12, s30  }
.Ltmp1:
0x3b: {  	_ = 	snop;
	(pc) =	sbr.rel @!p0 .LBB2_9-.Ltmp1, $3  }
0x3c: {  	_ =	sdelay $0x1  }
0x3d: {  	[sflag:s8] =	ssyncset.done $0x0  }
0x3e: {  	[sflag:s8] =	ssyncadd.s32 $0xFFFFFD88  }
.LBB2_1:
0x3f: {  	[dreg:$0x14] =	wrdreg s12  }
0x40: {  	s0 =	rddreg [dreg:$0x7]  }
0x41: {  	s22 =	rddreg [dreg:$0x5];
	s17 =	sshrl.u32 s0, $0x3  }
0x42: {  	[dreg:$0x15] =	wrdreg s17  }
0x43: {  	[spmem:s17], [sflag:s16] =	dma.local [hbm:s22], $0x2780  }
0x44: {  	_ =	swait.ge [sflag:s8], $0x2780  }
0x45: {  	s23 =	rddreg [dreg:$0x9]  }
0x46: {  	[sflag:s8] =	ssyncset.done $0x0;
	s26 =	rddreg [dreg:$0x6];
	s25 =	sshrl.u32 s23, $0x3  }
0x47: {  	[sflag:s8] =	ssyncadd.s32 $0xFFFFD880;
	[dreg:$0x16] =	wrdreg s25  }
0x48: {  	[spmem:s25], [sflag:s16] =	dma.local [hbm:s26], $0x278  }
0x49: {  	_ =	swait.ge [sflag:s8], $0x278  }
0x4a: {  	[sflag:s8] =	ssyncset.done $0x0  }
0x4b: {  	[sflag:s8] =	ssyncadd.s32 $0xFFFFFD88  }
0x4c: {  	[bflag:$0x0] =	sbarrier.arrive $0xFFFF  }
0x4d: {  	s29 =	rddreg [dreg:$0xa]  }
0x4e: {  	[tilespmem:s5], [sflag:$0x9] =	stream.linear.gather [hbm4b:s29+s5], $0x50, $0x38;
	[tilespmem:$0x1FC40] =	vst v63  }
0x4f: {  	s30 =	rddreg [dreg:$0xb]  }
0x50: {  	[tilespmem:s28], [sflag:$0xA] =	stream.linear.gather [hbm4b:s30+s5], $0x50, $0x38;
	[tilespmem:$0x1FC40] =	vst v63  }
0x51: {  	s12 =	simm.s32 $0xA0;
	s8 =	rddreg [dreg:$0xc]  }
0x52: {  	[tilespmem:s12], [sflag:$0xB] =	stream.linear.gather [hbm4b:s8+s5], $0x50, $0x38;
	[tilespmem:$0x1FC40] =	vst v63  }
0x53: {  	s14 =	simm.s32 $0xF0;
	s13 =	rddreg [dreg:$0xd]  }
0x54: {  	[tilespmem:s14], [sflag:$0xC] =	stream.linear.gather [hbm4b:s13+s5], $0x50, $0x38;
	[tilespmem:$0x1FC40] =	vst v63  }
0x55: {  	s16 =	rddreg [dreg:$0xe]  }
0x56: {  	[tilespmem:s31], [sflag:$0xD] =	stream.linear.gather [hbm4b:s16+s5], $0x50, $0x38;
	[tilespmem:$0x1FC40] =	vst v63  }
0x57: {  	s22 =	simm.s32 $0x190;
	s17 =	rddreg [dreg:$0xf]  }
0x58: {  	[tilespmem:s22], [sflag:$0xE] =	stream.linear.gather [hbm4b:s17+s5], $0x50, $0x38;
	[tilespmem:$0x1FC40] =	vst v63  }
0x59: {  	_ =	swait.ge [sflag:s2], $0x50  }
0x5a: {  	[sflag:s2] =	ssyncset.done $0x0  }
0x5b: {  	s23 =	simm.s32 $0x280;
	[sflag:s2] =	ssyncadd.s32 $0xFFFFFFB0  }
0x5c: {  	[tilespmem:s23], [sflag:$0x1] =	stream.indirect.gather [hbm4b:s6+s28], $0x80, s5, s28, $0xb8;
	[tilespmem:$0x1FC40] =	vst v63  }
0x5d: {  	s25 =	simm.s32 $0xA280;
	s26 =	simm.s32 $0xA  }
0x5e: {  	[tilespmem:s25], [sflag:$0x1] =	stream.indirect.gather [hbm4b:s1+s28], $0x8, s5, s28, $0xb8;
	[tilespmem:$0x1FC40] =	vst v63  }
0x5f: {  	_ =	swait.ge [sflag:s26], $0x50  }
.Ltmp2:
0x60: {  	[sflag:s26] =	ssyncset.done $0x0;
	(pc) =	sbr.rel .LBB2_2-.Ltmp2, $4  }
0x61: {  	s29 =	simm.s32 $0x2A80;
	s30 =	simm.s32 $0xA500;
	[sflag:s26] =	ssyncadd.s32 $0xFFFFFFB0  }
0x62: {  	[tilespmem:s29], [sflag:$0x2] =	stream.indirect.gather [hbm4b:s6+s28], $0x80, s28, s28, $0xb8;
	[tilespmem:$0x1FC40] =	vst v63  }
0x63: {  	s8 =	simm.s32 $0x0;
	s14 =	simm.s32 $0x0;
	s22 =	simm.s32 $0x3  }
0x64: {  	[tilespmem:s30], [sflag:$0x2] =	stream.indirect.gather [hbm4b:s1+s28], $0x8, s28, s28, $0xb8;
	[tilespmem:$0x1FC40] =	vst v63  }
.LBB2_7:
0x65: {  	s0 =	simm.s32 @!p2 $0x4  }
0x66: {  	_ =	swait.ge @!p2 [sflag:s0], $0x2800  }
0x67: {  	[sflag:s0] =	ssyncset.done @!p2 $0x0  }
0x68: {  	[sflag:s0] =	ssyncadd.s32 @!p2 $0xFFFFD800  }
0x69: {  	_ =	swait.ge @!p2 [sflag:s0], $0x280  }
0x6a: {  	[sflag:s0] =	ssyncset.done @!p2 $0x0  }
0x6b: {  	s13 =	simm.s32 @!p1 $0xF0;
	[sflag:s0] =	ssyncadd.s32 @!p2 $0xFFFFFD80;
	s0 =	sadd.s32 @!p1 $0x46, s23  }
0x6c: {  	[tilespmem:s13], [sflag:$0xC] =	stream.linear.gather @!p1 [hbm4b:s0+s26], $0x50, $0x38;
	[tilespmem:$0x1FC40] =	vst v63  }
0x6d: {  	s0 =	simm.s32 @!p2 $0x10  }
0x6e: {  	_ =	swait.ge @!p2 [sflag:s0], $0x50  }
0x6f: {  	[sflag:s0] =	ssyncset.done @!p2 $0x0  }
0x70: {  	[sflag:s0] =	ssyncadd.s32 @!p2 $0xFFFFFFB0  }
0x71: {  	[spmem:s3] =	stream.indirect.scatter.add.f32 @!p2 [tilespmem:s16], [sflag:$0x8], $0x80, s29, s25, $0xb8;
	[tilespmem:$0x1FC40] =	vst v63  }
0x72: {  	s0 =	simm.s32 @!p2 $0x6  }
0x73: {  	[spmem:s4] =	stream.indirect.scatter.add.f32 @!p2 [tilespmem:s17], [sflag:$0x8], $0x8, s29, s25, $0xb8;
	[tilespmem:$0x1FC40] =	vst v63  }
0x74: {  	_ =	swait.ge @!p2 [sflag:s0], $0x2800  }
0x75: {  	[sflag:s0] =	ssyncset.done @!p2 $0x0  }
0x76: {  	[sflag:s0] =	ssyncadd.s32 @!p2 $0xFFFFD800  }
0x77: {  	_ =	swait.ge @!p2 [sflag:s0], $0x280  }
0x78: {  	[sflag:s0] =	ssyncset.done @!p2 $0x0  }
0x79: {  	s13 =	simm.s32 @!p1 $0x190;
	[sflag:s0] =	ssyncadd.s32 @!p2 $0xFFFFFD80;
	s0 =	sadd.s32 @!p1 s14, s24  }
0x7a: {  	[tilespmem:s13], [sflag:$0xE] =	stream.linear.gather @!p1 [hbm4b:s0+s26], $0x50, $0x38;
	[tilespmem:$0x1FC40] =	vst v63  }
0x7b: {  	s14 =	sadd.s32 $0x28, s14;
	s0 =	simm.s32 @!p1 $0xA  }
0x7c: {  	p0 =	sne.s32 s14, $0x500;
	_ =	swait.ge @!p1 [sflag:s0], $0x50  }
.Ltmp3:
0x7d: {  	[sflag:s0] =	ssyncset.done @!p1 $0x0;
	(pc) =	sbr.rel @!p0 .LBB2_8-.Ltmp3, $4  }
0x7e: {  	[sflag:s0] =	ssyncadd.s32 @!p1 $0xFFFFFFB0;
	s0 =	simm.s32 @!p1 $0x2A80  }
0x7f: {  	[tilespmem:s0], [sflag:$0x2] =	stream.indirect.gather @!p1 [hbm4b:s6+s12], $0x80, s12, s12, $0xb8;
	[tilespmem:$0x1FC40] =	vst v63  }
0x80: {  	s8 =	sadd.s32 $0x1, s8;
	s22 =	sadd.s32 $0x4, s22;
	s0 =	simm.s32 @!p1 $0xA500  }
0x81: {  	[tilespmem:s0], [sflag:$0x2] =	stream.indirect.gather @!p1 [hbm4b:s1+s12], $0x8, s12, s12, $0xb8;
	[tilespmem:$0x1FC40] =	vst v63  }
.LBB2_2:
0x82: {  	_ =	swait.ge [sflag:s9], $0x2800  }
0x83: {  	[sflag:s9] =	ssyncset.done $0x0  }
0x84: {  	[sflag:s9] =	ssyncadd.s32 $0xFFFFD800  }
0x85: {  	p0 =	seq.s32 s14, $0x4D8;
	_ =	swait.ge [sflag:s9], $0x280  }
0x86: {  	s12 =	sadd.s32 @!p0 s14, s21;
	[sflag:s9] =	ssyncset.done $0x0  }
0x87: {  	s16 =	simm.s32 @!p0 $0x0;
	s12 =	sadd.s32 @!p0 $0x28, s12;
	[sflag:s9] =	ssyncadd.s32 $0xFFFFFD80  }
0x88: {  	[tilespmem:s16], [sflag:$0x9] =	stream.linear.gather @!p0 [hbm4b:s12+s16], $0x50, $0x38;
	[tilespmem:$0x1FC40] =	vst v63  }
0x89: {  	_ =	swait.ge [sflag:s10], $0x50  }
0x8a: {  	p1 =	seq.s32 s14, $0x0;
	[sflag:s10] =	ssyncset.done $0x0  }
0x8b: {  	s0 =	simm.s32 $0x280;
	s12 =	sadd.s32 @!p1 $0xFFFFFFFF, s22;
	[sflag:s10] =	ssyncadd.s32 $0xFFFFFFB0  }
0x8c: {  	[spmem:s3] =	stream.indirect.scatter.add.f32 [tilespmem:s0], [sflag:$0x5], $0x80, s31, s28, $0xb8;
	[tilespmem:$0x1FC40] =	vst v63  }
0x8d: {  	s30 =	simm.s32 $0xA280;
	s16 =	simm.s32 @!p1 $0x7;
	p2 =	sgt.u32 @!p1 s12, $0x7C  }
0x8e: {  	[spmem:s4] =	stream.indirect.scatter.add.f32 [tilespmem:s30], [sflag:$0x5], $0x8, s31, s28, $0xb8;
	[tilespmem:$0x1FC40] =	vst v63  }
0x8f: {  	p2 =	por p1, !p2;
	_ =	swait.ge @!p1 [sflag:s16], $0x2800  }
.Ltmp4:
0x90: {  	[sflag:s16] =	ssyncset.done @!p1 $0x0;
	(pc) =	sbr.rel @!p2 .LBB2_4-.Ltmp4, $4  }
0x91: {  	[sflag:s16] =	ssyncadd.s32 @!p1 $0xFFFFD800  }
0x92: {  	_ =	swait.ge @!p1 [sflag:s16], $0x280  }
0x93: {  	[sflag:s16] =	ssyncset.done @!p1 $0x0  }
0x94: {  	p3 =	por @!p1 $0x0, $0x0;
	[sflag:s16] =	ssyncadd.s32 @!p1 $0xFFFFFD80  }
0x95: {  	s12 =	simm.s32 @p1 $0x2  }
0x96: {  	s12 =	sadd.s32 s11, s12  }
0x97: {  	s12 =	smul.u32 $0x50, s12;
	_ =	sdelay $0x1  }
0x98: {  	s12 =	sshrl.u32 s12, $0x3  }
0x99: {  	s12 =	sadd.s32 s7, s12  }
0x9a: {  	s0 =	simm.s32 $0xB;
	s12 =	sadd.s32 $0x9C40, s12  }
0x9b: {  	[tilespmem:s15], [sflag:$0xF] =	stream.linear.gather [hbm4b:s12+s5], $0x50, $0x38;
	[tilespmem:$0x1FC40] =	vst v63  }
0x9c: {  	_ =	swait.ge [sflag:s0], $0x50  }
0x9d: {  	[sflag:s0] =	ssyncset.done $0x0  }
0x9e: {  	s26 =	simm.s32 $0xA0;
	s29 =	simm.s32 $0x5280;
	[sflag:s0] =	ssyncadd.s32 $0xFFFFFFB0  }
0x9f: {  	[tilespmem:s29], [sflag:$0x3] =	stream.indirect.gather [hbm4b:s6+s28], $0x80, s26, s28, $0xb8;
	[tilespmem:$0x1FC40] =	vst v63  }
0xa0: {  	s30 =	simm.s32 $0xA780;
	p3 =	por $0x1, $0x1  }
0xa1: {  	[tilespmem:s30], [sflag:$0x3] =	stream.indirect.gather [hbm4b:s1+s28], $0x8, s26, s28, $0xb8;
	[tilespmem:$0x1FC40] =	vst v63  }
.LBB2_4:
0xa2: {  	p2 =	sgt.u32 s8, $0x1E  }
0xa3: {  	s12 =	simm.s32 @!p2 $0x2  }
0xa4: {  	_ =	swait.ge @!p2 [sflag:s12], $0x2800  }
0xa5: {  	[sflag:s12] =	ssyncset.done @!p2 $0x0  }
0xa6: {  	p1 =	seq.s32 @!p2 s14, $0x4B0;
	[sflag:s12] =	ssyncadd.s32 @!p2 $0xFFFFD800  }
0xa7: {  	p1 =	por p1, p2;
	_ =	swait.ge @!p2 [sflag:s12], $0x280  }
0xa8: {  	s23 =	sadd.s32 @!p1 s14, s21;
	s26 =	simm.s32 @!p1 $0x0;
	[sflag:s12] =	ssyncset.done @!p2 $0x0  }
0xa9: {  	s16 =	sadd.s32 @!p1 $0x32, s23;
	[sflag:s12] =	ssyncadd.s32 @!p2 $0xFFFFFD80;
	s12 =	simm.s32 @!p1 $0x50  }
0xaa: {  	[tilespmem:s12], [sflag:$0xA] =	stream.linear.gather @!p1 [hbm4b:s16+s26], $0x50, $0x38;
	[tilespmem:$0x1FC40] =	vst v63  }
0xab: {  	s16 =	simm.s32 @!p2 $0xE  }
0xac: {  	_ =	swait.ge @!p2 [sflag:s16], $0x50  }
0xad: {  	s25 =	simm.s32 @!p2 $0x50;
	s17 =	simm.s32 @!p2 $0x2A80;
	[sflag:s16] =	ssyncset.done @!p2 $0x0  }
0xae: {  	p4 =	seq.s32 @!p2 s14, $0x0;
	[sflag:s16] =	ssyncadd.s32 @!p2 $0xFFFFFFB0;
	s16 =	simm.s32 @!p2 $0x190  }
0xaf: {  	[spmem:s3] =	stream.indirect.scatter.add.f32 @!p2 [tilespmem:s17], [sflag:$0x6], $0x80, s16, s25, $0xb8;
	[tilespmem:$0x1FC40] =	vst v63  }
0xb0: {  	p5 =	por p4, p2;
	s17 =	simm.s32 @!p2 $0xA500  }
0xb1: {  	[spmem:s4] =	stream.indirect.scatter.add.f32 @!p2 [tilespmem:s17], [sflag:$0x6], $0x8, s16, s25, $0xb8;
	[tilespmem:$0x1FC40] =	vst v63  }
0xb2: {  	p4 =	por !p4, p2;
	s16 =	simm.s32 @!p5 $0x8;
	s17 =	smov.u32 s22  }
0xb3: {  	_ =	swait.ge @!p5 [sflag:s16], $0x2800;
	s17 =	simm.s32 @!p4 $0x3  }
0xb4: {  	[sflag:s16] =	ssyncset.done @!p5 $0x0;
	s17 =	sadd.s32 @!p2 s11, s17  }
0xb5: {  	[sflag:s16] =	ssyncadd.s32 @!p5 $0xFFFFD800;
	s17 =	smul.u32 @!p2 $0x50, s17  }
0xb6: {  	_ =	swait.ge @!p5 [sflag:s16], $0x280  }
0xb7: {  	[sflag:s16] =	ssyncset.done @!p5 $0x0;
	s17 =	sshrl.u32 @!p2 s17, $0x3  }
0xb8: {  	[sflag:s16] =	ssyncadd.s32 @!p5 $0xFFFFFD80;
	s16 =	sadd.s32 @!p2 s7, s17  }
0xb9: {  	s29 =	simm.s32 @!p2 $0x230;
	s17 =	simm.s32 @!p2 $0x0;
	s16 =	sadd.s32 @!p2 $0x9C40, s16  }
0xba: {  	[tilespmem:s29], [sflag:$0x10] =	stream.linear.gather @!p2 [hbm4b:s16+s17], $0x50, $0x38;
	[tilespmem:$0x1FC40] =	vst v63  }
0xbb: {  	s16 =	simm.s32 @!p2 $0xC  }
0xbc: {  	_ =	swait.ge @!p2 [sflag:s16], $0x50  }
.Ltmp5:
0xbd: {  	[sflag:s16] =	ssyncset.done @!p2 $0x0;
	(pc) =	sbr.rel @!p3 .LBB2_7-.Ltmp5, $4  }
0xbe: {  	s30 =	simm.s32 @!p2 $0xF0;
	[sflag:s16] =	ssyncadd.s32 @!p2 $0xFFFFFFB0;
	s16 =	simm.s32 @!p2 $0x7A80  }
0xbf: {  	[tilespmem:s16], [sflag:$0x4] =	stream.indirect.gather @!p2 [hbm4b:s6+s25], $0x80, s30, s25, $0xb8;
	[tilespmem:$0x1FC40] =	vst v63  }
0xc0: {  	s17 =	simm.s32 @!p2 $0xAA00  }
0xc1: {  	[tilespmem:s17], [sflag:$0x4] =	stream.indirect.gather @!p2 [hbm4b:s1+s25], $0x8, s30, s25, $0xb8;
	[tilespmem:$0x1FC40] =	vst v63  }
0xc2: {  	_ =	swait.ge [sflag:s18], $0x2800  }
0xc3: {  	[sflag:s18] =	ssyncset.done $0x0  }
0xc4: {  	[sflag:s18] =	ssyncadd.s32 $0xFFFFD800  }
0xc5: {  	p3 =	sgt.u32 s8, $0x1D;
	_ =	swait.ge [sflag:s18], $0x280  }
0xc6: {  	s30 =	sadd.s32 @!p3 s14, s21;
	s0 =	simm.s32 @!p3 $0x0;
	[sflag:s18] =	ssyncset.done $0x0  }
0xc7: {  	s13 =	simm.s32 @!p3 $0xA0;
	s30 =	sadd.s32 @!p3 $0x3C, s30;
	[sflag:s18] =	ssyncadd.s32 $0xFFFFFD80  }
0xc8: {  	[tilespmem:s13], [sflag:$0xB] =	stream.linear.gather @!p3 [hbm4b:s30+s0], $0x50, $0x38;
	[tilespmem:$0x1FC40] =	vst v63  }
0xc9: {  	_ =	swait.ge [sflag:s19], $0x50  }
0xca: {  	[sflag:s19] =	ssyncset.done $0x0  }
0xcb: {  	s15 =	simm.s32 $0x5280;
	s0 =	simm.s32 $0x1E0;
	[sflag:s19] =	ssyncadd.s32 $0xFFFFFFB0  }
0xcc: {  	[spmem:s3] =	stream.indirect.scatter.add.f32 [tilespmem:s15], [sflag:$0x7], $0x80, s0, s28, $0xb8;
	[tilespmem:$0x1FC40] =	vst v63  }
0xcd: {  	s30 =	simm.s32 $0xA780  }
0xce: {  	[spmem:s4] =	stream.indirect.scatter.add.f32 [tilespmem:s30], [sflag:$0x7], $0x8, s0, s28, $0xb8;
	[tilespmem:$0x1FC40] =	vst v63  }
0xcf: {  	_ =	swait.ge [sflag:s20], $0x2800  }
.Ltmp6:
0xd0: {  	[sflag:s20] =	ssyncset.done $0x0;
	(pc) =	sbr.rel @p0 .LBB2_8-.Ltmp6, $4  }
0xd1: {  	[sflag:s20] =	ssyncadd.s32 $0xFFFFD800  }
0xd2: {  	_ =	swait.ge [sflag:s20], $0x280  }
0xd3: {  	[sflag:s20] =	ssyncset.done $0x0  }
0xd4: {  	s15 =	simm.s32 $0x1E0;
	[sflag:s20] =	ssyncadd.s32 $0xFFFFFD80  }
0xd5: {  	s0 =	rddreg [dreg:$0x13]  }
0xd6: {  	s0 =	sadd.s32 s14, s0  }
0xd7: {  	[tilespmem:s31], [sflag:$0xD] =	stream.linear.gather [hbm4b:s0+s5], $0x50, $0x38;
	[tilespmem:$0x1FC40] =	vst v63  }
0xd8: {  	_ =	swait.ge [sflag:s2], $0x50  }
.Ltmp7:
0xd9: {  	[sflag:s2] =	ssyncset.done $0x0;
	(pc) =	sbr.rel .LBB2_7-.Ltmp7, $4  }
0xda: {  	s13 =	simm.s32 $0x280;
	[sflag:s2] =	ssyncadd.s32 $0xFFFFFFB0  }
0xdb: {  	[tilespmem:s13], [sflag:$0x1] =	stream.indirect.gather [hbm4b:s6+s28], $0x80, s5, s28, $0xb8;
	[tilespmem:$0x1FC40] =	vst v63  }
0xdc: {  	s30 =	simm.s32 $0xA280  }
0xdd: {  	[tilespmem:s30], [sflag:$0x1] =	stream.indirect.gather [hbm4b:s1+s28], $0x8, s5, s28, $0xb8;
	[tilespmem:$0x1FC40] =	vst v63  }
.LBB2_9:
0xde: {  	_ =	sfence.sel $0x180000  }
0xdf: {  	[bflag:$0x0] =	sbarrier.arrive $0xFFFF  }
0xe0: {  	_ =	strace $0x90000047  }
0xe1: {  	s0 =	stileid.u32;
	[bflag:$0x2] =	sbarrier.arrive $0xFFFF  }
0xe2: {  	p0 =	sne.s32 s0, $0x0;
	s0 =	rddreg [dreg:$0x4]  }
0xe3: {  	s0 =	sadd.s32 @!p0 $0x100000, s0  }
0xe4: {  	[sflag:s0] =	ssyncadd.tile.s32 @!p0 $0x1;
	_ =	shalt  }
.Lfunc_end2:
_tile_overlayer_lowered:
.L_overlay_start_2:
0xe5: {  	(tag) =	ssettag $0x2  }
0xe6: {  	s0 =	rddreg [dreg:$0x0];
	s2 =	stileid.u32  }
0xe7: {  	s1 =	rddreg [dreg:$0x1];
	p0 =	sne.s32 s2, $0x0  }
0xe8: {  	s3 =	rddreg [dreg:$0x2];
	[bflag:$0x3] =	sbarrier.arrive $0xFFFF;
	s2 =	simm.s32 @!p0 $0x1C11  }
0xe9: {  	[timem:s3], [sflag:s2] =	dma.local @!p0 [hbm:s0], s1  }
0xea: {  	s0 =	simm.s32 @!p0 $0x11  }
0xeb: {  	_ =	swait.ge @!p0 [sflag:s0], s1  }
0xec: {  	s1 =	ssub.s32 @!p0 $0x0, s1;
	[sflag:s0] =	ssyncset.done @!p0 $0x0  }
0xed: {  	[sflag:s0] =	ssyncadd.s32 @!p0 s1  }
0xee: {  	[bflag:$0x3] =	sbarrier.arrive $0xFFFF  }
0xef: {  	_ =	shalt  }

</sc_bundles>
